<compile_context>
chip_gen: v7x
topology: tpu7x:2x2x1
jax: 0.10.2.dev20260603
libtpu: 0.0.44.dev20260713+nightly
codegen_flags: <defaults>
</compile_context>

<pallas_src>
import functools

import jax
import jax.numpy as jnp
from jax import lax
from jax.experimental import pallas as pl
from jax.experimental.pallas import tpu as pltpu
from jax.experimental.pallas import tpu_sc as plsc

NC, NS, L = 2, 16, 16
NW = NC * NS
B = 16384
E = 64
NROWS = 1000000
WIN = 256
WSH = 8
LASTWIN = NROWS // WIN
TMAX = LASTWIN // NW + 1
OUTROWS = B + 128

_mesh = plsc.VectorSubcoreMesh(core_axis_name="c", subcore_axis_name="s")


@functools.partial(
    pl.kernel,
    out_type=(
        jax.ShapeDtypeStruct((OUTROWS, 128), jnp.float32),
        jax.ShapeDtypeStruct((OUTROWS, 128), jnp.float32),
    ),
    mesh=_mesh,
    scratch_types=[
        pltpu.VMEM((B + L,), jnp.int32),
        pltpu.VMEM((144,), jnp.int32),
        pltpu.VMEM((144,), jnp.int32),
        pltpu.VMEM((B + L,), jnp.int32),
        pltpu.VMEM((2 * L,), jnp.int32),
        pltpu.VMEM((E, WIN), jnp.float32),
        pltpu.VMEM((E, WIN), jnp.float32),
        pltpu.VMEM((E, WIN), jnp.float32),
        pltpu.VMEM((WIN,), jnp.float32),
        pltpu.VMEM((WIN,), jnp.float32),
        pltpu.VMEM((WIN,), jnp.float32),
        pltpu.VMEM((E, 64), jnp.float32),
        pltpu.VMEM((64,), jnp.float32),
        pltpu.VMEM((128, 128), jnp.float32),
        pltpu.VMEM((1, 128), jnp.int32),
        pltpu.SemaphoreType.DMA,
        pltpu.SemaphoreType.DMA,
        pltpu.SemaphoreType.DMA,
        pltpu.SemaphoreType.DMA,
    ],
    compiler_params=pltpu.CompilerParams(
        use_tc_tiling_on_sc=True, needs_layout_passes=False),
)
def _sc_scan_gather(uid, bid, ut, bt, ub, bb, u_out, b_out,
                    ids_v, cnt_v, off_v, ma_v, wm_v, slab_a, slab_b, slab_c,
                    bias_a, bias_b, bias_c, tail_v, tailb_v, ring_v, ridx_v,
                    sem, sem_a, sem_b, sem_c):
    w = lax.axis_index("s") * NC + lax.axis_index("c")
    lanes = lax.iota(jnp.int32, L)
    lane0 = lanes == 0
    padidx = jnp.full((L,), B, jnp.int32)

    def reset_ridx():
        for g in range(128 // L):
            ridx_v[0, pl.ds(g * L, L)] = padidx

    def run_table(idhbm, tab, bias1d, out):
        reset_ridx()

        def valid(t):
            return w + NW * t < LASTWIN

        def start_stage(t, slab_ref, bias_ref, ssem):
            def go(_):
                base = pl.multiple_of((w + NW * t) * WIN, WIN)
                pltpu.async_copy(tab.at[:, pl.ds(base, WIN)], slab_ref, ssem)
                pltpu.async_copy(bias1d.at[pl.ds(base, WIN)], bias_ref, ssem)
                return jnp.int32(0)

            lax.cond(valid(t), go, lambda _: jnp.int32(0), jnp.int32(0))

        def wait_stage(t, slab_ref, bias_ref, ssem):
            def go(_):
                pltpu.make_async_copy(
                    tab.at[:, pl.ds(0, WIN)], slab_ref, ssem).wait()
                pltpu.make_async_copy(
                    bias1d.at[pl.ds(0, WIN)], bias_ref, ssem).wait()
                return jnp.int32(0)

            lax.cond(valid(t), go, lambda _: jnp.int32(0), jnp.int32(0))

        bufs = ((slab_a, bias_a, sem_a), (slab_b, bias_b, sem_b),
                (slab_c, bias_c, sem_c))
        start_stage(0, *bufs[0])
        start_stage(1, *bufs[1])

        pltpu.sync_copy(idhbm, ids_v.at[pl.ds(0, B)])
        zeros16 = jnp.zeros((L,), jnp.int32)
        ones16 = jnp.full((L,), 1, jnp.int32)
        for g in range(144 // L):
            cnt_v[pl.ds(g * L, L)] = zeros16

        def pa(c, nm):
            v = ids_v[pl.ds(c * L, L)]
            win = lax.shift_right_logical(v, WSH)
            m = (win & 31) == w
            slot = lax.shift_right_logical(win, 5)
            packed = (slot << 22) | ((v & (WIN - 1)) << 14) | (c * L + lanes)
            plsc.store_compressed(ma_v.at[pl.ds(nm, L)], packed, mask=m)
            plsc.addupdate_scatter(cnt_v, [slot], ones16, mask=m)
            return nm + jnp.max(plsc.all_reduce_population_count(m))

        nm = lax.fori_loop(0, B // L, pa, jnp.int32(0))

        carry = jnp.int32(0)
        for g in range(TMAX // L + 1):
            c16 = cnt_v[pl.ds(g * L, L)]
            inc = plsc.cumsum(c16) + carry
            off_v[pl.ds(g * L, L)] = inc - c16
            carry = inc[L - 1]

        def place(m, _):
            p = ma_v[pl.ds(m, L)][0]
            slot = lax.shift_right_logical(p, 22)
            cur = off_v[pl.ds(slot, L)][0]
            plsc.store_scatter(ids_v, [jnp.broadcast_to(cur, (L,))],
                               jnp.broadcast_to(p, (L,)), mask=lane0)
            plsc.store_scatter(off_v, [jnp.broadcast_to(slot, (L,))],
                               jnp.broadcast_to(cur + 1, (L,)), mask=lane0)
            return _

        lax.fori_loop(0, nm, place, jnp.int32(0))

        def scan_window(t, rfill, slab_ref, bias_ref):
                end = off_v[pl.ds(t, L)][0]
                cnt = cnt_v[pl.ds(t, L)][0]
                start = end - cnt

                def match_body(j, rfill):
                    p = ids_v[pl.ds(start + j, L)][0]
                    col = lax.shift_right_logical(p, 14) & (WIN - 1)
                    k = p & (B - 1)
                    rpos = rfill & 127
                    colv = jnp.broadcast_to(col, (L,))
                    for g in range(E // L):
                        gv = plsc.load_gather(
                            slab_ref, [lanes + g * L, colv])
                        ring_v[rpos, pl.ds(g * L, L)] = gv
                    bv = plsc.load_gather(bias_ref, [colv])
                    ring_v[rpos, pl.ds(E, L)] = bv
                    plsc.store_scatter(
                        ridx_v.at[0], [jnp.broadcast_to(rpos, (L,))],
                        jnp.broadcast_to(k, (L,)), mask=lane0)
                    rfill = rfill + 1

                    def flush(_):
                        pltpu.async_copy(ring_v, out.at[ridx_v.at[0]],
                                         sem).wait()
                        reset_ridx()
                        return jnp.int32(0)

                    lax.cond((rfill & 127) == 0, flush,
                             lambda _: jnp.int32(0), jnp.int32(0))
                    return rfill

                return lax.fori_loop(0, cnt, match_body, rfill)

        def process(t, rfill, slab_ref, bias_ref):
            return lax.cond(
                valid(t),
                lambda r: scan_window(t, r, slab_ref, bias_ref),
                lambda r: r, rfill)

        def tri_body(tp, rfill):
            for ph in range(3):
                t = 3 * tp + ph
                wait_stage(t, *bufs[ph])
                start_stage(t + 2, *bufs[(ph + 2) % 3])
                rfill = process(t, rfill, bufs[ph][0], bufs[ph][1])
            return rfill

        rfill = lax.fori_loop(0, TMAX // 3, tri_body, jnp.int32(0))

        def do_tail(rfill):
            tail = NROWS - LASTWIN * WIN
            pltpu.sync_copy(tab.at[:, pl.ds(LASTWIN * WIN, tail)], tail_v)
            pltpu.sync_copy(bias1d.at[pl.ds(LASTWIN * WIN, tail)], tailb_v)
            return scan_window(jnp.int32(LASTWIN // NW), rfill,
                               tail_v, tailb_v)

        rfill = lax.cond(w == LASTWIN % NW, do_tail, lambda r: r, rfill)

        def drain(_):
            pltpu.async_copy(ring_v, out.at[ridx_v.at[0]], sem).wait()
            return jnp.int32(0)

        lax.cond((rfill & 127) != 0, drain, lambda _: jnp.int32(0),
                 jnp.int32(0))

    run_table(uid, ut, ub, u_out)
    run_table(bid, bt, bb, b_out)


def _epilogue(u_ref, b_ref, out_ref):
    u = u_ref[pl.ds(0, B), pl.ds(0, E)]
    bk = b_ref[pl.ds(0, B), pl.ds(0, E)]
    s = jnp.sum(u * bk)
    ubias = u_ref[pl.ds(0, B), pl.ds(E, 1)]
    bbias = b_ref[pl.ds(0, B), pl.ds(E, 1)]
    out_ref[...] = jax.nn.sigmoid(s + ubias + bbias)


def kernel(inputs, user_table, user_bias_table, book_table, book_bias_table):
    uid = inputs[:, 0].reshape(-1)
    bid = inputs[:, 1].reshape(-1)
    u_out, b_out = _sc_scan_gather(
        uid, bid, user_table.T, book_table.T,
        user_bias_table.reshape(-1), book_bias_table.reshape(-1))
    return pl.pallas_call(
        _epilogue,
        out_shape=jax.ShapeDtypeStruct((B, 1), jnp.float32),
    )(u_out, b_out)

# --- scband reference (transcript-rebuilt; emitter-appended) ---
"""Pipeline reference for scband-recommender-net-46050639348212 (READ-ONLY COPY).

The authoritative reference and input builder live on the scoring server;
editing this copy changes nothing except your own understanding.
"""

import jax, jax.numpy as jnp
import numpy as np

NUM_USERS = 1000000
NUM_BOOK = 1000000
EMBED = 64
BATCH = 16384

def setup_inputs(seed: int = 0) -> dict:
    key = jax.random.key(seed)
    k1, k2, k3, k4, k5 = jax.random.split(key, 5)
    inputs = jax.random.randint(k1, (BATCH, 2), 0, NUM_USERS, dtype=jnp.int64) if jax.config.jax_enable_x64 else jax.random.randint(k1, (BATCH, 2), 0, NUM_USERS, dtype=jnp.int32)
    # he_normal: stddev = sqrt(2 / fan_in), fan_in = num rows convention aside, use sqrt(2/EMBED)
    he_std = np.sqrt(2.0 / EMBED)
    user_table = jax.random.normal(k2, (NUM_USERS, EMBED), dtype=jnp.float32) * he_std
    book_table = jax.random.normal(k3, (NUM_BOOK, EMBED), dtype=jnp.float32) * he_std
    user_bias_table = jax.random.normal(k4, (NUM_USERS, 1), dtype=jnp.float32) * 0.01
    book_bias_table = jax.random.normal(k5, (NUM_BOOK, 1), dtype=jnp.float32) * 0.01
    return {"inputs": inputs, "user_table": user_table, "user_bias_table": user_bias_table, "book_table": book_table, "book_bias_table": book_bias_table}

def reference(inputs, user_table, user_bias_table, book_table, book_bias_table):
    uid = inputs[:, 0]
    bid = inputs[:, 1]
    user_vector = jnp.take(user_table, uid, axis=0)            # [B, E] (dropout is identity in inference)
    user_bias = jnp.take(user_bias_table, uid, axis=0)         # [B, 1]
    book_vector = jnp.take(book_table, bid, axis=0)            # [B, E]
    book_bias = jnp.take(book_bias_table, bid, axis=0)         # [B, 1]
    # Faithful to keras.ops.tensordot(user_vector, book_vector, 2): full contraction -> scalar
    dot_user_book = jnp.tensordot(user_vector, book_vector, 2)
    x = dot_user_book + user_bias + book_bias                  # broadcast scalar -> [B, 1]
    return jax.nn.sigmoid(x)

if __name__ == "__main__":
    import jax
    _d = setup_inputs()
    print(jax.jit(kernel)(*tuple(_d.values())))

</pallas_src>

<mosaic_0001>
#map = affine_map<(d0, d1) -> (0)>
#map1 = affine_map<(d0, d1) -> (0, 0)>
module attributes {stable_mosaic.version = 14 : i64} {
  func.func @_sc_scan_gather(%arg0: i32, %arg1: i32, %arg2: memref<16384xi32, #tpu.memory_space<hbm>>, %arg3: memref<16384xi32, #tpu.memory_space<hbm>>, %arg4: memref<64x1000000xf32, #tpu.memory_space<hbm>>, %arg5: memref<64x1000000xf32, #tpu.memory_space<hbm>>, %arg6: memref<1000000xf32, #tpu.memory_space<hbm>>, %arg7: memref<1000000xf32, #tpu.memory_space<hbm>>, %arg8: memref<16512x128xf32, #tpu.memory_space<hbm>>, %arg9: memref<16512x128xf32, #tpu.memory_space<hbm>>, %arg10: memref<16400xi32, #tpu.memory_space<vmem>>, %arg11: memref<144xi32, #tpu.memory_space<vmem>>, %arg12: memref<144xi32, #tpu.memory_space<vmem>>, %arg13: memref<16400xi32, #tpu.memory_space<vmem>>, %arg14: memref<32xi32, #tpu.memory_space<vmem>>, %arg15: memref<64x256xf32, #tpu.memory_space<vmem>>, %arg16: memref<64x256xf32, #tpu.memory_space<vmem>>, %arg17: memref<64x256xf32, #tpu.memory_space<vmem>>, %arg18: memref<256xf32, #tpu.memory_space<vmem>>, %arg19: memref<256xf32, #tpu.memory_space<vmem>>, %arg20: memref<256xf32, #tpu.memory_space<vmem>>, %arg21: memref<64x64xf32, #tpu.memory_space<vmem>>, %arg22: memref<64xf32, #tpu.memory_space<vmem>>, %arg23: memref<128x128xf32, #tpu.memory_space<vmem>>, %arg24: memref<1x128xi32, #tpu.memory_space<vmem>>, %arg25: memref<!tpu.dma_semaphore, #tpu.memory_space<semaphore_mem>>, %arg26: memref<!tpu.dma_semaphore, #tpu.memory_space<semaphore_mem>>, %arg27: memref<!tpu.dma_semaphore, #tpu.memory_space<semaphore_mem>>, %arg28: memref<!tpu.dma_semaphore, #tpu.memory_space<semaphore_mem>>) attributes {dimension_semantics = [#tpu.dimension_semantics<core_parallel>, #tpu.dimension_semantics<subcore_parallel>], iteration_bounds = array<i64: 2, 16>, scalar_prefetch = 0 : i64, scratch_operands = 19 : i64, tpu.core_type = #tpu.core_type<sc_vector_subcore>, window_params = [{transform_indices = #map}, {transform_indices = #map}, {transform_indices = #map1}, {transform_indices = #map1}, {transform_indices = #map}, {transform_indices = #map}, {transform_indices = #map1}, {transform_indices = #map1}]} {
    %mul3A = arith.constant 2 : i32
    %mul3A_0 = arith.muli %arg1, %mul3A : i32
    %add3A = arith.addi %mul3A_0, %arg0 : i32
    %iota3A = tpu.iota {dimensions = array<i32: 0>} : vector<16xi32>
    %eq3A = arith.constant 0 : i32
    %eq3A_1 = vector.broadcast %eq3A : i32 to vector<16xi32>
    %eq3A_2 = arith.cmpi eq, %iota3A, %eq3A_1 : vector<16xi32>
    %broadcast_in_dim3A = arith.constant 16384 : i32
    %broadcast_in_dim3A_3 = vector.broadcast %broadcast_in_dim3A : i32 to vector<16xi32>
    %swap3A = arith.constant 0 : i32
    %swap3A_4 = arith.index_cast %swap3A : i32 to index
    %swap3A_5 = arith.constant 0 : index
    %swap3A_6 = tpu.vector_load %arg24[%swap3A_4, %swap3A_5] {strides = array<i32>} : memref<1x128xi32, #tpu.memory_space<vmem>>, vector<16xi32>,
    tpu.vector_store %arg24[%swap3A_4, %swap3A_5], %broadcast_in_dim3A_3 {strides = array<i32>} : memref<1x128xi32, #tpu.memory_space<vmem>>, vector<16xi32>,
    %swap3A_7 = arith.constant 0 : i32
    %swap3A_8 = arith.index_cast %swap3A_7 : i32 to index
    %swap3A_9 = arith.constant 16 : index
    %swap3A_10 = tpu.vector_load %arg24[%swap3A_8, %swap3A_9] {strides = array<i32>} : memref<1x128xi32, #tpu.memory_space<vmem>>, vector<16xi32>,
    tpu.vector_store %arg24[%swap3A_8, %swap3A_9], %broadcast_in_dim3A_3 {strides = array<i32>} : memref<1x128xi32, #tpu.memory_space<vmem>>, vector<16xi32>,
    %swap3A_11 = arith.constant 0 : i32
    %swap3A_12 = arith.index_cast %swap3A_11 : i32 to index
    %swap3A_13 = arith.constant 32 : index
    %swap3A_14 = tpu.vector_load %arg24[%swap3A_12, %swap3A_13] {strides = array<i32>} : memref<1x128xi32, #tpu.memory_space<vmem>>, vector<16xi32>,
    tpu.vector_store %arg24[%swap3A_12, %swap3A_13], %broadcast_in_dim3A_3 {strides = array<i32>} : memref<1x128xi32, #tpu.memory_space<vmem>>, vector<16xi32>,
    %swap3A_15 = arith.constant 0 : i32
    %swap3A_16 = arith.index_cast %swap3A_15 : i32 to index
    %swap3A_17 = arith.constant 48 : index
    %swap3A_18 = tpu.vector_load %arg24[%swap3A_16, %swap3A_17] {strides = array<i32>} : memref<1x128xi32, #tpu.memory_space<vmem>>, vector<16xi32>,
    tpu.vector_store %arg24[%swap3A_16, %swap3A_17], %broadcast_in_dim3A_3 {strides = array<i32>} : memref<1x128xi32, #tpu.memory_space<vmem>>, vector<16xi32>,
    %swap3A_19 = arith.constant 0 : i32
    %swap3A_20 = arith.index_cast %swap3A_19 : i32 to index
    %swap3A_21 = arith.constant 64 : index
    %swap3A_22 = tpu.vector_load %arg24[%swap3A_20, %swap3A_21] {strides = array<i32>} : memref<1x128xi32, #tpu.memory_space<vmem>>, vector<16xi32>,
    tpu.vector_store %arg24[%swap3A_20, %swap3A_21], %broadcast_in_dim3A_3 {strides = array<i32>} : memref<1x128xi32, #tpu.memory_space<vmem>>, vector<16xi32>,
    %swap3A_23 = arith.constant 0 : i32
    %swap3A_24 = arith.index_cast %swap3A_23 : i32 to index
    %swap3A_25 = arith.constant 80 : index
    %swap3A_26 = tpu.vector_load %arg24[%swap3A_24, %swap3A_25] {strides = array<i32>} : memref<1x128xi32, #tpu.memory_space<vmem>>, vector<16xi32>,
    tpu.vector_store %arg24[%swap3A_24, %swap3A_25], %broadcast_in_dim3A_3 {strides = array<i32>} : memref<1x128xi32, #tpu.memory_space<vmem>>, vector<16xi32>,
    %swap3A_27 = arith.constant 0 : i32
    %swap3A_28 = arith.index_cast %swap3A_27 : i32 to index
    %swap3A_29 = arith.constant 96 : index
    %swap3A_30 = tpu.vector_load %arg24[%swap3A_28, %swap3A_29] {strides = array<i32>} : memref<1x128xi32, #tpu.memory_space<vmem>>, vector<16xi32>,
    tpu.vector_store %arg24[%swap3A_28, %swap3A_29], %broadcast_in_dim3A_3 {strides = array<i32>} : memref<1x128xi32, #tpu.memory_space<vmem>>, vector<16xi32>,
    %swap3A_31 = arith.constant 0 : i32
    %swap3A_32 = arith.index_cast %swap3A_31 : i32 to index
    %swap3A_33 = arith.constant 112 : index
    %swap3A_34 = tpu.vector_load %arg24[%swap3A_32, %swap3A_33] {strides = array<i32>} : memref<1x128xi32, #tpu.memory_space<vmem>>, vector<16xi32>,
    tpu.vector_store %arg24[%swap3A_32, %swap3A_33], %broadcast_in_dim3A_3 {strides = array<i32>} : memref<1x128xi32, #tpu.memory_space<vmem>>, vector<16xi32>,
    %add3A_35 = arith.constant 0 : i32
    %add3A_36 = arith.addi %add3A, %add3A_35 : i32
    %lt3A = arith.constant 3906 : i32
    %lt3A_37 = arith.cmpi slt, %add3A_36, %lt3A : i32
    %convert_element_type3A = arith.extui %lt3A_37 : i1 to i32
    %cond3A = arith.constant 0 : i32
    %cond3A_38 = arith.constant 0 : i32
    %cond3A_39 = arith.cmpi ne, %convert_element_type3A, %cond3A_38 : i32
    %cond3A_40 = scf.if %cond3A_39 -> (i32) {
      %add3A_407 = arith.constant 0 : i32
      %add3A_408 = arith.addi %add3A, %add3A_407 : i32
      %mul3A_409 = arith.constant 256 : i32
      %mul3A_410 = arith.muli %add3A_408, %mul3A_409 : i32
      %multiple_of3A = tpu.assume_multiple %mul3A_410, 256 : i32
      %dma_start3A = arith.constant 0 : i32
      %dma_start3A_411 = tpu.memref_slice %arg4[%dma_start3A, %multiple_of3A] : memref<64x1000000xf32, #tpu.memory_space<hbm>> -> memref<64x256xf32, #tpu.memory_space<hbm>>
      %dma_start3A_412 = arith.constant 0 : i32
      %dma_start3A_413 = tpu.memref_slice %arg4[%dma_start3A_412, %multiple_of3A] : memref<64x1000000xf32, #tpu.memory_space<hbm>> -> memref<64x256xf32, #tpu.memory_space<hbm>>
      tpu.enqueue_dma source(%dma_start3A_413 : memref<64x256xf32, #tpu.memory_space<hbm>>) target(%arg15 : memref<64x256xf32, #tpu.memory_space<vmem>>) target_semaphore(%arg26 : memref<!tpu.dma_semaphore, #tpu.memory_space<semaphore_mem>>)
      %dma_start3A_414 = tpu.memref_slice %arg6[%multiple_of3A] : memref<1000000xf32, #tpu.memory_space<hbm>> -> memref<256xf32, #tpu.memory_space<hbm>>
      %dma_start3A_415 = tpu.memref_slice %arg6[%multiple_of3A] : memref<1000000xf32, #tpu.memory_space<hbm>> -> memref<256xf32, #tpu.memory_space<hbm>>
      tpu.enqueue_dma source(%dma_start3A_415 : memref<256xf32, #tpu.memory_space<hbm>>) target(%arg18 : memref<256xf32, #tpu.memory_space<vmem>>) target_semaphore(%arg26 : memref<!tpu.dma_semaphore, #tpu.memory_space<semaphore_mem>>)
      %cond3A_416 = arith.constant 0 : i32
      scf.yield %cond3A_416 : i32
    } else {
      %cond3A_407 = arith.constant 0 : i32
      scf.yield %cond3A_407 : i32
    }
    %add3A_41 = arith.constant 32 : i32
    %add3A_42 = arith.addi %add3A, %add3A_41 : i32
    %lt3A_43 = arith.constant 3906 : i32
    %lt3A_44 = arith.cmpi slt, %add3A_42, %lt3A_43 : i32
    %convert_element_type3A_45 = arith.extui %lt3A_44 : i1 to i32
    %cond3A_46 = arith.constant 0 : i32
    %cond3A_47 = arith.constant 0 : i32
    %cond3A_48 = arith.cmpi ne, %convert_element_type3A_45, %cond3A_47 : i32
    %cond3A_49 = scf.if %cond3A_48 -> (i32) {
      %add3A_407 = arith.constant 32 : i32
      %add3A_408 = arith.addi %add3A, %add3A_407 : i32
      %mul3A_409 = arith.constant 256 : i32
      %mul3A_410 = arith.muli %add3A_408, %mul3A_409 : i32
      %multiple_of3A = tpu.assume_multiple %mul3A_410, 256 : i32
      %dma_start3A = arith.constant 0 : i32
      %dma_start3A_411 = tpu.memref_slice %arg4[%dma_start3A, %multiple_of3A] : memref<64x1000000xf32, #tpu.memory_space<hbm>> -> memref<64x256xf32, #tpu.memory_space<hbm>>
      %dma_start3A_412 = arith.constant 0 : i32
      %dma_start3A_413 = tpu.memref_slice %arg4[%dma_start3A_412, %multiple_of3A] : memref<64x1000000xf32, #tpu.memory_space<hbm>> -> memref<64x256xf32, #tpu.memory_space<hbm>>
      tpu.enqueue_dma source(%dma_start3A_413 : memref<64x256xf32, #tpu.memory_space<hbm>>) target(%arg16 : memref<64x256xf32, #tpu.memory_space<vmem>>) target_semaphore(%arg27 : memref<!tpu.dma_semaphore, #tpu.memory_space<semaphore_mem>>)
      %dma_start3A_414 = tpu.memref_slice %arg6[%multiple_of3A] : memref<1000000xf32, #tpu.memory_space<hbm>> -> memref<256xf32, #tpu.memory_space<hbm>>
      %dma_start3A_415 = tpu.memref_slice %arg6[%multiple_of3A] : memref<1000000xf32, #tpu.memory_space<hbm>> -> memref<256xf32, #tpu.memory_space<hbm>>
      tpu.enqueue_dma source(%dma_start3A_415 : memref<256xf32, #tpu.memory_space<hbm>>) target(%arg19 : memref<256xf32, #tpu.memory_space<vmem>>) target_semaphore(%arg27 : memref<!tpu.dma_semaphore, #tpu.memory_space<semaphore_mem>>)
      %cond3A_416 = arith.constant 0 : i32
      scf.yield %cond3A_416 : i32
    } else {
      %cond3A_407 = arith.constant 0 : i32
      scf.yield %cond3A_407 : i32
    }
    "tpu.region"() ({
      %run_scoped3A = tpu.sem_alloc : memref<!tpu.dma_semaphore, #tpu.memory_space<semaphore_mem>>
      %dma_start3A = arith.constant 0 : i32
      %dma_start3A_407 = tpu.memref_slice %arg10[%dma_start3A] : memref<16400xi32, #tpu.memory_space<vmem>> -> memref<16384xi32, #tpu.memory_space<vmem>>
      %dma_start3A_408 = arith.constant 0 : i32
      %dma_start3A_409 = tpu.memref_slice %arg10[%dma_start3A_408] : memref<16400xi32, #tpu.memory_space<vmem>> -> memref<16384xi32, #tpu.memory_space<vmem>>
      tpu.enqueue_dma source(%arg2 : memref<16384xi32, #tpu.memory_space<hbm>>) target(%dma_start3A_409 : memref<16384xi32, #tpu.memory_space<vmem>>) target_semaphore(%run_scoped3A : memref<!tpu.dma_semaphore, #tpu.memory_space<semaphore_mem>>)
      %dma_wait3A = arith.constant 0 : i32
      %dma_wait3A_410 = tpu.memref_slice %arg10[%dma_wait3A] : memref<16400xi32, #tpu.memory_space<vmem>> -> memref<16384xi32, #tpu.memory_space<vmem>>
      %dma_wait3A_411 = arith.constant 0 : i32
      %dma_wait3A_412 = tpu.memref_slice %arg10[%dma_wait3A_411] : memref<16400xi32, #tpu.memory_space<vmem>> -> memref<16384xi32, #tpu.memory_space<vmem>>
      tpu.wait_dma2 semaphore(%run_scoped3A : memref<!tpu.dma_semaphore, #tpu.memory_space<semaphore_mem>>) src(%arg2 : memref<16384xi32, #tpu.memory_space<hbm>>) dst(%dma_wait3A_412 : memref<16384xi32, #tpu.memory_space<vmem>>)
      tpu.yield
    }) : () -> ()
    %broadcast_in_dim3A_50 = arith.constant 0 : i32
    %broadcast_in_dim3A_51 = vector.broadcast %broadcast_in_dim3A_50 : i32 to vector<16xi32>
    %broadcast_in_dim3A_52 = arith.constant 1 : i32
    %broadcast_in_dim3A_53 = vector.broadcast %broadcast_in_dim3A_52 : i32 to vector<16xi32>
    %swap3A_54 = arith.constant 0 : index
    %swap3A_55 = tpu.vector_load %arg11[%swap3A_54] {strides = array<i32>} : memref<144xi32, #tpu.memory_space<vmem>>, vector<16xi32>,
    tpu.vector_store %arg11[%swap3A_54], %broadcast_in_dim3A_51 {strides = array<i32>} : memref<144xi32, #tpu.memory_space<vmem>>, vector<16xi32>,
    %swap3A_56 = arith.constant 16 : index
    %swap3A_57 = tpu.vector_load %arg11[%swap3A_56] {strides = array<i32>} : memref<144xi32, #tpu.memory_space<vmem>>, vector<16xi32>,
    tpu.vector_store %arg11[%swap3A_56], %broadcast_in_dim3A_51 {strides = array<i32>} : memref<144xi32, #tpu.memory_space<vmem>>, vector<16xi32>,
    %swap3A_58 = arith.constant 32 : index
    %swap3A_59 = tpu.vector_load %arg11[%swap3A_58] {strides = array<i32>} : memref<144xi32, #tpu.memory_space<vmem>>, vector<16xi32>,
    tpu.vector_store %arg11[%swap3A_58], %broadcast_in_dim3A_51 {strides = array<i32>} : memref<144xi32, #tpu.memory_space<vmem>>, vector<16xi32>,
    %swap3A_60 = arith.constant 48 : index
    %swap3A_61 = tpu.vector_load %arg11[%swap3A_60] {strides = array<i32>} : memref<144xi32, #tpu.memory_space<vmem>>, vector<16xi32>,
    tpu.vector_store %arg11[%swap3A_60], %broadcast_in_dim3A_51 {strides = array<i32>} : memref<144xi32, #tpu.memory_space<vmem>>, vector<16xi32>,
    %swap3A_62 = arith.constant 64 : index
    %swap3A_63 = tpu.vector_load %arg11[%swap3A_62] {strides = array<i32>} : memref<144xi32, #tpu.memory_space<vmem>>, vector<16xi32>,
    tpu.vector_store %arg11[%swap3A_62], %broadcast_in_dim3A_51 {strides = array<i32>} : memref<144xi32, #tpu.memory_space<vmem>>, vector<16xi32>,
    %swap3A_64 = arith.constant 80 : index
    %swap3A_65 = tpu.vector_load %arg11[%swap3A_64] {strides = array<i32>} : memref<144xi32, #tpu.memory_space<vmem>>, vector<16xi32>,
    tpu.vector_store %arg11[%swap3A_64], %broadcast_in_dim3A_51 {strides = array<i32>} : memref<144xi32, #tpu.memory_space<vmem>>, vector<16xi32>,
    %swap3A_66 = arith.constant 96 : index
    %swap3A_67 = tpu.vector_load %arg11[%swap3A_66] {strides = array<i32>} : memref<144xi32, #tpu.memory_space<vmem>>, vector<16xi32>,
    tpu.vector_store %arg11[%swap3A_66], %broadcast_in_dim3A_51 {strides = array<i32>} : memref<144xi32, #tpu.memory_space<vmem>>, vector<16xi32>,
    %swap3A_68 = arith.constant 112 : index
    %swap3A_69 = tpu.vector_load %arg11[%swap3A_68] {strides = array<i32>} : memref<144xi32, #tpu.memory_space<vmem>>, vector<16xi32>,
    tpu.vector_store %arg11[%swap3A_68], %broadcast_in_dim3A_51 {strides = array<i32>} : memref<144xi32, #tpu.memory_space<vmem>>, vector<16xi32>,
    %swap3A_70 = arith.constant 128 : index
    %swap3A_71 = tpu.vector_load %arg11[%swap3A_70] {strides = array<i32>} : memref<144xi32, #tpu.memory_space<vmem>>, vector<16xi32>,
    tpu.vector_store %arg11[%swap3A_70], %broadcast_in_dim3A_51 {strides = array<i32>} : memref<144xi32, #tpu.memory_space<vmem>>, vector<16xi32>,
    %scan3A = arith.constant 0 : i32
    %scan3A_72 = arith.constant 0 : i32
    %scan3A_73 = arith.constant 1024 : i32
    %scan3A_74 = arith.addi %scan3A_72, %scan3A_73 : i32
    %scan3A_75 = arith.constant 1 : i32
    %scan3A_76 = scf.for %scan3A_407 = %scan3A_72 to %scan3A_74 step %scan3A_75 iter_args(%scan3A_408 = %scan3A) -> (i32)  : i32 {
      %mul3A_409 = arith.constant 16 : i32
      %mul3A_410 = arith.muli %scan3A_407, %mul3A_409 : i32
      %get3A_411 = arith.index_cast %mul3A_410 : i32 to index
      %get3A_412 = tpu.vector_load %arg10[%get3A_411] {strides = array<i32>} : memref<16400xi32, #tpu.memory_space<vmem>>, vector<16xi32>,
      %shift_right_logical3A = arith.constant 8 : i32
      %shift_right_logical3A_413 = vector.broadcast %shift_right_logical3A : i32 to vector<16xi32>
      %shift_right_logical3A_414 = arith.shrui %get3A_412, %shift_right_logical3A_413 : vector<16xi32>
      %and3A_415 = arith.constant 31 : i32
      %and3A_416 = vector.broadcast %and3A_415 : i32 to vector<16xi32>
      %and3A_417 = arith.andi %shift_right_logical3A_414, %and3A_416 : vector<16xi32>
      %eq3A_418 = vector.broadcast %add3A : i32 to vector<16xi32>
      %eq3A_419 = arith.cmpi eq, %and3A_417, %eq3A_418 : vector<16xi32>
      %shift_right_logical3A_420 = arith.constant 5 : i32
      %shift_right_logical3A_421 = vector.broadcast %shift_right_logical3A_420 : i32 to vector<16xi32>
      %shift_right_logical3A_422 = arith.shrui %shift_right_logical3A_414, %shift_right_logical3A_421 : vector<16xi32>
      %shift_left3A = arith.constant 22 : i32
      %shift_left3A_423 = vector.broadcast %shift_left3A : i32 to vector<16xi32>
      %shift_left3A_424 = arith.shli %shift_right_logical3A_422, %shift_left3A_423 : vector<16xi32>
      %and3A_425 = arith.constant 255 : i32
      %and3A_426 = vector.broadcast %and3A_425 : i32 to vector<16xi32>
      %and3A_427 = arith.andi %get3A_412, %and3A_426 : vector<16xi32>
      %shift_left3A_428 = arith.constant 14 : i32
      %shift_left3A_429 = vector.broadcast %shift_left3A_428 : i32 to vector<16xi32>
      %shift_left3A_430 = arith.shli %and3A_427, %shift_left3A_429 : vector<16xi32>
      %or3A = arith.ori %shift_left3A_424, %shift_left3A_430 : vector<16xi32>
      %mul3A_431 = arith.constant 16 : i32
      %mul3A_432 = arith.muli %scan3A_407, %mul3A_431 : i32
      %add3A_433 = vector.broadcast %mul3A_432 : i32 to vector<16xi32>
      %add3A_434 = arith.addi %add3A_433, %iota3A : vector<16xi32>
      %or3A_435 = arith.ori %or3A, %add3A_434 : vector<16xi32>
      %swap3A_436 = arith.index_cast %scan3A_408 : i32 to index
      %swap3A_437 = tpu.vector_load %arg13[%swap3A_436] masked %eq3A_419 {strides = array<i32>} : memref<16400xi32, #tpu.memory_space<vmem>>, vector<16xi32>, vector<16xi1>
      tpu.vector_store %arg13[%swap3A_436], %or3A_435 masked %eq3A_419 {strides = array<i32>} : memref<16400xi32, #tpu.memory_space<vmem>>, vector<16xi32>, vector<16xi1>
      tpu.vector_store_idx %arg11[%shift_right_logical3A_422], %broadcast_in_dim3A_53 masked %eq3A_419 {add = true} : memref<144xi32, #tpu.memory_space<vmem>>[vector<16xi32>], vector<16xi32>, vector<16xi1>
      %all_reduce_population_count3A = tpu.all_reduce %eq3A_419 {dim = 0 : i64, kind = #tpu.reduction_kind<sum>} : vector<16xi1> -> vector<16xi32>
      %reduce_max3A = arith.constant true
      %reduce_max3A_438 = vector.broadcast %reduce_max3A : i1 to vector<16xi1>
      %reduce_max3A_439 = arith.constant -2147483648 : i32
      %reduce_max3A_440 = vector.broadcast %reduce_max3A_439 : i32 to vector<16xi32>
      %reduce_max3A_441 = arith.xori %all_reduce_population_count3A, %reduce_max3A_440 : vector<16xi32>
      %reduce_max3A_442 = tpu.scan <max>, %reduce_max3A_441 masked %reduce_max3A_438 : vector<16xi32>, vector<16xi1> -> vector<16xi32>
      %reduce_max3A_443 = arith.xori %reduce_max3A_442, %reduce_max3A_440 : vector<16xi32>
      %reduce_max3A_444 = vector.extract %reduce_max3A_443[15] : i32 from vector<16xi32>
      %add3A_445 = arith.addi %scan3A_408, %reduce_max3A_444 : i32
      scf.yield %add3A_445 : i32
    }
    %scan3A_77 = arith.constant 1024 : i32
    %get3A = arith.constant 0 : index
    %get3A_78 = tpu.vector_load %arg11[%get3A] {strides = array<i32>} : memref<144xi32, #tpu.memory_space<vmem>>, vector<16xi32>,
    %broadcast_in_dim3A_79 = arith.constant true
    %broadcast_in_dim3A_80 = vector.broadcast %broadcast_in_dim3A_79 : i1 to vector<16xi1>
    %masked_cumsum3A = tpu.scan <sum>, %get3A_78 masked %broadcast_in_dim3A_80 : vector<16xi32>, vector<16xi1> -> vector<16xi32>
    %add3A_81 = arith.constant 0 : i32
    %add3A_82 = vector.broadcast %add3A_81 : i32 to vector<16xi32>
    %add3A_83 = arith.addi %masked_cumsum3A, %add3A_82 : vector<16xi32>
    %sub3A = arith.subi %add3A_83, %get3A_78 : vector<16xi32>
    %swap3A_84 = arith.constant 0 : index
    %swap3A_85 = tpu.vector_load %arg12[%swap3A_84] {strides = array<i32>} : memref<144xi32, #tpu.memory_space<vmem>>, vector<16xi32>,
    tpu.vector_store %arg12[%swap3A_84], %sub3A {strides = array<i32>} : memref<144xi32, #tpu.memory_space<vmem>>, vector<16xi32>,
    %slice3A = vector.extract_strided_slice %add3A_83 {offsets = [15], sizes = [1], strides = [1]} : vector<16xi32> to vector<1xi32>
    %squeeze3A = vector.extract %slice3A[0] : i32 from vector<1xi32>
    %get3A_86 = arith.constant 16 : index
    %get3A_87 = tpu.vector_load %arg11[%get3A_86] {strides = array<i32>} : memref<144xi32, #tpu.memory_space<vmem>>, vector<16xi32>,
    %broadcast_in_dim3A_88 = arith.constant true
    %broadcast_in_dim3A_89 = vector.broadcast %broadcast_in_dim3A_88 : i1 to vector<16xi1>
    %masked_cumsum3A_90 = tpu.scan <sum>, %get3A_87 masked %broadcast_in_dim3A_89 : vector<16xi32>, vector<16xi1> -> vector<16xi32>
    %add3A_91 = vector.broadcast %squeeze3A : i32 to vector<16xi32>
    %add3A_92 = arith.addi %masked_cumsum3A_90, %add3A_91 : vector<16xi32>
    %sub3A_93 = arith.subi %add3A_92, %get3A_87 : vector<16xi32>
    %swap3A_94 = arith.constant 16 : index
    %swap3A_95 = tpu.vector_load %arg12[%swap3A_94] {strides = array<i32>} : memref<144xi32, #tpu.memory_space<vmem>>, vector<16xi32>,
    tpu.vector_store %arg12[%swap3A_94], %sub3A_93 {strides = array<i32>} : memref<144xi32, #tpu.memory_space<vmem>>, vector<16xi32>,
    %slice3A_96 = vector.extract_strided_slice %add3A_92 {offsets = [15], sizes = [1], strides = [1]} : vector<16xi32> to vector<1xi32>
    %squeeze3A_97 = vector.extract %slice3A_96[0] : i32 from vector<1xi32>
    %get3A_98 = arith.constant 32 : index
    %get3A_99 = tpu.vector_load %arg11[%get3A_98] {strides = array<i32>} : memref<144xi32, #tpu.memory_space<vmem>>, vector<16xi32>,
    %broadcast_in_dim3A_100 = arith.constant true
    %broadcast_in_dim3A_101 = vector.broadcast %broadcast_in_dim3A_100 : i1 to vector<16xi1>
    %masked_cumsum3A_102 = tpu.scan <sum>, %get3A_99 masked %broadcast_in_dim3A_101 : vector<16xi32>, vector<16xi1> -> vector<16xi32>
    %add3A_103 = vector.broadcast %squeeze3A_97 : i32 to vector<16xi32>
    %add3A_104 = arith.addi %masked_cumsum3A_102, %add3A_103 : vector<16xi32>
    %sub3A_105 = arith.subi %add3A_104, %get3A_99 : vector<16xi32>
    %swap3A_106 = arith.constant 32 : index
    %swap3A_107 = tpu.vector_load %arg12[%swap3A_106] {strides = array<i32>} : memref<144xi32, #tpu.memory_space<vmem>>, vector<16xi32>,
    tpu.vector_store %arg12[%swap3A_106], %sub3A_105 {strides = array<i32>} : memref<144xi32, #tpu.memory_space<vmem>>, vector<16xi32>,
    %slice3A_108 = vector.extract_strided_slice %add3A_104 {offsets = [15], sizes = [1], strides = [1]} : vector<16xi32> to vector<1xi32>
    %squeeze3A_109 = vector.extract %slice3A_108[0] : i32 from vector<1xi32>
    %get3A_110 = arith.constant 48 : index
    %get3A_111 = tpu.vector_load %arg11[%get3A_110] {strides = array<i32>} : memref<144xi32, #tpu.memory_space<vmem>>, vector<16xi32>,
    %broadcast_in_dim3A_112 = arith.constant true
    %broadcast_in_dim3A_113 = vector.broadcast %broadcast_in_dim3A_112 : i1 to vector<16xi1>
    %masked_cumsum3A_114 = tpu.scan <sum>, %get3A_111 masked %broadcast_in_dim3A_113 : vector<16xi32>, vector<16xi1> -> vector<16xi32>
    %add3A_115 = vector.broadcast %squeeze3A_109 : i32 to vector<16xi32>
    %add3A_116 = arith.addi %masked_cumsum3A_114, %add3A_115 : vector<16xi32>
    %sub3A_117 = arith.subi %add3A_116, %get3A_111 : vector<16xi32>
    %swap3A_118 = arith.constant 48 : index
    %swap3A_119 = tpu.vector_load %arg12[%swap3A_118] {strides = array<i32>} : memref<144xi32, #tpu.memory_space<vmem>>, vector<16xi32>,
    tpu.vector_store %arg12[%swap3A_118], %sub3A_117 {strides = array<i32>} : memref<144xi32, #tpu.memory_space<vmem>>, vector<16xi32>,
    %slice3A_120 = vector.extract_strided_slice %add3A_116 {offsets = [15], sizes = [1], strides = [1]} : vector<16xi32> to vector<1xi32>
    %squeeze3A_121 = vector.extract %slice3A_120[0] : i32 from vector<1xi32>
    %get3A_122 = arith.constant 64 : index
    %get3A_123 = tpu.vector_load %arg11[%get3A_122] {strides = array<i32>} : memref<144xi32, #tpu.memory_space<vmem>>, vector<16xi32>,
    %broadcast_in_dim3A_124 = arith.constant true
    %broadcast_in_dim3A_125 = vector.broadcast %broadcast_in_dim3A_124 : i1 to vector<16xi1>
    %masked_cumsum3A_126 = tpu.scan <sum>, %get3A_123 masked %broadcast_in_dim3A_125 : vector<16xi32>, vector<16xi1> -> vector<16xi32>
    %add3A_127 = vector.broadcast %squeeze3A_121 : i32 to vector<16xi32>
    %add3A_128 = arith.addi %masked_cumsum3A_126, %add3A_127 : vector<16xi32>
    %sub3A_129 = arith.subi %add3A_128, %get3A_123 : vector<16xi32>
    %swap3A_130 = arith.constant 64 : index
    %swap3A_131 = tpu.vector_load %arg12[%swap3A_130] {strides = array<i32>} : memref<144xi32, #tpu.memory_space<vmem>>, vector<16xi32>,
    tpu.vector_store %arg12[%swap3A_130], %sub3A_129 {strides = array<i32>} : memref<144xi32, #tpu.memory_space<vmem>>, vector<16xi32>,
    %slice3A_132 = vector.extract_strided_slice %add3A_128 {offsets = [15], sizes = [1], strides = [1]} : vector<16xi32> to vector<1xi32>
    %squeeze3A_133 = vector.extract %slice3A_132[0] : i32 from vector<1xi32>
    %get3A_134 = arith.constant 80 : index
    %get3A_135 = tpu.vector_load %arg11[%get3A_134] {strides = array<i32>} : memref<144xi32, #tpu.memory_space<vmem>>, vector<16xi32>,
    %broadcast_in_dim3A_136 = arith.constant true
    %broadcast_in_dim3A_137 = vector.broadcast %broadcast_in_dim3A_136 : i1 to vector<16xi1>
    %masked_cumsum3A_138 = tpu.scan <sum>, %get3A_135 masked %broadcast_in_dim3A_137 : vector<16xi32>, vector<16xi1> -> vector<16xi32>
    %add3A_139 = vector.broadcast %squeeze3A_133 : i32 to vector<16xi32>
    %add3A_140 = arith.addi %masked_cumsum3A_138, %add3A_139 : vector<16xi32>
    %sub3A_141 = arith.subi %add3A_140, %get3A_135 : vector<16xi32>
    %swap3A_142 = arith.constant 80 : index
    %swap3A_143 = tpu.vector_load %arg12[%swap3A_142] {strides = array<i32>} : memref<144xi32, #tpu.memory_space<vmem>>, vector<16xi32>,
    tpu.vector_store %arg12[%swap3A_142], %sub3A_141 {strides = array<i32>} : memref<144xi32, #tpu.memory_space<vmem>>, vector<16xi32>,
    %slice3A_144 = vector.extract_strided_slice %add3A_140 {offsets = [15], sizes = [1], strides = [1]} : vector<16xi32> to vector<1xi32>
    %squeeze3A_145 = vector.extract %slice3A_144[0] : i32 from vector<1xi32>
    %get3A_146 = arith.constant 96 : index
    %get3A_147 = tpu.vector_load %arg11[%get3A_146] {strides = array<i32>} : memref<144xi32, #tpu.memory_space<vmem>>, vector<16xi32>,
    %broadcast_in_dim3A_148 = arith.constant true
    %broadcast_in_dim3A_149 = vector.broadcast %broadcast_in_dim3A_148 : i1 to vector<16xi1>
    %masked_cumsum3A_150 = tpu.scan <sum>, %get3A_147 masked %broadcast_in_dim3A_149 : vector<16xi32>, vector<16xi1> -> vector<16xi32>
    %add3A_151 = vector.broadcast %squeeze3A_145 : i32 to vector<16xi32>
    %add3A_152 = arith.addi %masked_cumsum3A_150, %add3A_151 : vector<16xi32>
    %sub3A_153 = arith.subi %add3A_152, %get3A_147 : vector<16xi32>
    %swap3A_154 = arith.constant 96 : index
    %swap3A_155 = tpu.vector_load %arg12[%swap3A_154] {strides = array<i32>} : memref<144xi32, #tpu.memory_space<vmem>>, vector<16xi32>,
    tpu.vector_store %arg12[%swap3A_154], %sub3A_153 {strides = array<i32>} : memref<144xi32, #tpu.memory_space<vmem>>, vector<16xi32>,
    %slice3A_156 = vector.extract_strided_slice %add3A_152 {offsets = [15], sizes = [1], strides = [1]} : vector<16xi32> to vector<1xi32>
    %squeeze3A_157 = vector.extract %slice3A_156[0] : i32 from vector<1xi32>
    %get3A_158 = arith.constant 112 : index
    %get3A_159 = tpu.vector_load %arg11[%get3A_158] {strides = array<i32>} : memref<144xi32, #tpu.memory_space<vmem>>, vector<16xi32>,
    %broadcast_in_dim3A_160 = arith.constant true
    %broadcast_in_dim3A_161 = vector.broadcast %broadcast_in_dim3A_160 : i1 to vector<16xi1>
    %masked_cumsum3A_162 = tpu.scan <sum>, %get3A_159 masked %broadcast_in_dim3A_161 : vector<16xi32>, vector<16xi1> -> vector<16xi32>
    %add3A_163 = vector.broadcast %squeeze3A_157 : i32 to vector<16xi32>
    %add3A_164 = arith.addi %masked_cumsum3A_162, %add3A_163 : vector<16xi32>
    %sub3A_165 = arith.subi %add3A_164, %get3A_159 : vector<16xi32>
    %swap3A_166 = arith.constant 112 : index
    %swap3A_167 = tpu.vector_load %arg12[%swap3A_166] {strides = array<i32>} : memref<144xi32, #tpu.memory_space<vmem>>, vector<16xi32>,
    tpu.vector_store %arg12[%swap3A_166], %sub3A_165 {strides = array<i32>} : memref<144xi32, #tpu.memory_space<vmem>>, vector<16xi32>,
    %slice3A_168 = vector.extract_strided_slice %add3A_164 {offsets = [15], sizes = [1], strides = [1]} : vector<16xi32> to vector<1xi32>
    %squeeze3A_169 = vector.extract %slice3A_168[0] : i32 from vector<1xi32>
    %while3A = arith.constant 0 : i32
    %while3A_170 = arith.constant 0 : i32
    %while3A_171 = arith.subi %scan3A_76, %while3A_170 : i32
    %while3A_172 = arith.addi %while3A_170, %while3A_171 : i32
    %while3A_173 = arith.constant 1 : i32
    %while3A_174 = arith.divsi %while3A_171, %while3A_173 : i32
    %while3A_175 = arith.muli %while3A_174, %while3A_173 : i32
    %while3A_176 = arith.addi %while3A_170, %while3A_175 : i32
    %while3A_177 = arith.constant 1 : i32
    scf.for %while3A_407 = %while3A_170 to %while3A_176 step %while3A_177  : i32 {
      %get3A_408 = arith.index_cast %while3A_407 : i32 to index
      %get3A_409 = tpu.vector_load %arg13[%get3A_408] {strides = array<i32>} : memref<16400xi32, #tpu.memory_space<vmem>>, vector<16xi32>,
      %slice3A_410 = vector.extract_strided_slice %get3A_409 {offsets = [0], sizes = [1], strides = [1]} : vector<16xi32> to vector<1xi32>
      %squeeze3A_411 = vector.extract %slice3A_410[0] : i32 from vector<1xi32>
      %shift_right_logical3A = arith.constant 22 : i32
      %shift_right_logical3A_412 = arith.shrui %squeeze3A_411, %shift_right_logical3A : i32
      %get3A_413 = arith.index_cast %shift_right_logical3A_412 : i32 to index
      %get3A_414 = tpu.vector_load %arg12[%get3A_413] {strides = array<i32>} : memref<144xi32, #tpu.memory_space<vmem>>, vector<16xi32>,
      %slice3A_415 = vector.extract_strided_slice %get3A_414 {offsets = [0], sizes = [1], strides = [1]} : vector<16xi32> to vector<1xi32>
      %squeeze3A_416 = vector.extract %slice3A_415[0] : i32 from vector<1xi32>
      %broadcast_in_dim3A_417 = vector.broadcast %squeeze3A_416 : i32 to vector<16xi32>
      %broadcast_in_dim3A_418 = vector.broadcast %squeeze3A_411 : i32 to vector<16xi32>
      tpu.vector_store_idx %arg10[%broadcast_in_dim3A_417], %broadcast_in_dim3A_418 masked %eq3A_2 : memref<16400xi32, #tpu.memory_space<vmem>>[vector<16xi32>], vector<16xi32>, vector<16xi1>
      %broadcast_in_dim3A_419 = vector.broadcast %shift_right_logical3A_412 : i32 to vector<16xi32>
      %add3A_420 = arith.constant 1 : i32
      %add3A_421 = arith.addi %squeeze3A_416, %add3A_420 : i32
      %broadcast_in_dim3A_422 = vector.broadcast %add3A_421 : i32 to vector<16xi32>
      tpu.vector_store_idx %arg12[%broadcast_in_dim3A_419], %broadcast_in_dim3A_422 masked %eq3A_2 : memref<144xi32, #tpu.memory_space<vmem>>[vector<16xi32>], vector<16xi32>, vector<16xi1>
    }
    %while3A_178 = arith.constant 1 : i32
    scf.for %while3A_407 = %while3A_176 to %while3A_172 step %while3A_178  : i32 {
      %get3A_408 = arith.index_cast %while3A_407 : i32 to index
      %get3A_409 = tpu.vector_load %arg13[%get3A_408] {strides = array<i32>} : memref<16400xi32, #tpu.memory_space<vmem>>, vector<16xi32>,
      %slice3A_410 = vector.extract_strided_slice %get3A_409 {offsets = [0], sizes = [1], strides = [1]} : vector<16xi32> to vector<1xi32>
      %squeeze3A_411 = vector.extract %slice3A_410[0] : i32 from vector<1xi32>
      %shift_right_logical3A = arith.constant 22 : i32
      %shift_right_logical3A_412 = arith.shrui %squeeze3A_411, %shift_right_logical3A : i32
      %get3A_413 = arith.index_cast %shift_right_logical3A_412 : i32 to index
      %get3A_414 = tpu.vector_load %arg12[%get3A_413] {strides = array<i32>} : memref<144xi32, #tpu.memory_space<vmem>>, vector<16xi32>,
      %slice3A_415 = vector.extract_strided_slice %get3A_414 {offsets = [0], sizes = [1], strides = [1]} : vector<16xi32> to vector<1xi32>
      %squeeze3A_416 = vector.extract %slice3A_415[0] : i32 from vector<1xi32>
      %broadcast_in_dim3A_417 = vector.broadcast %squeeze3A_416 : i32 to vector<16xi32>
      %broadcast_in_dim3A_418 = vector.broadcast %squeeze3A_411 : i32 to vector<16xi32>
      tpu.vector_store_idx %arg10[%broadcast_in_dim3A_417], %broadcast_in_dim3A_418 masked %eq3A_2 : memref<16400xi32, #tpu.memory_space<vmem>>[vector<16xi32>], vector<16xi32>, vector<16xi1>
      %broadcast_in_dim3A_419 = vector.broadcast %shift_right_logical3A_412 : i32 to vector<16xi32>
      %add3A_420 = arith.constant 1 : i32
      %add3A_421 = arith.addi %squeeze3A_416, %add3A_420 : i32
      %broadcast_in_dim3A_422 = vector.broadcast %add3A_421 : i32 to vector<16xi32>
      tpu.vector_store_idx %arg12[%broadcast_in_dim3A_419], %broadcast_in_dim3A_422 masked %eq3A_2 : memref<144xi32, #tpu.memory_space<vmem>>[vector<16xi32>], vector<16xi32>, vector<16xi1>
    }
    %scan3A_179 = arith.constant 0 : i32
    %scan3A_180 = arith.constant 0 : i32
    %scan3A_181 = arith.constant 41 : i32
    %scan3A_182 = arith.addi %scan3A_180, %scan3A_181 : i32
    %scan3A_183 = arith.constant 1 : i32
    %scan3A_184 = scf.for %scan3A_407 = %scan3A_180 to %scan3A_182 step %scan3A_183 iter_args(%scan3A_408 = %scan3A_179) -> (i32)  : i32 {
      %mul3A_409 = arith.constant 3 : i32
      %mul3A_410 = arith.muli %mul3A_409, %scan3A_407 : i32
      %add3A_411 = arith.constant 0 : i32
      %add3A_412 = arith.addi %mul3A_410, %add3A_411 : i32
      %mul3A_413 = arith.constant 32 : i32
      %mul3A_414 = arith.muli %mul3A_413, %add3A_412 : i32
      %add3A_415 = arith.addi %add3A, %mul3A_414 : i32
      %lt3A_416 = arith.constant 3906 : i32
      %lt3A_417 = arith.cmpi slt, %add3A_415, %lt3A_416 : i32
      %convert_element_type3A_418 = arith.extui %lt3A_417 : i1 to i32
      %cond3A_419 = arith.constant 0 : i32
      %cond3A_420 = arith.constant 0 : i32
      %cond3A_421 = arith.cmpi ne, %convert_element_type3A_418, %cond3A_420 : i32
      %cond3A_422 = scf.if %cond3A_421 -> (i32) {
        %dma_wait3A = arith.constant 0 : i32
        %dma_wait3A_514 = arith.constant 0 : i32
        %dma_wait3A_515 = tpu.memref_slice %arg4[%dma_wait3A, %dma_wait3A_514] : memref<64x1000000xf32, #tpu.memory_space<hbm>> -> memref<64x256xf32, #tpu.memory_space<hbm>>
        %dma_wait3A_516 = arith.constant 0 : i32
        %dma_wait3A_517 = arith.constant 0 : i32
        %dma_wait3A_518 = tpu.memref_slice %arg4[%dma_wait3A_516, %dma_wait3A_517] : memref<64x1000000xf32, #tpu.memory_space<hbm>> -> memref<64x256xf32, #tpu.memory_space<hbm>>
        tpu.wait_dma2 semaphore(%arg26 : memref<!tpu.dma_semaphore, #tpu.memory_space<semaphore_mem>>) src(%dma_wait3A_518 : memref<64x256xf32, #tpu.memory_space<hbm>>) dst(%arg15 : memref<64x256xf32, #tpu.memory_space<vmem>>)
        %dma_wait3A_519 = arith.constant 0 : i32
        %dma_wait3A_520 = tpu.memref_slice %arg6[%dma_wait3A_519] : memref<1000000xf32, #tpu.memory_space<hbm>> -> memref<256xf32, #tpu.memory_space<hbm>>
        %dma_wait3A_521 = arith.constant 0 : i32
        %dma_wait3A_522 = tpu.memref_slice %arg6[%dma_wait3A_521] : memref<1000000xf32, #tpu.memory_space<hbm>> -> memref<256xf32, #tpu.memory_space<hbm>>
        tpu.wait_dma2 semaphore(%arg26 : memref<!tpu.dma_semaphore, #tpu.memory_space<semaphore_mem>>) src(%dma_wait3A_522 : memref<256xf32, #tpu.memory_space<hbm>>) dst(%arg18 : memref<256xf32, #tpu.memory_space<vmem>>)
        %cond3A_523 = arith.constant 0 : i32
        scf.yield %cond3A_523 : i32
      } else {
        %cond3A_514 = arith.constant 0 : i32
        scf.yield %cond3A_514 : i32
      }
      %add3A_423 = arith.constant 2 : i32
      %add3A_424 = arith.addi %add3A_412, %add3A_423 : i32
      %mul3A_425 = arith.constant 32 : i32
      %mul3A_426 = arith.muli %mul3A_425, %add3A_424 : i32
      %add3A_427 = arith.addi %add3A, %mul3A_426 : i32
      %lt3A_428 = arith.constant 3906 : i32
      %lt3A_429 = arith.cmpi slt, %add3A_427, %lt3A_428 : i32
      %convert_element_type3A_430 = arith.extui %lt3A_429 : i1 to i32
      %cond3A_431 = arith.constant 0 : i32
      %cond3A_432 = arith.constant 0 : i32
      %cond3A_433 = arith.cmpi ne, %convert_element_type3A_430, %cond3A_432 : i32
      %cond3A_434 = scf.if %cond3A_433 -> (i32) {
        %mul3A_514 = arith.constant 32 : i32
        %mul3A_515 = arith.muli %mul3A_514, %add3A_424 : i32
        %add3A_516 = arith.addi %add3A, %mul3A_515 : i32
        %mul3A_517 = arith.constant 256 : i32
        %mul3A_518 = arith.muli %add3A_516, %mul3A_517 : i32
        %multiple_of3A = tpu.assume_multiple %mul3A_518, 256 : i32
        %dma_start3A = arith.constant 0 : i32
        %dma_start3A_519 = tpu.memref_slice %arg4[%dma_start3A, %multiple_of3A] : memref<64x1000000xf32, #tpu.memory_space<hbm>> -> memref<64x256xf32, #tpu.memory_space<hbm>>
        %dma_start3A_520 = arith.constant 0 : i32
        %dma_start3A_521 = tpu.memref_slice %arg4[%dma_start3A_520, %multiple_of3A] : memref<64x1000000xf32, #tpu.memory_space<hbm>> -> memref<64x256xf32, #tpu.memory_space<hbm>>
        tpu.enqueue_dma source(%dma_start3A_521 : memref<64x256xf32, #tpu.memory_space<hbm>>) target(%arg17 : memref<64x256xf32, #tpu.memory_space<vmem>>) target_semaphore(%arg28 : memref<!tpu.dma_semaphore, #tpu.memory_space<semaphore_mem>>)
        %dma_start3A_522 = tpu.memref_slice %arg6[%multiple_of3A] : memref<1000000xf32, #tpu.memory_space<hbm>> -> memref<256xf32, #tpu.memory_space<hbm>>
        %dma_start3A_523 = tpu.memref_slice %arg6[%multiple_of3A] : memref<1000000xf32, #tpu.memory_space<hbm>> -> memref<256xf32, #tpu.memory_space<hbm>>
        tpu.enqueue_dma source(%dma_start3A_523 : memref<256xf32, #tpu.memory_space<hbm>>) target(%arg20 : memref<256xf32, #tpu.memory_space<vmem>>) target_semaphore(%arg28 : memref<!tpu.dma_semaphore, #tpu.memory_space<semaphore_mem>>)
        %cond3A_524 = arith.constant 0 : i32
        scf.yield %cond3A_524 : i32
      } else {
        %cond3A_514 = arith.constant 0 : i32
        scf.yield %cond3A_514 : i32
      }
      %mul3A_435 = arith.constant 32 : i32
      %mul3A_436 = arith.muli %mul3A_435, %add3A_412 : i32
      %add3A_437 = arith.addi %add3A, %mul3A_436 : i32
      %lt3A_438 = arith.constant 3906 : i32
      %lt3A_439 = arith.cmpi slt, %add3A_437, %lt3A_438 : i32
      %convert_element_type3A_440 = arith.extui %lt3A_439 : i1 to i32
      %cond3A_441 = arith.constant 0 : i32
      %cond3A_442 = arith.cmpi ne, %convert_element_type3A_440, %cond3A_441 : i32
      %cond3A_443 = scf.if %cond3A_442 -> (i32) {
        %get3A_514 = arith.index_cast %add3A_412 : i32 to index
        %get3A_515 = tpu.vector_load %arg12[%get3A_514] {strides = array<i32>} : memref<144xi32, #tpu.memory_space<vmem>>, vector<16xi32>,
        %slice3A_516 = vector.extract_strided_slice %get3A_515 {offsets = [0], sizes = [1], strides = [1]} : vector<16xi32> to vector<1xi32>
        %squeeze3A_517 = vector.extract %slice3A_516[0] : i32 from vector<1xi32>
        %get3A_518 = arith.index_cast %add3A_412 : i32 to index
        %get3A_519 = tpu.vector_load %arg11[%get3A_518] {strides = array<i32>} : memref<144xi32, #tpu.memory_space<vmem>>, vector<16xi32>,
        %slice3A_520 = vector.extract_strided_slice %get3A_519 {offsets = [0], sizes = [1], strides = [1]} : vector<16xi32> to vector<1xi32>
        %squeeze3A_521 = vector.extract %slice3A_520[0] : i32 from vector<1xi32>
        %sub3A_522 = arith.subi %squeeze3A_517, %squeeze3A_521 : i32
        %while3A_523 = arith.constant 0 : i32
        %while3A_524 = arith.subi %squeeze3A_521, %while3A_523 : i32
        %while3A_525 = arith.addi %while3A_523, %while3A_524 : i32
        %while3A_526 = arith.constant 1 : i32
        %while3A_527 = arith.divsi %while3A_524, %while3A_526 : i32
        %while3A_528 = arith.muli %while3A_527, %while3A_526 : i32
        %while3A_529 = arith.addi %while3A_523, %while3A_528 : i32
        %while3A_530 = arith.constant 1 : i32
        %while3A_531 = scf.for %while3A_534 = %while3A_523 to %while3A_529 step %while3A_530 iter_args(%while3A_535 = %scan3A_408) -> (i32)  : i32 {
          %add3A_536 = arith.addi %sub3A_522, %while3A_534 : i32
          %get3A_537 = arith.index_cast %add3A_536 : i32 to index
          %get3A_538 = tpu.vector_load %arg10[%get3A_537] {strides = array<i32>} : memref<16400xi32, #tpu.memory_space<vmem>>, vector<16xi32>,
          %slice3A_539 = vector.extract_strided_slice %get3A_538 {offsets = [0], sizes = [1], strides = [1]} : vector<16xi32> to vector<1xi32>
          %squeeze3A_540 = vector.extract %slice3A_539[0] : i32 from vector<1xi32>
          %shift_right_logical3A = arith.constant 14 : i32
          %shift_right_logical3A_541 = arith.shrui %squeeze3A_540, %shift_right_logical3A : i32
          %and3A_542 = arith.constant 255 : i32
          %and3A_543 = arith.andi %shift_right_logical3A_541, %and3A_542 : i32
          %and3A_544 = arith.constant 16383 : i32
          %and3A_545 = arith.andi %squeeze3A_540, %and3A_544 : i32
          %and3A_546 = arith.constant 127 : i32
          %and3A_547 = arith.andi %while3A_535, %and3A_546 : i32
          %broadcast_in_dim3A_548 = vector.broadcast %and3A_543 : i32 to vector<16xi32>
          %add3A_549 = arith.constant 0 : i32
          %add3A_550 = vector.broadcast %add3A_549 : i32 to vector<16xi32>
          %add3A_551 = arith.addi %iota3A, %add3A_550 : vector<16xi32>
          %gather3A = tpu.vector_load_idx %arg15[%add3A_551, %broadcast_in_dim3A_548] : memref<64x256xf32, #tpu.memory_space<vmem>>[vector<16xi32>, vector<16xi32>], vector<16xf32>,
          %swap3A_552 = arith.index_cast %and3A_547 : i32 to index
          %swap3A_553 = arith.constant 0 : index
          %swap3A_554 = tpu.vector_load %arg23[%swap3A_552, %swap3A_553] {strides = array<i32>} : memref<128x128xf32, #tpu.memory_space<vmem>>, vector<16xf32>,
          tpu.vector_store %arg23[%swap3A_552, %swap3A_553], %gather3A {strides = array<i32>} : memref<128x128xf32, #tpu.memory_space<vmem>>, vector<16xf32>,
          %add3A_555 = arith.constant 16 : i32
          %add3A_556 = vector.broadcast %add3A_555 : i32 to vector<16xi32>
          %add3A_557 = arith.addi %iota3A, %add3A_556 : vector<16xi32>
          %gather3A_558 = tpu.vector_load_idx %arg15[%add3A_557, %broadcast_in_dim3A_548] : memref<64x256xf32, #tpu.memory_space<vmem>>[vector<16xi32>, vector<16xi32>], vector<16xf32>,
          %swap3A_559 = arith.index_cast %and3A_547 : i32 to index
          %swap3A_560 = arith.constant 16 : index
          %swap3A_561 = tpu.vector_load %arg23[%swap3A_559, %swap3A_560] {strides = array<i32>} : memref<128x128xf32, #tpu.memory_space<vmem>>, vector<16xf32>,
          tpu.vector_store %arg23[%swap3A_559, %swap3A_560], %gather3A_558 {strides = array<i32>} : memref<128x128xf32, #tpu.memory_space<vmem>>, vector<16xf32>,
          %add3A_562 = arith.constant 32 : i32
          %add3A_563 = vector.broadcast %add3A_562 : i32 to vector<16xi32>
          %add3A_564 = arith.addi %iota3A, %add3A_563 : vector<16xi32>
          %gather3A_565 = tpu.vector_load_idx %arg15[%add3A_564, %broadcast_in_dim3A_548] : memref<64x256xf32, #tpu.memory_space<vmem>>[vector<16xi32>, vector<16xi32>], vector<16xf32>,
          %swap3A_566 = arith.index_cast %and3A_547 : i32 to index
          %swap3A_567 = arith.constant 32 : index
          %swap3A_568 = tpu.vector_load %arg23[%swap3A_566, %swap3A_567] {strides = array<i32>} : memref<128x128xf32, #tpu.memory_space<vmem>>, vector<16xf32>,
          tpu.vector_store %arg23[%swap3A_566, %swap3A_567], %gather3A_565 {strides = array<i32>} : memref<128x128xf32, #tpu.memory_space<vmem>>, vector<16xf32>,
          %add3A_569 = arith.constant 48 : i32
          %add3A_570 = vector.broadcast %add3A_569 : i32 to vector<16xi32>
          %add3A_571 = arith.addi %iota3A, %add3A_570 : vector<16xi32>
          %gather3A_572 = tpu.vector_load_idx %arg15[%add3A_571, %broadcast_in_dim3A_548] : memref<64x256xf32, #tpu.memory_space<vmem>>[vector<16xi32>, vector<16xi32>], vector<16xf32>,
          %swap3A_573 = arith.index_cast %and3A_547 : i32 to index
          %swap3A_574 = arith.constant 48 : index
          %swap3A_575 = tpu.vector_load %arg23[%swap3A_573, %swap3A_574] {strides = array<i32>} : memref<128x128xf32, #tpu.memory_space<vmem>>, vector<16xf32>,
          tpu.vector_store %arg23[%swap3A_573, %swap3A_574], %gather3A_572 {strides = array<i32>} : memref<128x128xf32, #tpu.memory_space<vmem>>, vector<16xf32>,
          %gather3A_576 = tpu.vector_load_idx %arg18[%broadcast_in_dim3A_548] : memref<256xf32, #tpu.memory_space<vmem>>[vector<16xi32>], vector<16xf32>,
          %swap3A_577 = arith.index_cast %and3A_547 : i32 to index
          %swap3A_578 = arith.constant 64 : index
          %swap3A_579 = tpu.vector_load %arg23[%swap3A_577, %swap3A_578] {strides = array<i32>} : memref<128x128xf32, #tpu.memory_space<vmem>>, vector<16xf32>,
          tpu.vector_store %arg23[%swap3A_577, %swap3A_578], %gather3A_576 {strides = array<i32>} : memref<128x128xf32, #tpu.memory_space<vmem>>, vector<16xf32>,
          %broadcast_in_dim3A_580 = vector.broadcast %and3A_547 : i32 to vector<16xi32>
          %broadcast_in_dim3A_581 = vector.broadcast %and3A_545 : i32 to vector<16xi32>
          %scatter3A = arith.constant 0 : i32
          %scatter3A_582 = arith.constant 0 : i32
          %scatter3A_583 = tpu.memref_slice %arg24[%scatter3A, %scatter3A_582] : memref<1x128xi32, #tpu.memory_space<vmem>> -> memref<1x128xi32, #tpu.memory_space<vmem>>
          %scatter3A_584 = tpu.memref_squeeze %scatter3A_583 : memref<1x128xi32, #tpu.memory_space<vmem>> -> memref<128xi32, #tpu.memory_space<vmem>>
          tpu.vector_store_idx %scatter3A_584[%broadcast_in_dim3A_580], %broadcast_in_dim3A_581 masked %eq3A_2 : memref<128xi32, #tpu.memory_space<vmem>>[vector<16xi32>], vector<16xi32>, vector<16xi1>
          %add3A_585 = arith.constant 1 : i32
          %add3A_586 = arith.addi %while3A_535, %add3A_585 : i32
          %and3A_587 = arith.constant 127 : i32
          %and3A_588 = arith.andi %add3A_586, %and3A_587 : i32
          %eq3A_589 = arith.constant 0 : i32
          %eq3A_590 = arith.cmpi eq, %and3A_588, %eq3A_589 : i32
          %convert_element_type3A_591 = arith.extui %eq3A_590 : i1 to i32
          %cond3A_592 = arith.constant 0 : i32
          %cond3A_593 = arith.constant 0 : i32
          %cond3A_594 = arith.cmpi ne, %convert_element_type3A_591, %cond3A_593 : i32
          %cond3A_595 = scf.if %cond3A_594 -> (i32) {
            %dma_start3A = arith.constant 0 : i32
            %dma_start3A_596 = arith.constant 0 : i32
            %dma_start3A_597 = tpu.memref_slice %arg24[%dma_start3A, %dma_start3A_596] : memref<1x128xi32, #tpu.memory_space<vmem>> -> memref<1x128xi32, #tpu.memory_space<vmem>>
            %dma_start3A_598 = tpu.memref_squeeze %dma_start3A_597 : memref<1x128xi32, #tpu.memory_space<vmem>> -> memref<128xi32, #tpu.memory_space<vmem>>
            %dma_start3A_599 = arith.constant 0 : i32
            %dma_start3A_600 = arith.constant 0 : i32
            %dma_start3A_601 = tpu.memref_slice %arg8[%dma_start3A_599, %dma_start3A_600] : memref<16512x128xf32, #tpu.memory_space<hbm>> -> memref<16512x128xf32, #tpu.memory_space<hbm>>
            tpu.enqueue_indirect_dma source(%arg23 : memref<128x128xf32, #tpu.memory_space<vmem>>) target(%dma_start3A_601 : memref<16512x128xf32, #tpu.memory_space<hbm>>) offsets(%dma_start3A_598 : memref<128xi32, #tpu.memory_space<vmem>>) semaphore(%arg25 : memref<!tpu.dma_semaphore, #tpu.memory_space<semaphore_mem>>)
            %dma_wait3A = arith.constant 0 : i32
            %dma_wait3A_602 = arith.constant 0 : i32
            %dma_wait3A_603 = tpu.memref_slice %arg24[%dma_wait3A, %dma_wait3A_602] : memref<1x128xi32, #tpu.memory_space<vmem>> -> memref<1x128xi32, #tpu.memory_space<vmem>>
            %dma_wait3A_604 = tpu.memref_squeeze %dma_wait3A_603 : memref<1x128xi32, #tpu.memory_space<vmem>> -> memref<128xi32, #tpu.memory_space<vmem>>
            %dma_wait3A_605 = arith.constant 0 : i32
            %dma_wait3A_606 = arith.constant 0 : i32
            %dma_wait3A_607 = tpu.memref_slice %arg8[%dma_wait3A_605, %dma_wait3A_606] : memref<16512x128xf32, #tpu.memory_space<hbm>> -> memref<16512x128xf32, #tpu.memory_space<hbm>>
            tpu.wait_indirect_dma semaphore(%arg25 : memref<!tpu.dma_semaphore, #tpu.memory_space<semaphore_mem>>) src(%arg23 : memref<128x128xf32, #tpu.memory_space<vmem>>) dst(%dma_wait3A_607 : memref<16512x128xf32, #tpu.memory_space<hbm>>)
            %swap3A_608 = arith.constant 0 : i32
            %swap3A_609 = arith.index_cast %swap3A_608 : i32 to index
            %swap3A_610 = arith.constant 0 : index
            %swap3A_611 = tpu.vector_load %arg24[%swap3A_609, %swap3A_610] {strides = array<i32>} : memref<1x128xi32, #tpu.memory_space<vmem>>, vector<16xi32>,
            tpu.vector_store %arg24[%swap3A_609, %swap3A_610], %broadcast_in_dim3A_3 {strides = array<i32>} : memref<1x128xi32, #tpu.memory_space<vmem>>, vector<16xi32>,
            %swap3A_612 = arith.constant 0 : i32
            %swap3A_613 = arith.index_cast %swap3A_612 : i32 to index
            %swap3A_614 = arith.constant 16 : index
            %swap3A_615 = tpu.vector_load %arg24[%swap3A_613, %swap3A_614] {strides = array<i32>} : memref<1x128xi32, #tpu.memory_space<vmem>>, vector<16xi32>,
            tpu.vector_store %arg24[%swap3A_613, %swap3A_614], %broadcast_in_dim3A_3 {strides = array<i32>} : memref<1x128xi32, #tpu.memory_space<vmem>>, vector<16xi32>,
            %swap3A_616 = arith.constant 0 : i32
            %swap3A_617 = arith.index_cast %swap3A_616 : i32 to index
            %swap3A_618 = arith.constant 32 : index
            %swap3A_619 = tpu.vector_load %arg24[%swap3A_617, %swap3A_618] {strides = array<i32>} : memref<1x128xi32, #tpu.memory_space<vmem>>, vector<16xi32>,
            tpu.vector_store %arg24[%swap3A_617, %swap3A_618], %broadcast_in_dim3A_3 {strides = array<i32>} : memref<1x128xi32, #tpu.memory_space<vmem>>, vector<16xi32>,
            %swap3A_620 = arith.constant 0 : i32
            %swap3A_621 = arith.index_cast %swap3A_620 : i32 to index
            %swap3A_622 = arith.constant 48 : index
            %swap3A_623 = tpu.vector_load %arg24[%swap3A_621, %swap3A_622] {strides = array<i32>} : memref<1x128xi32, #tpu.memory_space<vmem>>, vector<16xi32>,
            tpu.vector_store %arg24[%swap3A_621, %swap3A_622], %broadcast_in_dim3A_3 {strides = array<i32>} : memref<1x128xi32, #tpu.memory_space<vmem>>, vector<16xi32>,
            %swap3A_624 = arith.constant 0 : i32
            %swap3A_625 = arith.index_cast %swap3A_624 : i32 to index
            %swap3A_626 = arith.constant 64 : index
            %swap3A_627 = tpu.vector_load %arg24[%swap3A_625, %swap3A_626] {strides = array<i32>} : memref<1x128xi32, #tpu.memory_space<vmem>>, vector<16xi32>,
            tpu.vector_store %arg24[%swap3A_625, %swap3A_626], %broadcast_in_dim3A_3 {strides = array<i32>} : memref<1x128xi32, #tpu.memory_space<vmem>>, vector<16xi32>,
            %swap3A_628 = arith.constant 0 : i32
            %swap3A_629 = arith.index_cast %swap3A_628 : i32 to index
            %swap3A_630 = arith.constant 80 : index
            %swap3A_631 = tpu.vector_load %arg24[%swap3A_629, %swap3A_630] {strides = array<i32>} : memref<1x128xi32, #tpu.memory_space<vmem>>, vector<16xi32>,
            tpu.vector_store %arg24[%swap3A_629, %swap3A_630], %broadcast_in_dim3A_3 {strides = array<i32>} : memref<1x128xi32, #tpu.memory_space<vmem>>, vector<16xi32>,
            %swap3A_632 = arith.constant 0 : i32
            %swap3A_633 = arith.index_cast %swap3A_632 : i32 to index
            %swap3A_634 = arith.constant 96 : index
            %swap3A_635 = tpu.vector_load %arg24[%swap3A_633, %swap3A_634] {strides = array<i32>} : memref<1x128xi32, #tpu.memory_space<vmem>>, vector<16xi32>,
            tpu.vector_store %arg24[%swap3A_633, %swap3A_634], %broadcast_in_dim3A_3 {strides = array<i32>} : memref<1x128xi32, #tpu.memory_space<vmem>>, vector<16xi32>,
            %swap3A_636 = arith.constant 0 : i32
            %swap3A_637 = arith.index_cast %swap3A_636 : i32 to index
            %swap3A_638 = arith.constant 112 : index
            %swap3A_639 = tpu.vector_load %arg24[%swap3A_637, %swap3A_638] {strides = array<i32>} : memref<1x128xi32, #tpu.memory_space<vmem>>, vector<16xi32>,
            tpu.vector_store %arg24[%swap3A_637, %swap3A_638], %broadcast_in_dim3A_3 {strides = array<i32>} : memref<1x128xi32, #tpu.memory_space<vmem>>, vector<16xi32>,
            %cond3A_640 = arith.constant 0 : i32
            scf.yield %cond3A_640 : i32
          } else {
            %cond3A_596 = arith.constant 0 : i32
            scf.yield %cond3A_596 : i32
          }
          scf.yield %add3A_586 : i32
        }
        %while3A_532 = arith.constant 1 : i32
        %while3A_533 = scf.for %while3A_534 = %while3A_529 to %while3A_525 step %while3A_532 iter_args(%while3A_535 = %while3A_531) -> (i32)  : i32 {
          %add3A_536 = arith.addi %sub3A_522, %while3A_534 : i32
          %get3A_537 = arith.index_cast %add3A_536 : i32 to index
          %get3A_538 = tpu.vector_load %arg10[%get3A_537] {strides = array<i32>} : memref<16400xi32, #tpu.memory_space<vmem>>, vector<16xi32>,
          %slice3A_539 = vector.extract_strided_slice %get3A_538 {offsets = [0], sizes = [1], strides = [1]} : vector<16xi32> to vector<1xi32>
          %squeeze3A_540 = vector.extract %slice3A_539[0] : i32 from vector<1xi32>
          %shift_right_logical3A = arith.constant 14 : i32
          %shift_right_logical3A_541 = arith.shrui %squeeze3A_540, %shift_right_logical3A : i32
          %and3A_542 = arith.constant 255 : i32
          %and3A_543 = arith.andi %shift_right_logical3A_541, %and3A_542 : i32
          %and3A_544 = arith.constant 16383 : i32
          %and3A_545 = arith.andi %squeeze3A_540, %and3A_544 : i32
          %and3A_546 = arith.constant 127 : i32
          %and3A_547 = arith.andi %while3A_535, %and3A_546 : i32
          %broadcast_in_dim3A_548 = vector.broadcast %and3A_543 : i32 to vector<16xi32>
          %add3A_549 = arith.constant 0 : i32
          %add3A_550 = vector.broadcast %add3A_549 : i32 to vector<16xi32>
          %add3A_551 = arith.addi %iota3A, %add3A_550 : vector<16xi32>
          %gather3A = tpu.vector_load_idx %arg15[%add3A_551, %broadcast_in_dim3A_548] : memref<64x256xf32, #tpu.memory_space<vmem>>[vector<16xi32>, vector<16xi32>], vector<16xf32>,
          %swap3A_552 = arith.index_cast %and3A_547 : i32 to index
          %swap3A_553 = arith.constant 0 : index
          %swap3A_554 = tpu.vector_load %arg23[%swap3A_552, %swap3A_553] {strides = array<i32>} : memref<128x128xf32, #tpu.memory_space<vmem>>, vector<16xf32>,
          tpu.vector_store %arg23[%swap3A_552, %swap3A_553], %gather3A {strides = array<i32>} : memref<128x128xf32, #tpu.memory_space<vmem>>, vector<16xf32>,
          %add3A_555 = arith.constant 16 : i32
          %add3A_556 = vector.broadcast %add3A_555 : i32 to vector<16xi32>
          %add3A_557 = arith.addi %iota3A, %add3A_556 : vector<16xi32>
          %gather3A_558 = tpu.vector_load_idx %arg15[%add3A_557, %broadcast_in_dim3A_548] : memref<64x256xf32, #tpu.memory_space<vmem>>[vector<16xi32>, vector<16xi32>], vector<16xf32>,
          %swap3A_559 = arith.index_cast %and3A_547 : i32 to index
          %swap3A_560 = arith.constant 16 : index
          %swap3A_561 = tpu.vector_load %arg23[%swap3A_559, %swap3A_560] {strides = array<i32>} : memref<128x128xf32, #tpu.memory_space<vmem>>, vector<16xf32>,
          tpu.vector_store %arg23[%swap3A_559, %swap3A_560], %gather3A_558 {strides = array<i32>} : memref<128x128xf32, #tpu.memory_space<vmem>>, vector<16xf32>,
          %add3A_562 = arith.constant 32 : i32
          %add3A_563 = vector.broadcast %add3A_562 : i32 to vector<16xi32>
          %add3A_564 = arith.addi %iota3A, %add3A_563 : vector<16xi32>
          %gather3A_565 = tpu.vector_load_idx %arg15[%add3A_564, %broadcast_in_dim3A_548] : memref<64x256xf32, #tpu.memory_space<vmem>>[vector<16xi32>, vector<16xi32>], vector<16xf32>,
          %swap3A_566 = arith.index_cast %and3A_547 : i32 to index
          %swap3A_567 = arith.constant 32 : index
          %swap3A_568 = tpu.vector_load %arg23[%swap3A_566, %swap3A_567] {strides = array<i32>} : memref<128x128xf32, #tpu.memory_space<vmem>>, vector<16xf32>,
          tpu.vector_store %arg23[%swap3A_566, %swap3A_567], %gather3A_565 {strides = array<i32>} : memref<128x128xf32, #tpu.memory_space<vmem>>, vector<16xf32>,
          %add3A_569 = arith.constant 48 : i32
          %add3A_570 = vector.broadcast %add3A_569 : i32 to vector<16xi32>
          %add3A_571 = arith.addi %iota3A, %add3A_570 : vector<16xi32>
          %gather3A_572 = tpu.vector_load_idx %arg15[%add3A_571, %broadcast_in_dim3A_548] : memref<64x256xf32, #tpu.memory_space<vmem>>[vector<16xi32>, vector<16xi32>], vector<16xf32>,
          %swap3A_573 = arith.index_cast %and3A_547 : i32 to index
          %swap3A_574 = arith.constant 48 : index
          %swap3A_575 = tpu.vector_load %arg23[%swap3A_573, %swap3A_574] {strides = array<i32>} : memref<128x128xf32, #tpu.memory_space<vmem>>, vector<16xf32>,
          tpu.vector_store %arg23[%swap3A_573, %swap3A_574], %gather3A_572 {strides = array<i32>} : memref<128x128xf32, #tpu.memory_space<vmem>>, vector<16xf32>,
          %gather3A_576 = tpu.vector_load_idx %arg18[%broadcast_in_dim3A_548] : memref<256xf32, #tpu.memory_space<vmem>>[vector<16xi32>], vector<16xf32>,
          %swap3A_577 = arith.index_cast %and3A_547 : i32 to index
          %swap3A_578 = arith.constant 64 : index
          %swap3A_579 = tpu.vector_load %arg23[%swap3A_577, %swap3A_578] {strides = array<i32>} : memref<128x128xf32, #tpu.memory_space<vmem>>, vector<16xf32>,
          tpu.vector_store %arg23[%swap3A_577, %swap3A_578], %gather3A_576 {strides = array<i32>} : memref<128x128xf32, #tpu.memory_space<vmem>>, vector<16xf32>,
          %broadcast_in_dim3A_580 = vector.broadcast %and3A_547 : i32 to vector<16xi32>
          %broadcast_in_dim3A_581 = vector.broadcast %and3A_545 : i32 to vector<16xi32>
          %scatter3A = arith.constant 0 : i32
          %scatter3A_582 = arith.constant 0 : i32
          %scatter3A_583 = tpu.memref_slice %arg24[%scatter3A, %scatter3A_582] : memref<1x128xi32, #tpu.memory_space<vmem>> -> memref<1x128xi32, #tpu.memory_space<vmem>>
          %scatter3A_584 = tpu.memref_squeeze %scatter3A_583 : memref<1x128xi32, #tpu.memory_space<vmem>> -> memref<128xi32, #tpu.memory_space<vmem>>
          tpu.vector_store_idx %scatter3A_584[%broadcast_in_dim3A_580], %broadcast_in_dim3A_581 masked %eq3A_2 : memref<128xi32, #tpu.memory_space<vmem>>[vector<16xi32>], vector<16xi32>, vector<16xi1>
          %add3A_585 = arith.constant 1 : i32
          %add3A_586 = arith.addi %while3A_535, %add3A_585 : i32
          %and3A_587 = arith.constant 127 : i32
          %and3A_588 = arith.andi %add3A_586, %and3A_587 : i32
          %eq3A_589 = arith.constant 0 : i32
          %eq3A_590 = arith.cmpi eq, %and3A_588, %eq3A_589 : i32
          %convert_element_type3A_591 = arith.extui %eq3A_590 : i1 to i32
          %cond3A_592 = arith.constant 0 : i32
          %cond3A_593 = arith.constant 0 : i32
          %cond3A_594 = arith.cmpi ne, %convert_element_type3A_591, %cond3A_593 : i32
          %cond3A_595 = scf.if %cond3A_594 -> (i32) {
            %dma_start3A = arith.constant 0 : i32
            %dma_start3A_596 = arith.constant 0 : i32
            %dma_start3A_597 = tpu.memref_slice %arg24[%dma_start3A, %dma_start3A_596] : memref<1x128xi32, #tpu.memory_space<vmem>> -> memref<1x128xi32, #tpu.memory_space<vmem>>
            %dma_start3A_598 = tpu.memref_squeeze %dma_start3A_597 : memref<1x128xi32, #tpu.memory_space<vmem>> -> memref<128xi32, #tpu.memory_space<vmem>>
            %dma_start3A_599 = arith.constant 0 : i32
            %dma_start3A_600 = arith.constant 0 : i32
            %dma_start3A_601 = tpu.memref_slice %arg8[%dma_start3A_599, %dma_start3A_600] : memref<16512x128xf32, #tpu.memory_space<hbm>> -> memref<16512x128xf32, #tpu.memory_space<hbm>>
            tpu.enqueue_indirect_dma source(%arg23 : memref<128x128xf32, #tpu.memory_space<vmem>>) target(%dma_start3A_601 : memref<16512x128xf32, #tpu.memory_space<hbm>>) offsets(%dma_start3A_598 : memref<128xi32, #tpu.memory_space<vmem>>) semaphore(%arg25 : memref<!tpu.dma_semaphore, #tpu.memory_space<semaphore_mem>>)
            %dma_wait3A = arith.constant 0 : i32
            %dma_wait3A_602 = arith.constant 0 : i32
            %dma_wait3A_603 = tpu.memref_slice %arg24[%dma_wait3A, %dma_wait3A_602] : memref<1x128xi32, #tpu.memory_space<vmem>> -> memref<1x128xi32, #tpu.memory_space<vmem>>
            %dma_wait3A_604 = tpu.memref_squeeze %dma_wait3A_603 : memref<1x128xi32, #tpu.memory_space<vmem>> -> memref<128xi32, #tpu.memory_space<vmem>>
            %dma_wait3A_605 = arith.constant 0 : i32
            %dma_wait3A_606 = arith.constant 0 : i32
            %dma_wait3A_607 = tpu.memref_slice %arg8[%dma_wait3A_605, %dma_wait3A_606] : memref<16512x128xf32, #tpu.memory_space<hbm>> -> memref<16512x128xf32, #tpu.memory_space<hbm>>
            tpu.wait_indirect_dma semaphore(%arg25 : memref<!tpu.dma_semaphore, #tpu.memory_space<semaphore_mem>>) src(%arg23 : memref<128x128xf32, #tpu.memory_space<vmem>>) dst(%dma_wait3A_607 : memref<16512x128xf32, #tpu.memory_space<hbm>>)
            %swap3A_608 = arith.constant 0 : i32
            %swap3A_609 = arith.index_cast %swap3A_608 : i32 to index
            %swap3A_610 = arith.constant 0 : index
            %swap3A_611 = tpu.vector_load %arg24[%swap3A_609, %swap3A_610] {strides = array<i32>} : memref<1x128xi32, #tpu.memory_space<vmem>>, vector<16xi32>,
            tpu.vector_store %arg24[%swap3A_609, %swap3A_610], %broadcast_in_dim3A_3 {strides = array<i32>} : memref<1x128xi32, #tpu.memory_space<vmem>>, vector<16xi32>,
            %swap3A_612 = arith.constant 0 : i32
            %swap3A_613 = arith.index_cast %swap3A_612 : i32 to index
            %swap3A_614 = arith.constant 16 : index
            %swap3A_615 = tpu.vector_load %arg24[%swap3A_613, %swap3A_614] {strides = array<i32>} : memref<1x128xi32, #tpu.memory_space<vmem>>, vector<16xi32>,
            tpu.vector_store %arg24[%swap3A_613, %swap3A_614], %broadcast_in_dim3A_3 {strides = array<i32>} : memref<1x128xi32, #tpu.memory_space<vmem>>, vector<16xi32>,
            %swap3A_616 = arith.constant 0 : i32
            %swap3A_617 = arith.index_cast %swap3A_616 : i32 to index
            %swap3A_618 = arith.constant 32 : index
            %swap3A_619 = tpu.vector_load %arg24[%swap3A_617, %swap3A_618] {strides = array<i32>} : memref<1x128xi32, #tpu.memory_space<vmem>>, vector<16xi32>,
            tpu.vector_store %arg24[%swap3A_617, %swap3A_618], %broadcast_in_dim3A_3 {strides = array<i32>} : memref<1x128xi32, #tpu.memory_space<vmem>>, vector<16xi32>,
            %swap3A_620 = arith.constant 0 : i32
            %swap3A_621 = arith.index_cast %swap3A_620 : i32 to index
            %swap3A_622 = arith.constant 48 : index
            %swap3A_623 = tpu.vector_load %arg24[%swap3A_621, %swap3A_622] {strides = array<i32>} : memref<1x128xi32, #tpu.memory_space<vmem>>, vector<16xi32>,
            tpu.vector_store %arg24[%swap3A_621, %swap3A_622], %broadcast_in_dim3A_3 {strides = array<i32>} : memref<1x128xi32, #tpu.memory_space<vmem>>, vector<16xi32>,
            %swap3A_624 = arith.constant 0 : i32
            %swap3A_625 = arith.index_cast %swap3A_624 : i32 to index
            %swap3A_626 = arith.constant 64 : index
            %swap3A_627 = tpu.vector_load %arg24[%swap3A_625, %swap3A_626] {strides = array<i32>} : memref<1x128xi32, #tpu.memory_space<vmem>>, vector<16xi32>,
            tpu.vector_store %arg24[%swap3A_625, %swap3A_626], %broadcast_in_dim3A_3 {strides = array<i32>} : memref<1x128xi32, #tpu.memory_space<vmem>>, vector<16xi32>,
            %swap3A_628 = arith.constant 0 : i32
            %swap3A_629 = arith.index_cast %swap3A_628 : i32 to index
            %swap3A_630 = arith.constant 80 : index
            %swap3A_631 = tpu.vector_load %arg24[%swap3A_629, %swap3A_630] {strides = array<i32>} : memref<1x128xi32, #tpu.memory_space<vmem>>, vector<16xi32>,
            tpu.vector_store %arg24[%swap3A_629, %swap3A_630], %broadcast_in_dim3A_3 {strides = array<i32>} : memref<1x128xi32, #tpu.memory_space<vmem>>, vector<16xi32>,
            %swap3A_632 = arith.constant 0 : i32
            %swap3A_633 = arith.index_cast %swap3A_632 : i32 to index
            %swap3A_634 = arith.constant 96 : index
            %swap3A_635 = tpu.vector_load %arg24[%swap3A_633, %swap3A_634] {strides = array<i32>} : memref<1x128xi32, #tpu.memory_space<vmem>>, vector<16xi32>,
            tpu.vector_store %arg24[%swap3A_633, %swap3A_634], %broadcast_in_dim3A_3 {strides = array<i32>} : memref<1x128xi32, #tpu.memory_space<vmem>>, vector<16xi32>,
            %swap3A_636 = arith.constant 0 : i32
            %swap3A_637 = arith.index_cast %swap3A_636 : i32 to index
            %swap3A_638 = arith.constant 112 : index
            %swap3A_639 = tpu.vector_load %arg24[%swap3A_637, %swap3A_638] {strides = array<i32>} : memref<1x128xi32, #tpu.memory_space<vmem>>, vector<16xi32>,
            tpu.vector_store %arg24[%swap3A_637, %swap3A_638], %broadcast_in_dim3A_3 {strides = array<i32>} : memref<1x128xi32, #tpu.memory_space<vmem>>, vector<16xi32>,
            %cond3A_640 = arith.constant 0 : i32
            scf.yield %cond3A_640 : i32
          } else {
            %cond3A_596 = arith.constant 0 : i32
            scf.yield %cond3A_596 : i32
          }
          scf.yield %add3A_586 : i32
        }
        scf.yield %while3A_533 : i32
      } else {
        scf.yield %scan3A_408 : i32
      }
      %mul3A_444 = arith.constant 3 : i32
      %mul3A_445 = arith.muli %mul3A_444, %scan3A_407 : i32
      %add3A_446 = arith.constant 1 : i32
      %add3A_447 = arith.addi %mul3A_445, %add3A_446 : i32
      %mul3A_448 = arith.constant 32 : i32
      %mul3A_449 = arith.muli %mul3A_448, %add3A_447 : i32
      %add3A_450 = arith.addi %add3A, %mul3A_449 : i32
      %lt3A_451 = arith.constant 3906 : i32
      %lt3A_452 = arith.cmpi slt, %add3A_450, %lt3A_451 : i32
      %convert_element_type3A_453 = arith.extui %lt3A_452 : i1 to i32
      %cond3A_454 = arith.constant 0 : i32
      %cond3A_455 = arith.constant 0 : i32
      %cond3A_456 = arith.cmpi ne, %convert_element_type3A_453, %cond3A_455 : i32
      %cond3A_457 = scf.if %cond3A_456 -> (i32) {
        %dma_wait3A = arith.constant 0 : i32
        %dma_wait3A_514 = arith.constant 0 : i32
        %dma_wait3A_515 = tpu.memref_slice %arg4[%dma_wait3A, %dma_wait3A_514] : memref<64x1000000xf32, #tpu.memory_space<hbm>> -> memref<64x256xf32, #tpu.memory_space<hbm>>
        %dma_wait3A_516 = arith.constant 0 : i32
        %dma_wait3A_517 = arith.constant 0 : i32
        %dma_wait3A_518 = tpu.memref_slice %arg4[%dma_wait3A_516, %dma_wait3A_517] : memref<64x1000000xf32, #tpu.memory_space<hbm>> -> memref<64x256xf32, #tpu.memory_space<hbm>>
        tpu.wait_dma2 semaphore(%arg27 : memref<!tpu.dma_semaphore, #tpu.memory_space<semaphore_mem>>) src(%dma_wait3A_518 : memref<64x256xf32, #tpu.memory_space<hbm>>) dst(%arg16 : memref<64x256xf32, #tpu.memory_space<vmem>>)
        %dma_wait3A_519 = arith.constant 0 : i32
        %dma_wait3A_520 = tpu.memref_slice %arg6[%dma_wait3A_519] : memref<1000000xf32, #tpu.memory_space<hbm>> -> memref<256xf32, #tpu.memory_space<hbm>>
        %dma_wait3A_521 = arith.constant 0 : i32
        %dma_wait3A_522 = tpu.memref_slice %arg6[%dma_wait3A_521] : memref<1000000xf32, #tpu.memory_space<hbm>> -> memref<256xf32, #tpu.memory_space<hbm>>
        tpu.wait_dma2 semaphore(%arg27 : memref<!tpu.dma_semaphore, #tpu.memory_space<semaphore_mem>>) src(%dma_wait3A_522 : memref<256xf32, #tpu.memory_space<hbm>>) dst(%arg19 : memref<256xf32, #tpu.memory_space<vmem>>)
        %cond3A_523 = arith.constant 0 : i32
        scf.yield %cond3A_523 : i32
      } else {
        %cond3A_514 = arith.constant 0 : i32
        scf.yield %cond3A_514 : i32
      }
      %add3A_458 = arith.constant 2 : i32
      %add3A_459 = arith.addi %add3A_447, %add3A_458 : i32
      %mul3A_460 = arith.constant 32 : i32
      %mul3A_461 = arith.muli %mul3A_460, %add3A_459 : i32
      %add3A_462 = arith.addi %add3A, %mul3A_461 : i32
      %lt3A_463 = arith.constant 3906 : i32
      %lt3A_464 = arith.cmpi slt, %add3A_462, %lt3A_463 : i32
      %convert_element_type3A_465 = arith.extui %lt3A_464 : i1 to i32
      %cond3A_466 = arith.constant 0 : i32
      %cond3A_467 = arith.constant 0 : i32
      %cond3A_468 = arith.cmpi ne, %convert_element_type3A_465, %cond3A_467 : i32
      %cond3A_469 = scf.if %cond3A_468 -> (i32) {
        %mul3A_514 = arith.constant 32 : i32
        %mul3A_515 = arith.muli %mul3A_514, %add3A_459 : i32
        %add3A_516 = arith.addi %add3A, %mul3A_515 : i32
        %mul3A_517 = arith.constant 256 : i32
        %mul3A_518 = arith.muli %add3A_516, %mul3A_517 : i32
        %multiple_of3A = tpu.assume_multiple %mul3A_518, 256 : i32
        %dma_start3A = arith.constant 0 : i32
        %dma_start3A_519 = tpu.memref_slice %arg4[%dma_start3A, %multiple_of3A] : memref<64x1000000xf32, #tpu.memory_space<hbm>> -> memref<64x256xf32, #tpu.memory_space<hbm>>
        %dma_start3A_520 = arith.constant 0 : i32
        %dma_start3A_521 = tpu.memref_slice %arg4[%dma_start3A_520, %multiple_of3A] : memref<64x1000000xf32, #tpu.memory_space<hbm>> -> memref<64x256xf32, #tpu.memory_space<hbm>>
        tpu.enqueue_dma source(%dma_start3A_521 : memref<64x256xf32, #tpu.memory_space<hbm>>) target(%arg15 : memref<64x256xf32, #tpu.memory_space<vmem>>) target_semaphore(%arg26 : memref<!tpu.dma_semaphore, #tpu.memory_space<semaphore_mem>>)
        %dma_start3A_522 = tpu.memref_slice %arg6[%multiple_of3A] : memref<1000000xf32, #tpu.memory_space<hbm>> -> memref<256xf32, #tpu.memory_space<hbm>>
        %dma_start3A_523 = tpu.memref_slice %arg6[%multiple_of3A] : memref<1000000xf32, #tpu.memory_space<hbm>> -> memref<256xf32, #tpu.memory_space<hbm>>
        tpu.enqueue_dma source(%dma_start3A_523 : memref<256xf32, #tpu.memory_space<hbm>>) target(%arg18 : memref<256xf32, #tpu.memory_space<vmem>>) target_semaphore(%arg26 : memref<!tpu.dma_semaphore, #tpu.memory_space<semaphore_mem>>)
        %cond3A_524 = arith.constant 0 : i32
        scf.yield %cond3A_524 : i32
      } else {
        %cond3A_514 = arith.constant 0 : i32
        scf.yield %cond3A_514 : i32
      }
      %mul3A_470 = arith.constant 32 : i32
      %mul3A_471 = arith.muli %mul3A_470, %add3A_447 : i32
      %add3A_472 = arith.addi %add3A, %mul3A_471 : i32
      %lt3A_473 = arith.constant 3906 : i32
      %lt3A_474 = arith.cmpi slt, %add3A_472, %lt3A_473 : i32
      %convert_element_type3A_475 = arith.extui %lt3A_474 : i1 to i32
      %cond3A_476 = arith.constant 0 : i32
      %cond3A_477 = arith.cmpi ne, %convert_element_type3A_475, %cond3A_476 : i32
      %cond3A_478 = scf.if %cond3A_477 -> (i32) {
        %get3A_514 = arith.index_cast %add3A_447 : i32 to index
        %get3A_515 = tpu.vector_load %arg12[%get3A_514] {strides = array<i32>} : memref<144xi32, #tpu.memory_space<vmem>>, vector<16xi32>,
        %slice3A_516 = vector.extract_strided_slice %get3A_515 {offsets = [0], sizes = [1], strides = [1]} : vector<16xi32> to vector<1xi32>
        %squeeze3A_517 = vector.extract %slice3A_516[0] : i32 from vector<1xi32>
        %get3A_518 = arith.index_cast %add3A_447 : i32 to index
        %get3A_519 = tpu.vector_load %arg11[%get3A_518] {strides = array<i32>} : memref<144xi32, #tpu.memory_space<vmem>>, vector<16xi32>,
        %slice3A_520 = vector.extract_strided_slice %get3A_519 {offsets = [0], sizes = [1], strides = [1]} : vector<16xi32> to vector<1xi32>
        %squeeze3A_521 = vector.extract %slice3A_520[0] : i32 from vector<1xi32>
        %sub3A_522 = arith.subi %squeeze3A_517, %squeeze3A_521 : i32
        %while3A_523 = arith.constant 0 : i32
        %while3A_524 = arith.subi %squeeze3A_521, %while3A_523 : i32
        %while3A_525 = arith.addi %while3A_523, %while3A_524 : i32
        %while3A_526 = arith.constant 1 : i32
        %while3A_527 = arith.divsi %while3A_524, %while3A_526 : i32
        %while3A_528 = arith.muli %while3A_527, %while3A_526 : i32
        %while3A_529 = arith.addi %while3A_523, %while3A_528 : i32
        %while3A_530 = arith.constant 1 : i32
        %while3A_531 = scf.for %while3A_534 = %while3A_523 to %while3A_529 step %while3A_530 iter_args(%while3A_535 = %cond3A_443) -> (i32)  : i32 {
          %add3A_536 = arith.addi %sub3A_522, %while3A_534 : i32
          %get3A_537 = arith.index_cast %add3A_536 : i32 to index
          %get3A_538 = tpu.vector_load %arg10[%get3A_537] {strides = array<i32>} : memref<16400xi32, #tpu.memory_space<vmem>>, vector<16xi32>,
          %slice3A_539 = vector.extract_strided_slice %get3A_538 {offsets = [0], sizes = [1], strides = [1]} : vector<16xi32> to vector<1xi32>
          %squeeze3A_540 = vector.extract %slice3A_539[0] : i32 from vector<1xi32>
          %shift_right_logical3A = arith.constant 14 : i32
          %shift_right_logical3A_541 = arith.shrui %squeeze3A_540, %shift_right_logical3A : i32
          %and3A_542 = arith.constant 255 : i32
          %and3A_543 = arith.andi %shift_right_logical3A_541, %and3A_542 : i32
          %and3A_544 = arith.constant 16383 : i32
          %and3A_545 = arith.andi %squeeze3A_540, %and3A_544 : i32
          %and3A_546 = arith.constant 127 : i32
          %and3A_547 = arith.andi %while3A_535, %and3A_546 : i32
          %broadcast_in_dim3A_548 = vector.broadcast %and3A_543 : i32 to vector<16xi32>
          %add3A_549 = arith.constant 0 : i32
          %add3A_550 = vector.broadcast %add3A_549 : i32 to vector<16xi32>
          %add3A_551 = arith.addi %iota3A, %add3A_550 : vector<16xi32>
          %gather3A = tpu.vector_load_idx %arg16[%add3A_551, %broadcast_in_dim3A_548] : memref<64x256xf32, #tpu.memory_space<vmem>>[vector<16xi32>, vector<16xi32>], vector<16xf32>,
          %swap3A_552 = arith.index_cast %and3A_547 : i32 to index
          %swap3A_553 = arith.constant 0 : index
          %swap3A_554 = tpu.vector_load %arg23[%swap3A_552, %swap3A_553] {strides = array<i32>} : memref<128x128xf32, #tpu.memory_space<vmem>>, vector<16xf32>,
          tpu.vector_store %arg23[%swap3A_552, %swap3A_553], %gather3A {strides = array<i32>} : memref<128x128xf32, #tpu.memory_space<vmem>>, vector<16xf32>,
          %add3A_555 = arith.constant 16 : i32
          %add3A_556 = vector.broadcast %add3A_555 : i32 to vector<16xi32>
          %add3A_557 = arith.addi %iota3A, %add3A_556 : vector<16xi32>
          %gather3A_558 = tpu.vector_load_idx %arg16[%add3A_557, %broadcast_in_dim3A_548] : memref<64x256xf32, #tpu.memory_space<vmem>>[vector<16xi32>, vector<16xi32>], vector<16xf32>,
          %swap3A_559 = arith.index_cast %and3A_547 : i32 to index
          %swap3A_560 = arith.constant 16 : index
          %swap3A_561 = tpu.vector_load %arg23[%swap3A_559, %swap3A_560] {strides = array<i32>} : memref<128x128xf32, #tpu.memory_space<vmem>>, vector<16xf32>,
          tpu.vector_store %arg23[%swap3A_559, %swap3A_560], %gather3A_558 {strides = array<i32>} : memref<128x128xf32, #tpu.memory_space<vmem>>, vector<16xf32>,
          %add3A_562 = arith.constant 32 : i32
          %add3A_563 = vector.broadcast %add3A_562 : i32 to vector<16xi32>
          %add3A_564 = arith.addi %iota3A, %add3A_563 : vector<16xi32>
          %gather3A_565 = tpu.vector_load_idx %arg16[%add3A_564, %broadcast_in_dim3A_548] : memref<64x256xf32, #tpu.memory_space<vmem>>[vector<16xi32>, vector<16xi32>], vector<16xf32>,
          %swap3A_566 = arith.index_cast %and3A_547 : i32 to index
          %swap3A_567 = arith.constant 32 : index
          %swap3A_568 = tpu.vector_load %arg23[%swap3A_566, %swap3A_567] {strides = array<i32>} : memref<128x128xf32, #tpu.memory_space<vmem>>, vector<16xf32>,
          tpu.vector_store %arg23[%swap3A_566, %swap3A_567], %gather3A_565 {strides = array<i32>} : memref<128x128xf32, #tpu.memory_space<vmem>>, vector<16xf32>,
          %add3A_569 = arith.constant 48 : i32
          %add3A_570 = vector.broadcast %add3A_569 : i32 to vector<16xi32>
          %add3A_571 = arith.addi %iota3A, %add3A_570 : vector<16xi32>
          %gather3A_572 = tpu.vector_load_idx %arg16[%add3A_571, %broadcast_in_dim3A_548] : memref<64x256xf32, #tpu.memory_space<vmem>>[vector<16xi32>, vector<16xi32>], vector<16xf32>,
          %swap3A_573 = arith.index_cast %and3A_547 : i32 to index
          %swap3A_574 = arith.constant 48 : index
          %swap3A_575 = tpu.vector_load %arg23[%swap3A_573, %swap3A_574] {strides = array<i32>} : memref<128x128xf32, #tpu.memory_space<vmem>>, vector<16xf32>,
          tpu.vector_store %arg23[%swap3A_573, %swap3A_574], %gather3A_572 {strides = array<i32>} : memref<128x128xf32, #tpu.memory_space<vmem>>, vector<16xf32>,
          %gather3A_576 = tpu.vector_load_idx %arg19[%broadcast_in_dim3A_548] : memref<256xf32, #tpu.memory_space<vmem>>[vector<16xi32>], vector<16xf32>,
          %swap3A_577 = arith.index_cast %and3A_547 : i32 to index
          %swap3A_578 = arith.constant 64 : index
          %swap3A_579 = tpu.vector_load %arg23[%swap3A_577, %swap3A_578] {strides = array<i32>} : memref<128x128xf32, #tpu.memory_space<vmem>>, vector<16xf32>,
          tpu.vector_store %arg23[%swap3A_577, %swap3A_578], %gather3A_576 {strides = array<i32>} : memref<128x128xf32, #tpu.memory_space<vmem>>, vector<16xf32>,
          %broadcast_in_dim3A_580 = vector.broadcast %and3A_547 : i32 to vector<16xi32>
          %broadcast_in_dim3A_581 = vector.broadcast %and3A_545 : i32 to vector<16xi32>
          %scatter3A = arith.constant 0 : i32
          %scatter3A_582 = arith.constant 0 : i32
          %scatter3A_583 = tpu.memref_slice %arg24[%scatter3A, %scatter3A_582] : memref<1x128xi32, #tpu.memory_space<vmem>> -> memref<1x128xi32, #tpu.memory_space<vmem>>
          %scatter3A_584 = tpu.memref_squeeze %scatter3A_583 : memref<1x128xi32, #tpu.memory_space<vmem>> -> memref<128xi32, #tpu.memory_space<vmem>>
          tpu.vector_store_idx %scatter3A_584[%broadcast_in_dim3A_580], %broadcast_in_dim3A_581 masked %eq3A_2 : memref<128xi32, #tpu.memory_space<vmem>>[vector<16xi32>], vector<16xi32>, vector<16xi1>
          %add3A_585 = arith.constant 1 : i32
          %add3A_586 = arith.addi %while3A_535, %add3A_585 : i32
          %and3A_587 = arith.constant 127 : i32
          %and3A_588 = arith.andi %add3A_586, %and3A_587 : i32
          %eq3A_589 = arith.constant 0 : i32
          %eq3A_590 = arith.cmpi eq, %and3A_588, %eq3A_589 : i32
          %convert_element_type3A_591 = arith.extui %eq3A_590 : i1 to i32
          %cond3A_592 = arith.constant 0 : i32
          %cond3A_593 = arith.constant 0 : i32
          %cond3A_594 = arith.cmpi ne, %convert_element_type3A_591, %cond3A_593 : i32
          %cond3A_595 = scf.if %cond3A_594 -> (i32) {
            %dma_start3A = arith.constant 0 : i32
            %dma_start3A_596 = arith.constant 0 : i32
            %dma_start3A_597 = tpu.memref_slice %arg24[%dma_start3A, %dma_start3A_596] : memref<1x128xi32, #tpu.memory_space<vmem>> -> memref<1x128xi32, #tpu.memory_space<vmem>>
            %dma_start3A_598 = tpu.memref_squeeze %dma_start3A_597 : memref<1x128xi32, #tpu.memory_space<vmem>> -> memref<128xi32, #tpu.memory_space<vmem>>
            %dma_start3A_599 = arith.constant 0 : i32
            %dma_start3A_600 = arith.constant 0 : i32
            %dma_start3A_601 = tpu.memref_slice %arg8[%dma_start3A_599, %dma_start3A_600] : memref<16512x128xf32, #tpu.memory_space<hbm>> -> memref<16512x128xf32, #tpu.memory_space<hbm>>
            tpu.enqueue_indirect_dma source(%arg23 : memref<128x128xf32, #tpu.memory_space<vmem>>) target(%dma_start3A_601 : memref<16512x128xf32, #tpu.memory_space<hbm>>) offsets(%dma_start3A_598 : memref<128xi32, #tpu.memory_space<vmem>>) semaphore(%arg25 : memref<!tpu.dma_semaphore, #tpu.memory_space<semaphore_mem>>)
            %dma_wait3A = arith.constant 0 : i32
            %dma_wait3A_602 = arith.constant 0 : i32
            %dma_wait3A_603 = tpu.memref_slice %arg24[%dma_wait3A, %dma_wait3A_602] : memref<1x128xi32, #tpu.memory_space<vmem>> -> memref<1x128xi32, #tpu.memory_space<vmem>>
            %dma_wait3A_604 = tpu.memref_squeeze %dma_wait3A_603 : memref<1x128xi32, #tpu.memory_space<vmem>> -> memref<128xi32, #tpu.memory_space<vmem>>
            %dma_wait3A_605 = arith.constant 0 : i32
            %dma_wait3A_606 = arith.constant 0 : i32
            %dma_wait3A_607 = tpu.memref_slice %arg8[%dma_wait3A_605, %dma_wait3A_606] : memref<16512x128xf32, #tpu.memory_space<hbm>> -> memref<16512x128xf32, #tpu.memory_space<hbm>>
            tpu.wait_indirect_dma semaphore(%arg25 : memref<!tpu.dma_semaphore, #tpu.memory_space<semaphore_mem>>) src(%arg23 : memref<128x128xf32, #tpu.memory_space<vmem>>) dst(%dma_wait3A_607 : memref<16512x128xf32, #tpu.memory_space<hbm>>)
            %swap3A_608 = arith.constant 0 : i32
            %swap3A_609 = arith.index_cast %swap3A_608 : i32 to index
            %swap3A_610 = arith.constant 0 : index
            %swap3A_611 = tpu.vector_load %arg24[%swap3A_609, %swap3A_610] {strides = array<i32>} : memref<1x128xi32, #tpu.memory_space<vmem>>, vector<16xi32>,
            tpu.vector_store %arg24[%swap3A_609, %swap3A_610], %broadcast_in_dim3A_3 {strides = array<i32>} : memref<1x128xi32, #tpu.memory_space<vmem>>, vector<16xi32>,
            %swap3A_612 = arith.constant 0 : i32
            %swap3A_613 = arith.index_cast %swap3A_612 : i32 to index
            %swap3A_614 = arith.constant 16 : index
            %swap3A_615 = tpu.vector_load %arg24[%swap3A_613, %swap3A_614] {strides = array<i32>} : memref<1x128xi32, #tpu.memory_space<vmem>>, vector<16xi32>,
            tpu.vector_store %arg24[%swap3A_613, %swap3A_614], %broadcast_in_dim3A_3 {strides = array<i32>} : memref<1x128xi32, #tpu.memory_space<vmem>>, vector<16xi32>,
            %swap3A_616 = arith.constant 0 : i32
            %swap3A_617 = arith.index_cast %swap3A_616 : i32 to index
            %swap3A_618 = arith.constant 32 : index
            %swap3A_619 = tpu.vector_load %arg24[%swap3A_617, %swap3A_618] {strides = array<i32>} : memref<1x128xi32, #tpu.memory_space<vmem>>, vector<16xi32>,
            tpu.vector_store %arg24[%swap3A_617, %swap3A_618], %broadcast_in_dim3A_3 {strides = array<i32>} : memref<1x128xi32, #tpu.memory_space<vmem>>, vector<16xi32>,
            %swap3A_620 = arith.constant 0 : i32
            %swap3A_621 = arith.index_cast %swap3A_620 : i32 to index
            %swap3A_622 = arith.constant 48 : index
            %swap3A_623 = tpu.vector_load %arg24[%swap3A_621, %swap3A_622] {strides = array<i32>} : memref<1x128xi32, #tpu.memory_space<vmem>>, vector<16xi32>,
            tpu.vector_store %arg24[%swap3A_621, %swap3A_622], %broadcast_in_dim3A_3 {strides = array<i32>} : memref<1x128xi32, #tpu.memory_space<vmem>>, vector<16xi32>,
            %swap3A_624 = arith.constant 0 : i32
            %swap3A_625 = arith.index_cast %swap3A_624 : i32 to index
            %swap3A_626 = arith.constant 64 : index
            %swap3A_627 = tpu.vector_load %arg24[%swap3A_625, %swap3A_626] {strides = array<i32>} : memref<1x128xi32, #tpu.memory_space<vmem>>, vector<16xi32>,
            tpu.vector_store %arg24[%swap3A_625, %swap3A_626], %broadcast_in_dim3A_3 {strides = array<i32>} : memref<1x128xi32, #tpu.memory_space<vmem>>, vector<16xi32>,
            %swap3A_628 = arith.constant 0 : i32
            %swap3A_629 = arith.index_cast %swap3A_628 : i32 to index
            %swap3A_630 = arith.constant 80 : index
            %swap3A_631 = tpu.vector_load %arg24[%swap3A_629, %swap3A_630] {strides = array<i32>} : memref<1x128xi32, #tpu.memory_space<vmem>>, vector<16xi32>,
            tpu.vector_store %arg24[%swap3A_629, %swap3A_630], %broadcast_in_dim3A_3 {strides = array<i32>} : memref<1x128xi32, #tpu.memory_space<vmem>>, vector<16xi32>,
            %swap3A_632 = arith.constant 0 : i32
            %swap3A_633 = arith.index_cast %swap3A_632 : i32 to index
            %swap3A_634 = arith.constant 96 : index
            %swap3A_635 = tpu.vector_load %arg24[%swap3A_633, %swap3A_634] {strides = array<i32>} : memref<1x128xi32, #tpu.memory_space<vmem>>, vector<16xi32>,
            tpu.vector_store %arg24[%swap3A_633, %swap3A_634], %broadcast_in_dim3A_3 {strides = array<i32>} : memref<1x128xi32, #tpu.memory_space<vmem>>, vector<16xi32>,
            %swap3A_636 = arith.constant 0 : i32
            %swap3A_637 = arith.index_cast %swap3A_636 : i32 to index
            %swap3A_638 = arith.constant 112 : index
            %swap3A_639 = tpu.vector_load %arg24[%swap3A_637, %swap3A_638] {strides = array<i32>} : memref<1x128xi32, #tpu.memory_space<vmem>>, vector<16xi32>,
            tpu.vector_store %arg24[%swap3A_637, %swap3A_638], %broadcast_in_dim3A_3 {strides = array<i32>} : memref<1x128xi32, #tpu.memory_space<vmem>>, vector<16xi32>,
            %cond3A_640 = arith.constant 0 : i32
            scf.yield %cond3A_640 : i32
          } else {
            %cond3A_596 = arith.constant 0 : i32
            scf.yield %cond3A_596 : i32
          }
          scf.yield %add3A_586 : i32
        }
        %while3A_532 = arith.constant 1 : i32
        %while3A_533 = scf.for %while3A_534 = %while3A_529 to %while3A_525 step %while3A_532 iter_args(%while3A_535 = %while3A_531) -> (i32)  : i32 {
          %add3A_536 = arith.addi %sub3A_522, %while3A_534 : i32
          %get3A_537 = arith.index_cast %add3A_536 : i32 to index
          %get3A_538 = tpu.vector_load %arg10[%get3A_537] {strides = array<i32>} : memref<16400xi32, #tpu.memory_space<vmem>>, vector<16xi32>,
          %slice3A_539 = vector.extract_strided_slice %get3A_538 {offsets = [0], sizes = [1], strides = [1]} : vector<16xi32> to vector<1xi32>
          %squeeze3A_540 = vector.extract %slice3A_539[0] : i32 from vector<1xi32>
          %shift_right_logical3A = arith.constant 14 : i32
          %shift_right_logical3A_541 = arith.shrui %squeeze3A_540, %shift_right_logical3A : i32
          %and3A_542 = arith.constant 255 : i32
          %and3A_543 = arith.andi %shift_right_logical3A_541, %and3A_542 : i32
          %and3A_544 = arith.constant 16383 : i32
          %and3A_545 = arith.andi %squeeze3A_540, %and3A_544 : i32
          %and3A_546 = arith.constant 127 : i32
          %and3A_547 = arith.andi %while3A_535, %and3A_546 : i32
          %broadcast_in_dim3A_548 = vector.broadcast %and3A_543 : i32 to vector<16xi32>
          %add3A_549 = arith.constant 0 : i32
          %add3A_550 = vector.broadcast %add3A_549 : i32 to vector<16xi32>
          %add3A_551 = arith.addi %iota3A, %add3A_550 : vector<16xi32>
          %gather3A = tpu.vector_load_idx %arg16[%add3A_551, %broadcast_in_dim3A_548] : memref<64x256xf32, #tpu.memory_space<vmem>>[vector<16xi32>, vector<16xi32>], vector<16xf32>,
          %swap3A_552 = arith.index_cast %and3A_547 : i32 to index
          %swap3A_553 = arith.constant 0 : index
          %swap3A_554 = tpu.vector_load %arg23[%swap3A_552, %swap3A_553] {strides = array<i32>} : memref<128x128xf32, #tpu.memory_space<vmem>>, vector<16xf32>,
          tpu.vector_store %arg23[%swap3A_552, %swap3A_553], %gather3A {strides = array<i32>} : memref<128x128xf32, #tpu.memory_space<vmem>>, vector<16xf32>,
          %add3A_555 = arith.constant 16 : i32
          %add3A_556 = vector.broadcast %add3A_555 : i32 to vector<16xi32>
          %add3A_557 = arith.addi %iota3A, %add3A_556 : vector<16xi32>
          %gather3A_558 = tpu.vector_load_idx %arg16[%add3A_557, %broadcast_in_dim3A_548] : memref<64x256xf32, #tpu.memory_space<vmem>>[vector<16xi32>, vector<16xi32>], vector<16xf32>,
          %swap3A_559 = arith.index_cast %and3A_547 : i32 to index
          %swap3A_560 = arith.constant 16 : index
          %swap3A_561 = tpu.vector_load %arg23[%swap3A_559, %swap3A_560] {strides = array<i32>} : memref<128x128xf32, #tpu.memory_space<vmem>>, vector<16xf32>,
          tpu.vector_store %arg23[%swap3A_559, %swap3A_560], %gather3A_558 {strides = array<i32>} : memref<128x128xf32, #tpu.memory_space<vmem>>, vector<16xf32>,
          %add3A_562 = arith.constant 32 : i32
          %add3A_563 = vector.broadcast %add3A_562 : i32 to vector<16xi32>
          %add3A_564 = arith.addi %iota3A, %add3A_563 : vector<16xi32>
          %gather3A_565 = tpu.vector_load_idx %arg16[%add3A_564, %broadcast_in_dim3A_548] : memref<64x256xf32, #tpu.memory_space<vmem>>[vector<16xi32>, vector<16xi32>], vector<16xf32>,
          %swap3A_566 = arith.index_cast %and3A_547 : i32 to index
          %swap3A_567 = arith.constant 32 : index
          %swap3A_568 = tpu.vector_load %arg23[%swap3A_566, %swap3A_567] {strides = array<i32>} : memref<128x128xf32, #tpu.memory_space<vmem>>, vector<16xf32>,
          tpu.vector_store %arg23[%swap3A_566, %swap3A_567], %gather3A_565 {strides = array<i32>} : memref<128x128xf32, #tpu.memory_space<vmem>>, vector<16xf32>,
          %add3A_569 = arith.constant 48 : i32
          %add3A_570 = vector.broadcast %add3A_569 : i32 to vector<16xi32>
          %add3A_571 = arith.addi %iota3A, %add3A_570 : vector<16xi32>
          %gather3A_572 = tpu.vector_load_idx %arg16[%add3A_571, %broadcast_in_dim3A_548] : memref<64x256xf32, #tpu.memory_space<vmem>>[vector<16xi32>, vector<16xi32>], vector<16xf32>,
          %swap3A_573 = arith.index_cast %and3A_547 : i32 to index
          %swap3A_574 = arith.constant 48 : index
          %swap3A_575 = tpu.vector_load %arg23[%swap3A_573, %swap3A_574] {strides = array<i32>} : memref<128x128xf32, #tpu.memory_space<vmem>>, vector<16xf32>,
          tpu.vector_store %arg23[%swap3A_573, %swap3A_574], %gather3A_572 {strides = array<i32>} : memref<128x128xf32, #tpu.memory_space<vmem>>, vector<16xf32>,
          %gather3A_576 = tpu.vector_load_idx %arg19[%broadcast_in_dim3A_548] : memref<256xf32, #tpu.memory_space<vmem>>[vector<16xi32>], vector<16xf32>,
          %swap3A_577 = arith.index_cast %and3A_547 : i32 to index
          %swap3A_578 = arith.constant 64 : index
          %swap3A_579 = tpu.vector_load %arg23[%swap3A_577, %swap3A_578] {strides = array<i32>} : memref<128x128xf32, #tpu.memory_space<vmem>>, vector<16xf32>,
          tpu.vector_store %arg23[%swap3A_577, %swap3A_578], %gather3A_576 {strides = array<i32>} : memref<128x128xf32, #tpu.memory_space<vmem>>, vector<16xf32>,
          %broadcast_in_dim3A_580 = vector.broadcast %and3A_547 : i32 to vector<16xi32>
          %broadcast_in_dim3A_581 = vector.broadcast %and3A_545 : i32 to vector<16xi32>
          %scatter3A = arith.constant 0 : i32
          %scatter3A_582 = arith.constant 0 : i32
          %scatter3A_583 = tpu.memref_slice %arg24[%scatter3A, %scatter3A_582] : memref<1x128xi32, #tpu.memory_space<vmem>> -> memref<1x128xi32, #tpu.memory_space<vmem>>
          %scatter3A_584 = tpu.memref_squeeze %scatter3A_583 : memref<1x128xi32, #tpu.memory_space<vmem>> -> memref<128xi32, #tpu.memory_space<vmem>>
          tpu.vector_store_idx %scatter3A_584[%broadcast_in_dim3A_580], %broadcast_in_dim3A_581 masked %eq3A_2 : memref<128xi32, #tpu.memory_space<vmem>>[vector<16xi32>], vector<16xi32>, vector<16xi1>
          %add3A_585 = arith.constant 1 : i32
          %add3A_586 = arith.addi %while3A_535, %add3A_585 : i32
          %and3A_587 = arith.constant 127 : i32
          %and3A_588 = arith.andi %add3A_586, %and3A_587 : i32
          %eq3A_589 = arith.constant 0 : i32
          %eq3A_590 = arith.cmpi eq, %and3A_588, %eq3A_589 : i32
          %convert_element_type3A_591 = arith.extui %eq3A_590 : i1 to i32
          %cond3A_592 = arith.constant 0 : i32
          %cond3A_593 = arith.constant 0 : i32
          %cond3A_594 = arith.cmpi ne, %convert_element_type3A_591, %cond3A_593 : i32
          %cond3A_595 = scf.if %cond3A_594 -> (i32) {
            %dma_start3A = arith.constant 0 : i32
            %dma_start3A_596 = arith.constant 0 : i32
            %dma_start3A_597 = tpu.memref_slice %arg24[%dma_start3A, %dma_start3A_596] : memref<1x128xi32, #tpu.memory_space<vmem>> -> memref<1x128xi32, #tpu.memory_space<vmem>>
            %dma_start3A_598 = tpu.memref_squeeze %dma_start3A_597 : memref<1x128xi32, #tpu.memory_space<vmem>> -> memref<128xi32, #tpu.memory_space<vmem>>
            %dma_start3A_599 = arith.constant 0 : i32
            %dma_start3A_600 = arith.constant 0 : i32
            %dma_start3A_601 = tpu.memref_slice %arg8[%dma_start3A_599, %dma_start3A_600] : memref<16512x128xf32, #tpu.memory_space<hbm>> -> memref<16512x128xf32, #tpu.memory_space<hbm>>
            tpu.enqueue_indirect_dma source(%arg23 : memref<128x128xf32, #tpu.memory_space<vmem>>) target(%dma_start3A_601 : memref<16512x128xf32, #tpu.memory_space<hbm>>) offsets(%dma_start3A_598 : memref<128xi32, #tpu.memory_space<vmem>>) semaphore(%arg25 : memref<!tpu.dma_semaphore, #tpu.memory_space<semaphore_mem>>)
            %dma_wait3A = arith.constant 0 : i32
            %dma_wait3A_602 = arith.constant 0 : i32
            %dma_wait3A_603 = tpu.memref_slice %arg24[%dma_wait3A, %dma_wait3A_602] : memref<1x128xi32, #tpu.memory_space<vmem>> -> memref<1x128xi32, #tpu.memory_space<vmem>>
            %dma_wait3A_604 = tpu.memref_squeeze %dma_wait3A_603 : memref<1x128xi32, #tpu.memory_space<vmem>> -> memref<128xi32, #tpu.memory_space<vmem>>
            %dma_wait3A_605 = arith.constant 0 : i32
            %dma_wait3A_606 = arith.constant 0 : i32
            %dma_wait3A_607 = tpu.memref_slice %arg8[%dma_wait3A_605, %dma_wait3A_606] : memref<16512x128xf32, #tpu.memory_space<hbm>> -> memref<16512x128xf32, #tpu.memory_space<hbm>>
            tpu.wait_indirect_dma semaphore(%arg25 : memref<!tpu.dma_semaphore, #tpu.memory_space<semaphore_mem>>) src(%arg23 : memref<128x128xf32, #tpu.memory_space<vmem>>) dst(%dma_wait3A_607 : memref<16512x128xf32, #tpu.memory_space<hbm>>)
            %swap3A_608 = arith.constant 0 : i32
            %swap3A_609 = arith.index_cast %swap3A_608 : i32 to index
            %swap3A_610 = arith.constant 0 : index
            %swap3A_611 = tpu.vector_load %arg24[%swap3A_609, %swap3A_610] {strides = array<i32>} : memref<1x128xi32, #tpu.memory_space<vmem>>, vector<16xi32>,
            tpu.vector_store %arg24[%swap3A_609, %swap3A_610], %broadcast_in_dim3A_3 {strides = array<i32>} : memref<1x128xi32, #tpu.memory_space<vmem>>, vector<16xi32>,
            %swap3A_612 = arith.constant 0 : i32
            %swap3A_613 = arith.index_cast %swap3A_612 : i32 to index
            %swap3A_614 = arith.constant 16 : index
            %swap3A_615 = tpu.vector_load %arg24[%swap3A_613, %swap3A_614] {strides = array<i32>} : memref<1x128xi32, #tpu.memory_space<vmem>>, vector<16xi32>,
            tpu.vector_store %arg24[%swap3A_613, %swap3A_614], %broadcast_in_dim3A_3 {strides = array<i32>} : memref<1x128xi32, #tpu.memory_space<vmem>>, vector<16xi32>,
            %swap3A_616 = arith.constant 0 : i32
            %swap3A_617 = arith.index_cast %swap3A_616 : i32 to index
            %swap3A_618 = arith.constant 32 : index
            %swap3A_619 = tpu.vector_load %arg24[%swap3A_617, %swap3A_618] {strides = array<i32>} : memref<1x128xi32, #tpu.memory_space<vmem>>, vector<16xi32>,
            tpu.vector_store %arg24[%swap3A_617, %swap3A_618], %broadcast_in_dim3A_3 {strides = array<i32>} : memref<1x128xi32, #tpu.memory_space<vmem>>, vector<16xi32>,
            %swap3A_620 = arith.constant 0 : i32
            %swap3A_621 = arith.index_cast %swap3A_620 : i32 to index
            %swap3A_622 = arith.constant 48 : index
            %swap3A_623 = tpu.vector_load %arg24[%swap3A_621, %swap3A_622] {strides = array<i32>} : memref<1x128xi32, #tpu.memory_space<vmem>>, vector<16xi32>,
            tpu.vector_store %arg24[%swap3A_621, %swap3A_622], %broadcast_in_dim3A_3 {strides = array<i32>} : memref<1x128xi32, #tpu.memory_space<vmem>>, vector<16xi32>,
            %swap3A_624 = arith.constant 0 : i32
            %swap3A_625 = arith.index_cast %swap3A_624 : i32 to index
            %swap3A_626 = arith.constant 64 : index
            %swap3A_627 = tpu.vector_load %arg24[%swap3A_625, %swap3A_626] {strides = array<i32>} : memref<1x128xi32, #tpu.memory_space<vmem>>, vector<16xi32>,
            tpu.vector_store %arg24[%swap3A_625, %swap3A_626], %broadcast_in_dim3A_3 {strides = array<i32>} : memref<1x128xi32, #tpu.memory_space<vmem>>, vector<16xi32>,
            %swap3A_628 = arith.constant 0 : i32
            %swap3A_629 = arith.index_cast %swap3A_628 : i32 to index
            %swap3A_630 = arith.constant 80 : index
            %swap3A_631 = tpu.vector_load %arg24[%swap3A_629, %swap3A_630] {strides = array<i32>} : memref<1x128xi32, #tpu.memory_space<vmem>>, vector<16xi32>,
            tpu.vector_store %arg24[%swap3A_629, %swap3A_630], %broadcast_in_dim3A_3 {strides = array<i32>} : memref<1x128xi32, #tpu.memory_space<vmem>>, vector<16xi32>,
            %swap3A_632 = arith.constant 0 : i32
            %swap3A_633 = arith.index_cast %swap3A_632 : i32 to index
            %swap3A_634 = arith.constant 96 : index
            %swap3A_635 = tpu.vector_load %arg24[%swap3A_633, %swap3A_634] {strides = array<i32>} : memref<1x128xi32, #tpu.memory_space<vmem>>, vector<16xi32>,
            tpu.vector_store %arg24[%swap3A_633, %swap3A_634], %broadcast_in_dim3A_3 {strides = array<i32>} : memref<1x128xi32, #tpu.memory_space<vmem>>, vector<16xi32>,
            %swap3A_636 = arith.constant 0 : i32
            %swap3A_637 = arith.index_cast %swap3A_636 : i32 to index
            %swap3A_638 = arith.constant 112 : index
            %swap3A_639 = tpu.vector_load %arg24[%swap3A_637, %swap3A_638] {strides = array<i32>} : memref<1x128xi32, #tpu.memory_space<vmem>>, vector<16xi32>,
            tpu.vector_store %arg24[%swap3A_637, %swap3A_638], %broadcast_in_dim3A_3 {strides = array<i32>} : memref<1x128xi32, #tpu.memory_space<vmem>>, vector<16xi32>,
            %cond3A_640 = arith.constant 0 : i32
            scf.yield %cond3A_640 : i32
          } else {
            %cond3A_596 = arith.constant 0 : i32
            scf.yield %cond3A_596 : i32
          }
          scf.yield %add3A_586 : i32
        }
        scf.yield %while3A_533 : i32
      } else {
        scf.yield %cond3A_443 : i32
      }
      %mul3A_479 = arith.constant 3 : i32
      %mul3A_480 = arith.muli %mul3A_479, %scan3A_407 : i32
      %add3A_481 = arith.constant 2 : i32
      %add3A_482 = arith.addi %mul3A_480, %add3A_481 : i32
      %mul3A_483 = arith.constant 32 : i32
      %mul3A_484 = arith.muli %mul3A_483, %add3A_482 : i32
      %add3A_485 = arith.addi %add3A, %mul3A_484 : i32
      %lt3A_486 = arith.constant 3906 : i32
      %lt3A_487 = arith.cmpi slt, %add3A_485, %lt3A_486 : i32
      %convert_element_type3A_488 = arith.extui %lt3A_487 : i1 to i32
      %cond3A_489 = arith.constant 0 : i32
      %cond3A_490 = arith.constant 0 : i32
      %cond3A_491 = arith.cmpi ne, %convert_element_type3A_488, %cond3A_490 : i32
      %cond3A_492 = scf.if %cond3A_491 -> (i32) {
        %dma_wait3A = arith.constant 0 : i32
        %dma_wait3A_514 = arith.constant 0 : i32
        %dma_wait3A_515 = tpu.memref_slice %arg4[%dma_wait3A, %dma_wait3A_514] : memref<64x1000000xf32, #tpu.memory_space<hbm>> -> memref<64x256xf32, #tpu.memory_space<hbm>>
        %dma_wait3A_516 = arith.constant 0 : i32
        %dma_wait3A_517 = arith.constant 0 : i32
        %dma_wait3A_518 = tpu.memref_slice %arg4[%dma_wait3A_516, %dma_wait3A_517] : memref<64x1000000xf32, #tpu.memory_space<hbm>> -> memref<64x256xf32, #tpu.memory_space<hbm>>
        tpu.wait_dma2 semaphore(%arg28 : memref<!tpu.dma_semaphore, #tpu.memory_space<semaphore_mem>>) src(%dma_wait3A_518 : memref<64x256xf32, #tpu.memory_space<hbm>>) dst(%arg17 : memref<64x256xf32, #tpu.memory_space<vmem>>)
        %dma_wait3A_519 = arith.constant 0 : i32
        %dma_wait3A_520 = tpu.memref_slice %arg6[%dma_wait3A_519] : memref<1000000xf32, #tpu.memory_space<hbm>> -> memref<256xf32, #tpu.memory_space<hbm>>
        %dma_wait3A_521 = arith.constant 0 : i32
        %dma_wait3A_522 = tpu.memref_slice %arg6[%dma_wait3A_521] : memref<1000000xf32, #tpu.memory_space<hbm>> -> memref<256xf32, #tpu.memory_space<hbm>>
        tpu.wait_dma2 semaphore(%arg28 : memref<!tpu.dma_semaphore, #tpu.memory_space<semaphore_mem>>) src(%dma_wait3A_522 : memref<256xf32, #tpu.memory_space<hbm>>) dst(%arg20 : memref<256xf32, #tpu.memory_space<vmem>>)
        %cond3A_523 = arith.constant 0 : i32
        scf.yield %cond3A_523 : i32
      } else {
        %cond3A_514 = arith.constant 0 : i32
        scf.yield %cond3A_514 : i32
      }
      %add3A_493 = arith.constant 2 : i32
      %add3A_494 = arith.addi %add3A_482, %add3A_493 : i32
      %mul3A_495 = arith.constant 32 : i32
      %mul3A_496 = arith.muli %mul3A_495, %add3A_494 : i32
      %add3A_497 = arith.addi %add3A, %mul3A_496 : i32
      %lt3A_498 = arith.constant 3906 : i32
      %lt3A_499 = arith.cmpi slt, %add3A_497, %lt3A_498 : i32
      %convert_element_type3A_500 = arith.extui %lt3A_499 : i1 to i32
      %cond3A_501 = arith.constant 0 : i32
      %cond3A_502 = arith.constant 0 : i32
      %cond3A_503 = arith.cmpi ne, %convert_element_type3A_500, %cond3A_502 : i32
      %cond3A_504 = scf.if %cond3A_503 -> (i32) {
        %mul3A_514 = arith.constant 32 : i32
        %mul3A_515 = arith.muli %mul3A_514, %add3A_494 : i32
        %add3A_516 = arith.addi %add3A, %mul3A_515 : i32
        %mul3A_517 = arith.constant 256 : i32
        %mul3A_518 = arith.muli %add3A_516, %mul3A_517 : i32
        %multiple_of3A = tpu.assume_multiple %mul3A_518, 256 : i32
        %dma_start3A = arith.constant 0 : i32
        %dma_start3A_519 = tpu.memref_slice %arg4[%dma_start3A, %multiple_of3A] : memref<64x1000000xf32, #tpu.memory_space<hbm>> -> memref<64x256xf32, #tpu.memory_space<hbm>>
        %dma_start3A_520 = arith.constant 0 : i32
        %dma_start3A_521 = tpu.memref_slice %arg4[%dma_start3A_520, %multiple_of3A] : memref<64x1000000xf32, #tpu.memory_space<hbm>> -> memref<64x256xf32, #tpu.memory_space<hbm>>
        tpu.enqueue_dma source(%dma_start3A_521 : memref<64x256xf32, #tpu.memory_space<hbm>>) target(%arg16 : memref<64x256xf32, #tpu.memory_space<vmem>>) target_semaphore(%arg27 : memref<!tpu.dma_semaphore, #tpu.memory_space<semaphore_mem>>)
        %dma_start3A_522 = tpu.memref_slice %arg6[%multiple_of3A] : memref<1000000xf32, #tpu.memory_space<hbm>> -> memref<256xf32, #tpu.memory_space<hbm>>
        %dma_start3A_523 = tpu.memref_slice %arg6[%multiple_of3A] : memref<1000000xf32, #tpu.memory_space<hbm>> -> memref<256xf32, #tpu.memory_space<hbm>>
        tpu.enqueue_dma source(%dma_start3A_523 : memref<256xf32, #tpu.memory_space<hbm>>) target(%arg19 : memref<256xf32, #tpu.memory_space<vmem>>) target_semaphore(%arg27 : memref<!tpu.dma_semaphore, #tpu.memory_space<semaphore_mem>>)
        %cond3A_524 = arith.constant 0 : i32
        scf.yield %cond3A_524 : i32
      } else {
        %cond3A_514 = arith.constant 0 : i32
        scf.yield %cond3A_514 : i32
      }
      %mul3A_505 = arith.constant 32 : i32
      %mul3A_506 = arith.muli %mul3A_505, %add3A_482 : i32
      %add3A_507 = arith.addi %add3A, %mul3A_506 : i32
      %lt3A_508 = arith.constant 3906 : i32
      %lt3A_509 = arith.cmpi slt, %add3A_507, %lt3A_508 : i32
      %convert_element_type3A_510 = arith.extui %lt3A_509 : i1 to i32
      %cond3A_511 = arith.constant 0 : i32
      %cond3A_512 = arith.cmpi ne, %convert_element_type3A_510, %cond3A_511 : i32
      %cond3A_513 = scf.if %cond3A_512 -> (i32) {
        %get3A_514 = arith.index_cast %add3A_482 : i32 to index
        %get3A_515 = tpu.vector_load %arg12[%get3A_514] {strides = array<i32>} : memref<144xi32, #tpu.memory_space<vmem>>, vector<16xi32>,
        %slice3A_516 = vector.extract_strided_slice %get3A_515 {offsets = [0], sizes = [1], strides = [1]} : vector<16xi32> to vector<1xi32>
        %squeeze3A_517 = vector.extract %slice3A_516[0] : i32 from vector<1xi32>
        %get3A_518 = arith.index_cast %add3A_482 : i32 to index
        %get3A_519 = tpu.vector_load %arg11[%get3A_518] {strides = array<i32>} : memref<144xi32, #tpu.memory_space<vmem>>, vector<16xi32>,
        %slice3A_520 = vector.extract_strided_slice %get3A_519 {offsets = [0], sizes = [1], strides = [1]} : vector<16xi32> to vector<1xi32>
        %squeeze3A_521 = vector.extract %slice3A_520[0] : i32 from vector<1xi32>
        %sub3A_522 = arith.subi %squeeze3A_517, %squeeze3A_521 : i32
        %while3A_523 = arith.constant 0 : i32
        %while3A_524 = arith.subi %squeeze3A_521, %while3A_523 : i32
        %while3A_525 = arith.addi %while3A_523, %while3A_524 : i32
        %while3A_526 = arith.constant 1 : i32
        %while3A_527 = arith.divsi %while3A_524, %while3A_526 : i32
        %while3A_528 = arith.muli %while3A_527, %while3A_526 : i32
        %while3A_529 = arith.addi %while3A_523, %while3A_528 : i32
        %while3A_530 = arith.constant 1 : i32
        %while3A_531 = scf.for %while3A_534 = %while3A_523 to %while3A_529 step %while3A_530 iter_args(%while3A_535 = %cond3A_478) -> (i32)  : i32 {
          %add3A_536 = arith.addi %sub3A_522, %while3A_534 : i32
          %get3A_537 = arith.index_cast %add3A_536 : i32 to index
          %get3A_538 = tpu.vector_load %arg10[%get3A_537] {strides = array<i32>} : memref<16400xi32, #tpu.memory_space<vmem>>, vector<16xi32>,
          %slice3A_539 = vector.extract_strided_slice %get3A_538 {offsets = [0], sizes = [1], strides = [1]} : vector<16xi32> to vector<1xi32>
          %squeeze3A_540 = vector.extract %slice3A_539[0] : i32 from vector<1xi32>
          %shift_right_logical3A = arith.constant 14 : i32
          %shift_right_logical3A_541 = arith.shrui %squeeze3A_540, %shift_right_logical3A : i32
          %and3A_542 = arith.constant 255 : i32
          %and3A_543 = arith.andi %shift_right_logical3A_541, %and3A_542 : i32
          %and3A_544 = arith.constant 16383 : i32
          %and3A_545 = arith.andi %squeeze3A_540, %and3A_544 : i32
          %and3A_546 = arith.constant 127 : i32
          %and3A_547 = arith.andi %while3A_535, %and3A_546 : i32
          %broadcast_in_dim3A_548 = vector.broadcast %and3A_543 : i32 to vector<16xi32>
          %add3A_549 = arith.constant 0 : i32
          %add3A_550 = vector.broadcast %add3A_549 : i32 to vector<16xi32>
          %add3A_551 = arith.addi %iota3A, %add3A_550 : vector<16xi32>
          %gather3A = tpu.vector_load_idx %arg17[%add3A_551, %broadcast_in_dim3A_548] : memref<64x256xf32, #tpu.memory_space<vmem>>[vector<16xi32>, vector<16xi32>], vector<16xf32>,
          %swap3A_552 = arith.index_cast %and3A_547 : i32 to index
          %swap3A_553 = arith.constant 0 : index
          %swap3A_554 = tpu.vector_load %arg23[%swap3A_552, %swap3A_553] {strides = array<i32>} : memref<128x128xf32, #tpu.memory_space<vmem>>, vector<16xf32>,
          tpu.vector_store %arg23[%swap3A_552, %swap3A_553], %gather3A {strides = array<i32>} : memref<128x128xf32, #tpu.memory_space<vmem>>, vector<16xf32>,
          %add3A_555 = arith.constant 16 : i32
          %add3A_556 = vector.broadcast %add3A_555 : i32 to vector<16xi32>
          %add3A_557 = arith.addi %iota3A, %add3A_556 : vector<16xi32>
          %gather3A_558 = tpu.vector_load_idx %arg17[%add3A_557, %broadcast_in_dim3A_548] : memref<64x256xf32, #tpu.memory_space<vmem>>[vector<16xi32>, vector<16xi32>], vector<16xf32>,
          %swap3A_559 = arith.index_cast %and3A_547 : i32 to index
          %swap3A_560 = arith.constant 16 : index
          %swap3A_561 = tpu.vector_load %arg23[%swap3A_559, %swap3A_560] {strides = array<i32>} : memref<128x128xf32, #tpu.memory_space<vmem>>, vector<16xf32>,
          tpu.vector_store %arg23[%swap3A_559, %swap3A_560], %gather3A_558 {strides = array<i32>} : memref<128x128xf32, #tpu.memory_space<vmem>>, vector<16xf32>,
          %add3A_562 = arith.constant 32 : i32
          %add3A_563 = vector.broadcast %add3A_562 : i32 to vector<16xi32>
          %add3A_564 = arith.addi %iota3A, %add3A_563 : vector<16xi32>
          %gather3A_565 = tpu.vector_load_idx %arg17[%add3A_564, %broadcast_in_dim3A_548] : memref<64x256xf32, #tpu.memory_space<vmem>>[vector<16xi32>, vector<16xi32>], vector<16xf32>,
          %swap3A_566 = arith.index_cast %and3A_547 : i32 to index
          %swap3A_567 = arith.constant 32 : index
          %swap3A_568 = tpu.vector_load %arg23[%swap3A_566, %swap3A_567] {strides = array<i32>} : memref<128x128xf32, #tpu.memory_space<vmem>>, vector<16xf32>,
          tpu.vector_store %arg23[%swap3A_566, %swap3A_567], %gather3A_565 {strides = array<i32>} : memref<128x128xf32, #tpu.memory_space<vmem>>, vector<16xf32>,
          %add3A_569 = arith.constant 48 : i32
          %add3A_570 = vector.broadcast %add3A_569 : i32 to vector<16xi32>
          %add3A_571 = arith.addi %iota3A, %add3A_570 : vector<16xi32>
          %gather3A_572 = tpu.vector_load_idx %arg17[%add3A_571, %broadcast_in_dim3A_548] : memref<64x256xf32, #tpu.memory_space<vmem>>[vector<16xi32>, vector<16xi32>], vector<16xf32>,
          %swap3A_573 = arith.index_cast %and3A_547 : i32 to index
          %swap3A_574 = arith.constant 48 : index
          %swap3A_575 = tpu.vector_load %arg23[%swap3A_573, %swap3A_574] {strides = array<i32>} : memref<128x128xf32, #tpu.memory_space<vmem>>, vector<16xf32>,
          tpu.vector_store %arg23[%swap3A_573, %swap3A_574], %gather3A_572 {strides = array<i32>} : memref<128x128xf32, #tpu.memory_space<vmem>>, vector<16xf32>,
          %gather3A_576 = tpu.vector_load_idx %arg20[%broadcast_in_dim3A_548] : memref<256xf32, #tpu.memory_space<vmem>>[vector<16xi32>], vector<16xf32>,
          %swap3A_577 = arith.index_cast %and3A_547 : i32 to index
          %swap3A_578 = arith.constant 64 : index
          %swap3A_579 = tpu.vector_load %arg23[%swap3A_577, %swap3A_578] {strides = array<i32>} : memref<128x128xf32, #tpu.memory_space<vmem>>, vector<16xf32>,
          tpu.vector_store %arg23[%swap3A_577, %swap3A_578], %gather3A_576 {strides = array<i32>} : memref<128x128xf32, #tpu.memory_space<vmem>>, vector<16xf32>,
          %broadcast_in_dim3A_580 = vector.broadcast %and3A_547 : i32 to vector<16xi32>
          %broadcast_in_dim3A_581 = vector.broadcast %and3A_545 : i32 to vector<16xi32>
          %scatter3A = arith.constant 0 : i32
          %scatter3A_582 = arith.constant 0 : i32
          %scatter3A_583 = tpu.memref_slice %arg24[%scatter3A, %scatter3A_582] : memref<1x128xi32, #tpu.memory_space<vmem>> -> memref<1x128xi32, #tpu.memory_space<vmem>>
          %scatter3A_584 = tpu.memref_squeeze %scatter3A_583 : memref<1x128xi32, #tpu.memory_space<vmem>> -> memref<128xi32, #tpu.memory_space<vmem>>
          tpu.vector_store_idx %scatter3A_584[%broadcast_in_dim3A_580], %broadcast_in_dim3A_581 masked %eq3A_2 : memref<128xi32, #tpu.memory_space<vmem>>[vector<16xi32>], vector<16xi32>, vector<16xi1>
          %add3A_585 = arith.constant 1 : i32
          %add3A_586 = arith.addi %while3A_535, %add3A_585 : i32
          %and3A_587 = arith.constant 127 : i32
          %and3A_588 = arith.andi %add3A_586, %and3A_587 : i32
          %eq3A_589 = arith.constant 0 : i32
          %eq3A_590 = arith.cmpi eq, %and3A_588, %eq3A_589 : i32
          %convert_element_type3A_591 = arith.extui %eq3A_590 : i1 to i32
          %cond3A_592 = arith.constant 0 : i32
          %cond3A_593 = arith.constant 0 : i32
          %cond3A_594 = arith.cmpi ne, %convert_element_type3A_591, %cond3A_593 : i32
          %cond3A_595 = scf.if %cond3A_594 -> (i32) {
            %dma_start3A = arith.constant 0 : i32
            %dma_start3A_596 = arith.constant 0 : i32
            %dma_start3A_597 = tpu.memref_slice %arg24[%dma_start3A, %dma_start3A_596] : memref<1x128xi32, #tpu.memory_space<vmem>> -> memref<1x128xi32, #tpu.memory_space<vmem>>
            %dma_start3A_598 = tpu.memref_squeeze %dma_start3A_597 : memref<1x128xi32, #tpu.memory_space<vmem>> -> memref<128xi32, #tpu.memory_space<vmem>>
            %dma_start3A_599 = arith.constant 0 : i32
            %dma_start3A_600 = arith.constant 0 : i32
            %dma_start3A_601 = tpu.memref_slice %arg8[%dma_start3A_599, %dma_start3A_600] : memref<16512x128xf32, #tpu.memory_space<hbm>> -> memref<16512x128xf32, #tpu.memory_space<hbm>>
            tpu.enqueue_indirect_dma source(%arg23 : memref<128x128xf32, #tpu.memory_space<vmem>>) target(%dma_start3A_601 : memref<16512x128xf32, #tpu.memory_space<hbm>>) offsets(%dma_start3A_598 : memref<128xi32, #tpu.memory_space<vmem>>) semaphore(%arg25 : memref<!tpu.dma_semaphore, #tpu.memory_space<semaphore_mem>>)
            %dma_wait3A = arith.constant 0 : i32
            %dma_wait3A_602 = arith.constant 0 : i32
            %dma_wait3A_603 = tpu.memref_slice %arg24[%dma_wait3A, %dma_wait3A_602] : memref<1x128xi32, #tpu.memory_space<vmem>> -> memref<1x128xi32, #tpu.memory_space<vmem>>
            %dma_wait3A_604 = tpu.memref_squeeze %dma_wait3A_603 : memref<1x128xi32, #tpu.memory_space<vmem>> -> memref<128xi32, #tpu.memory_space<vmem>>
            %dma_wait3A_605 = arith.constant 0 : i32
            %dma_wait3A_606 = arith.constant 0 : i32
            %dma_wait3A_607 = tpu.memref_slice %arg8[%dma_wait3A_605, %dma_wait3A_606] : memref<16512x128xf32, #tpu.memory_space<hbm>> -> memref<16512x128xf32, #tpu.memory_space<hbm>>
            tpu.wait_indirect_dma semaphore(%arg25 : memref<!tpu.dma_semaphore, #tpu.memory_space<semaphore_mem>>) src(%arg23 : memref<128x128xf32, #tpu.memory_space<vmem>>) dst(%dma_wait3A_607 : memref<16512x128xf32, #tpu.memory_space<hbm>>)
            %swap3A_608 = arith.constant 0 : i32
            %swap3A_609 = arith.index_cast %swap3A_608 : i32 to index
            %swap3A_610 = arith.constant 0 : index
            %swap3A_611 = tpu.vector_load %arg24[%swap3A_609, %swap3A_610] {strides = array<i32>} : memref<1x128xi32, #tpu.memory_space<vmem>>, vector<16xi32>,
            tpu.vector_store %arg24[%swap3A_609, %swap3A_610], %broadcast_in_dim3A_3 {strides = array<i32>} : memref<1x128xi32, #tpu.memory_space<vmem>>, vector<16xi32>,
            %swap3A_612 = arith.constant 0 : i32
            %swap3A_613 = arith.index_cast %swap3A_612 : i32 to index
            %swap3A_614 = arith.constant 16 : index
            %swap3A_615 = tpu.vector_load %arg24[%swap3A_613, %swap3A_614] {strides = array<i32>} : memref<1x128xi32, #tpu.memory_space<vmem>>, vector<16xi32>,
            tpu.vector_store %arg24[%swap3A_613, %swap3A_614], %broadcast_in_dim3A_3 {strides = array<i32>} : memref<1x128xi32, #tpu.memory_space<vmem>>, vector<16xi32>,
            %swap3A_616 = arith.constant 0 : i32
            %swap3A_617 = arith.index_cast %swap3A_616 : i32 to index
            %swap3A_618 = arith.constant 32 : index
            %swap3A_619 = tpu.vector_load %arg24[%swap3A_617, %swap3A_618] {strides = array<i32>} : memref<1x128xi32, #tpu.memory_space<vmem>>, vector<16xi32>,
            tpu.vector_store %arg24[%swap3A_617, %swap3A_618], %broadcast_in_dim3A_3 {strides = array<i32>} : memref<1x128xi32, #tpu.memory_space<vmem>>, vector<16xi32>,
            %swap3A_620 = arith.constant 0 : i32
            %swap3A_621 = arith.index_cast %swap3A_620 : i32 to index
            %swap3A_622 = arith.constant 48 : index
            %swap3A_623 = tpu.vector_load %arg24[%swap3A_621, %swap3A_622] {strides = array<i32>} : memref<1x128xi32, #tpu.memory_space<vmem>>, vector<16xi32>,
            tpu.vector_store %arg24[%swap3A_621, %swap3A_622], %broadcast_in_dim3A_3 {strides = array<i32>} : memref<1x128xi32, #tpu.memory_space<vmem>>, vector<16xi32>,
            %swap3A_624 = arith.constant 0 : i32
            %swap3A_625 = arith.index_cast %swap3A_624 : i32 to index
            %swap3A_626 = arith.constant 64 : index
            %swap3A_627 = tpu.vector_load %arg24[%swap3A_625, %swap3A_626] {strides = array<i32>} : memref<1x128xi32, #tpu.memory_space<vmem>>, vector<16xi32>,
            tpu.vector_store %arg24[%swap3A_625, %swap3A_626], %broadcast_in_dim3A_3 {strides = array<i32>} : memref<1x128xi32, #tpu.memory_space<vmem>>, vector<16xi32>,
            %swap3A_628 = arith.constant 0 : i32
            %swap3A_629 = arith.index_cast %swap3A_628 : i32 to index
            %swap3A_630 = arith.constant 80 : index
            %swap3A_631 = tpu.vector_load %arg24[%swap3A_629, %swap3A_630] {strides = array<i32>} : memref<1x128xi32, #tpu.memory_space<vmem>>, vector<16xi32>,
            tpu.vector_store %arg24[%swap3A_629, %swap3A_630], %broadcast_in_dim3A_3 {strides = array<i32>} : memref<1x128xi32, #tpu.memory_space<vmem>>, vector<16xi32>,
            %swap3A_632 = arith.constant 0 : i32
            %swap3A_633 = arith.index_cast %swap3A_632 : i32 to index
            %swap3A_634 = arith.constant 96 : index
            %swap3A_635 = tpu.vector_load %arg24[%swap3A_633, %swap3A_634] {strides = array<i32>} : memref<1x128xi32, #tpu.memory_space<vmem>>, vector<16xi32>,
            tpu.vector_store %arg24[%swap3A_633, %swap3A_634], %broadcast_in_dim3A_3 {strides = array<i32>} : memref<1x128xi32, #tpu.memory_space<vmem>>, vector<16xi32>,
            %swap3A_636 = arith.constant 0 : i32
            %swap3A_637 = arith.index_cast %swap3A_636 : i32 to index
            %swap3A_638 = arith.constant 112 : index
            %swap3A_639 = tpu.vector_load %arg24[%swap3A_637, %swap3A_638] {strides = array<i32>} : memref<1x128xi32, #tpu.memory_space<vmem>>, vector<16xi32>,
            tpu.vector_store %arg24[%swap3A_637, %swap3A_638], %broadcast_in_dim3A_3 {strides = array<i32>} : memref<1x128xi32, #tpu.memory_space<vmem>>, vector<16xi32>,
            %cond3A_640 = arith.constant 0 : i32
            scf.yield %cond3A_640 : i32
          } else {
            %cond3A_596 = arith.constant 0 : i32
            scf.yield %cond3A_596 : i32
          }
          scf.yield %add3A_586 : i32
        }
        %while3A_532 = arith.constant 1 : i32
        %while3A_533 = scf.for %while3A_534 = %while3A_529 to %while3A_525 step %while3A_532 iter_args(%while3A_535 = %while3A_531) -> (i32)  : i32 {
          %add3A_536 = arith.addi %sub3A_522, %while3A_534 : i32
          %get3A_537 = arith.index_cast %add3A_536 : i32 to index
          %get3A_538 = tpu.vector_load %arg10[%get3A_537] {strides = array<i32>} : memref<16400xi32, #tpu.memory_space<vmem>>, vector<16xi32>,
          %slice3A_539 = vector.extract_strided_slice %get3A_538 {offsets = [0], sizes = [1], strides = [1]} : vector<16xi32> to vector<1xi32>
          %squeeze3A_540 = vector.extract %slice3A_539[0] : i32 from vector<1xi32>
          %shift_right_logical3A = arith.constant 14 : i32
          %shift_right_logical3A_541 = arith.shrui %squeeze3A_540, %shift_right_logical3A : i32
          %and3A_542 = arith.constant 255 : i32
          %and3A_543 = arith.andi %shift_right_logical3A_541, %and3A_542 : i32
          %and3A_544 = arith.constant 16383 : i32
          %and3A_545 = arith.andi %squeeze3A_540, %and3A_544 : i32
          %and3A_546 = arith.constant 127 : i32
          %and3A_547 = arith.andi %while3A_535, %and3A_546 : i32
          %broadcast_in_dim3A_548 = vector.broadcast %and3A_543 : i32 to vector<16xi32>
          %add3A_549 = arith.constant 0 : i32
          %add3A_550 = vector.broadcast %add3A_549 : i32 to vector<16xi32>
          %add3A_551 = arith.addi %iota3A, %add3A_550 : vector<16xi32>
          %gather3A = tpu.vector_load_idx %arg17[%add3A_551, %broadcast_in_dim3A_548] : memref<64x256xf32, #tpu.memory_space<vmem>>[vector<16xi32>, vector<16xi32>], vector<16xf32>,
          %swap3A_552 = arith.index_cast %and3A_547 : i32 to index
          %swap3A_553 = arith.constant 0 : index
          %swap3A_554 = tpu.vector_load %arg23[%swap3A_552, %swap3A_553] {strides = array<i32>} : memref<128x128xf32, #tpu.memory_space<vmem>>, vector<16xf32>,
          tpu.vector_store %arg23[%swap3A_552, %swap3A_553], %gather3A {strides = array<i32>} : memref<128x128xf32, #tpu.memory_space<vmem>>, vector<16xf32>,
          %add3A_555 = arith.constant 16 : i32
          %add3A_556 = vector.broadcast %add3A_555 : i32 to vector<16xi32>
          %add3A_557 = arith.addi %iota3A, %add3A_556 : vector<16xi32>
          %gather3A_558 = tpu.vector_load_idx %arg17[%add3A_557, %broadcast_in_dim3A_548] : memref<64x256xf32, #tpu.memory_space<vmem>>[vector<16xi32>, vector<16xi32>], vector<16xf32>,
          %swap3A_559 = arith.index_cast %and3A_547 : i32 to index
          %swap3A_560 = arith.constant 16 : index
          %swap3A_561 = tpu.vector_load %arg23[%swap3A_559, %swap3A_560] {strides = array<i32>} : memref<128x128xf32, #tpu.memory_space<vmem>>, vector<16xf32>,
          tpu.vector_store %arg23[%swap3A_559, %swap3A_560], %gather3A_558 {strides = array<i32>} : memref<128x128xf32, #tpu.memory_space<vmem>>, vector<16xf32>,
          %add3A_562 = arith.constant 32 : i32
          %add3A_563 = vector.broadcast %add3A_562 : i32 to vector<16xi32>
          %add3A_564 = arith.addi %iota3A, %add3A_563 : vector<16xi32>
          %gather3A_565 = tpu.vector_load_idx %arg17[%add3A_564, %broadcast_in_dim3A_548] : memref<64x256xf32, #tpu.memory_space<vmem>>[vector<16xi32>, vector<16xi32>], vector<16xf32>,
          %swap3A_566 = arith.index_cast %and3A_547 : i32 to index
          %swap3A_567 = arith.constant 32 : index
          %swap3A_568 = tpu.vector_load %arg23[%swap3A_566, %swap3A_567] {strides = array<i32>} : memref<128x128xf32, #tpu.memory_space<vmem>>, vector<16xf32>,
          tpu.vector_store %arg23[%swap3A_566, %swap3A_567], %gather3A_565 {strides = array<i32>} : memref<128x128xf32, #tpu.memory_space<vmem>>, vector<16xf32>,
          %add3A_569 = arith.constant 48 : i32
          %add3A_570 = vector.broadcast %add3A_569 : i32 to vector<16xi32>
          %add3A_571 = arith.addi %iota3A, %add3A_570 : vector<16xi32>
          %gather3A_572 = tpu.vector_load_idx %arg17[%add3A_571, %broadcast_in_dim3A_548] : memref<64x256xf32, #tpu.memory_space<vmem>>[vector<16xi32>, vector<16xi32>], vector<16xf32>,
          %swap3A_573 = arith.index_cast %and3A_547 : i32 to index
          %swap3A_574 = arith.constant 48 : index
          %swap3A_575 = tpu.vector_load %arg23[%swap3A_573, %swap3A_574] {strides = array<i32>} : memref<128x128xf32, #tpu.memory_space<vmem>>, vector<16xf32>,
          tpu.vector_store %arg23[%swap3A_573, %swap3A_574], %gather3A_572 {strides = array<i32>} : memref<128x128xf32, #tpu.memory_space<vmem>>, vector<16xf32>,
          %gather3A_576 = tpu.vector_load_idx %arg20[%broadcast_in_dim3A_548] : memref<256xf32, #tpu.memory_space<vmem>>[vector<16xi32>], vector<16xf32>,
          %swap3A_577 = arith.index_cast %and3A_547 : i32 to index
          %swap3A_578 = arith.constant 64 : index
          %swap3A_579 = tpu.vector_load %arg23[%swap3A_577, %swap3A_578] {strides = array<i32>} : memref<128x128xf32, #tpu.memory_space<vmem>>, vector<16xf32>,
          tpu.vector_store %arg23[%swap3A_577, %swap3A_578], %gather3A_576 {strides = array<i32>} : memref<128x128xf32, #tpu.memory_space<vmem>>, vector<16xf32>,
          %broadcast_in_dim3A_580 = vector.broadcast %and3A_547 : i32 to vector<16xi32>
          %broadcast_in_dim3A_581 = vector.broadcast %and3A_545 : i32 to vector<16xi32>
          %scatter3A = arith.constant 0 : i32
          %scatter3A_582 = arith.constant 0 : i32
          %scatter3A_583 = tpu.memref_slice %arg24[%scatter3A, %scatter3A_582] : memref<1x128xi32, #tpu.memory_space<vmem>> -> memref<1x128xi32, #tpu.memory_space<vmem>>
          %scatter3A_584 = tpu.memref_squeeze %scatter3A_583 : memref<1x128xi32, #tpu.memory_space<vmem>> -> memref<128xi32, #tpu.memory_space<vmem>>
          tpu.vector_store_idx %scatter3A_584[%broadcast_in_dim3A_580], %broadcast_in_dim3A_581 masked %eq3A_2 : memref<128xi32, #tpu.memory_space<vmem>>[vector<16xi32>], vector<16xi32>, vector<16xi1>
          %add3A_585 = arith.constant 1 : i32
          %add3A_586 = arith.addi %while3A_535, %add3A_585 : i32
          %and3A_587 = arith.constant 127 : i32
          %and3A_588 = arith.andi %add3A_586, %and3A_587 : i32
          %eq3A_589 = arith.constant 0 : i32
          %eq3A_590 = arith.cmpi eq, %and3A_588, %eq3A_589 : i32
          %convert_element_type3A_591 = arith.extui %eq3A_590 : i1 to i32
          %cond3A_592 = arith.constant 0 : i32
          %cond3A_593 = arith.constant 0 : i32
          %cond3A_594 = arith.cmpi ne, %convert_element_type3A_591, %cond3A_593 : i32
          %cond3A_595 = scf.if %cond3A_594 -> (i32) {
            %dma_start3A = arith.constant 0 : i32
            %dma_start3A_596 = arith.constant 0 : i32
            %dma_start3A_597 = tpu.memref_slice %arg24[%dma_start3A, %dma_start3A_596] : memref<1x128xi32, #tpu.memory_space<vmem>> -> memref<1x128xi32, #tpu.memory_space<vmem>>
            %dma_start3A_598 = tpu.memref_squeeze %dma_start3A_597 : memref<1x128xi32, #tpu.memory_space<vmem>> -> memref<128xi32, #tpu.memory_space<vmem>>
            %dma_start3A_599 = arith.constant 0 : i32
            %dma_start3A_600 = arith.constant 0 : i32
            %dma_start3A_601 = tpu.memref_slice %arg8[%dma_start3A_599, %dma_start3A_600] : memref<16512x128xf32, #tpu.memory_space<hbm>> -> memref<16512x128xf32, #tpu.memory_space<hbm>>
            tpu.enqueue_indirect_dma source(%arg23 : memref<128x128xf32, #tpu.memory_space<vmem>>) target(%dma_start3A_601 : memref<16512x128xf32, #tpu.memory_space<hbm>>) offsets(%dma_start3A_598 : memref<128xi32, #tpu.memory_space<vmem>>) semaphore(%arg25 : memref<!tpu.dma_semaphore, #tpu.memory_space<semaphore_mem>>)
            %dma_wait3A = arith.constant 0 : i32
            %dma_wait3A_602 = arith.constant 0 : i32
            %dma_wait3A_603 = tpu.memref_slice %arg24[%dma_wait3A, %dma_wait3A_602] : memref<1x128xi32, #tpu.memory_space<vmem>> -> memref<1x128xi32, #tpu.memory_space<vmem>>
            %dma_wait3A_604 = tpu.memref_squeeze %dma_wait3A_603 : memref<1x128xi32, #tpu.memory_space<vmem>> -> memref<128xi32, #tpu.memory_space<vmem>>
            %dma_wait3A_605 = arith.constant 0 : i32
            %dma_wait3A_606 = arith.constant 0 : i32
            %dma_wait3A_607 = tpu.memref_slice %arg8[%dma_wait3A_605, %dma_wait3A_606] : memref<16512x128xf32, #tpu.memory_space<hbm>> -> memref<16512x128xf32, #tpu.memory_space<hbm>>
            tpu.wait_indirect_dma semaphore(%arg25 : memref<!tpu.dma_semaphore, #tpu.memory_space<semaphore_mem>>) src(%arg23 : memref<128x128xf32, #tpu.memory_space<vmem>>) dst(%dma_wait3A_607 : memref<16512x128xf32, #tpu.memory_space<hbm>>)
            %swap3A_608 = arith.constant 0 : i32
            %swap3A_609 = arith.index_cast %swap3A_608 : i32 to index
            %swap3A_610 = arith.constant 0 : index
            %swap3A_611 = tpu.vector_load %arg24[%swap3A_609, %swap3A_610] {strides = array<i32>} : memref<1x128xi32, #tpu.memory_space<vmem>>, vector<16xi32>,
            tpu.vector_store %arg24[%swap3A_609, %swap3A_610], %broadcast_in_dim3A_3 {strides = array<i32>} : memref<1x128xi32, #tpu.memory_space<vmem>>, vector<16xi32>,
            %swap3A_612 = arith.constant 0 : i32
            %swap3A_613 = arith.index_cast %swap3A_612 : i32 to index
            %swap3A_614 = arith.constant 16 : index
            %swap3A_615 = tpu.vector_load %arg24[%swap3A_613, %swap3A_614] {strides = array<i32>} : memref<1x128xi32, #tpu.memory_space<vmem>>, vector<16xi32>,
            tpu.vector_store %arg24[%swap3A_613, %swap3A_614], %broadcast_in_dim3A_3 {strides = array<i32>} : memref<1x128xi32, #tpu.memory_space<vmem>>, vector<16xi32>,
            %swap3A_616 = arith.constant 0 : i32
            %swap3A_617 = arith.index_cast %swap3A_616 : i32 to index
            %swap3A_618 = arith.constant 32 : index
            %swap3A_619 = tpu.vector_load %arg24[%swap3A_617, %swap3A_618] {strides = array<i32>} : memref<1x128xi32, #tpu.memory_space<vmem>>, vector<16xi32>,
            tpu.vector_store %arg24[%swap3A_617, %swap3A_618], %broadcast_in_dim3A_3 {strides = array<i32>} : memref<1x128xi32, #tpu.memory_space<vmem>>, vector<16xi32>,
            %swap3A_620 = arith.constant 0 : i32
            %swap3A_621 = arith.index_cast %swap3A_620 : i32 to index
            %swap3A_622 = arith.constant 48 : index
            %swap3A_623 = tpu.vector_load %arg24[%swap3A_621, %swap3A_622] {strides = array<i32>} : memref<1x128xi32, #tpu.memory_space<vmem>>, vector<16xi32>,
            tpu.vector_store %arg24[%swap3A_621, %swap3A_622], %broadcast_in_dim3A_3 {strides = array<i32>} : memref<1x128xi32, #tpu.memory_space<vmem>>, vector<16xi32>,
            %swap3A_624 = arith.constant 0 : i32
            %swap3A_625 = arith.index_cast %swap3A_624 : i32 to index
            %swap3A_626 = arith.constant 64 : index
            %swap3A_627 = tpu.vector_load %arg24[%swap3A_625, %swap3A_626] {strides = array<i32>} : memref<1x128xi32, #tpu.memory_space<vmem>>, vector<16xi32>,
            tpu.vector_store %arg24[%swap3A_625, %swap3A_626], %broadcast_in_dim3A_3 {strides = array<i32>} : memref<1x128xi32, #tpu.memory_space<vmem>>, vector<16xi32>,
            %swap3A_628 = arith.constant 0 : i32
            %swap3A_629 = arith.index_cast %swap3A_628 : i32 to index
            %swap3A_630 = arith.constant 80 : index
            %swap3A_631 = tpu.vector_load %arg24[%swap3A_629, %swap3A_630] {strides = array<i32>} : memref<1x128xi32, #tpu.memory_space<vmem>>, vector<16xi32>,
            tpu.vector_store %arg24[%swap3A_629, %swap3A_630], %broadcast_in_dim3A_3 {strides = array<i32>} : memref<1x128xi32, #tpu.memory_space<vmem>>, vector<16xi32>,
            %swap3A_632 = arith.constant 0 : i32
            %swap3A_633 = arith.index_cast %swap3A_632 : i32 to index
            %swap3A_634 = arith.constant 96 : index
            %swap3A_635 = tpu.vector_load %arg24[%swap3A_633, %swap3A_634] {strides = array<i32>} : memref<1x128xi32, #tpu.memory_space<vmem>>, vector<16xi32>,
            tpu.vector_store %arg24[%swap3A_633, %swap3A_634], %broadcast_in_dim3A_3 {strides = array<i32>} : memref<1x128xi32, #tpu.memory_space<vmem>>, vector<16xi32>,
            %swap3A_636 = arith.constant 0 : i32
            %swap3A_637 = arith.index_cast %swap3A_636 : i32 to index
            %swap3A_638 = arith.constant 112 : index
            %swap3A_639 = tpu.vector_load %arg24[%swap3A_637, %swap3A_638] {strides = array<i32>} : memref<1x128xi32, #tpu.memory_space<vmem>>, vector<16xi32>,
            tpu.vector_store %arg24[%swap3A_637, %swap3A_638], %broadcast_in_dim3A_3 {strides = array<i32>} : memref<1x128xi32, #tpu.memory_space<vmem>>, vector<16xi32>,
            %cond3A_640 = arith.constant 0 : i32
            scf.yield %cond3A_640 : i32
          } else {
            %cond3A_596 = arith.constant 0 : i32
            scf.yield %cond3A_596 : i32
          }
          scf.yield %add3A_586 : i32
        }
        scf.yield %while3A_533 : i32
      } else {
        scf.yield %cond3A_478 : i32
      }
      scf.yield %cond3A_513 : i32
    }
    %scan3A_185 = arith.constant 41 : i32
    %eq3A_186 = arith.constant 2 : i32
    %eq3A_187 = arith.cmpi eq, %add3A, %eq3A_186 : i32
    %convert_element_type3A_188 = arith.extui %eq3A_187 : i1 to i32
    %cond3A_189 = arith.constant 0 : i32
    %cond3A_190 = arith.cmpi ne, %convert_element_type3A_188, %cond3A_189 : i32
    %cond3A_191 = scf.if %cond3A_190 -> (i32) {
      "tpu.region"() ({
        %run_scoped3A = tpu.sem_alloc : memref<!tpu.dma_semaphore, #tpu.memory_space<semaphore_mem>>
        %dma_start3A = arith.constant 0 : i32
        %dma_start3A_429 = arith.constant 999936 : i32
        %dma_start3A_430 = tpu.memref_slice %arg4[%dma_start3A, %dma_start3A_429] : memref<64x1000000xf32, #tpu.memory_space<hbm>> -> memref<64x64xf32, #tpu.memory_space<hbm>>
        %dma_start3A_431 = arith.constant 0 : i32
        %dma_start3A_432 = arith.constant 999936 : i32
        %dma_start3A_433 = tpu.memref_slice %arg4[%dma_start3A_431, %dma_start3A_432] : memref<64x1000000xf32, #tpu.memory_space<hbm>> -> memref<64x64xf32, #tpu.memory_space<hbm>>
        tpu.enqueue_dma source(%dma_start3A_433 : memref<64x64xf32, #tpu.memory_space<hbm>>) target(%arg21 : memref<64x64xf32, #tpu.memory_space<vmem>>) target_semaphore(%run_scoped3A : memref<!tpu.dma_semaphore, #tpu.memory_space<semaphore_mem>>)
        %dma_wait3A = arith.constant 0 : i32
        %dma_wait3A_434 = arith.constant 999936 : i32
        %dma_wait3A_435 = tpu.memref_slice %arg4[%dma_wait3A, %dma_wait3A_434] : memref<64x1000000xf32, #tpu.memory_space<hbm>> -> memref<64x64xf32, #tpu.memory_space<hbm>>
        %dma_wait3A_436 = arith.constant 0 : i32
        %dma_wait3A_437 = arith.constant 999936 : i32
        %dma_wait3A_438 = tpu.memref_slice %arg4[%dma_wait3A_436, %dma_wait3A_437] : memref<64x1000000xf32, #tpu.memory_space<hbm>> -> memref<64x64xf32, #tpu.memory_space<hbm>>
        tpu.wait_dma2 semaphore(%run_scoped3A : memref<!tpu.dma_semaphore, #tpu.memory_space<semaphore_mem>>) src(%dma_wait3A_438 : memref<64x64xf32, #tpu.memory_space<hbm>>) dst(%arg21 : memref<64x64xf32, #tpu.memory_space<vmem>>)
        tpu.yield
      }) : () -> ()
      "tpu.region"() ({
        %run_scoped3A = tpu.sem_alloc : memref<!tpu.dma_semaphore, #tpu.memory_space<semaphore_mem>>
        %dma_start3A = arith.constant 999936 : i32
        %dma_start3A_429 = tpu.memref_slice %arg6[%dma_start3A] : memref<1000000xf32, #tpu.memory_space<hbm>> -> memref<64xf32, #tpu.memory_space<hbm>>
        %dma_start3A_430 = arith.constant 999936 : i32
        %dma_start3A_431 = tpu.memref_slice %arg6[%dma_start3A_430] : memref<1000000xf32, #tpu.memory_space<hbm>> -> memref<64xf32, #tpu.memory_space<hbm>>
        tpu.enqueue_dma source(%dma_start3A_431 : memref<64xf32, #tpu.memory_space<hbm>>) target(%arg22 : memref<64xf32, #tpu.memory_space<vmem>>) target_semaphore(%run_scoped3A : memref<!tpu.dma_semaphore, #tpu.memory_space<semaphore_mem>>)
        %dma_wait3A = arith.constant 999936 : i32
        %dma_wait3A_432 = tpu.memref_slice %arg6[%dma_wait3A] : memref<1000000xf32, #tpu.memory_space<hbm>> -> memref<64xf32, #tpu.memory_space<hbm>>
        %dma_wait3A_433 = arith.constant 999936 : i32
        %dma_wait3A_434 = tpu.memref_slice %arg6[%dma_wait3A_433] : memref<1000000xf32, #tpu.memory_space<hbm>> -> memref<64xf32, #tpu.memory_space<hbm>>
        tpu.wait_dma2 semaphore(%run_scoped3A : memref<!tpu.dma_semaphore, #tpu.memory_space<semaphore_mem>>) src(%dma_wait3A_434 : memref<64xf32, #tpu.memory_space<hbm>>) dst(%arg22 : memref<64xf32, #tpu.memory_space<vmem>>)
        tpu.yield
      }) : () -> ()
      %get3A_407 = arith.constant 122 : i32
      %get3A_408 = arith.index_cast %get3A_407 : i32 to index
      %get3A_409 = tpu.vector_load %arg12[%get3A_408] {strides = array<i32>} : memref<144xi32, #tpu.memory_space<vmem>>, vector<16xi32>,
      %slice3A_410 = vector.extract_strided_slice %get3A_409 {offsets = [0], sizes = [1], strides = [1]} : vector<16xi32> to vector<1xi32>
      %squeeze3A_411 = vector.extract %slice3A_410[0] : i32 from vector<1xi32>
      %get3A_412 = arith.constant 122 : i32
      %get3A_413 = arith.index_cast %get3A_412 : i32 to index
      %get3A_414 = tpu.vector_load %arg11[%get3A_413] {strides = array<i32>} : memref<144xi32, #tpu.memory_space<vmem>>, vector<16xi32>,
      %slice3A_415 = vector.extract_strided_slice %get3A_414 {offsets = [0], sizes = [1], strides = [1]} : vector<16xi32> to vector<1xi32>
      %squeeze3A_416 = vector.extract %slice3A_415[0] : i32 from vector<1xi32>
      %sub3A_417 = arith.subi %squeeze3A_411, %squeeze3A_416 : i32
      %while3A_418 = arith.constant 0 : i32
      %while3A_419 = arith.subi %squeeze3A_416, %while3A_418 : i32
      %while3A_420 = arith.addi %while3A_418, %while3A_419 : i32
      %while3A_421 = arith.constant 1 : i32
      %while3A_422 = arith.divsi %while3A_419, %while3A_421 : i32
      %while3A_423 = arith.muli %while3A_422, %while3A_421 : i32
      %while3A_424 = arith.addi %while3A_418, %while3A_423 : i32
      %while3A_425 = arith.constant 1 : i32
      %while3A_426 = scf.for %while3A_429 = %while3A_418 to %while3A_424 step %while3A_425 iter_args(%while3A_430 = %scan3A_184) -> (i32)  : i32 {
        %add3A_431 = arith.addi %sub3A_417, %while3A_429 : i32
        %get3A_432 = arith.index_cast %add3A_431 : i32 to index
        %get3A_433 = tpu.vector_load %arg10[%get3A_432] {strides = array<i32>} : memref<16400xi32, #tpu.memory_space<vmem>>, vector<16xi32>,
        %slice3A_434 = vector.extract_strided_slice %get3A_433 {offsets = [0], sizes = [1], strides = [1]} : vector<16xi32> to vector<1xi32>
        %squeeze3A_435 = vector.extract %slice3A_434[0] : i32 from vector<1xi32>
        %shift_right_logical3A = arith.constant 14 : i32
        %shift_right_logical3A_436 = arith.shrui %squeeze3A_435, %shift_right_logical3A : i32
        %and3A_437 = arith.constant 255 : i32
        %and3A_438 = arith.andi %shift_right_logical3A_436, %and3A_437 : i32
        %and3A_439 = arith.constant 16383 : i32
        %and3A_440 = arith.andi %squeeze3A_435, %and3A_439 : i32
        %and3A_441 = arith.constant 127 : i32
        %and3A_442 = arith.andi %while3A_430, %and3A_441 : i32
        %broadcast_in_dim3A_443 = vector.broadcast %and3A_438 : i32 to vector<16xi32>
        %add3A_444 = arith.constant 0 : i32
        %add3A_445 = vector.broadcast %add3A_444 : i32 to vector<16xi32>
        %add3A_446 = arith.addi %iota3A, %add3A_445 : vector<16xi32>
        %gather3A = tpu.vector_load_idx %arg21[%add3A_446, %broadcast_in_dim3A_443] : memref<64x64xf32, #tpu.memory_space<vmem>>[vector<16xi32>, vector<16xi32>], vector<16xf32>,
        %swap3A_447 = arith.index_cast %and3A_442 : i32 to index
        %swap3A_448 = arith.constant 0 : index
        %swap3A_449 = tpu.vector_load %arg23[%swap3A_447, %swap3A_448] {strides = array<i32>} : memref<128x128xf32, #tpu.memory_space<vmem>>, vector<16xf32>,
        tpu.vector_store %arg23[%swap3A_447, %swap3A_448], %gather3A {strides = array<i32>} : memref<128x128xf32, #tpu.memory_space<vmem>>, vector<16xf32>,
        %add3A_450 = arith.constant 16 : i32
        %add3A_451 = vector.broadcast %add3A_450 : i32 to vector<16xi32>
        %add3A_452 = arith.addi %iota3A, %add3A_451 : vector<16xi32>
        %gather3A_453 = tpu.vector_load_idx %arg21[%add3A_452, %broadcast_in_dim3A_443] : memref<64x64xf32, #tpu.memory_space<vmem>>[vector<16xi32>, vector<16xi32>], vector<16xf32>,
        %swap3A_454 = arith.index_cast %and3A_442 : i32 to index
        %swap3A_455 = arith.constant 16 : index
        %swap3A_456 = tpu.vector_load %arg23[%swap3A_454, %swap3A_455] {strides = array<i32>} : memref<128x128xf32, #tpu.memory_space<vmem>>, vector<16xf32>,
        tpu.vector_store %arg23[%swap3A_454, %swap3A_455], %gather3A_453 {strides = array<i32>} : memref<128x128xf32, #tpu.memory_space<vmem>>, vector<16xf32>,
        %add3A_457 = arith.constant 32 : i32
        %add3A_458 = vector.broadcast %add3A_457 : i32 to vector<16xi32>
        %add3A_459 = arith.addi %iota3A, %add3A_458 : vector<16xi32>
        %gather3A_460 = tpu.vector_load_idx %arg21[%add3A_459, %broadcast_in_dim3A_443] : memref<64x64xf32, #tpu.memory_space<vmem>>[vector<16xi32>, vector<16xi32>], vector<16xf32>,
        %swap3A_461 = arith.index_cast %and3A_442 : i32 to index
        %swap3A_462 = arith.constant 32 : index
        %swap3A_463 = tpu.vector_load %arg23[%swap3A_461, %swap3A_462] {strides = array<i32>} : memref<128x128xf32, #tpu.memory_space<vmem>>, vector<16xf32>,
        tpu.vector_store %arg23[%swap3A_461, %swap3A_462], %gather3A_460 {strides = array<i32>} : memref<128x128xf32, #tpu.memory_space<vmem>>, vector<16xf32>,
        %add3A_464 = arith.constant 48 : i32
        %add3A_465 = vector.broadcast %add3A_464 : i32 to vector<16xi32>
        %add3A_466 = arith.addi %iota3A, %add3A_465 : vector<16xi32>
        %gather3A_467 = tpu.vector_load_idx %arg21[%add3A_466, %broadcast_in_dim3A_443] : memref<64x64xf32, #tpu.memory_space<vmem>>[vector<16xi32>, vector<16xi32>], vector<16xf32>,
        %swap3A_468 = arith.index_cast %and3A_442 : i32 to index
        %swap3A_469 = arith.constant 48 : index
        %swap3A_470 = tpu.vector_load %arg23[%swap3A_468, %swap3A_469] {strides = array<i32>} : memref<128x128xf32, #tpu.memory_space<vmem>>, vector<16xf32>,
        tpu.vector_store %arg23[%swap3A_468, %swap3A_469], %gather3A_467 {strides = array<i32>} : memref<128x128xf32, #tpu.memory_space<vmem>>, vector<16xf32>,
        %gather3A_471 = tpu.vector_load_idx %arg22[%broadcast_in_dim3A_443] : memref<64xf32, #tpu.memory_space<vmem>>[vector<16xi32>], vector<16xf32>,
        %swap3A_472 = arith.index_cast %and3A_442 : i32 to index
        %swap3A_473 = arith.constant 64 : index
        %swap3A_474 = tpu.vector_load %arg23[%swap3A_472, %swap3A_473] {strides = array<i32>} : memref<128x128xf32, #tpu.memory_space<vmem>>, vector<16xf32>,
        tpu.vector_store %arg23[%swap3A_472, %swap3A_473], %gather3A_471 {strides = array<i32>} : memref<128x128xf32, #tpu.memory_space<vmem>>, vector<16xf32>,
        %broadcast_in_dim3A_475 = vector.broadcast %and3A_442 : i32 to vector<16xi32>
        %broadcast_in_dim3A_476 = vector.broadcast %and3A_440 : i32 to vector<16xi32>
        %scatter3A = arith.constant 0 : i32
        %scatter3A_477 = arith.constant 0 : i32
        %scatter3A_478 = tpu.memref_slice %arg24[%scatter3A, %scatter3A_477] : memref<1x128xi32, #tpu.memory_space<vmem>> -> memref<1x128xi32, #tpu.memory_space<vmem>>
        %scatter3A_479 = tpu.memref_squeeze %scatter3A_478 : memref<1x128xi32, #tpu.memory_space<vmem>> -> memref<128xi32, #tpu.memory_space<vmem>>
        tpu.vector_store_idx %scatter3A_479[%broadcast_in_dim3A_475], %broadcast_in_dim3A_476 masked %eq3A_2 : memref<128xi32, #tpu.memory_space<vmem>>[vector<16xi32>], vector<16xi32>, vector<16xi1>
        %add3A_480 = arith.constant 1 : i32
        %add3A_481 = arith.addi %while3A_430, %add3A_480 : i32
        %and3A_482 = arith.constant 127 : i32
        %and3A_483 = arith.andi %add3A_481, %and3A_482 : i32
        %eq3A_484 = arith.constant 0 : i32
        %eq3A_485 = arith.cmpi eq, %and3A_483, %eq3A_484 : i32
        %convert_element_type3A_486 = arith.extui %eq3A_485 : i1 to i32
        %cond3A_487 = arith.constant 0 : i32
        %cond3A_488 = arith.constant 0 : i32
        %cond3A_489 = arith.cmpi ne, %convert_element_type3A_486, %cond3A_488 : i32
        %cond3A_490 = scf.if %cond3A_489 -> (i32) {
          %dma_start3A = arith.constant 0 : i32
          %dma_start3A_491 = arith.constant 0 : i32
          %dma_start3A_492 = tpu.memref_slice %arg24[%dma_start3A, %dma_start3A_491] : memref<1x128xi32, #tpu.memory_space<vmem>> -> memref<1x128xi32, #tpu.memory_space<vmem>>
          %dma_start3A_493 = tpu.memref_squeeze %dma_start3A_492 : memref<1x128xi32, #tpu.memory_space<vmem>> -> memref<128xi32, #tpu.memory_space<vmem>>
          %dma_start3A_494 = arith.constant 0 : i32
          %dma_start3A_495 = arith.constant 0 : i32
          %dma_start3A_496 = tpu.memref_slice %arg8[%dma_start3A_494, %dma_start3A_495] : memref<16512x128xf32, #tpu.memory_space<hbm>> -> memref<16512x128xf32, #tpu.memory_space<hbm>>
          tpu.enqueue_indirect_dma source(%arg23 : memref<128x128xf32, #tpu.memory_space<vmem>>) target(%dma_start3A_496 : memref<16512x128xf32, #tpu.memory_space<hbm>>) offsets(%dma_start3A_493 : memref<128xi32, #tpu.memory_space<vmem>>) semaphore(%arg25 : memref<!tpu.dma_semaphore, #tpu.memory_space<semaphore_mem>>)
          %dma_wait3A = arith.constant 0 : i32
          %dma_wait3A_497 = arith.constant 0 : i32
          %dma_wait3A_498 = tpu.memref_slice %arg24[%dma_wait3A, %dma_wait3A_497] : memref<1x128xi32, #tpu.memory_space<vmem>> -> memref<1x128xi32, #tpu.memory_space<vmem>>
          %dma_wait3A_499 = tpu.memref_squeeze %dma_wait3A_498 : memref<1x128xi32, #tpu.memory_space<vmem>> -> memref<128xi32, #tpu.memory_space<vmem>>
          %dma_wait3A_500 = arith.constant 0 : i32
          %dma_wait3A_501 = arith.constant 0 : i32
          %dma_wait3A_502 = tpu.memref_slice %arg8[%dma_wait3A_500, %dma_wait3A_501] : memref<16512x128xf32, #tpu.memory_space<hbm>> -> memref<16512x128xf32, #tpu.memory_space<hbm>>
          tpu.wait_indirect_dma semaphore(%arg25 : memref<!tpu.dma_semaphore, #tpu.memory_space<semaphore_mem>>) src(%arg23 : memref<128x128xf32, #tpu.memory_space<vmem>>) dst(%dma_wait3A_502 : memref<16512x128xf32, #tpu.memory_space<hbm>>)
          %swap3A_503 = arith.constant 0 : i32
          %swap3A_504 = arith.index_cast %swap3A_503 : i32 to index
          %swap3A_505 = arith.constant 0 : index
          %swap3A_506 = tpu.vector_load %arg24[%swap3A_504, %swap3A_505] {strides = array<i32>} : memref<1x128xi32, #tpu.memory_space<vmem>>, vector<16xi32>,
          tpu.vector_store %arg24[%swap3A_504, %swap3A_505], %broadcast_in_dim3A_3 {strides = array<i32>} : memref<1x128xi32, #tpu.memory_space<vmem>>, vector<16xi32>,
          %swap3A_507 = arith.constant 0 : i32
          %swap3A_508 = arith.index_cast %swap3A_507 : i32 to index
          %swap3A_509 = arith.constant 16 : index
          %swap3A_510 = tpu.vector_load %arg24[%swap3A_508, %swap3A_509] {strides = array<i32>} : memref<1x128xi32, #tpu.memory_space<vmem>>, vector<16xi32>,
          tpu.vector_store %arg24[%swap3A_508, %swap3A_509], %broadcast_in_dim3A_3 {strides = array<i32>} : memref<1x128xi32, #tpu.memory_space<vmem>>, vector<16xi32>,
          %swap3A_511 = arith.constant 0 : i32
          %swap3A_512 = arith.index_cast %swap3A_511 : i32 to index
          %swap3A_513 = arith.constant 32 : index
          %swap3A_514 = tpu.vector_load %arg24[%swap3A_512, %swap3A_513] {strides = array<i32>} : memref<1x128xi32, #tpu.memory_space<vmem>>, vector<16xi32>,
          tpu.vector_store %arg24[%swap3A_512, %swap3A_513], %broadcast_in_dim3A_3 {strides = array<i32>} : memref<1x128xi32, #tpu.memory_space<vmem>>, vector<16xi32>,
          %swap3A_515 = arith.constant 0 : i32
          %swap3A_516 = arith.index_cast %swap3A_515 : i32 to index
          %swap3A_517 = arith.constant 48 : index
          %swap3A_518 = tpu.vector_load %arg24[%swap3A_516, %swap3A_517] {strides = array<i32>} : memref<1x128xi32, #tpu.memory_space<vmem>>, vector<16xi32>,
          tpu.vector_store %arg24[%swap3A_516, %swap3A_517], %broadcast_in_dim3A_3 {strides = array<i32>} : memref<1x128xi32, #tpu.memory_space<vmem>>, vector<16xi32>,
          %swap3A_519 = arith.constant 0 : i32
          %swap3A_520 = arith.index_cast %swap3A_519 : i32 to index
          %swap3A_521 = arith.constant 64 : index
          %swap3A_522 = tpu.vector_load %arg24[%swap3A_520, %swap3A_521] {strides = array<i32>} : memref<1x128xi32, #tpu.memory_space<vmem>>, vector<16xi32>,
          tpu.vector_store %arg24[%swap3A_520, %swap3A_521], %broadcast_in_dim3A_3 {strides = array<i32>} : memref<1x128xi32, #tpu.memory_space<vmem>>, vector<16xi32>,
          %swap3A_523 = arith.constant 0 : i32
          %swap3A_524 = arith.index_cast %swap3A_523 : i32 to index
          %swap3A_525 = arith.constant 80 : index
          %swap3A_526 = tpu.vector_load %arg24[%swap3A_524, %swap3A_525] {strides = array<i32>} : memref<1x128xi32, #tpu.memory_space<vmem>>, vector<16xi32>,
          tpu.vector_store %arg24[%swap3A_524, %swap3A_525], %broadcast_in_dim3A_3 {strides = array<i32>} : memref<1x128xi32, #tpu.memory_space<vmem>>, vector<16xi32>,
          %swap3A_527 = arith.constant 0 : i32
          %swap3A_528 = arith.index_cast %swap3A_527 : i32 to index
          %swap3A_529 = arith.constant 96 : index
          %swap3A_530 = tpu.vector_load %arg24[%swap3A_528, %swap3A_529] {strides = array<i32>} : memref<1x128xi32, #tpu.memory_space<vmem>>, vector<16xi32>,
          tpu.vector_store %arg24[%swap3A_528, %swap3A_529], %broadcast_in_dim3A_3 {strides = array<i32>} : memref<1x128xi32, #tpu.memory_space<vmem>>, vector<16xi32>,
          %swap3A_531 = arith.constant 0 : i32
          %swap3A_532 = arith.index_cast %swap3A_531 : i32 to index
          %swap3A_533 = arith.constant 112 : index
          %swap3A_534 = tpu.vector_load %arg24[%swap3A_532, %swap3A_533] {strides = array<i32>} : memref<1x128xi32, #tpu.memory_space<vmem>>, vector<16xi32>,
          tpu.vector_store %arg24[%swap3A_532, %swap3A_533], %broadcast_in_dim3A_3 {strides = array<i32>} : memref<1x128xi32, #tpu.memory_space<vmem>>, vector<16xi32>,
          %cond3A_535 = arith.constant 0 : i32
          scf.yield %cond3A_535 : i32
        } else {
          %cond3A_491 = arith.constant 0 : i32
          scf.yield %cond3A_491 : i32
        }
        scf.yield %add3A_481 : i32
      }
      %while3A_427 = arith.constant 1 : i32
      %while3A_428 = scf.for %while3A_429 = %while3A_424 to %while3A_420 step %while3A_427 iter_args(%while3A_430 = %while3A_426) -> (i32)  : i32 {
        %add3A_431 = arith.addi %sub3A_417, %while3A_429 : i32
        %get3A_432 = arith.index_cast %add3A_431 : i32 to index
        %get3A_433 = tpu.vector_load %arg10[%get3A_432] {strides = array<i32>} : memref<16400xi32, #tpu.memory_space<vmem>>, vector<16xi32>,
        %slice3A_434 = vector.extract_strided_slice %get3A_433 {offsets = [0], sizes = [1], strides = [1]} : vector<16xi32> to vector<1xi32>
        %squeeze3A_435 = vector.extract %slice3A_434[0] : i32 from vector<1xi32>
        %shift_right_logical3A = arith.constant 14 : i32
        %shift_right_logical3A_436 = arith.shrui %squeeze3A_435, %shift_right_logical3A : i32
        %and3A_437 = arith.constant 255 : i32
        %and3A_438 = arith.andi %shift_right_logical3A_436, %and3A_437 : i32
        %and3A_439 = arith.constant 16383 : i32
        %and3A_440 = arith.andi %squeeze3A_435, %and3A_439 : i32
        %and3A_441 = arith.constant 127 : i32
        %and3A_442 = arith.andi %while3A_430, %and3A_441 : i32
        %broadcast_in_dim3A_443 = vector.broadcast %and3A_438 : i32 to vector<16xi32>
        %add3A_444 = arith.constant 0 : i32
        %add3A_445 = vector.broadcast %add3A_444 : i32 to vector<16xi32>
        %add3A_446 = arith.addi %iota3A, %add3A_445 : vector<16xi32>
        %gather3A = tpu.vector_load_idx %arg21[%add3A_446, %broadcast_in_dim3A_443] : memref<64x64xf32, #tpu.memory_space<vmem>>[vector<16xi32>, vector<16xi32>], vector<16xf32>,
        %swap3A_447 = arith.index_cast %and3A_442 : i32 to index
        %swap3A_448 = arith.constant 0 : index
        %swap3A_449 = tpu.vector_load %arg23[%swap3A_447, %swap3A_448] {strides = array<i32>} : memref<128x128xf32, #tpu.memory_space<vmem>>, vector<16xf32>,
        tpu.vector_store %arg23[%swap3A_447, %swap3A_448], %gather3A {strides = array<i32>} : memref<128x128xf32, #tpu.memory_space<vmem>>, vector<16xf32>,
        %add3A_450 = arith.constant 16 : i32
        %add3A_451 = vector.broadcast %add3A_450 : i32 to vector<16xi32>
        %add3A_452 = arith.addi %iota3A, %add3A_451 : vector<16xi32>
        %gather3A_453 = tpu.vector_load_idx %arg21[%add3A_452, %broadcast_in_dim3A_443] : memref<64x64xf32, #tpu.memory_space<vmem>>[vector<16xi32>, vector<16xi32>], vector<16xf32>,
        %swap3A_454 = arith.index_cast %and3A_442 : i32 to index
        %swap3A_455 = arith.constant 16 : index
        %swap3A_456 = tpu.vector_load %arg23[%swap3A_454, %swap3A_455] {strides = array<i32>} : memref<128x128xf32, #tpu.memory_space<vmem>>, vector<16xf32>,
        tpu.vector_store %arg23[%swap3A_454, %swap3A_455], %gather3A_453 {strides = array<i32>} : memref<128x128xf32, #tpu.memory_space<vmem>>, vector<16xf32>,
        %add3A_457 = arith.constant 32 : i32
        %add3A_458 = vector.broadcast %add3A_457 : i32 to vector<16xi32>
        %add3A_459 = arith.addi %iota3A, %add3A_458 : vector<16xi32>
        %gather3A_460 = tpu.vector_load_idx %arg21[%add3A_459, %broadcast_in_dim3A_443] : memref<64x64xf32, #tpu.memory_space<vmem>>[vector<16xi32>, vector<16xi32>], vector<16xf32>,
        %swap3A_461 = arith.index_cast %and3A_442 : i32 to index
        %swap3A_462 = arith.constant 32 : index
        %swap3A_463 = tpu.vector_load %arg23[%swap3A_461, %swap3A_462] {strides = array<i32>} : memref<128x128xf32, #tpu.memory_space<vmem>>, vector<16xf32>,
        tpu.vector_store %arg23[%swap3A_461, %swap3A_462], %gather3A_460 {strides = array<i32>} : memref<128x128xf32, #tpu.memory_space<vmem>>, vector<16xf32>,
        %add3A_464 = arith.constant 48 : i32
        %add3A_465 = vector.broadcast %add3A_464 : i32 to vector<16xi32>
        %add3A_466 = arith.addi %iota3A, %add3A_465 : vector<16xi32>
        %gather3A_467 = tpu.vector_load_idx %arg21[%add3A_466, %broadcast_in_dim3A_443] : memref<64x64xf32, #tpu.memory_space<vmem>>[vector<16xi32>, vector<16xi32>], vector<16xf32>,
        %swap3A_468 = arith.index_cast %and3A_442 : i32 to index
        %swap3A_469 = arith.constant 48 : index
        %swap3A_470 = tpu.vector_load %arg23[%swap3A_468, %swap3A_469] {strides = array<i32>} : memref<128x128xf32, #tpu.memory_space<vmem>>, vector<16xf32>,
        tpu.vector_store %arg23[%swap3A_468, %swap3A_469], %gather3A_467 {strides = array<i32>} : memref<128x128xf32, #tpu.memory_space<vmem>>, vector<16xf32>,
        %gather3A_471 = tpu.vector_load_idx %arg22[%broadcast_in_dim3A_443] : memref<64xf32, #tpu.memory_space<vmem>>[vector<16xi32>], vector<16xf32>,
        %swap3A_472 = arith.index_cast %and3A_442 : i32 to index
        %swap3A_473 = arith.constant 64 : index
        %swap3A_474 = tpu.vector_load %arg23[%swap3A_472, %swap3A_473] {strides = array<i32>} : memref<128x128xf32, #tpu.memory_space<vmem>>, vector<16xf32>,
        tpu.vector_store %arg23[%swap3A_472, %swap3A_473], %gather3A_471 {strides = array<i32>} : memref<128x128xf32, #tpu.memory_space<vmem>>, vector<16xf32>,
        %broadcast_in_dim3A_475 = vector.broadcast %and3A_442 : i32 to vector<16xi32>
        %broadcast_in_dim3A_476 = vector.broadcast %and3A_440 : i32 to vector<16xi32>
        %scatter3A = arith.constant 0 : i32
        %scatter3A_477 = arith.constant 0 : i32
        %scatter3A_478 = tpu.memref_slice %arg24[%scatter3A, %scatter3A_477] : memref<1x128xi32, #tpu.memory_space<vmem>> -> memref<1x128xi32, #tpu.memory_space<vmem>>
        %scatter3A_479 = tpu.memref_squeeze %scatter3A_478 : memref<1x128xi32, #tpu.memory_space<vmem>> -> memref<128xi32, #tpu.memory_space<vmem>>
        tpu.vector_store_idx %scatter3A_479[%broadcast_in_dim3A_475], %broadcast_in_dim3A_476 masked %eq3A_2 : memref<128xi32, #tpu.memory_space<vmem>>[vector<16xi32>], vector<16xi32>, vector<16xi1>
        %add3A_480 = arith.constant 1 : i32
        %add3A_481 = arith.addi %while3A_430, %add3A_480 : i32
        %and3A_482 = arith.constant 127 : i32
        %and3A_483 = arith.andi %add3A_481, %and3A_482 : i32
        %eq3A_484 = arith.constant 0 : i32
        %eq3A_485 = arith.cmpi eq, %and3A_483, %eq3A_484 : i32
        %convert_element_type3A_486 = arith.extui %eq3A_485 : i1 to i32
        %cond3A_487 = arith.constant 0 : i32
        %cond3A_488 = arith.constant 0 : i32
        %cond3A_489 = arith.cmpi ne, %convert_element_type3A_486, %cond3A_488 : i32
        %cond3A_490 = scf.if %cond3A_489 -> (i32) {
          %dma_start3A = arith.constant 0 : i32
          %dma_start3A_491 = arith.constant 0 : i32
          %dma_start3A_492 = tpu.memref_slice %arg24[%dma_start3A, %dma_start3A_491] : memref<1x128xi32, #tpu.memory_space<vmem>> -> memref<1x128xi32, #tpu.memory_space<vmem>>
          %dma_start3A_493 = tpu.memref_squeeze %dma_start3A_492 : memref<1x128xi32, #tpu.memory_space<vmem>> -> memref<128xi32, #tpu.memory_space<vmem>>
          %dma_start3A_494 = arith.constant 0 : i32
          %dma_start3A_495 = arith.constant 0 : i32
          %dma_start3A_496 = tpu.memref_slice %arg8[%dma_start3A_494, %dma_start3A_495] : memref<16512x128xf32, #tpu.memory_space<hbm>> -> memref<16512x128xf32, #tpu.memory_space<hbm>>
          tpu.enqueue_indirect_dma source(%arg23 : memref<128x128xf32, #tpu.memory_space<vmem>>) target(%dma_start3A_496 : memref<16512x128xf32, #tpu.memory_space<hbm>>) offsets(%dma_start3A_493 : memref<128xi32, #tpu.memory_space<vmem>>) semaphore(%arg25 : memref<!tpu.dma_semaphore, #tpu.memory_space<semaphore_mem>>)
          %dma_wait3A = arith.constant 0 : i32
          %dma_wait3A_497 = arith.constant 0 : i32
          %dma_wait3A_498 = tpu.memref_slice %arg24[%dma_wait3A, %dma_wait3A_497] : memref<1x128xi32, #tpu.memory_space<vmem>> -> memref<1x128xi32, #tpu.memory_space<vmem>>
          %dma_wait3A_499 = tpu.memref_squeeze %dma_wait3A_498 : memref<1x128xi32, #tpu.memory_space<vmem>> -> memref<128xi32, #tpu.memory_space<vmem>>
          %dma_wait3A_500 = arith.constant 0 : i32
          %dma_wait3A_501 = arith.constant 0 : i32
          %dma_wait3A_502 = tpu.memref_slice %arg8[%dma_wait3A_500, %dma_wait3A_501] : memref<16512x128xf32, #tpu.memory_space<hbm>> -> memref<16512x128xf32, #tpu.memory_space<hbm>>
          tpu.wait_indirect_dma semaphore(%arg25 : memref<!tpu.dma_semaphore, #tpu.memory_space<semaphore_mem>>) src(%arg23 : memref<128x128xf32, #tpu.memory_space<vmem>>) dst(%dma_wait3A_502 : memref<16512x128xf32, #tpu.memory_space<hbm>>)
          %swap3A_503 = arith.constant 0 : i32
          %swap3A_504 = arith.index_cast %swap3A_503 : i32 to index
          %swap3A_505 = arith.constant 0 : index
          %swap3A_506 = tpu.vector_load %arg24[%swap3A_504, %swap3A_505] {strides = array<i32>} : memref<1x128xi32, #tpu.memory_space<vmem>>, vector<16xi32>,
          tpu.vector_store %arg24[%swap3A_504, %swap3A_505], %broadcast_in_dim3A_3 {strides = array<i32>} : memref<1x128xi32, #tpu.memory_space<vmem>>, vector<16xi32>,
          %swap3A_507 = arith.constant 0 : i32
          %swap3A_508 = arith.index_cast %swap3A_507 : i32 to index
          %swap3A_509 = arith.constant 16 : index
          %swap3A_510 = tpu.vector_load %arg24[%swap3A_508, %swap3A_509] {strides = array<i32>} : memref<1x128xi32, #tpu.memory_space<vmem>>, vector<16xi32>,
          tpu.vector_store %arg24[%swap3A_508, %swap3A_509], %broadcast_in_dim3A_3 {strides = array<i32>} : memref<1x128xi32, #tpu.memory_space<vmem>>, vector<16xi32>,
          %swap3A_511 = arith.constant 0 : i32
          %swap3A_512 = arith.index_cast %swap3A_511 : i32 to index
          %swap3A_513 = arith.constant 32 : index
          %swap3A_514 = tpu.vector_load %arg24[%swap3A_512, %swap3A_513] {strides = array<i32>} : memref<1x128xi32, #tpu.memory_space<vmem>>, vector<16xi32>,
          tpu.vector_store %arg24[%swap3A_512, %swap3A_513], %broadcast_in_dim3A_3 {strides = array<i32>} : memref<1x128xi32, #tpu.memory_space<vmem>>, vector<16xi32>,
          %swap3A_515 = arith.constant 0 : i32
          %swap3A_516 = arith.index_cast %swap3A_515 : i32 to index
          %swap3A_517 = arith.constant 48 : index
          %swap3A_518 = tpu.vector_load %arg24[%swap3A_516, %swap3A_517] {strides = array<i32>} : memref<1x128xi32, #tpu.memory_space<vmem>>, vector<16xi32>,
          tpu.vector_store %arg24[%swap3A_516, %swap3A_517], %broadcast_in_dim3A_3 {strides = array<i32>} : memref<1x128xi32, #tpu.memory_space<vmem>>, vector<16xi32>,
          %swap3A_519 = arith.constant 0 : i32
          %swap3A_520 = arith.index_cast %swap3A_519 : i32 to index
          %swap3A_521 = arith.constant 64 : index
          %swap3A_522 = tpu.vector_load %arg24[%swap3A_520, %swap3A_521] {strides = array<i32>} : memref<1x128xi32, #tpu.memory_space<vmem>>, vector<16xi32>,
          tpu.vector_store %arg24[%swap3A_520, %swap3A_521], %broadcast_in_dim3A_3 {strides = array<i32>} : memref<1x128xi32, #tpu.memory_space<vmem>>, vector<16xi32>,
          %swap3A_523 = arith.constant 0 : i32
          %swap3A_524 = arith.index_cast %swap3A_523 : i32 to index
          %swap3A_525 = arith.constant 80 : index
          %swap3A_526 = tpu.vector_load %arg24[%swap3A_524, %swap3A_525] {strides = array<i32>} : memref<1x128xi32, #tpu.memory_space<vmem>>, vector<16xi32>,
          tpu.vector_store %arg24[%swap3A_524, %swap3A_525], %broadcast_in_dim3A_3 {strides = array<i32>} : memref<1x128xi32, #tpu.memory_space<vmem>>, vector<16xi32>,
          %swap3A_527 = arith.constant 0 : i32
          %swap3A_528 = arith.index_cast %swap3A_527 : i32 to index
          %swap3A_529 = arith.constant 96 : index
          %swap3A_530 = tpu.vector_load %arg24[%swap3A_528, %swap3A_529] {strides = array<i32>} : memref<1x128xi32, #tpu.memory_space<vmem>>, vector<16xi32>,
          tpu.vector_store %arg24[%swap3A_528, %swap3A_529], %broadcast_in_dim3A_3 {strides = array<i32>} : memref<1x128xi32, #tpu.memory_space<vmem>>, vector<16xi32>,
          %swap3A_531 = arith.constant 0 : i32
          %swap3A_532 = arith.index_cast %swap3A_531 : i32 to index
          %swap3A_533 = arith.constant 112 : index
          %swap3A_534 = tpu.vector_load %arg24[%swap3A_532, %swap3A_533] {strides = array<i32>} : memref<1x128xi32, #tpu.memory_space<vmem>>, vector<16xi32>,
          tpu.vector_store %arg24[%swap3A_532, %swap3A_533], %broadcast_in_dim3A_3 {strides = array<i32>} : memref<1x128xi32, #tpu.memory_space<vmem>>, vector<16xi32>,
          %cond3A_535 = arith.constant 0 : i32
          scf.yield %cond3A_535 : i32
        } else {
          %cond3A_491 = arith.constant 0 : i32
          scf.yield %cond3A_491 : i32
        }
        scf.yield %add3A_481 : i32
      }
      scf.yield %while3A_428 : i32
    } else {
      scf.yield %scan3A_184 : i32
    }
    %and3A = arith.constant 127 : i32
    %and3A_192 = arith.andi %cond3A_191, %and3A : i32
    %ne3A = arith.constant 0 : i32
    %ne3A_193 = arith.cmpi ne, %and3A_192, %ne3A : i32
    %convert_element_type3A_194 = arith.extui %ne3A_193 : i1 to i32
    %cond3A_195 = arith.constant 0 : i32
    %cond3A_196 = arith.constant 0 : i32
    %cond3A_197 = arith.cmpi ne, %convert_element_type3A_194, %cond3A_196 : i32
    %cond3A_198 = scf.if %cond3A_197 -> (i32) {
      %dma_start3A = arith.constant 0 : i32
      %dma_start3A_407 = arith.constant 0 : i32
      %dma_start3A_408 = tpu.memref_slice %arg24[%dma_start3A, %dma_start3A_407] : memref<1x128xi32, #tpu.memory_space<vmem>> -> memref<1x128xi32, #tpu.memory_space<vmem>>
      %dma_start3A_409 = tpu.memref_squeeze %dma_start3A_408 : memref<1x128xi32, #tpu.memory_space<vmem>> -> memref<128xi32, #tpu.memory_space<vmem>>
      %dma_start3A_410 = arith.constant 0 : i32
      %dma_start3A_411 = arith.constant 0 : i32
      %dma_start3A_412 = tpu.memref_slice %arg8[%dma_start3A_410, %dma_start3A_411] : memref<16512x128xf32, #tpu.memory_space<hbm>> -> memref<16512x128xf32, #tpu.memory_space<hbm>>
      tpu.enqueue_indirect_dma source(%arg23 : memref<128x128xf32, #tpu.memory_space<vmem>>) target(%dma_start3A_412 : memref<16512x128xf32, #tpu.memory_space<hbm>>) offsets(%dma_start3A_409 : memref<128xi32, #tpu.memory_space<vmem>>) semaphore(%arg25 : memref<!tpu.dma_semaphore, #tpu.memory_space<semaphore_mem>>)
      %dma_wait3A = arith.constant 0 : i32
      %dma_wait3A_413 = arith.constant 0 : i32
      %dma_wait3A_414 = tpu.memref_slice %arg24[%dma_wait3A, %dma_wait3A_413] : memref<1x128xi32, #tpu.memory_space<vmem>> -> memref<1x128xi32, #tpu.memory_space<vmem>>
      %dma_wait3A_415 = tpu.memref_squeeze %dma_wait3A_414 : memref<1x128xi32, #tpu.memory_space<vmem>> -> memref<128xi32, #tpu.memory_space<vmem>>
      %dma_wait3A_416 = arith.constant 0 : i32
      %dma_wait3A_417 = arith.constant 0 : i32
      %dma_wait3A_418 = tpu.memref_slice %arg8[%dma_wait3A_416, %dma_wait3A_417] : memref<16512x128xf32, #tpu.memory_space<hbm>> -> memref<16512x128xf32, #tpu.memory_space<hbm>>
      tpu.wait_indirect_dma semaphore(%arg25 : memref<!tpu.dma_semaphore, #tpu.memory_space<semaphore_mem>>) src(%arg23 : memref<128x128xf32, #tpu.memory_space<vmem>>) dst(%dma_wait3A_418 : memref<16512x128xf32, #tpu.memory_space<hbm>>)
      %cond3A_419 = arith.constant 0 : i32
      scf.yield %cond3A_419 : i32
    } else {
      %cond3A_407 = arith.constant 0 : i32
      scf.yield %cond3A_407 : i32
    }
    %swap3A_199 = arith.constant 0 : i32
    %swap3A_200 = arith.index_cast %swap3A_199 : i32 to index
    %swap3A_201 = arith.constant 0 : index
    %swap3A_202 = tpu.vector_load %arg24[%swap3A_200, %swap3A_201] {strides = array<i32>} : memref<1x128xi32, #tpu.memory_space<vmem>>, vector<16xi32>,
    tpu.vector_store %arg24[%swap3A_200, %swap3A_201], %broadcast_in_dim3A_3 {strides = array<i32>} : memref<1x128xi32, #tpu.memory_space<vmem>>, vector<16xi32>,
    %swap3A_203 = arith.constant 0 : i32
    %swap3A_204 = arith.index_cast %swap3A_203 : i32 to index
    %swap3A_205 = arith.constant 16 : index
    %swap3A_206 = tpu.vector_load %arg24[%swap3A_204, %swap3A_205] {strides = array<i32>} : memref<1x128xi32, #tpu.memory_space<vmem>>, vector<16xi32>,
    tpu.vector_store %arg24[%swap3A_204, %swap3A_205], %broadcast_in_dim3A_3 {strides = array<i32>} : memref<1x128xi32, #tpu.memory_space<vmem>>, vector<16xi32>,
    %swap3A_207 = arith.constant 0 : i32
    %swap3A_208 = arith.index_cast %swap3A_207 : i32 to index
    %swap3A_209 = arith.constant 32 : index
    %swap3A_210 = tpu.vector_load %arg24[%swap3A_208, %swap3A_209] {strides = array<i32>} : memref<1x128xi32, #tpu.memory_space<vmem>>, vector<16xi32>,
    tpu.vector_store %arg24[%swap3A_208, %swap3A_209], %broadcast_in_dim3A_3 {strides = array<i32>} : memref<1x128xi32, #tpu.memory_space<vmem>>, vector<16xi32>,
    %swap3A_211 = arith.constant 0 : i32
    %swap3A_212 = arith.index_cast %swap3A_211 : i32 to index
    %swap3A_213 = arith.constant 48 : index
    %swap3A_214 = tpu.vector_load %arg24[%swap3A_212, %swap3A_213] {strides = array<i32>} : memref<1x128xi32, #tpu.memory_space<vmem>>, vector<16xi32>,
    tpu.vector_store %arg24[%swap3A_212, %swap3A_213], %broadcast_in_dim3A_3 {strides = array<i32>} : memref<1x128xi32, #tpu.memory_space<vmem>>, vector<16xi32>,
    %swap3A_215 = arith.constant 0 : i32
    %swap3A_216 = arith.index_cast %swap3A_215 : i32 to index
    %swap3A_217 = arith.constant 64 : index
    %swap3A_218 = tpu.vector_load %arg24[%swap3A_216, %swap3A_217] {strides = array<i32>} : memref<1x128xi32, #tpu.memory_space<vmem>>, vector<16xi32>,
    tpu.vector_store %arg24[%swap3A_216, %swap3A_217], %broadcast_in_dim3A_3 {strides = array<i32>} : memref<1x128xi32, #tpu.memory_space<vmem>>, vector<16xi32>,
    %swap3A_219 = arith.constant 0 : i32
    %swap3A_220 = arith.index_cast %swap3A_219 : i32 to index
    %swap3A_221 = arith.constant 80 : index
    %swap3A_222 = tpu.vector_load %arg24[%swap3A_220, %swap3A_221] {strides = array<i32>} : memref<1x128xi32, #tpu.memory_space<vmem>>, vector<16xi32>,
    tpu.vector_store %arg24[%swap3A_220, %swap3A_221], %broadcast_in_dim3A_3 {strides = array<i32>} : memref<1x128xi32, #tpu.memory_space<vmem>>, vector<16xi32>,
    %swap3A_223 = arith.constant 0 : i32
    %swap3A_224 = arith.index_cast %swap3A_223 : i32 to index
    %swap3A_225 = arith.constant 96 : index
    %swap3A_226 = tpu.vector_load %arg24[%swap3A_224, %swap3A_225] {strides = array<i32>} : memref<1x128xi32, #tpu.memory_space<vmem>>, vector<16xi32>,
    tpu.vector_store %arg24[%swap3A_224, %swap3A_225], %broadcast_in_dim3A_3 {strides = array<i32>} : memref<1x128xi32, #tpu.memory_space<vmem>>, vector<16xi32>,
    %swap3A_227 = arith.constant 0 : i32
    %swap3A_228 = arith.index_cast %swap3A_227 : i32 to index
    %swap3A_229 = arith.constant 112 : index
    %swap3A_230 = tpu.vector_load %arg24[%swap3A_228, %swap3A_229] {strides = array<i32>} : memref<1x128xi32, #tpu.memory_space<vmem>>, vector<16xi32>,
    tpu.vector_store %arg24[%swap3A_228, %swap3A_229], %broadcast_in_dim3A_3 {strides = array<i32>} : memref<1x128xi32, #tpu.memory_space<vmem>>, vector<16xi32>,
    %add3A_231 = arith.constant 0 : i32
    %add3A_232 = arith.addi %add3A, %add3A_231 : i32
    %lt3A_233 = arith.constant 3906 : i32
    %lt3A_234 = arith.cmpi slt, %add3A_232, %lt3A_233 : i32
    %convert_element_type3A_235 = arith.extui %lt3A_234 : i1 to i32
    %cond3A_236 = arith.constant 0 : i32
    %cond3A_237 = arith.constant 0 : i32
    %cond3A_238 = arith.cmpi ne, %convert_element_type3A_235, %cond3A_237 : i32
    %cond3A_239 = scf.if %cond3A_238 -> (i32) {
      %add3A_407 = arith.constant 0 : i32
      %add3A_408 = arith.addi %add3A, %add3A_407 : i32
      %mul3A_409 = arith.constant 256 : i32
      %mul3A_410 = arith.muli %add3A_408, %mul3A_409 : i32
      %multiple_of3A = tpu.assume_multiple %mul3A_410, 256 : i32
      %dma_start3A = arith.constant 0 : i32
      %dma_start3A_411 = tpu.memref_slice %arg5[%dma_start3A, %multiple_of3A] : memref<64x1000000xf32, #tpu.memory_space<hbm>> -> memref<64x256xf32, #tpu.memory_space<hbm>>
      %dma_start3A_412 = arith.constant 0 : i32
      %dma_start3A_413 = tpu.memref_slice %arg5[%dma_start3A_412, %multiple_of3A] : memref<64x1000000xf32, #tpu.memory_space<hbm>> -> memref<64x256xf32, #tpu.memory_space<hbm>>
      tpu.enqueue_dma source(%dma_start3A_413 : memref<64x256xf32, #tpu.memory_space<hbm>>) target(%arg15 : memref<64x256xf32, #tpu.memory_space<vmem>>) target_semaphore(%arg26 : memref<!tpu.dma_semaphore, #tpu.memory_space<semaphore_mem>>)
      %dma_start3A_414 = tpu.memref_slice %arg7[%multiple_of3A] : memref<1000000xf32, #tpu.memory_space<hbm>> -> memref<256xf32, #tpu.memory_space<hbm>>
      %dma_start3A_415 = tpu.memref_slice %arg7[%multiple_of3A] : memref<1000000xf32, #tpu.memory_space<hbm>> -> memref<256xf32, #tpu.memory_space<hbm>>
      tpu.enqueue_dma source(%dma_start3A_415 : memref<256xf32, #tpu.memory_space<hbm>>) target(%arg18 : memref<256xf32, #tpu.memory_space<vmem>>) target_semaphore(%arg26 : memref<!tpu.dma_semaphore, #tpu.memory_space<semaphore_mem>>)
      %cond3A_416 = arith.constant 0 : i32
      scf.yield %cond3A_416 : i32
    } else {
      %cond3A_407 = arith.constant 0 : i32
      scf.yield %cond3A_407 : i32
    }
    %add3A_240 = arith.constant 32 : i32
    %add3A_241 = arith.addi %add3A, %add3A_240 : i32
    %lt3A_242 = arith.constant 3906 : i32
    %lt3A_243 = arith.cmpi slt, %add3A_241, %lt3A_242 : i32
    %convert_element_type3A_244 = arith.extui %lt3A_243 : i1 to i32
    %cond3A_245 = arith.constant 0 : i32
    %cond3A_246 = arith.constant 0 : i32
    %cond3A_247 = arith.cmpi ne, %convert_element_type3A_244, %cond3A_246 : i32
    %cond3A_248 = scf.if %cond3A_247 -> (i32) {
      %add3A_407 = arith.constant 32 : i32
      %add3A_408 = arith.addi %add3A, %add3A_407 : i32
      %mul3A_409 = arith.constant 256 : i32
      %mul3A_410 = arith.muli %add3A_408, %mul3A_409 : i32
      %multiple_of3A = tpu.assume_multiple %mul3A_410, 256 : i32
      %dma_start3A = arith.constant 0 : i32
      %dma_start3A_411 = tpu.memref_slice %arg5[%dma_start3A, %multiple_of3A] : memref<64x1000000xf32, #tpu.memory_space<hbm>> -> memref<64x256xf32, #tpu.memory_space<hbm>>
      %dma_start3A_412 = arith.constant 0 : i32
      %dma_start3A_413 = tpu.memref_slice %arg5[%dma_start3A_412, %multiple_of3A] : memref<64x1000000xf32, #tpu.memory_space<hbm>> -> memref<64x256xf32, #tpu.memory_space<hbm>>
      tpu.enqueue_dma source(%dma_start3A_413 : memref<64x256xf32, #tpu.memory_space<hbm>>) target(%arg16 : memref<64x256xf32, #tpu.memory_space<vmem>>) target_semaphore(%arg27 : memref<!tpu.dma_semaphore, #tpu.memory_space<semaphore_mem>>)
      %dma_start3A_414 = tpu.memref_slice %arg7[%multiple_of3A] : memref<1000000xf32, #tpu.memory_space<hbm>> -> memref<256xf32, #tpu.memory_space<hbm>>
      %dma_start3A_415 = tpu.memref_slice %arg7[%multiple_of3A] : memref<1000000xf32, #tpu.memory_space<hbm>> -> memref<256xf32, #tpu.memory_space<hbm>>
      tpu.enqueue_dma source(%dma_start3A_415 : memref<256xf32, #tpu.memory_space<hbm>>) target(%arg19 : memref<256xf32, #tpu.memory_space<vmem>>) target_semaphore(%arg27 : memref<!tpu.dma_semaphore, #tpu.memory_space<semaphore_mem>>)
      %cond3A_416 = arith.constant 0 : i32
      scf.yield %cond3A_416 : i32
    } else {
      %cond3A_407 = arith.constant 0 : i32
      scf.yield %cond3A_407 : i32
    }
    "tpu.region"() ({
      %run_scoped3A = tpu.sem_alloc : memref<!tpu.dma_semaphore, #tpu.memory_space<semaphore_mem>>
      %dma_start3A = arith.constant 0 : i32
      %dma_start3A_407 = tpu.memref_slice %arg10[%dma_start3A] : memref<16400xi32, #tpu.memory_space<vmem>> -> memref<16384xi32, #tpu.memory_space<vmem>>
      %dma_start3A_408 = arith.constant 0 : i32
      %dma_start3A_409 = tpu.memref_slice %arg10[%dma_start3A_408] : memref<16400xi32, #tpu.memory_space<vmem>> -> memref<16384xi32, #tpu.memory_space<vmem>>
      tpu.enqueue_dma source(%arg3 : memref<16384xi32, #tpu.memory_space<hbm>>) target(%dma_start3A_409 : memref<16384xi32, #tpu.memory_space<vmem>>) target_semaphore(%run_scoped3A : memref<!tpu.dma_semaphore, #tpu.memory_space<semaphore_mem>>)
      %dma_wait3A = arith.constant 0 : i32
      %dma_wait3A_410 = tpu.memref_slice %arg10[%dma_wait3A] : memref<16400xi32, #tpu.memory_space<vmem>> -> memref<16384xi32, #tpu.memory_space<vmem>>
      %dma_wait3A_411 = arith.constant 0 : i32
      %dma_wait3A_412 = tpu.memref_slice %arg10[%dma_wait3A_411] : memref<16400xi32, #tpu.memory_space<vmem>> -> memref<16384xi32, #tpu.memory_space<vmem>>
      tpu.wait_dma2 semaphore(%run_scoped3A : memref<!tpu.dma_semaphore, #tpu.memory_space<semaphore_mem>>) src(%arg3 : memref<16384xi32, #tpu.memory_space<hbm>>) dst(%dma_wait3A_412 : memref<16384xi32, #tpu.memory_space<vmem>>)
      tpu.yield
    }) : () -> ()
    %broadcast_in_dim3A_249 = arith.constant 0 : i32
    %broadcast_in_dim3A_250 = vector.broadcast %broadcast_in_dim3A_249 : i32 to vector<16xi32>
    %broadcast_in_dim3A_251 = arith.constant 1 : i32
    %broadcast_in_dim3A_252 = vector.broadcast %broadcast_in_dim3A_251 : i32 to vector<16xi32>
    %swap3A_253 = arith.constant 0 : index
    %swap3A_254 = tpu.vector_load %arg11[%swap3A_253] {strides = array<i32>} : memref<144xi32, #tpu.memory_space<vmem>>, vector<16xi32>,
    tpu.vector_store %arg11[%swap3A_253], %broadcast_in_dim3A_250 {strides = array<i32>} : memref<144xi32, #tpu.memory_space<vmem>>, vector<16xi32>,
    %swap3A_255 = arith.constant 16 : index
    %swap3A_256 = tpu.vector_load %arg11[%swap3A_255] {strides = array<i32>} : memref<144xi32, #tpu.memory_space<vmem>>, vector<16xi32>,
    tpu.vector_store %arg11[%swap3A_255], %broadcast_in_dim3A_250 {strides = array<i32>} : memref<144xi32, #tpu.memory_space<vmem>>, vector<16xi32>,
    %swap3A_257 = arith.constant 32 : index
    %swap3A_258 = tpu.vector_load %arg11[%swap3A_257] {strides = array<i32>} : memref<144xi32, #tpu.memory_space<vmem>>, vector<16xi32>,
    tpu.vector_store %arg11[%swap3A_257], %broadcast_in_dim3A_250 {strides = array<i32>} : memref<144xi32, #tpu.memory_space<vmem>>, vector<16xi32>,
    %swap3A_259 = arith.constant 48 : index
    %swap3A_260 = tpu.vector_load %arg11[%swap3A_259] {strides = array<i32>} : memref<144xi32, #tpu.memory_space<vmem>>, vector<16xi32>,
    tpu.vector_store %arg11[%swap3A_259], %broadcast_in_dim3A_250 {strides = array<i32>} : memref<144xi32, #tpu.memory_space<vmem>>, vector<16xi32>,
    %swap3A_261 = arith.constant 64 : index
    %swap3A_262 = tpu.vector_load %arg11[%swap3A_261] {strides = array<i32>} : memref<144xi32, #tpu.memory_space<vmem>>, vector<16xi32>,
    tpu.vector_store %arg11[%swap3A_261], %broadcast_in_dim3A_250 {strides = array<i32>} : memref<144xi32, #tpu.memory_space<vmem>>, vector<16xi32>,
    %swap3A_263 = arith.constant 80 : index
    %swap3A_264 = tpu.vector_load %arg11[%swap3A_263] {strides = array<i32>} : memref<144xi32, #tpu.memory_space<vmem>>, vector<16xi32>,
    tpu.vector_store %arg11[%swap3A_263], %broadcast_in_dim3A_250 {strides = array<i32>} : memref<144xi32, #tpu.memory_space<vmem>>, vector<16xi32>,
    %swap3A_265 = arith.constant 96 : index
    %swap3A_266 = tpu.vector_load %arg11[%swap3A_265] {strides = array<i32>} : memref<144xi32, #tpu.memory_space<vmem>>, vector<16xi32>,
    tpu.vector_store %arg11[%swap3A_265], %broadcast_in_dim3A_250 {strides = array<i32>} : memref<144xi32, #tpu.memory_space<vmem>>, vector<16xi32>,
    %swap3A_267 = arith.constant 112 : index
    %swap3A_268 = tpu.vector_load %arg11[%swap3A_267] {strides = array<i32>} : memref<144xi32, #tpu.memory_space<vmem>>, vector<16xi32>,
    tpu.vector_store %arg11[%swap3A_267], %broadcast_in_dim3A_250 {strides = array<i32>} : memref<144xi32, #tpu.memory_space<vmem>>, vector<16xi32>,
    %swap3A_269 = arith.constant 128 : index
    %swap3A_270 = tpu.vector_load %arg11[%swap3A_269] {strides = array<i32>} : memref<144xi32, #tpu.memory_space<vmem>>, vector<16xi32>,
    tpu.vector_store %arg11[%swap3A_269], %broadcast_in_dim3A_250 {strides = array<i32>} : memref<144xi32, #tpu.memory_space<vmem>>, vector<16xi32>,
    %scan3A_271 = arith.constant 0 : i32
    %scan3A_272 = arith.constant 0 : i32
    %scan3A_273 = arith.constant 1024 : i32
    %scan3A_274 = arith.addi %scan3A_272, %scan3A_273 : i32
    %scan3A_275 = arith.constant 1 : i32
    %scan3A_276 = scf.for %scan3A_407 = %scan3A_272 to %scan3A_274 step %scan3A_275 iter_args(%scan3A_408 = %scan3A_271) -> (i32)  : i32 {
      %mul3A_409 = arith.constant 16 : i32
      %mul3A_410 = arith.muli %scan3A_407, %mul3A_409 : i32
      %get3A_411 = arith.index_cast %mul3A_410 : i32 to index
      %get3A_412 = tpu.vector_load %arg10[%get3A_411] {strides = array<i32>} : memref<16400xi32, #tpu.memory_space<vmem>>, vector<16xi32>,
      %shift_right_logical3A = arith.constant 8 : i32
      %shift_right_logical3A_413 = vector.broadcast %shift_right_logical3A : i32 to vector<16xi32>
      %shift_right_logical3A_414 = arith.shrui %get3A_412, %shift_right_logical3A_413 : vector<16xi32>
      %and3A_415 = arith.constant 31 : i32
      %and3A_416 = vector.broadcast %and3A_415 : i32 to vector<16xi32>
      %and3A_417 = arith.andi %shift_right_logical3A_414, %and3A_416 : vector<16xi32>
      %eq3A_418 = vector.broadcast %add3A : i32 to vector<16xi32>
      %eq3A_419 = arith.cmpi eq, %and3A_417, %eq3A_418 : vector<16xi32>
      %shift_right_logical3A_420 = arith.constant 5 : i32
      %shift_right_logical3A_421 = vector.broadcast %shift_right_logical3A_420 : i32 to vector<16xi32>
      %shift_right_logical3A_422 = arith.shrui %shift_right_logical3A_414, %shift_right_logical3A_421 : vector<16xi32>
      %shift_left3A = arith.constant 22 : i32
      %shift_left3A_423 = vector.broadcast %shift_left3A : i32 to vector<16xi32>
      %shift_left3A_424 = arith.shli %shift_right_logical3A_422, %shift_left3A_423 : vector<16xi32>
      %and3A_425 = arith.constant 255 : i32
      %and3A_426 = vector.broadcast %and3A_425 : i32 to vector<16xi32>
      %and3A_427 = arith.andi %get3A_412, %and3A_426 : vector<16xi32>
      %shift_left3A_428 = arith.constant 14 : i32
      %shift_left3A_429 = vector.broadcast %shift_left3A_428 : i32 to vector<16xi32>
      %shift_left3A_430 = arith.shli %and3A_427, %shift_left3A_429 : vector<16xi32>
      %or3A = arith.ori %shift_left3A_424, %shift_left3A_430 : vector<16xi32>
      %mul3A_431 = arith.constant 16 : i32
      %mul3A_432 = arith.muli %scan3A_407, %mul3A_431 : i32
      %add3A_433 = vector.broadcast %mul3A_432 : i32 to vector<16xi32>
      %add3A_434 = arith.addi %add3A_433, %iota3A : vector<16xi32>
      %or3A_435 = arith.ori %or3A, %add3A_434 : vector<16xi32>
      %swap3A_436 = arith.index_cast %scan3A_408 : i32 to index
      %swap3A_437 = tpu.vector_load %arg13[%swap3A_436] masked %eq3A_419 {strides = array<i32>} : memref<16400xi32, #tpu.memory_space<vmem>>, vector<16xi32>, vector<16xi1>
      tpu.vector_store %arg13[%swap3A_436], %or3A_435 masked %eq3A_419 {strides = array<i32>} : memref<16400xi32, #tpu.memory_space<vmem>>, vector<16xi32>, vector<16xi1>
      tpu.vector_store_idx %arg11[%shift_right_logical3A_422], %broadcast_in_dim3A_252 masked %eq3A_419 {add = true} : memref<144xi32, #tpu.memory_space<vmem>>[vector<16xi32>], vector<16xi32>, vector<16xi1>
      %all_reduce_population_count3A = tpu.all_reduce %eq3A_419 {dim = 0 : i64, kind = #tpu.reduction_kind<sum>} : vector<16xi1> -> vector<16xi32>
      %reduce_max3A = arith.constant true
      %reduce_max3A_438 = vector.broadcast %reduce_max3A : i1 to vector<16xi1>
      %reduce_max3A_439 = arith.constant -2147483648 : i32
      %reduce_max3A_440 = vector.broadcast %reduce_max3A_439 : i32 to vector<16xi32>
      %reduce_max3A_441 = arith.xori %all_reduce_population_count3A, %reduce_max3A_440 : vector<16xi32>
      %reduce_max3A_442 = tpu.scan <max>, %reduce_max3A_441 masked %reduce_max3A_438 : vector<16xi32>, vector<16xi1> -> vector<16xi32>
      %reduce_max3A_443 = arith.xori %reduce_max3A_442, %reduce_max3A_440 : vector<16xi32>
      %reduce_max3A_444 = vector.extract %reduce_max3A_443[15] : i32 from vector<16xi32>
      %add3A_445 = arith.addi %scan3A_408, %reduce_max3A_444 : i32
      scf.yield %add3A_445 : i32
    }
    %scan3A_277 = arith.constant 1024 : i32
    %get3A_278 = arith.constant 0 : index
    %get3A_279 = tpu.vector_load %arg11[%get3A_278] {strides = array<i32>} : memref<144xi32, #tpu.memory_space<vmem>>, vector<16xi32>,
    %broadcast_in_dim3A_280 = arith.constant true
    %broadcast_in_dim3A_281 = vector.broadcast %broadcast_in_dim3A_280 : i1 to vector<16xi1>
    %masked_cumsum3A_282 = tpu.scan <sum>, %get3A_279 masked %broadcast_in_dim3A_281 : vector<16xi32>, vector<16xi1> -> vector<16xi32>
    %add3A_283 = arith.constant 0 : i32
    %add3A_284 = vector.broadcast %add3A_283 : i32 to vector<16xi32>
    %add3A_285 = arith.addi %masked_cumsum3A_282, %add3A_284 : vector<16xi32>
    %sub3A_286 = arith.subi %add3A_285, %get3A_279 : vector<16xi32>
    %swap3A_287 = arith.constant 0 : index
    %swap3A_288 = tpu.vector_load %arg12[%swap3A_287] {strides = array<i32>} : memref<144xi32, #tpu.memory_space<vmem>>, vector<16xi32>,
    tpu.vector_store %arg12[%swap3A_287], %sub3A_286 {strides = array<i32>} : memref<144xi32, #tpu.memory_space<vmem>>, vector<16xi32>,
    %slice3A_289 = vector.extract_strided_slice %add3A_285 {offsets = [15], sizes = [1], strides = [1]} : vector<16xi32> to vector<1xi32>
    %squeeze3A_290 = vector.extract %slice3A_289[0] : i32 from vector<1xi32>
    %get3A_291 = arith.constant 16 : index
    %get3A_292 = tpu.vector_load %arg11[%get3A_291] {strides = array<i32>} : memref<144xi32, #tpu.memory_space<vmem>>, vector<16xi32>,
    %broadcast_in_dim3A_293 = arith.constant true
    %broadcast_in_dim3A_294 = vector.broadcast %broadcast_in_dim3A_293 : i1 to vector<16xi1>
    %masked_cumsum3A_295 = tpu.scan <sum>, %get3A_292 masked %broadcast_in_dim3A_294 : vector<16xi32>, vector<16xi1> -> vector<16xi32>
    %add3A_296 = vector.broadcast %squeeze3A_290 : i32 to vector<16xi32>
    %add3A_297 = arith.addi %masked_cumsum3A_295, %add3A_296 : vector<16xi32>
    %sub3A_298 = arith.subi %add3A_297, %get3A_292 : vector<16xi32>
    %swap3A_299 = arith.constant 16 : index
    %swap3A_300 = tpu.vector_load %arg12[%swap3A_299] {strides = array<i32>} : memref<144xi32, #tpu.memory_space<vmem>>, vector<16xi32>,
    tpu.vector_store %arg12[%swap3A_299], %sub3A_298 {strides = array<i32>} : memref<144xi32, #tpu.memory_space<vmem>>, vector<16xi32>,
    %slice3A_301 = vector.extract_strided_slice %add3A_297 {offsets = [15], sizes = [1], strides = [1]} : vector<16xi32> to vector<1xi32>
    %squeeze3A_302 = vector.extract %slice3A_301[0] : i32 from vector<1xi32>
    %get3A_303 = arith.constant 32 : index
    %get3A_304 = tpu.vector_load %arg11[%get3A_303] {strides = array<i32>} : memref<144xi32, #tpu.memory_space<vmem>>, vector<16xi32>,
    %broadcast_in_dim3A_305 = arith.constant true
    %broadcast_in_dim3A_306 = vector.broadcast %broadcast_in_dim3A_305 : i1 to vector<16xi1>
    %masked_cumsum3A_307 = tpu.scan <sum>, %get3A_304 masked %broadcast_in_dim3A_306 : vector<16xi32>, vector<16xi1> -> vector<16xi32>
    %add3A_308 = vector.broadcast %squeeze3A_302 : i32 to vector<16xi32>
    %add3A_309 = arith.addi %masked_cumsum3A_307, %add3A_308 : vector<16xi32>
    %sub3A_310 = arith.subi %add3A_309, %get3A_304 : vector<16xi32>
    %swap3A_311 = arith.constant 32 : index
    %swap3A_312 = tpu.vector_load %arg12[%swap3A_311] {strides = array<i32>} : memref<144xi32, #tpu.memory_space<vmem>>, vector<16xi32>,
    tpu.vector_store %arg12[%swap3A_311], %sub3A_310 {strides = array<i32>} : memref<144xi32, #tpu.memory_space<vmem>>, vector<16xi32>,
    %slice3A_313 = vector.extract_strided_slice %add3A_309 {offsets = [15], sizes = [1], strides = [1]} : vector<16xi32> to vector<1xi32>
    %squeeze3A_314 = vector.extract %slice3A_313[0] : i32 from vector<1xi32>
    %get3A_315 = arith.constant 48 : index
    %get3A_316 = tpu.vector_load %arg11[%get3A_315] {strides = array<i32>} : memref<144xi32, #tpu.memory_space<vmem>>, vector<16xi32>,
    %broadcast_in_dim3A_317 = arith.constant true
    %broadcast_in_dim3A_318 = vector.broadcast %broadcast_in_dim3A_317 : i1 to vector<16xi1>
    %masked_cumsum3A_319 = tpu.scan <sum>, %get3A_316 masked %broadcast_in_dim3A_318 : vector<16xi32>, vector<16xi1> -> vector<16xi32>
    %add3A_320 = vector.broadcast %squeeze3A_314 : i32 to vector<16xi32>
    %add3A_321 = arith.addi %masked_cumsum3A_319, %add3A_320 : vector<16xi32>
    %sub3A_322 = arith.subi %add3A_321, %get3A_316 : vector<16xi32>
    %swap3A_323 = arith.constant 48 : index
    %swap3A_324 = tpu.vector_load %arg12[%swap3A_323] {strides = array<i32>} : memref<144xi32, #tpu.memory_space<vmem>>, vector<16xi32>,
    tpu.vector_store %arg12[%swap3A_323], %sub3A_322 {strides = array<i32>} : memref<144xi32, #tpu.memory_space<vmem>>, vector<16xi32>,
    %slice3A_325 = vector.extract_strided_slice %add3A_321 {offsets = [15], sizes = [1], strides = [1]} : vector<16xi32> to vector<1xi32>
    %squeeze3A_326 = vector.extract %slice3A_325[0] : i32 from vector<1xi32>
    %get3A_327 = arith.constant 64 : index
    %get3A_328 = tpu.vector_load %arg11[%get3A_327] {strides = array<i32>} : memref<144xi32, #tpu.memory_space<vmem>>, vector<16xi32>,
    %broadcast_in_dim3A_329 = arith.constant true
    %broadcast_in_dim3A_330 = vector.broadcast %broadcast_in_dim3A_329 : i1 to vector<16xi1>
    %masked_cumsum3A_331 = tpu.scan <sum>, %get3A_328 masked %broadcast_in_dim3A_330 : vector<16xi32>, vector<16xi1> -> vector<16xi32>
    %add3A_332 = vector.broadcast %squeeze3A_326 : i32 to vector<16xi32>
    %add3A_333 = arith.addi %masked_cumsum3A_331, %add3A_332 : vector<16xi32>
    %sub3A_334 = arith.subi %add3A_333, %get3A_328 : vector<16xi32>
    %swap3A_335 = arith.constant 64 : index
    %swap3A_336 = tpu.vector_load %arg12[%swap3A_335] {strides = array<i32>} : memref<144xi32, #tpu.memory_space<vmem>>, vector<16xi32>,
    tpu.vector_store %arg12[%swap3A_335], %sub3A_334 {strides = array<i32>} : memref<144xi32, #tpu.memory_space<vmem>>, vector<16xi32>,
    %slice3A_337 = vector.extract_strided_slice %add3A_333 {offsets = [15], sizes = [1], strides = [1]} : vector<16xi32> to vector<1xi32>
    %squeeze3A_338 = vector.extract %slice3A_337[0] : i32 from vector<1xi32>
    %get3A_339 = arith.constant 80 : index
    %get3A_340 = tpu.vector_load %arg11[%get3A_339] {strides = array<i32>} : memref<144xi32, #tpu.memory_space<vmem>>, vector<16xi32>,
    %broadcast_in_dim3A_341 = arith.constant true
    %broadcast_in_dim3A_342 = vector.broadcast %broadcast_in_dim3A_341 : i1 to vector<16xi1>
    %masked_cumsum3A_343 = tpu.scan <sum>, %get3A_340 masked %broadcast_in_dim3A_342 : vector<16xi32>, vector<16xi1> -> vector<16xi32>
    %add3A_344 = vector.broadcast %squeeze3A_338 : i32 to vector<16xi32>
    %add3A_345 = arith.addi %masked_cumsum3A_343, %add3A_344 : vector<16xi32>
    %sub3A_346 = arith.subi %add3A_345, %get3A_340 : vector<16xi32>
    %swap3A_347 = arith.constant 80 : index
    %swap3A_348 = tpu.vector_load %arg12[%swap3A_347] {strides = array<i32>} : memref<144xi32, #tpu.memory_space<vmem>>, vector<16xi32>,
    tpu.vector_store %arg12[%swap3A_347], %sub3A_346 {strides = array<i32>} : memref<144xi32, #tpu.memory_space<vmem>>, vector<16xi32>,
    %slice3A_349 = vector.extract_strided_slice %add3A_345 {offsets = [15], sizes = [1], strides = [1]} : vector<16xi32> to vector<1xi32>
    %squeeze3A_350 = vector.extract %slice3A_349[0] : i32 from vector<1xi32>
    %get3A_351 = arith.constant 96 : index
    %get3A_352 = tpu.vector_load %arg11[%get3A_351] {strides = array<i32>} : memref<144xi32, #tpu.memory_space<vmem>>, vector<16xi32>,
    %broadcast_in_dim3A_353 = arith.constant true
    %broadcast_in_dim3A_354 = vector.broadcast %broadcast_in_dim3A_353 : i1 to vector<16xi1>
    %masked_cumsum3A_355 = tpu.scan <sum>, %get3A_352 masked %broadcast_in_dim3A_354 : vector<16xi32>, vector<16xi1> -> vector<16xi32>
    %add3A_356 = vector.broadcast %squeeze3A_350 : i32 to vector<16xi32>
    %add3A_357 = arith.addi %masked_cumsum3A_355, %add3A_356 : vector<16xi32>
    %sub3A_358 = arith.subi %add3A_357, %get3A_352 : vector<16xi32>
    %swap3A_359 = arith.constant 96 : index
    %swap3A_360 = tpu.vector_load %arg12[%swap3A_359] {strides = array<i32>} : memref<144xi32, #tpu.memory_space<vmem>>, vector<16xi32>,
    tpu.vector_store %arg12[%swap3A_359], %sub3A_358 {strides = array<i32>} : memref<144xi32, #tpu.memory_space<vmem>>, vector<16xi32>,
    %slice3A_361 = vector.extract_strided_slice %add3A_357 {offsets = [15], sizes = [1], strides = [1]} : vector<16xi32> to vector<1xi32>
    %squeeze3A_362 = vector.extract %slice3A_361[0] : i32 from vector<1xi32>
    %get3A_363 = arith.constant 112 : index
    %get3A_364 = tpu.vector_load %arg11[%get3A_363] {strides = array<i32>} : memref<144xi32, #tpu.memory_space<vmem>>, vector<16xi32>,
    %broadcast_in_dim3A_365 = arith.constant true
    %broadcast_in_dim3A_366 = vector.broadcast %broadcast_in_dim3A_365 : i1 to vector<16xi1>
    %masked_cumsum3A_367 = tpu.scan <sum>, %get3A_364 masked %broadcast_in_dim3A_366 : vector<16xi32>, vector<16xi1> -> vector<16xi32>
    %add3A_368 = vector.broadcast %squeeze3A_362 : i32 to vector<16xi32>
    %add3A_369 = arith.addi %masked_cumsum3A_367, %add3A_368 : vector<16xi32>
    %sub3A_370 = arith.subi %add3A_369, %get3A_364 : vector<16xi32>
    %swap3A_371 = arith.constant 112 : index
    %swap3A_372 = tpu.vector_load %arg12[%swap3A_371] {strides = array<i32>} : memref<144xi32, #tpu.memory_space<vmem>>, vector<16xi32>,
    tpu.vector_store %arg12[%swap3A_371], %sub3A_370 {strides = array<i32>} : memref<144xi32, #tpu.memory_space<vmem>>, vector<16xi32>,
    %slice3A_373 = vector.extract_strided_slice %add3A_369 {offsets = [15], sizes = [1], strides = [1]} : vector<16xi32> to vector<1xi32>
    %squeeze3A_374 = vector.extract %slice3A_373[0] : i32 from vector<1xi32>
    %while3A_375 = arith.constant 0 : i32
    %while3A_376 = arith.constant 0 : i32
    %while3A_377 = arith.subi %scan3A_276, %while3A_376 : i32
    %while3A_378 = arith.addi %while3A_376, %while3A_377 : i32
    %while3A_379 = arith.constant 1 : i32
    %while3A_380 = arith.divsi %while3A_377, %while3A_379 : i32
    %while3A_381 = arith.muli %while3A_380, %while3A_379 : i32
    %while3A_382 = arith.addi %while3A_376, %while3A_381 : i32
    %while3A_383 = arith.constant 1 : i32
    scf.for %while3A_407 = %while3A_376 to %while3A_382 step %while3A_383  : i32 {
      %get3A_408 = arith.index_cast %while3A_407 : i32 to index
      %get3A_409 = tpu.vector_load %arg13[%get3A_408] {strides = array<i32>} : memref<16400xi32, #tpu.memory_space<vmem>>, vector<16xi32>,
      %slice3A_410 = vector.extract_strided_slice %get3A_409 {offsets = [0], sizes = [1], strides = [1]} : vector<16xi32> to vector<1xi32>
      %squeeze3A_411 = vector.extract %slice3A_410[0] : i32 from vector<1xi32>
      %shift_right_logical3A = arith.constant 22 : i32
      %shift_right_logical3A_412 = arith.shrui %squeeze3A_411, %shift_right_logical3A : i32
      %get3A_413 = arith.index_cast %shift_right_logical3A_412 : i32 to index
      %get3A_414 = tpu.vector_load %arg12[%get3A_413] {strides = array<i32>} : memref<144xi32, #tpu.memory_space<vmem>>, vector<16xi32>,
      %slice3A_415 = vector.extract_strided_slice %get3A_414 {offsets = [0], sizes = [1], strides = [1]} : vector<16xi32> to vector<1xi32>
      %squeeze3A_416 = vector.extract %slice3A_415[0] : i32 from vector<1xi32>
      %broadcast_in_dim3A_417 = vector.broadcast %squeeze3A_416 : i32 to vector<16xi32>
      %broadcast_in_dim3A_418 = vector.broadcast %squeeze3A_411 : i32 to vector<16xi32>
      tpu.vector_store_idx %arg10[%broadcast_in_dim3A_417], %broadcast_in_dim3A_418 masked %eq3A_2 : memref<16400xi32, #tpu.memory_space<vmem>>[vector<16xi32>], vector<16xi32>, vector<16xi1>
      %broadcast_in_dim3A_419 = vector.broadcast %shift_right_logical3A_412 : i32 to vector<16xi32>
      %add3A_420 = arith.constant 1 : i32
      %add3A_421 = arith.addi %squeeze3A_416, %add3A_420 : i32
      %broadcast_in_dim3A_422 = vector.broadcast %add3A_421 : i32 to vector<16xi32>
      tpu.vector_store_idx %arg12[%broadcast_in_dim3A_419], %broadcast_in_dim3A_422 masked %eq3A_2 : memref<144xi32, #tpu.memory_space<vmem>>[vector<16xi32>], vector<16xi32>, vector<16xi1>
    }
    %while3A_384 = arith.constant 1 : i32
    scf.for %while3A_407 = %while3A_382 to %while3A_378 step %while3A_384  : i32 {
      %get3A_408 = arith.index_cast %while3A_407 : i32 to index
      %get3A_409 = tpu.vector_load %arg13[%get3A_408] {strides = array<i32>} : memref<16400xi32, #tpu.memory_space<vmem>>, vector<16xi32>,
      %slice3A_410 = vector.extract_strided_slice %get3A_409 {offsets = [0], sizes = [1], strides = [1]} : vector<16xi32> to vector<1xi32>
      %squeeze3A_411 = vector.extract %slice3A_410[0] : i32 from vector<1xi32>
      %shift_right_logical3A = arith.constant 22 : i32
      %shift_right_logical3A_412 = arith.shrui %squeeze3A_411, %shift_right_logical3A : i32
      %get3A_413 = arith.index_cast %shift_right_logical3A_412 : i32 to index
      %get3A_414 = tpu.vector_load %arg12[%get3A_413] {strides = array<i32>} : memref<144xi32, #tpu.memory_space<vmem>>, vector<16xi32>,
      %slice3A_415 = vector.extract_strided_slice %get3A_414 {offsets = [0], sizes = [1], strides = [1]} : vector<16xi32> to vector<1xi32>
      %squeeze3A_416 = vector.extract %slice3A_415[0] : i32 from vector<1xi32>
      %broadcast_in_dim3A_417 = vector.broadcast %squeeze3A_416 : i32 to vector<16xi32>
      %broadcast_in_dim3A_418 = vector.broadcast %squeeze3A_411 : i32 to vector<16xi32>
      tpu.vector_store_idx %arg10[%broadcast_in_dim3A_417], %broadcast_in_dim3A_418 masked %eq3A_2 : memref<16400xi32, #tpu.memory_space<vmem>>[vector<16xi32>], vector<16xi32>, vector<16xi1>
      %broadcast_in_dim3A_419 = vector.broadcast %shift_right_logical3A_412 : i32 to vector<16xi32>
      %add3A_420 = arith.constant 1 : i32
      %add3A_421 = arith.addi %squeeze3A_416, %add3A_420 : i32
      %broadcast_in_dim3A_422 = vector.broadcast %add3A_421 : i32 to vector<16xi32>
      tpu.vector_store_idx %arg12[%broadcast_in_dim3A_419], %broadcast_in_dim3A_422 masked %eq3A_2 : memref<144xi32, #tpu.memory_space<vmem>>[vector<16xi32>], vector<16xi32>, vector<16xi1>
    }
    %scan3A_385 = arith.constant 0 : i32
    %scan3A_386 = arith.constant 0 : i32
    %scan3A_387 = arith.constant 41 : i32
    %scan3A_388 = arith.addi %scan3A_386, %scan3A_387 : i32
    %scan3A_389 = arith.constant 1 : i32
    %scan3A_390 = scf.for %scan3A_407 = %scan3A_386 to %scan3A_388 step %scan3A_389 iter_args(%scan3A_408 = %scan3A_385) -> (i32)  : i32 {
      %mul3A_409 = arith.constant 3 : i32
      %mul3A_410 = arith.muli %mul3A_409, %scan3A_407 : i32
      %add3A_411 = arith.constant 0 : i32
      %add3A_412 = arith.addi %mul3A_410, %add3A_411 : i32
      %mul3A_413 = arith.constant 32 : i32
      %mul3A_414 = arith.muli %mul3A_413, %add3A_412 : i32
      %add3A_415 = arith.addi %add3A, %mul3A_414 : i32
      %lt3A_416 = arith.constant 3906 : i32
      %lt3A_417 = arith.cmpi slt, %add3A_415, %lt3A_416 : i32
      %convert_element_type3A_418 = arith.extui %lt3A_417 : i1 to i32
      %cond3A_419 = arith.constant 0 : i32
      %cond3A_420 = arith.constant 0 : i32
      %cond3A_421 = arith.cmpi ne, %convert_element_type3A_418, %cond3A_420 : i32
      %cond3A_422 = scf.if %cond3A_421 -> (i32) {
        %dma_wait3A = arith.constant 0 : i32
        %dma_wait3A_514 = arith.constant 0 : i32
        %dma_wait3A_515 = tpu.memref_slice %arg5[%dma_wait3A, %dma_wait3A_514] : memref<64x1000000xf32, #tpu.memory_space<hbm>> -> memref<64x256xf32, #tpu.memory_space<hbm>>
        %dma_wait3A_516 = arith.constant 0 : i32
        %dma_wait3A_517 = arith.constant 0 : i32
        %dma_wait3A_518 = tpu.memref_slice %arg5[%dma_wait3A_516, %dma_wait3A_517] : memref<64x1000000xf32, #tpu.memory_space<hbm>> -> memref<64x256xf32, #tpu.memory_space<hbm>>
        tpu.wait_dma2 semaphore(%arg26 : memref<!tpu.dma_semaphore, #tpu.memory_space<semaphore_mem>>) src(%dma_wait3A_518 : memref<64x256xf32, #tpu.memory_space<hbm>>) dst(%arg15 : memref<64x256xf32, #tpu.memory_space<vmem>>)
        %dma_wait3A_519 = arith.constant 0 : i32
        %dma_wait3A_520 = tpu.memref_slice %arg7[%dma_wait3A_519] : memref<1000000xf32, #tpu.memory_space<hbm>> -> memref<256xf32, #tpu.memory_space<hbm>>
        %dma_wait3A_521 = arith.constant 0 : i32
        %dma_wait3A_522 = tpu.memref_slice %arg7[%dma_wait3A_521] : memref<1000000xf32, #tpu.memory_space<hbm>> -> memref<256xf32, #tpu.memory_space<hbm>>
        tpu.wait_dma2 semaphore(%arg26 : memref<!tpu.dma_semaphore, #tpu.memory_space<semaphore_mem>>) src(%dma_wait3A_522 : memref<256xf32, #tpu.memory_space<hbm>>) dst(%arg18 : memref<256xf32, #tpu.memory_space<vmem>>)
        %cond3A_523 = arith.constant 0 : i32
        scf.yield %cond3A_523 : i32
      } else {
        %cond3A_514 = arith.constant 0 : i32
        scf.yield %cond3A_514 : i32
      }
      %add3A_423 = arith.constant 2 : i32
      %add3A_424 = arith.addi %add3A_412, %add3A_423 : i32
      %mul3A_425 = arith.constant 32 : i32
      %mul3A_426 = arith.muli %mul3A_425, %add3A_424 : i32
      %add3A_427 = arith.addi %add3A, %mul3A_426 : i32
      %lt3A_428 = arith.constant 3906 : i32
      %lt3A_429 = arith.cmpi slt, %add3A_427, %lt3A_428 : i32
      %convert_element_type3A_430 = arith.extui %lt3A_429 : i1 to i32
      %cond3A_431 = arith.constant 0 : i32
      %cond3A_432 = arith.constant 0 : i32
      %cond3A_433 = arith.cmpi ne, %convert_element_type3A_430, %cond3A_432 : i32
      %cond3A_434 = scf.if %cond3A_433 -> (i32) {
        %mul3A_514 = arith.constant 32 : i32
        %mul3A_515 = arith.muli %mul3A_514, %add3A_424 : i32
        %add3A_516 = arith.addi %add3A, %mul3A_515 : i32
        %mul3A_517 = arith.constant 256 : i32
        %mul3A_518 = arith.muli %add3A_516, %mul3A_517 : i32
        %multiple_of3A = tpu.assume_multiple %mul3A_518, 256 : i32
        %dma_start3A = arith.constant 0 : i32
        %dma_start3A_519 = tpu.memref_slice %arg5[%dma_start3A, %multiple_of3A] : memref<64x1000000xf32, #tpu.memory_space<hbm>> -> memref<64x256xf32, #tpu.memory_space<hbm>>
        %dma_start3A_520 = arith.constant 0 : i32
        %dma_start3A_521 = tpu.memref_slice %arg5[%dma_start3A_520, %multiple_of3A] : memref<64x1000000xf32, #tpu.memory_space<hbm>> -> memref<64x256xf32, #tpu.memory_space<hbm>>
        tpu.enqueue_dma source(%dma_start3A_521 : memref<64x256xf32, #tpu.memory_space<hbm>>) target(%arg17 : memref<64x256xf32, #tpu.memory_space<vmem>>) target_semaphore(%arg28 : memref<!tpu.dma_semaphore, #tpu.memory_space<semaphore_mem>>)
        %dma_start3A_522 = tpu.memref_slice %arg7[%multiple_of3A] : memref<1000000xf32, #tpu.memory_space<hbm>> -> memref<256xf32, #tpu.memory_space<hbm>>
        %dma_start3A_523 = tpu.memref_slice %arg7[%multiple_of3A] : memref<1000000xf32, #tpu.memory_space<hbm>> -> memref<256xf32, #tpu.memory_space<hbm>>
        tpu.enqueue_dma source(%dma_start3A_523 : memref<256xf32, #tpu.memory_space<hbm>>) target(%arg20 : memref<256xf32, #tpu.memory_space<vmem>>) target_semaphore(%arg28 : memref<!tpu.dma_semaphore, #tpu.memory_space<semaphore_mem>>)
        %cond3A_524 = arith.constant 0 : i32
        scf.yield %cond3A_524 : i32
      } else {
        %cond3A_514 = arith.constant 0 : i32
        scf.yield %cond3A_514 : i32
      }
      %mul3A_435 = arith.constant 32 : i32
      %mul3A_436 = arith.muli %mul3A_435, %add3A_412 : i32
      %add3A_437 = arith.addi %add3A, %mul3A_436 : i32
      %lt3A_438 = arith.constant 3906 : i32
      %lt3A_439 = arith.cmpi slt, %add3A_437, %lt3A_438 : i32
      %convert_element_type3A_440 = arith.extui %lt3A_439 : i1 to i32
      %cond3A_441 = arith.constant 0 : i32
      %cond3A_442 = arith.cmpi ne, %convert_element_type3A_440, %cond3A_441 : i32
      %cond3A_443 = scf.if %cond3A_442 -> (i32) {
        %get3A_514 = arith.index_cast %add3A_412 : i32 to index
        %get3A_515 = tpu.vector_load %arg12[%get3A_514] {strides = array<i32>} : memref<144xi32, #tpu.memory_space<vmem>>, vector<16xi32>,
        %slice3A_516 = vector.extract_strided_slice %get3A_515 {offsets = [0], sizes = [1], strides = [1]} : vector<16xi32> to vector<1xi32>
        %squeeze3A_517 = vector.extract %slice3A_516[0] : i32 from vector<1xi32>
        %get3A_518 = arith.index_cast %add3A_412 : i32 to index
        %get3A_519 = tpu.vector_load %arg11[%get3A_518] {strides = array<i32>} : memref<144xi32, #tpu.memory_space<vmem>>, vector<16xi32>,
        %slice3A_520 = vector.extract_strided_slice %get3A_519 {offsets = [0], sizes = [1], strides = [1]} : vector<16xi32> to vector<1xi32>
        %squeeze3A_521 = vector.extract %slice3A_520[0] : i32 from vector<1xi32>
        %sub3A_522 = arith.subi %squeeze3A_517, %squeeze3A_521 : i32
        %while3A_523 = arith.constant 0 : i32
        %while3A_524 = arith.subi %squeeze3A_521, %while3A_523 : i32
        %while3A_525 = arith.addi %while3A_523, %while3A_524 : i32
        %while3A_526 = arith.constant 1 : i32
        %while3A_527 = arith.divsi %while3A_524, %while3A_526 : i32
        %while3A_528 = arith.muli %while3A_527, %while3A_526 : i32
        %while3A_529 = arith.addi %while3A_523, %while3A_528 : i32
        %while3A_530 = arith.constant 1 : i32
        %while3A_531 = scf.for %while3A_534 = %while3A_523 to %while3A_529 step %while3A_530 iter_args(%while3A_535 = %scan3A_408) -> (i32)  : i32 {
          %add3A_536 = arith.addi %sub3A_522, %while3A_534 : i32
          %get3A_537 = arith.index_cast %add3A_536 : i32 to index
          %get3A_538 = tpu.vector_load %arg10[%get3A_537] {strides = array<i32>} : memref<16400xi32, #tpu.memory_space<vmem>>, vector<16xi32>,
          %slice3A_539 = vector.extract_strided_slice %get3A_538 {offsets = [0], sizes = [1], strides = [1]} : vector<16xi32> to vector<1xi32>
          %squeeze3A_540 = vector.extract %slice3A_539[0] : i32 from vector<1xi32>
          %shift_right_logical3A = arith.constant 14 : i32
          %shift_right_logical3A_541 = arith.shrui %squeeze3A_540, %shift_right_logical3A : i32
          %and3A_542 = arith.constant 255 : i32
          %and3A_543 = arith.andi %shift_right_logical3A_541, %and3A_542 : i32
          %and3A_544 = arith.constant 16383 : i32
          %and3A_545 = arith.andi %squeeze3A_540, %and3A_544 : i32
          %and3A_546 = arith.constant 127 : i32
          %and3A_547 = arith.andi %while3A_535, %and3A_546 : i32
          %broadcast_in_dim3A_548 = vector.broadcast %and3A_543 : i32 to vector<16xi32>
          %add3A_549 = arith.constant 0 : i32
          %add3A_550 = vector.broadcast %add3A_549 : i32 to vector<16xi32>
          %add3A_551 = arith.addi %iota3A, %add3A_550 : vector<16xi32>
          %gather3A = tpu.vector_load_idx %arg15[%add3A_551, %broadcast_in_dim3A_548] : memref<64x256xf32, #tpu.memory_space<vmem>>[vector<16xi32>, vector<16xi32>], vector<16xf32>,
          %swap3A_552 = arith.index_cast %and3A_547 : i32 to index
          %swap3A_553 = arith.constant 0 : index
          %swap3A_554 = tpu.vector_load %arg23[%swap3A_552, %swap3A_553] {strides = array<i32>} : memref<128x128xf32, #tpu.memory_space<vmem>>, vector<16xf32>,
          tpu.vector_store %arg23[%swap3A_552, %swap3A_553], %gather3A {strides = array<i32>} : memref<128x128xf32, #tpu.memory_space<vmem>>, vector<16xf32>,
          %add3A_555 = arith.constant 16 : i32
          %add3A_556 = vector.broadcast %add3A_555 : i32 to vector<16xi32>
          %add3A_557 = arith.addi %iota3A, %add3A_556 : vector<16xi32>
          %gather3A_558 = tpu.vector_load_idx %arg15[%add3A_557, %broadcast_in_dim3A_548] : memref<64x256xf32, #tpu.memory_space<vmem>>[vector<16xi32>, vector<16xi32>], vector<16xf32>,
          %swap3A_559 = arith.index_cast %and3A_547 : i32 to index
          %swap3A_560 = arith.constant 16 : index
          %swap3A_561 = tpu.vector_load %arg23[%swap3A_559, %swap3A_560] {strides = array<i32>} : memref<128x128xf32, #tpu.memory_space<vmem>>, vector<16xf32>,
          tpu.vector_store %arg23[%swap3A_559, %swap3A_560], %gather3A_558 {strides = array<i32>} : memref<128x128xf32, #tpu.memory_space<vmem>>, vector<16xf32>,
          %add3A_562 = arith.constant 32 : i32
          %add3A_563 = vector.broadcast %add3A_562 : i32 to vector<16xi32>
          %add3A_564 = arith.addi %iota3A, %add3A_563 : vector<16xi32>
          %gather3A_565 = tpu.vector_load_idx %arg15[%add3A_564, %broadcast_in_dim3A_548] : memref<64x256xf32, #tpu.memory_space<vmem>>[vector<16xi32>, vector<16xi32>], vector<16xf32>,
          %swap3A_566 = arith.index_cast %and3A_547 : i32 to index
          %swap3A_567 = arith.constant 32 : index
          %swap3A_568 = tpu.vector_load %arg23[%swap3A_566, %swap3A_567] {strides = array<i32>} : memref<128x128xf32, #tpu.memory_space<vmem>>, vector<16xf32>,
          tpu.vector_store %arg23[%swap3A_566, %swap3A_567], %gather3A_565 {strides = array<i32>} : memref<128x128xf32, #tpu.memory_space<vmem>>, vector<16xf32>,
          %add3A_569 = arith.constant 48 : i32
          %add3A_570 = vector.broadcast %add3A_569 : i32 to vector<16xi32>
          %add3A_571 = arith.addi %iota3A, %add3A_570 : vector<16xi32>
          %gather3A_572 = tpu.vector_load_idx %arg15[%add3A_571, %broadcast_in_dim3A_548] : memref<64x256xf32, #tpu.memory_space<vmem>>[vector<16xi32>, vector<16xi32>], vector<16xf32>,
          %swap3A_573 = arith.index_cast %and3A_547 : i32 to index
          %swap3A_574 = arith.constant 48 : index
          %swap3A_575 = tpu.vector_load %arg23[%swap3A_573, %swap3A_574] {strides = array<i32>} : memref<128x128xf32, #tpu.memory_space<vmem>>, vector<16xf32>,
          tpu.vector_store %arg23[%swap3A_573, %swap3A_574], %gather3A_572 {strides = array<i32>} : memref<128x128xf32, #tpu.memory_space<vmem>>, vector<16xf32>,
          %gather3A_576 = tpu.vector_load_idx %arg18[%broadcast_in_dim3A_548] : memref<256xf32, #tpu.memory_space<vmem>>[vector<16xi32>], vector<16xf32>,
          %swap3A_577 = arith.index_cast %and3A_547 : i32 to index
          %swap3A_578 = arith.constant 64 : index
          %swap3A_579 = tpu.vector_load %arg23[%swap3A_577, %swap3A_578] {strides = array<i32>} : memref<128x128xf32, #tpu.memory_space<vmem>>, vector<16xf32>,
          tpu.vector_store %arg23[%swap3A_577, %swap3A_578], %gather3A_576 {strides = array<i32>} : memref<128x128xf32, #tpu.memory_space<vmem>>, vector<16xf32>,
          %broadcast_in_dim3A_580 = vector.broadcast %and3A_547 : i32 to vector<16xi32>
          %broadcast_in_dim3A_581 = vector.broadcast %and3A_545 : i32 to vector<16xi32>
          %scatter3A = arith.constant 0 : i32
          %scatter3A_582 = arith.constant 0 : i32
          %scatter3A_583 = tpu.memref_slice %arg24[%scatter3A, %scatter3A_582] : memref<1x128xi32, #tpu.memory_space<vmem>> -> memref<1x128xi32, #tpu.memory_space<vmem>>
          %scatter3A_584 = tpu.memref_squeeze %scatter3A_583 : memref<1x128xi32, #tpu.memory_space<vmem>> -> memref<128xi32, #tpu.memory_space<vmem>>
          tpu.vector_store_idx %scatter3A_584[%broadcast_in_dim3A_580], %broadcast_in_dim3A_581 masked %eq3A_2 : memref<128xi32, #tpu.memory_space<vmem>>[vector<16xi32>], vector<16xi32>, vector<16xi1>
          %add3A_585 = arith.constant 1 : i32
          %add3A_586 = arith.addi %while3A_535, %add3A_585 : i32
          %and3A_587 = arith.constant 127 : i32
          %and3A_588 = arith.andi %add3A_586, %and3A_587 : i32
          %eq3A_589 = arith.constant 0 : i32
          %eq3A_590 = arith.cmpi eq, %and3A_588, %eq3A_589 : i32
          %convert_element_type3A_591 = arith.extui %eq3A_590 : i1 to i32
          %cond3A_592 = arith.constant 0 : i32
          %cond3A_593 = arith.constant 0 : i32
          %cond3A_594 = arith.cmpi ne, %convert_element_type3A_591, %cond3A_593 : i32
          %cond3A_595 = scf.if %cond3A_594 -> (i32) {
            %dma_start3A = arith.constant 0 : i32
            %dma_start3A_596 = arith.constant 0 : i32
            %dma_start3A_597 = tpu.memref_slice %arg24[%dma_start3A, %dma_start3A_596] : memref<1x128xi32, #tpu.memory_space<vmem>> -> memref<1x128xi32, #tpu.memory_space<vmem>>
            %dma_start3A_598 = tpu.memref_squeeze %dma_start3A_597 : memref<1x128xi32, #tpu.memory_space<vmem>> -> memref<128xi32, #tpu.memory_space<vmem>>
            %dma_start3A_599 = arith.constant 0 : i32
            %dma_start3A_600 = arith.constant 0 : i32
            %dma_start3A_601 = tpu.memref_slice %arg9[%dma_start3A_599, %dma_start3A_600] : memref<16512x128xf32, #tpu.memory_space<hbm>> -> memref<16512x128xf32, #tpu.memory_space<hbm>>
            tpu.enqueue_indirect_dma source(%arg23 : memref<128x128xf32, #tpu.memory_space<vmem>>) target(%dma_start3A_601 : memref<16512x128xf32, #tpu.memory_space<hbm>>) offsets(%dma_start3A_598 : memref<128xi32, #tpu.memory_space<vmem>>) semaphore(%arg25 : memref<!tpu.dma_semaphore, #tpu.memory_space<semaphore_mem>>)
            %dma_wait3A = arith.constant 0 : i32
            %dma_wait3A_602 = arith.constant 0 : i32
            %dma_wait3A_603 = tpu.memref_slice %arg24[%dma_wait3A, %dma_wait3A_602] : memref<1x128xi32, #tpu.memory_space<vmem>> -> memref<1x128xi32, #tpu.memory_space<vmem>>
            %dma_wait3A_604 = tpu.memref_squeeze %dma_wait3A_603 : memref<1x128xi32, #tpu.memory_space<vmem>> -> memref<128xi32, #tpu.memory_space<vmem>>
            %dma_wait3A_605 = arith.constant 0 : i32
            %dma_wait3A_606 = arith.constant 0 : i32
            %dma_wait3A_607 = tpu.memref_slice %arg9[%dma_wait3A_605, %dma_wait3A_606] : memref<16512x128xf32, #tpu.memory_space<hbm>> -> memref<16512x128xf32, #tpu.memory_space<hbm>>
            tpu.wait_indirect_dma semaphore(%arg25 : memref<!tpu.dma_semaphore, #tpu.memory_space<semaphore_mem>>) src(%arg23 : memref<128x128xf32, #tpu.memory_space<vmem>>) dst(%dma_wait3A_607 : memref<16512x128xf32, #tpu.memory_space<hbm>>)
            %swap3A_608 = arith.constant 0 : i32
            %swap3A_609 = arith.index_cast %swap3A_608 : i32 to index
            %swap3A_610 = arith.constant 0 : index
            %swap3A_611 = tpu.vector_load %arg24[%swap3A_609, %swap3A_610] {strides = array<i32>} : memref<1x128xi32, #tpu.memory_space<vmem>>, vector<16xi32>,
            tpu.vector_store %arg24[%swap3A_609, %swap3A_610], %broadcast_in_dim3A_3 {strides = array<i32>} : memref<1x128xi32, #tpu.memory_space<vmem>>, vector<16xi32>,
            %swap3A_612 = arith.constant 0 : i32
            %swap3A_613 = arith.index_cast %swap3A_612 : i32 to index
            %swap3A_614 = arith.constant 16 : index
            %swap3A_615 = tpu.vector_load %arg24[%swap3A_613, %swap3A_614] {strides = array<i32>} : memref<1x128xi32, #tpu.memory_space<vmem>>, vector<16xi32>,
            tpu.vector_store %arg24[%swap3A_613, %swap3A_614], %broadcast_in_dim3A_3 {strides = array<i32>} : memref<1x128xi32, #tpu.memory_space<vmem>>, vector<16xi32>,
            %swap3A_616 = arith.constant 0 : i32
            %swap3A_617 = arith.index_cast %swap3A_616 : i32 to index
            %swap3A_618 = arith.constant 32 : index
            %swap3A_619 = tpu.vector_load %arg24[%swap3A_617, %swap3A_618] {strides = array<i32>} : memref<1x128xi32, #tpu.memory_space<vmem>>, vector<16xi32>,
            tpu.vector_store %arg24[%swap3A_617, %swap3A_618], %broadcast_in_dim3A_3 {strides = array<i32>} : memref<1x128xi32, #tpu.memory_space<vmem>>, vector<16xi32>,
            %swap3A_620 = arith.constant 0 : i32
            %swap3A_621 = arith.index_cast %swap3A_620 : i32 to index
            %swap3A_622 = arith.constant 48 : index
            %swap3A_623 = tpu.vector_load %arg24[%swap3A_621, %swap3A_622] {strides = array<i32>} : memref<1x128xi32, #tpu.memory_space<vmem>>, vector<16xi32>,
            tpu.vector_store %arg24[%swap3A_621, %swap3A_622], %broadcast_in_dim3A_3 {strides = array<i32>} : memref<1x128xi32, #tpu.memory_space<vmem>>, vector<16xi32>,
            %swap3A_624 = arith.constant 0 : i32
            %swap3A_625 = arith.index_cast %swap3A_624 : i32 to index
            %swap3A_626 = arith.constant 64 : index
            %swap3A_627 = tpu.vector_load %arg24[%swap3A_625, %swap3A_626] {strides = array<i32>} : memref<1x128xi32, #tpu.memory_space<vmem>>, vector<16xi32>,
            tpu.vector_store %arg24[%swap3A_625, %swap3A_626], %broadcast_in_dim3A_3 {strides = array<i32>} : memref<1x128xi32, #tpu.memory_space<vmem>>, vector<16xi32>,
            %swap3A_628 = arith.constant 0 : i32
            %swap3A_629 = arith.index_cast %swap3A_628 : i32 to index
            %swap3A_630 = arith.constant 80 : index
            %swap3A_631 = tpu.vector_load %arg24[%swap3A_629, %swap3A_630] {strides = array<i32>} : memref<1x128xi32, #tpu.memory_space<vmem>>, vector<16xi32>,
            tpu.vector_store %arg24[%swap3A_629, %swap3A_630], %broadcast_in_dim3A_3 {strides = array<i32>} : memref<1x128xi32, #tpu.memory_space<vmem>>, vector<16xi32>,
            %swap3A_632 = arith.constant 0 : i32
            %swap3A_633 = arith.index_cast %swap3A_632 : i32 to index
            %swap3A_634 = arith.constant 96 : index
            %swap3A_635 = tpu.vector_load %arg24[%swap3A_633, %swap3A_634] {strides = array<i32>} : memref<1x128xi32, #tpu.memory_space<vmem>>, vector<16xi32>,
            tpu.vector_store %arg24[%swap3A_633, %swap3A_634], %broadcast_in_dim3A_3 {strides = array<i32>} : memref<1x128xi32, #tpu.memory_space<vmem>>, vector<16xi32>,
            %swap3A_636 = arith.constant 0 : i32
            %swap3A_637 = arith.index_cast %swap3A_636 : i32 to index
            %swap3A_638 = arith.constant 112 : index
            %swap3A_639 = tpu.vector_load %arg24[%swap3A_637, %swap3A_638] {strides = array<i32>} : memref<1x128xi32, #tpu.memory_space<vmem>>, vector<16xi32>,
            tpu.vector_store %arg24[%swap3A_637, %swap3A_638], %broadcast_in_dim3A_3 {strides = array<i32>} : memref<1x128xi32, #tpu.memory_space<vmem>>, vector<16xi32>,
            %cond3A_640 = arith.constant 0 : i32
            scf.yield %cond3A_640 : i32
          } else {
            %cond3A_596 = arith.constant 0 : i32
            scf.yield %cond3A_596 : i32
          }
          scf.yield %add3A_586 : i32
        }
        %while3A_532 = arith.constant 1 : i32
        %while3A_533 = scf.for %while3A_534 = %while3A_529 to %while3A_525 step %while3A_532 iter_args(%while3A_535 = %while3A_531) -> (i32)  : i32 {
          %add3A_536 = arith.addi %sub3A_522, %while3A_534 : i32
          %get3A_537 = arith.index_cast %add3A_536 : i32 to index
          %get3A_538 = tpu.vector_load %arg10[%get3A_537] {strides = array<i32>} : memref<16400xi32, #tpu.memory_space<vmem>>, vector<16xi32>,
          %slice3A_539 = vector.extract_strided_slice %get3A_538 {offsets = [0], sizes = [1], strides = [1]} : vector<16xi32> to vector<1xi32>
          %squeeze3A_540 = vector.extract %slice3A_539[0] : i32 from vector<1xi32>
          %shift_right_logical3A = arith.constant 14 : i32
          %shift_right_logical3A_541 = arith.shrui %squeeze3A_540, %shift_right_logical3A : i32
          %and3A_542 = arith.constant 255 : i32
          %and3A_543 = arith.andi %shift_right_logical3A_541, %and3A_542 : i32
          %and3A_544 = arith.constant 16383 : i32
          %and3A_545 = arith.andi %squeeze3A_540, %and3A_544 : i32
          %and3A_546 = arith.constant 127 : i32
          %and3A_547 = arith.andi %while3A_535, %and3A_546 : i32
          %broadcast_in_dim3A_548 = vector.broadcast %and3A_543 : i32 to vector<16xi32>
          %add3A_549 = arith.constant 0 : i32
          %add3A_550 = vector.broadcast %add3A_549 : i32 to vector<16xi32>
          %add3A_551 = arith.addi %iota3A, %add3A_550 : vector<16xi32>
          %gather3A = tpu.vector_load_idx %arg15[%add3A_551, %broadcast_in_dim3A_548] : memref<64x256xf32, #tpu.memory_space<vmem>>[vector<16xi32>, vector<16xi32>], vector<16xf32>,
          %swap3A_552 = arith.index_cast %and3A_547 : i32 to index
          %swap3A_553 = arith.constant 0 : index
          %swap3A_554 = tpu.vector_load %arg23[%swap3A_552, %swap3A_553] {strides = array<i32>} : memref<128x128xf32, #tpu.memory_space<vmem>>, vector<16xf32>,
          tpu.vector_store %arg23[%swap3A_552, %swap3A_553], %gather3A {strides = array<i32>} : memref<128x128xf32, #tpu.memory_space<vmem>>, vector<16xf32>,
          %add3A_555 = arith.constant 16 : i32
          %add3A_556 = vector.broadcast %add3A_555 : i32 to vector<16xi32>
          %add3A_557 = arith.addi %iota3A, %add3A_556 : vector<16xi32>
          %gather3A_558 = tpu.vector_load_idx %arg15[%add3A_557, %broadcast_in_dim3A_548] : memref<64x256xf32, #tpu.memory_space<vmem>>[vector<16xi32>, vector<16xi32>], vector<16xf32>,
          %swap3A_559 = arith.index_cast %and3A_547 : i32 to index
          %swap3A_560 = arith.constant 16 : index
          %swap3A_561 = tpu.vector_load %arg23[%swap3A_559, %swap3A_560] {strides = array<i32>} : memref<128x128xf32, #tpu.memory_space<vmem>>, vector<16xf32>,
          tpu.vector_store %arg23[%swap3A_559, %swap3A_560], %gather3A_558 {strides = array<i32>} : memref<128x128xf32, #tpu.memory_space<vmem>>, vector<16xf32>,
          %add3A_562 = arith.constant 32 : i32
          %add3A_563 = vector.broadcast %add3A_562 : i32 to vector<16xi32>
          %add3A_564 = arith.addi %iota3A, %add3A_563 : vector<16xi32>
          %gather3A_565 = tpu.vector_load_idx %arg15[%add3A_564, %broadcast_in_dim3A_548] : memref<64x256xf32, #tpu.memory_space<vmem>>[vector<16xi32>, vector<16xi32>], vector<16xf32>,
          %swap3A_566 = arith.index_cast %and3A_547 : i32 to index
          %swap3A_567 = arith.constant 32 : index
          %swap3A_568 = tpu.vector_load %arg23[%swap3A_566, %swap3A_567] {strides = array<i32>} : memref<128x128xf32, #tpu.memory_space<vmem>>, vector<16xf32>,
          tpu.vector_store %arg23[%swap3A_566, %swap3A_567], %gather3A_565 {strides = array<i32>} : memref<128x128xf32, #tpu.memory_space<vmem>>, vector<16xf32>,
          %add3A_569 = arith.constant 48 : i32
          %add3A_570 = vector.broadcast %add3A_569 : i32 to vector<16xi32>
          %add3A_571 = arith.addi %iota3A, %add3A_570 : vector<16xi32>
          %gather3A_572 = tpu.vector_load_idx %arg15[%add3A_571, %broadcast_in_dim3A_548] : memref<64x256xf32, #tpu.memory_space<vmem>>[vector<16xi32>, vector<16xi32>], vector<16xf32>,
          %swap3A_573 = arith.index_cast %and3A_547 : i32 to index
          %swap3A_574 = arith.constant 48 : index
          %swap3A_575 = tpu.vector_load %arg23[%swap3A_573, %swap3A_574] {strides = array<i32>} : memref<128x128xf32, #tpu.memory_space<vmem>>, vector<16xf32>,
          tpu.vector_store %arg23[%swap3A_573, %swap3A_574], %gather3A_572 {strides = array<i32>} : memref<128x128xf32, #tpu.memory_space<vmem>>, vector<16xf32>,
          %gather3A_576 = tpu.vector_load_idx %arg18[%broadcast_in_dim3A_548] : memref<256xf32, #tpu.memory_space<vmem>>[vector<16xi32>], vector<16xf32>,
          %swap3A_577 = arith.index_cast %and3A_547 : i32 to index
          %swap3A_578 = arith.constant 64 : index
          %swap3A_579 = tpu.vector_load %arg23[%swap3A_577, %swap3A_578] {strides = array<i32>} : memref<128x128xf32, #tpu.memory_space<vmem>>, vector<16xf32>,
          tpu.vector_store %arg23[%swap3A_577, %swap3A_578], %gather3A_576 {strides = array<i32>} : memref<128x128xf32, #tpu.memory_space<vmem>>, vector<16xf32>,
          %broadcast_in_dim3A_580 = vector.broadcast %and3A_547 : i32 to vector<16xi32>
          %broadcast_in_dim3A_581 = vector.broadcast %and3A_545 : i32 to vector<16xi32>
          %scatter3A = arith.constant 0 : i32
          %scatter3A_582 = arith.constant 0 : i32
          %scatter3A_583 = tpu.memref_slice %arg24[%scatter3A, %scatter3A_582] : memref<1x128xi32, #tpu.memory_space<vmem>> -> memref<1x128xi32, #tpu.memory_space<vmem>>
          %scatter3A_584 = tpu.memref_squeeze %scatter3A_583 : memref<1x128xi32, #tpu.memory_space<vmem>> -> memref<128xi32, #tpu.memory_space<vmem>>
          tpu.vector_store_idx %scatter3A_584[%broadcast_in_dim3A_580], %broadcast_in_dim3A_581 masked %eq3A_2 : memref<128xi32, #tpu.memory_space<vmem>>[vector<16xi32>], vector<16xi32>, vector<16xi1>
          %add3A_585 = arith.constant 1 : i32
          %add3A_586 = arith.addi %while3A_535, %add3A_585 : i32
          %and3A_587 = arith.constant 127 : i32
          %and3A_588 = arith.andi %add3A_586, %and3A_587 : i32
          %eq3A_589 = arith.constant 0 : i32
          %eq3A_590 = arith.cmpi eq, %and3A_588, %eq3A_589 : i32
          %convert_element_type3A_591 = arith.extui %eq3A_590 : i1 to i32
          %cond3A_592 = arith.constant 0 : i32
          %cond3A_593 = arith.constant 0 : i32
          %cond3A_594 = arith.cmpi ne, %convert_element_type3A_591, %cond3A_593 : i32
          %cond3A_595 = scf.if %cond3A_594 -> (i32) {
            %dma_start3A = arith.constant 0 : i32
            %dma_start3A_596 = arith.constant 0 : i32
            %dma_start3A_597 = tpu.memref_slice %arg24[%dma_start3A, %dma_start3A_596] : memref<1x128xi32, #tpu.memory_space<vmem>> -> memref<1x128xi32, #tpu.memory_space<vmem>>
            %dma_start3A_598 = tpu.memref_squeeze %dma_start3A_597 : memref<1x128xi32, #tpu.memory_space<vmem>> -> memref<128xi32, #tpu.memory_space<vmem>>
            %dma_start3A_599 = arith.constant 0 : i32
            %dma_start3A_600 = arith.constant 0 : i32
            %dma_start3A_601 = tpu.memref_slice %arg9[%dma_start3A_599, %dma_start3A_600] : memref<16512x128xf32, #tpu.memory_space<hbm>> -> memref<16512x128xf32, #tpu.memory_space<hbm>>
            tpu.enqueue_indirect_dma source(%arg23 : memref<128x128xf32, #tpu.memory_space<vmem>>) target(%dma_start3A_601 : memref<16512x128xf32, #tpu.memory_space<hbm>>) offsets(%dma_start3A_598 : memref<128xi32, #tpu.memory_space<vmem>>) semaphore(%arg25 : memref<!tpu.dma_semaphore, #tpu.memory_space<semaphore_mem>>)
            %dma_wait3A = arith.constant 0 : i32
            %dma_wait3A_602 = arith.constant 0 : i32
            %dma_wait3A_603 = tpu.memref_slice %arg24[%dma_wait3A, %dma_wait3A_602] : memref<1x128xi32, #tpu.memory_space<vmem>> -> memref<1x128xi32, #tpu.memory_space<vmem>>
            %dma_wait3A_604 = tpu.memref_squeeze %dma_wait3A_603 : memref<1x128xi32, #tpu.memory_space<vmem>> -> memref<128xi32, #tpu.memory_space<vmem>>
            %dma_wait3A_605 = arith.constant 0 : i32
            %dma_wait3A_606 = arith.constant 0 : i32
            %dma_wait3A_607 = tpu.memref_slice %arg9[%dma_wait3A_605, %dma_wait3A_606] : memref<16512x128xf32, #tpu.memory_space<hbm>> -> memref<16512x128xf32, #tpu.memory_space<hbm>>
            tpu.wait_indirect_dma semaphore(%arg25 : memref<!tpu.dma_semaphore, #tpu.memory_space<semaphore_mem>>) src(%arg23 : memref<128x128xf32, #tpu.memory_space<vmem>>) dst(%dma_wait3A_607 : memref<16512x128xf32, #tpu.memory_space<hbm>>)
            %swap3A_608 = arith.constant 0 : i32
            %swap3A_609 = arith.index_cast %swap3A_608 : i32 to index
            %swap3A_610 = arith.constant 0 : index
            %swap3A_611 = tpu.vector_load %arg24[%swap3A_609, %swap3A_610] {strides = array<i32>} : memref<1x128xi32, #tpu.memory_space<vmem>>, vector<16xi32>,
            tpu.vector_store %arg24[%swap3A_609, %swap3A_610], %broadcast_in_dim3A_3 {strides = array<i32>} : memref<1x128xi32, #tpu.memory_space<vmem>>, vector<16xi32>,
            %swap3A_612 = arith.constant 0 : i32
            %swap3A_613 = arith.index_cast %swap3A_612 : i32 to index
            %swap3A_614 = arith.constant 16 : index
            %swap3A_615 = tpu.vector_load %arg24[%swap3A_613, %swap3A_614] {strides = array<i32>} : memref<1x128xi32, #tpu.memory_space<vmem>>, vector<16xi32>,
            tpu.vector_store %arg24[%swap3A_613, %swap3A_614], %broadcast_in_dim3A_3 {strides = array<i32>} : memref<1x128xi32, #tpu.memory_space<vmem>>, vector<16xi32>,
            %swap3A_616 = arith.constant 0 : i32
            %swap3A_617 = arith.index_cast %swap3A_616 : i32 to index
            %swap3A_618 = arith.constant 32 : index
            %swap3A_619 = tpu.vector_load %arg24[%swap3A_617, %swap3A_618] {strides = array<i32>} : memref<1x128xi32, #tpu.memory_space<vmem>>, vector<16xi32>,
            tpu.vector_store %arg24[%swap3A_617, %swap3A_618], %broadcast_in_dim3A_3 {strides = array<i32>} : memref<1x128xi32, #tpu.memory_space<vmem>>, vector<16xi32>,
            %swap3A_620 = arith.constant 0 : i32
            %swap3A_621 = arith.index_cast %swap3A_620 : i32 to index
            %swap3A_622 = arith.constant 48 : index
            %swap3A_623 = tpu.vector_load %arg24[%swap3A_621, %swap3A_622] {strides = array<i32>} : memref<1x128xi32, #tpu.memory_space<vmem>>, vector<16xi32>,
            tpu.vector_store %arg24[%swap3A_621, %swap3A_622], %broadcast_in_dim3A_3 {strides = array<i32>} : memref<1x128xi32, #tpu.memory_space<vmem>>, vector<16xi32>,
            %swap3A_624 = arith.constant 0 : i32
            %swap3A_625 = arith.index_cast %swap3A_624 : i32 to index
            %swap3A_626 = arith.constant 64 : index
            %swap3A_627 = tpu.vector_load %arg24[%swap3A_625, %swap3A_626] {strides = array<i32>} : memref<1x128xi32, #tpu.memory_space<vmem>>, vector<16xi32>,
            tpu.vector_store %arg24[%swap3A_625, %swap3A_626], %broadcast_in_dim3A_3 {strides = array<i32>} : memref<1x128xi32, #tpu.memory_space<vmem>>, vector<16xi32>,
            %swap3A_628 = arith.constant 0 : i32
            %swap3A_629 = arith.index_cast %swap3A_628 : i32 to index
            %swap3A_630 = arith.constant 80 : index
            %swap3A_631 = tpu.vector_load %arg24[%swap3A_629, %swap3A_630] {strides = array<i32>} : memref<1x128xi32, #tpu.memory_space<vmem>>, vector<16xi32>,
            tpu.vector_store %arg24[%swap3A_629, %swap3A_630], %broadcast_in_dim3A_3 {strides = array<i32>} : memref<1x128xi32, #tpu.memory_space<vmem>>, vector<16xi32>,
            %swap3A_632 = arith.constant 0 : i32
            %swap3A_633 = arith.index_cast %swap3A_632 : i32 to index
            %swap3A_634 = arith.constant 96 : index
            %swap3A_635 = tpu.vector_load %arg24[%swap3A_633, %swap3A_634] {strides = array<i32>} : memref<1x128xi32, #tpu.memory_space<vmem>>, vector<16xi32>,
            tpu.vector_store %arg24[%swap3A_633, %swap3A_634], %broadcast_in_dim3A_3 {strides = array<i32>} : memref<1x128xi32, #tpu.memory_space<vmem>>, vector<16xi32>,
            %swap3A_636 = arith.constant 0 : i32
            %swap3A_637 = arith.index_cast %swap3A_636 : i32 to index
            %swap3A_638 = arith.constant 112 : index
            %swap3A_639 = tpu.vector_load %arg24[%swap3A_637, %swap3A_638] {strides = array<i32>} : memref<1x128xi32, #tpu.memory_space<vmem>>, vector<16xi32>,
            tpu.vector_store %arg24[%swap3A_637, %swap3A_638], %broadcast_in_dim3A_3 {strides = array<i32>} : memref<1x128xi32, #tpu.memory_space<vmem>>, vector<16xi32>,
            %cond3A_640 = arith.constant 0 : i32
            scf.yield %cond3A_640 : i32
          } else {
            %cond3A_596 = arith.constant 0 : i32
            scf.yield %cond3A_596 : i32
          }
          scf.yield %add3A_586 : i32
        }
        scf.yield %while3A_533 : i32
      } else {
        scf.yield %scan3A_408 : i32
      }
      %mul3A_444 = arith.constant 3 : i32
      %mul3A_445 = arith.muli %mul3A_444, %scan3A_407 : i32
      %add3A_446 = arith.constant 1 : i32
      %add3A_447 = arith.addi %mul3A_445, %add3A_446 : i32
      %mul3A_448 = arith.constant 32 : i32
      %mul3A_449 = arith.muli %mul3A_448, %add3A_447 : i32
      %add3A_450 = arith.addi %add3A, %mul3A_449 : i32
      %lt3A_451 = arith.constant 3906 : i32
      %lt3A_452 = arith.cmpi slt, %add3A_450, %lt3A_451 : i32
      %convert_element_type3A_453 = arith.extui %lt3A_452 : i1 to i32
      %cond3A_454 = arith.constant 0 : i32
      %cond3A_455 = arith.constant 0 : i32
      %cond3A_456 = arith.cmpi ne, %convert_element_type3A_453, %cond3A_455 : i32
      %cond3A_457 = scf.if %cond3A_456 -> (i32) {
        %dma_wait3A = arith.constant 0 : i32
        %dma_wait3A_514 = arith.constant 0 : i32
        %dma_wait3A_515 = tpu.memref_slice %arg5[%dma_wait3A, %dma_wait3A_514] : memref<64x1000000xf32, #tpu.memory_space<hbm>> -> memref<64x256xf32, #tpu.memory_space<hbm>>
        %dma_wait3A_516 = arith.constant 0 : i32
        %dma_wait3A_517 = arith.constant 0 : i32
        %dma_wait3A_518 = tpu.memref_slice %arg5[%dma_wait3A_516, %dma_wait3A_517] : memref<64x1000000xf32, #tpu.memory_space<hbm>> -> memref<64x256xf32, #tpu.memory_space<hbm>>
        tpu.wait_dma2 semaphore(%arg27 : memref<!tpu.dma_semaphore, #tpu.memory_space<semaphore_mem>>) src(%dma_wait3A_518 : memref<64x256xf32, #tpu.memory_space<hbm>>) dst(%arg16 : memref<64x256xf32, #tpu.memory_space<vmem>>)
        %dma_wait3A_519 = arith.constant 0 : i32
        %dma_wait3A_520 = tpu.memref_slice %arg7[%dma_wait3A_519] : memref<1000000xf32, #tpu.memory_space<hbm>> -> memref<256xf32, #tpu.memory_space<hbm>>
        %dma_wait3A_521 = arith.constant 0 : i32
        %dma_wait3A_522 = tpu.memref_slice %arg7[%dma_wait3A_521] : memref<1000000xf32, #tpu.memory_space<hbm>> -> memref<256xf32, #tpu.memory_space<hbm>>
        tpu.wait_dma2 semaphore(%arg27 : memref<!tpu.dma_semaphore, #tpu.memory_space<semaphore_mem>>) src(%dma_wait3A_522 : memref<256xf32, #tpu.memory_space<hbm>>) dst(%arg19 : memref<256xf32, #tpu.memory_space<vmem>>)
        %cond3A_523 = arith.constant 0 : i32
        scf.yield %cond3A_523 : i32
      } else {
        %cond3A_514 = arith.constant 0 : i32
        scf.yield %cond3A_514 : i32
      }
      %add3A_458 = arith.constant 2 : i32
      %add3A_459 = arith.addi %add3A_447, %add3A_458 : i32
      %mul3A_460 = arith.constant 32 : i32
      %mul3A_461 = arith.muli %mul3A_460, %add3A_459 : i32
      %add3A_462 = arith.addi %add3A, %mul3A_461 : i32
      %lt3A_463 = arith.constant 3906 : i32
      %lt3A_464 = arith.cmpi slt, %add3A_462, %lt3A_463 : i32
      %convert_element_type3A_465 = arith.extui %lt3A_464 : i1 to i32
      %cond3A_466 = arith.constant 0 : i32
      %cond3A_467 = arith.constant 0 : i32
      %cond3A_468 = arith.cmpi ne, %convert_element_type3A_465, %cond3A_467 : i32
      %cond3A_469 = scf.if %cond3A_468 -> (i32) {
        %mul3A_514 = arith.constant 32 : i32
        %mul3A_515 = arith.muli %mul3A_514, %add3A_459 : i32
        %add3A_516 = arith.addi %add3A, %mul3A_515 : i32
        %mul3A_517 = arith.constant 256 : i32
        %mul3A_518 = arith.muli %add3A_516, %mul3A_517 : i32
        %multiple_of3A = tpu.assume_multiple %mul3A_518, 256 : i32
        %dma_start3A = arith.constant 0 : i32
        %dma_start3A_519 = tpu.memref_slice %arg5[%dma_start3A, %multiple_of3A] : memref<64x1000000xf32, #tpu.memory_space<hbm>> -> memref<64x256xf32, #tpu.memory_space<hbm>>
        %dma_start3A_520 = arith.constant 0 : i32
        %dma_start3A_521 = tpu.memref_slice %arg5[%dma_start3A_520, %multiple_of3A] : memref<64x1000000xf32, #tpu.memory_space<hbm>> -> memref<64x256xf32, #tpu.memory_space<hbm>>
        tpu.enqueue_dma source(%dma_start3A_521 : memref<64x256xf32, #tpu.memory_space<hbm>>) target(%arg15 : memref<64x256xf32, #tpu.memory_space<vmem>>) target_semaphore(%arg26 : memref<!tpu.dma_semaphore, #tpu.memory_space<semaphore_mem>>)
        %dma_start3A_522 = tpu.memref_slice %arg7[%multiple_of3A] : memref<1000000xf32, #tpu.memory_space<hbm>> -> memref<256xf32, #tpu.memory_space<hbm>>
        %dma_start3A_523 = tpu.memref_slice %arg7[%multiple_of3A] : memref<1000000xf32, #tpu.memory_space<hbm>> -> memref<256xf32, #tpu.memory_space<hbm>>
        tpu.enqueue_dma source(%dma_start3A_523 : memref<256xf32, #tpu.memory_space<hbm>>) target(%arg18 : memref<256xf32, #tpu.memory_space<vmem>>) target_semaphore(%arg26 : memref<!tpu.dma_semaphore, #tpu.memory_space<semaphore_mem>>)
        %cond3A_524 = arith.constant 0 : i32
        scf.yield %cond3A_524 : i32
      } else {
        %cond3A_514 = arith.constant 0 : i32
        scf.yield %cond3A_514 : i32
      }
      %mul3A_470 = arith.constant 32 : i32
      %mul3A_471 = arith.muli %mul3A_470, %add3A_447 : i32
      %add3A_472 = arith.addi %add3A, %mul3A_471 : i32
      %lt3A_473 = arith.constant 3906 : i32
      %lt3A_474 = arith.cmpi slt, %add3A_472, %lt3A_473 : i32
      %convert_element_type3A_475 = arith.extui %lt3A_474 : i1 to i32
      %cond3A_476 = arith.constant 0 : i32
      %cond3A_477 = arith.cmpi ne, %convert_element_type3A_475, %cond3A_476 : i32
      %cond3A_478 = scf.if %cond3A_477 -> (i32) {
        %get3A_514 = arith.index_cast %add3A_447 : i32 to index
        %get3A_515 = tpu.vector_load %arg12[%get3A_514] {strides = array<i32>} : memref<144xi32, #tpu.memory_space<vmem>>, vector<16xi32>,
        %slice3A_516 = vector.extract_strided_slice %get3A_515 {offsets = [0], sizes = [1], strides = [1]} : vector<16xi32> to vector<1xi32>
        %squeeze3A_517 = vector.extract %slice3A_516[0] : i32 from vector<1xi32>
        %get3A_518 = arith.index_cast %add3A_447 : i32 to index
        %get3A_519 = tpu.vector_load %arg11[%get3A_518] {strides = array<i32>} : memref<144xi32, #tpu.memory_space<vmem>>, vector<16xi32>,
        %slice3A_520 = vector.extract_strided_slice %get3A_519 {offsets = [0], sizes = [1], strides = [1]} : vector<16xi32> to vector<1xi32>
        %squeeze3A_521 = vector.extract %slice3A_520[0] : i32 from vector<1xi32>
        %sub3A_522 = arith.subi %squeeze3A_517, %squeeze3A_521 : i32
        %while3A_523 = arith.constant 0 : i32
        %while3A_524 = arith.subi %squeeze3A_521, %while3A_523 : i32
        %while3A_525 = arith.addi %while3A_523, %while3A_524 : i32
        %while3A_526 = arith.constant 1 : i32
        %while3A_527 = arith.divsi %while3A_524, %while3A_526 : i32
        %while3A_528 = arith.muli %while3A_527, %while3A_526 : i32
        %while3A_529 = arith.addi %while3A_523, %while3A_528 : i32
        %while3A_530 = arith.constant 1 : i32
        %while3A_531 = scf.for %while3A_534 = %while3A_523 to %while3A_529 step %while3A_530 iter_args(%while3A_535 = %cond3A_443) -> (i32)  : i32 {
          %add3A_536 = arith.addi %sub3A_522, %while3A_534 : i32
          %get3A_537 = arith.index_cast %add3A_536 : i32 to index
          %get3A_538 = tpu.vector_load %arg10[%get3A_537] {strides = array<i32>} : memref<16400xi32, #tpu.memory_space<vmem>>, vector<16xi32>,
          %slice3A_539 = vector.extract_strided_slice %get3A_538 {offsets = [0], sizes = [1], strides = [1]} : vector<16xi32> to vector<1xi32>
          %squeeze3A_540 = vector.extract %slice3A_539[0] : i32 from vector<1xi32>
          %shift_right_logical3A = arith.constant 14 : i32
          %shift_right_logical3A_541 = arith.shrui %squeeze3A_540, %shift_right_logical3A : i32
          %and3A_542 = arith.constant 255 : i32
          %and3A_543 = arith.andi %shift_right_logical3A_541, %and3A_542 : i32
          %and3A_544 = arith.constant 16383 : i32
          %and3A_545 = arith.andi %squeeze3A_540, %and3A_544 : i32
          %and3A_546 = arith.constant 127 : i32
          %and3A_547 = arith.andi %while3A_535, %and3A_546 : i32
          %broadcast_in_dim3A_548 = vector.broadcast %and3A_543 : i32 to vector<16xi32>
          %add3A_549 = arith.constant 0 : i32
          %add3A_550 = vector.broadcast %add3A_549 : i32 to vector<16xi32>
          %add3A_551 = arith.addi %iota3A, %add3A_550 : vector<16xi32>
          %gather3A = tpu.vector_load_idx %arg16[%add3A_551, %broadcast_in_dim3A_548] : memref<64x256xf32, #tpu.memory_space<vmem>>[vector<16xi32>, vector<16xi32>], vector<16xf32>,
          %swap3A_552 = arith.index_cast %and3A_547 : i32 to index
          %swap3A_553 = arith.constant 0 : index
          %swap3A_554 = tpu.vector_load %arg23[%swap3A_552, %swap3A_553] {strides = array<i32>} : memref<128x128xf32, #tpu.memory_space<vmem>>, vector<16xf32>,
          tpu.vector_store %arg23[%swap3A_552, %swap3A_553], %gather3A {strides = array<i32>} : memref<128x128xf32, #tpu.memory_space<vmem>>, vector<16xf32>,
          %add3A_555 = arith.constant 16 : i32
          %add3A_556 = vector.broadcast %add3A_555 : i32 to vector<16xi32>
          %add3A_557 = arith.addi %iota3A, %add3A_556 : vector<16xi32>
          %gather3A_558 = tpu.vector_load_idx %arg16[%add3A_557, %broadcast_in_dim3A_548] : memref<64x256xf32, #tpu.memory_space<vmem>>[vector<16xi32>, vector<16xi32>], vector<16xf32>,
          %swap3A_559 = arith.index_cast %and3A_547 : i32 to index
          %swap3A_560 = arith.constant 16 : index
          %swap3A_561 = tpu.vector_load %arg23[%swap3A_559, %swap3A_560] {strides = array<i32>} : memref<128x128xf32, #tpu.memory_space<vmem>>, vector<16xf32>,
          tpu.vector_store %arg23[%swap3A_559, %swap3A_560], %gather3A_558 {strides = array<i32>} : memref<128x128xf32, #tpu.memory_space<vmem>>, vector<16xf32>,
          %add3A_562 = arith.constant 32 : i32
          %add3A_563 = vector.broadcast %add3A_562 : i32 to vector<16xi32>
          %add3A_564 = arith.addi %iota3A, %add3A_563 : vector<16xi32>
          %gather3A_565 = tpu.vector_load_idx %arg16[%add3A_564, %broadcast_in_dim3A_548] : memref<64x256xf32, #tpu.memory_space<vmem>>[vector<16xi32>, vector<16xi32>], vector<16xf32>,
          %swap3A_566 = arith.index_cast %and3A_547 : i32 to index
          %swap3A_567 = arith.constant 32 : index
          %swap3A_568 = tpu.vector_load %arg23[%swap3A_566, %swap3A_567] {strides = array<i32>} : memref<128x128xf32, #tpu.memory_space<vmem>>, vector<16xf32>,
          tpu.vector_store %arg23[%swap3A_566, %swap3A_567], %gather3A_565 {strides = array<i32>} : memref<128x128xf32, #tpu.memory_space<vmem>>, vector<16xf32>,
          %add3A_569 = arith.constant 48 : i32
          %add3A_570 = vector.broadcast %add3A_569 : i32 to vector<16xi32>
          %add3A_571 = arith.addi %iota3A, %add3A_570 : vector<16xi32>
          %gather3A_572 = tpu.vector_load_idx %arg16[%add3A_571, %broadcast_in_dim3A_548] : memref<64x256xf32, #tpu.memory_space<vmem>>[vector<16xi32>, vector<16xi32>], vector<16xf32>,
          %swap3A_573 = arith.index_cast %and3A_547 : i32 to index
          %swap3A_574 = arith.constant 48 : index
          %swap3A_575 = tpu.vector_load %arg23[%swap3A_573, %swap3A_574] {strides = array<i32>} : memref<128x128xf32, #tpu.memory_space<vmem>>, vector<16xf32>,
          tpu.vector_store %arg23[%swap3A_573, %swap3A_574], %gather3A_572 {strides = array<i32>} : memref<128x128xf32, #tpu.memory_space<vmem>>, vector<16xf32>,
          %gather3A_576 = tpu.vector_load_idx %arg19[%broadcast_in_dim3A_548] : memref<256xf32, #tpu.memory_space<vmem>>[vector<16xi32>], vector<16xf32>,
          %swap3A_577 = arith.index_cast %and3A_547 : i32 to index
          %swap3A_578 = arith.constant 64 : index
          %swap3A_579 = tpu.vector_load %arg23[%swap3A_577, %swap3A_578] {strides = array<i32>} : memref<128x128xf32, #tpu.memory_space<vmem>>, vector<16xf32>,
          tpu.vector_store %arg23[%swap3A_577, %swap3A_578], %gather3A_576 {strides = array<i32>} : memref<128x128xf32, #tpu.memory_space<vmem>>, vector<16xf32>,
          %broadcast_in_dim3A_580 = vector.broadcast %and3A_547 : i32 to vector<16xi32>
          %broadcast_in_dim3A_581 = vector.broadcast %and3A_545 : i32 to vector<16xi32>
          %scatter3A = arith.constant 0 : i32
          %scatter3A_582 = arith.constant 0 : i32
          %scatter3A_583 = tpu.memref_slice %arg24[%scatter3A, %scatter3A_582] : memref<1x128xi32, #tpu.memory_space<vmem>> -> memref<1x128xi32, #tpu.memory_space<vmem>>
          %scatter3A_584 = tpu.memref_squeeze %scatter3A_583 : memref<1x128xi32, #tpu.memory_space<vmem>> -> memref<128xi32, #tpu.memory_space<vmem>>
          tpu.vector_store_idx %scatter3A_584[%broadcast_in_dim3A_580], %broadcast_in_dim3A_581 masked %eq3A_2 : memref<128xi32, #tpu.memory_space<vmem>>[vector<16xi32>], vector<16xi32>, vector<16xi1>
          %add3A_585 = arith.constant 1 : i32
          %add3A_586 = arith.addi %while3A_535, %add3A_585 : i32
          %and3A_587 = arith.constant 127 : i32
          %and3A_588 = arith.andi %add3A_586, %and3A_587 : i32
          %eq3A_589 = arith.constant 0 : i32
          %eq3A_590 = arith.cmpi eq, %and3A_588, %eq3A_589 : i32
          %convert_element_type3A_591 = arith.extui %eq3A_590 : i1 to i32
          %cond3A_592 = arith.constant 0 : i32
          %cond3A_593 = arith.constant 0 : i32
          %cond3A_594 = arith.cmpi ne, %convert_element_type3A_591, %cond3A_593 : i32
          %cond3A_595 = scf.if %cond3A_594 -> (i32) {
            %dma_start3A = arith.constant 0 : i32
            %dma_start3A_596 = arith.constant 0 : i32
            %dma_start3A_597 = tpu.memref_slice %arg24[%dma_start3A, %dma_start3A_596] : memref<1x128xi32, #tpu.memory_space<vmem>> -> memref<1x128xi32, #tpu.memory_space<vmem>>
            %dma_start3A_598 = tpu.memref_squeeze %dma_start3A_597 : memref<1x128xi32, #tpu.memory_space<vmem>> -> memref<128xi32, #tpu.memory_space<vmem>>
            %dma_start3A_599 = arith.constant 0 : i32
            %dma_start3A_600 = arith.constant 0 : i32
            %dma_start3A_601 = tpu.memref_slice %arg9[%dma_start3A_599, %dma_start3A_600] : memref<16512x128xf32, #tpu.memory_space<hbm>> -> memref<16512x128xf32, #tpu.memory_space<hbm>>
            tpu.enqueue_indirect_dma source(%arg23 : memref<128x128xf32, #tpu.memory_space<vmem>>) target(%dma_start3A_601 : memref<16512x128xf32, #tpu.memory_space<hbm>>) offsets(%dma_start3A_598 : memref<128xi32, #tpu.memory_space<vmem>>) semaphore(%arg25 : memref<!tpu.dma_semaphore, #tpu.memory_space<semaphore_mem>>)
            %dma_wait3A = arith.constant 0 : i32
            %dma_wait3A_602 = arith.constant 0 : i32
            %dma_wait3A_603 = tpu.memref_slice %arg24[%dma_wait3A, %dma_wait3A_602] : memref<1x128xi32, #tpu.memory_space<vmem>> -> memref<1x128xi32, #tpu.memory_space<vmem>>
            %dma_wait3A_604 = tpu.memref_squeeze %dma_wait3A_603 : memref<1x128xi32, #tpu.memory_space<vmem>> -> memref<128xi32, #tpu.memory_space<vmem>>
            %dma_wait3A_605 = arith.constant 0 : i32
            %dma_wait3A_606 = arith.constant 0 : i32
            %dma_wait3A_607 = tpu.memref_slice %arg9[%dma_wait3A_605, %dma_wait3A_606] : memref<16512x128xf32, #tpu.memory_space<hbm>> -> memref<16512x128xf32, #tpu.memory_space<hbm>>
            tpu.wait_indirect_dma semaphore(%arg25 : memref<!tpu.dma_semaphore, #tpu.memory_space<semaphore_mem>>) src(%arg23 : memref<128x128xf32, #tpu.memory_space<vmem>>) dst(%dma_wait3A_607 : memref<16512x128xf32, #tpu.memory_space<hbm>>)
            %swap3A_608 = arith.constant 0 : i32
            %swap3A_609 = arith.index_cast %swap3A_608 : i32 to index
            %swap3A_610 = arith.constant 0 : index
            %swap3A_611 = tpu.vector_load %arg24[%swap3A_609, %swap3A_610] {strides = array<i32>} : memref<1x128xi32, #tpu.memory_space<vmem>>, vector<16xi32>,
            tpu.vector_store %arg24[%swap3A_609, %swap3A_610], %broadcast_in_dim3A_3 {strides = array<i32>} : memref<1x128xi32, #tpu.memory_space<vmem>>, vector<16xi32>,
            %swap3A_612 = arith.constant 0 : i32
            %swap3A_613 = arith.index_cast %swap3A_612 : i32 to index
            %swap3A_614 = arith.constant 16 : index
            %swap3A_615 = tpu.vector_load %arg24[%swap3A_613, %swap3A_614] {strides = array<i32>} : memref<1x128xi32, #tpu.memory_space<vmem>>, vector<16xi32>,
            tpu.vector_store %arg24[%swap3A_613, %swap3A_614], %broadcast_in_dim3A_3 {strides = array<i32>} : memref<1x128xi32, #tpu.memory_space<vmem>>, vector<16xi32>,
            %swap3A_616 = arith.constant 0 : i32
            %swap3A_617 = arith.index_cast %swap3A_616 : i32 to index
            %swap3A_618 = arith.constant 32 : index
            %swap3A_619 = tpu.vector_load %arg24[%swap3A_617, %swap3A_618] {strides = array<i32>} : memref<1x128xi32, #tpu.memory_space<vmem>>, vector<16xi32>,
            tpu.vector_store %arg24[%swap3A_617, %swap3A_618], %broadcast_in_dim3A_3 {strides = array<i32>} : memref<1x128xi32, #tpu.memory_space<vmem>>, vector<16xi32>,
            %swap3A_620 = arith.constant 0 : i32
            %swap3A_621 = arith.index_cast %swap3A_620 : i32 to index
            %swap3A_622 = arith.constant 48 : index
            %swap3A_623 = tpu.vector_load %arg24[%swap3A_621, %swap3A_622] {strides = array<i32>} : memref<1x128xi32, #tpu.memory_space<vmem>>, vector<16xi32>,
            tpu.vector_store %arg24[%swap3A_621, %swap3A_622], %broadcast_in_dim3A_3 {strides = array<i32>} : memref<1x128xi32, #tpu.memory_space<vmem>>, vector<16xi32>,
            %swap3A_624 = arith.constant 0 : i32
            %swap3A_625 = arith.index_cast %swap3A_624 : i32 to index
            %swap3A_626 = arith.constant 64 : index
            %swap3A_627 = tpu.vector_load %arg24[%swap3A_625, %swap3A_626] {strides = array<i32>} : memref<1x128xi32, #tpu.memory_space<vmem>>, vector<16xi32>,
            tpu.vector_store %arg24[%swap3A_625, %swap3A_626], %broadcast_in_dim3A_3 {strides = array<i32>} : memref<1x128xi32, #tpu.memory_space<vmem>>, vector<16xi32>,
            %swap3A_628 = arith.constant 0 : i32
            %swap3A_629 = arith.index_cast %swap3A_628 : i32 to index
            %swap3A_630 = arith.constant 80 : index
            %swap3A_631 = tpu.vector_load %arg24[%swap3A_629, %swap3A_630] {strides = array<i32>} : memref<1x128xi32, #tpu.memory_space<vmem>>, vector<16xi32>,
            tpu.vector_store %arg24[%swap3A_629, %swap3A_630], %broadcast_in_dim3A_3 {strides = array<i32>} : memref<1x128xi32, #tpu.memory_space<vmem>>, vector<16xi32>,
            %swap3A_632 = arith.constant 0 : i32
            %swap3A_633 = arith.index_cast %swap3A_632 : i32 to index
            %swap3A_634 = arith.constant 96 : index
            %swap3A_635 = tpu.vector_load %arg24[%swap3A_633, %swap3A_634] {strides = array<i32>} : memref<1x128xi32, #tpu.memory_space<vmem>>, vector<16xi32>,
            tpu.vector_store %arg24[%swap3A_633, %swap3A_634], %broadcast_in_dim3A_3 {strides = array<i32>} : memref<1x128xi32, #tpu.memory_space<vmem>>, vector<16xi32>,
            %swap3A_636 = arith.constant 0 : i32
            %swap3A_637 = arith.index_cast %swap3A_636 : i32 to index
            %swap3A_638 = arith.constant 112 : index
            %swap3A_639 = tpu.vector_load %arg24[%swap3A_637, %swap3A_638] {strides = array<i32>} : memref<1x128xi32, #tpu.memory_space<vmem>>, vector<16xi32>,
            tpu.vector_store %arg24[%swap3A_637, %swap3A_638], %broadcast_in_dim3A_3 {strides = array<i32>} : memref<1x128xi32, #tpu.memory_space<vmem>>, vector<16xi32>,
            %cond3A_640 = arith.constant 0 : i32
            scf.yield %cond3A_640 : i32
          } else {
            %cond3A_596 = arith.constant 0 : i32
            scf.yield %cond3A_596 : i32
          }
          scf.yield %add3A_586 : i32
        }
        %while3A_532 = arith.constant 1 : i32
        %while3A_533 = scf.for %while3A_534 = %while3A_529 to %while3A_525 step %while3A_532 iter_args(%while3A_535 = %while3A_531) -> (i32)  : i32 {
          %add3A_536 = arith.addi %sub3A_522, %while3A_534 : i32
          %get3A_537 = arith.index_cast %add3A_536 : i32 to index
          %get3A_538 = tpu.vector_load %arg10[%get3A_537] {strides = array<i32>} : memref<16400xi32, #tpu.memory_space<vmem>>, vector<16xi32>,
          %slice3A_539 = vector.extract_strided_slice %get3A_538 {offsets = [0], sizes = [1], strides = [1]} : vector<16xi32> to vector<1xi32>
          %squeeze3A_540 = vector.extract %slice3A_539[0] : i32 from vector<1xi32>
          %shift_right_logical3A = arith.constant 14 : i32
          %shift_right_logical3A_541 = arith.shrui %squeeze3A_540, %shift_right_logical3A : i32
          %and3A_542 = arith.constant 255 : i32
          %and3A_543 = arith.andi %shift_right_logical3A_541, %and3A_542 : i32
          %and3A_544 = arith.constant 16383 : i32
          %and3A_545 = arith.andi %squeeze3A_540, %and3A_544 : i32
          %and3A_546 = arith.constant 127 : i32
          %and3A_547 = arith.andi %while3A_535, %and3A_546 : i32
          %broadcast_in_dim3A_548 = vector.broadcast %and3A_543 : i32 to vector<16xi32>
          %add3A_549 = arith.constant 0 : i32
          %add3A_550 = vector.broadcast %add3A_549 : i32 to vector<16xi32>
          %add3A_551 = arith.addi %iota3A, %add3A_550 : vector<16xi32>
          %gather3A = tpu.vector_load_idx %arg16[%add3A_551, %broadcast_in_dim3A_548] : memref<64x256xf32, #tpu.memory_space<vmem>>[vector<16xi32>, vector<16xi32>], vector<16xf32>,
          %swap3A_552 = arith.index_cast %and3A_547 : i32 to index
          %swap3A_553 = arith.constant 0 : index
          %swap3A_554 = tpu.vector_load %arg23[%swap3A_552, %swap3A_553] {strides = array<i32>} : memref<128x128xf32, #tpu.memory_space<vmem>>, vector<16xf32>,
          tpu.vector_store %arg23[%swap3A_552, %swap3A_553], %gather3A {strides = array<i32>} : memref<128x128xf32, #tpu.memory_space<vmem>>, vector<16xf32>,
          %add3A_555 = arith.constant 16 : i32
          %add3A_556 = vector.broadcast %add3A_555 : i32 to vector<16xi32>
          %add3A_557 = arith.addi %iota3A, %add3A_556 : vector<16xi32>
          %gather3A_558 = tpu.vector_load_idx %arg16[%add3A_557, %broadcast_in_dim3A_548] : memref<64x256xf32, #tpu.memory_space<vmem>>[vector<16xi32>, vector<16xi32>], vector<16xf32>,
          %swap3A_559 = arith.index_cast %and3A_547 : i32 to index
          %swap3A_560 = arith.constant 16 : index
          %swap3A_561 = tpu.vector_load %arg23[%swap3A_559, %swap3A_560] {strides = array<i32>} : memref<128x128xf32, #tpu.memory_space<vmem>>, vector<16xf32>,
          tpu.vector_store %arg23[%swap3A_559, %swap3A_560], %gather3A_558 {strides = array<i32>} : memref<128x128xf32, #tpu.memory_space<vmem>>, vector<16xf32>,
          %add3A_562 = arith.constant 32 : i32
          %add3A_563 = vector.broadcast %add3A_562 : i32 to vector<16xi32>
          %add3A_564 = arith.addi %iota3A, %add3A_563 : vector<16xi32>
          %gather3A_565 = tpu.vector_load_idx %arg16[%add3A_564, %broadcast_in_dim3A_548] : memref<64x256xf32, #tpu.memory_space<vmem>>[vector<16xi32>, vector<16xi32>], vector<16xf32>,
          %swap3A_566 = arith.index_cast %and3A_547 : i32 to index
          %swap3A_567 = arith.constant 32 : index
          %swap3A_568 = tpu.vector_load %arg23[%swap3A_566, %swap3A_567] {strides = array<i32>} : memref<128x128xf32, #tpu.memory_space<vmem>>, vector<16xf32>,
          tpu.vector_store %arg23[%swap3A_566, %swap3A_567], %gather3A_565 {strides = array<i32>} : memref<128x128xf32, #tpu.memory_space<vmem>>, vector<16xf32>,
          %add3A_569 = arith.constant 48 : i32
          %add3A_570 = vector.broadcast %add3A_569 : i32 to vector<16xi32>
          %add3A_571 = arith.addi %iota3A, %add3A_570 : vector<16xi32>
          %gather3A_572 = tpu.vector_load_idx %arg16[%add3A_571, %broadcast_in_dim3A_548] : memref<64x256xf32, #tpu.memory_space<vmem>>[vector<16xi32>, vector<16xi32>], vector<16xf32>,
          %swap3A_573 = arith.index_cast %and3A_547 : i32 to index
          %swap3A_574 = arith.constant 48 : index
          %swap3A_575 = tpu.vector_load %arg23[%swap3A_573, %swap3A_574] {strides = array<i32>} : memref<128x128xf32, #tpu.memory_space<vmem>>, vector<16xf32>,
          tpu.vector_store %arg23[%swap3A_573, %swap3A_574], %gather3A_572 {strides = array<i32>} : memref<128x128xf32, #tpu.memory_space<vmem>>, vector<16xf32>,
          %gather3A_576 = tpu.vector_load_idx %arg19[%broadcast_in_dim3A_548] : memref<256xf32, #tpu.memory_space<vmem>>[vector<16xi32>], vector<16xf32>,
          %swap3A_577 = arith.index_cast %and3A_547 : i32 to index
          %swap3A_578 = arith.constant 64 : index
          %swap3A_579 = tpu.vector_load %arg23[%swap3A_577, %swap3A_578] {strides = array<i32>} : memref<128x128xf32, #tpu.memory_space<vmem>>, vector<16xf32>,
          tpu.vector_store %arg23[%swap3A_577, %swap3A_578], %gather3A_576 {strides = array<i32>} : memref<128x128xf32, #tpu.memory_space<vmem>>, vector<16xf32>,
          %broadcast_in_dim3A_580 = vector.broadcast %and3A_547 : i32 to vector<16xi32>
          %broadcast_in_dim3A_581 = vector.broadcast %and3A_545 : i32 to vector<16xi32>
          %scatter3A = arith.constant 0 : i32
          %scatter3A_582 = arith.constant 0 : i32
          %scatter3A_583 = tpu.memref_slice %arg24[%scatter3A, %scatter3A_582] : memref<1x128xi32, #tpu.memory_space<vmem>> -> memref<1x128xi32, #tpu.memory_space<vmem>>
          %scatter3A_584 = tpu.memref_squeeze %scatter3A_583 : memref<1x128xi32, #tpu.memory_space<vmem>> -> memref<128xi32, #tpu.memory_space<vmem>>
          tpu.vector_store_idx %scatter3A_584[%broadcast_in_dim3A_580], %broadcast_in_dim3A_581 masked %eq3A_2 : memref<128xi32, #tpu.memory_space<vmem>>[vector<16xi32>], vector<16xi32>, vector<16xi1>
          %add3A_585 = arith.constant 1 : i32
          %add3A_586 = arith.addi %while3A_535, %add3A_585 : i32
          %and3A_587 = arith.constant 127 : i32
          %and3A_588 = arith.andi %add3A_586, %and3A_587 : i32
          %eq3A_589 = arith.constant 0 : i32
          %eq3A_590 = arith.cmpi eq, %and3A_588, %eq3A_589 : i32
          %convert_element_type3A_591 = arith.extui %eq3A_590 : i1 to i32
          %cond3A_592 = arith.constant 0 : i32
          %cond3A_593 = arith.constant 0 : i32
          %cond3A_594 = arith.cmpi ne, %convert_element_type3A_591, %cond3A_593 : i32
          %cond3A_595 = scf.if %cond3A_594 -> (i32) {
            %dma_start3A = arith.constant 0 : i32
            %dma_start3A_596 = arith.constant 0 : i32
            %dma_start3A_597 = tpu.memref_slice %arg24[%dma_start3A, %dma_start3A_596] : memref<1x128xi32, #tpu.memory_space<vmem>> -> memref<1x128xi32, #tpu.memory_space<vmem>>
            %dma_start3A_598 = tpu.memref_squeeze %dma_start3A_597 : memref<1x128xi32, #tpu.memory_space<vmem>> -> memref<128xi32, #tpu.memory_space<vmem>>
            %dma_start3A_599 = arith.constant 0 : i32
            %dma_start3A_600 = arith.constant 0 : i32
            %dma_start3A_601 = tpu.memref_slice %arg9[%dma_start3A_599, %dma_start3A_600] : memref<16512x128xf32, #tpu.memory_space<hbm>> -> memref<16512x128xf32, #tpu.memory_space<hbm>>
            tpu.enqueue_indirect_dma source(%arg23 : memref<128x128xf32, #tpu.memory_space<vmem>>) target(%dma_start3A_601 : memref<16512x128xf32, #tpu.memory_space<hbm>>) offsets(%dma_start3A_598 : memref<128xi32, #tpu.memory_space<vmem>>) semaphore(%arg25 : memref<!tpu.dma_semaphore, #tpu.memory_space<semaphore_mem>>)
            %dma_wait3A = arith.constant 0 : i32
            %dma_wait3A_602 = arith.constant 0 : i32
            %dma_wait3A_603 = tpu.memref_slice %arg24[%dma_wait3A, %dma_wait3A_602] : memref<1x128xi32, #tpu.memory_space<vmem>> -> memref<1x128xi32, #tpu.memory_space<vmem>>
            %dma_wait3A_604 = tpu.memref_squeeze %dma_wait3A_603 : memref<1x128xi32, #tpu.memory_space<vmem>> -> memref<128xi32, #tpu.memory_space<vmem>>
            %dma_wait3A_605 = arith.constant 0 : i32
            %dma_wait3A_606 = arith.constant 0 : i32
            %dma_wait3A_607 = tpu.memref_slice %arg9[%dma_wait3A_605, %dma_wait3A_606] : memref<16512x128xf32, #tpu.memory_space<hbm>> -> memref<16512x128xf32, #tpu.memory_space<hbm>>
            tpu.wait_indirect_dma semaphore(%arg25 : memref<!tpu.dma_semaphore, #tpu.memory_space<semaphore_mem>>) src(%arg23 : memref<128x128xf32, #tpu.memory_space<vmem>>) dst(%dma_wait3A_607 : memref<16512x128xf32, #tpu.memory_space<hbm>>)
            %swap3A_608 = arith.constant 0 : i32
            %swap3A_609 = arith.index_cast %swap3A_608 : i32 to index
            %swap3A_610 = arith.constant 0 : index
            %swap3A_611 = tpu.vector_load %arg24[%swap3A_609, %swap3A_610] {strides = array<i32>} : memref<1x128xi32, #tpu.memory_space<vmem>>, vector<16xi32>,
            tpu.vector_store %arg24[%swap3A_609, %swap3A_610], %broadcast_in_dim3A_3 {strides = array<i32>} : memref<1x128xi32, #tpu.memory_space<vmem>>, vector<16xi32>,
            %swap3A_612 = arith.constant 0 : i32
            %swap3A_613 = arith.index_cast %swap3A_612 : i32 to index
            %swap3A_614 = arith.constant 16 : index
            %swap3A_615 = tpu.vector_load %arg24[%swap3A_613, %swap3A_614] {strides = array<i32>} : memref<1x128xi32, #tpu.memory_space<vmem>>, vector<16xi32>,
            tpu.vector_store %arg24[%swap3A_613, %swap3A_614], %broadcast_in_dim3A_3 {strides = array<i32>} : memref<1x128xi32, #tpu.memory_space<vmem>>, vector<16xi32>,
            %swap3A_616 = arith.constant 0 : i32
            %swap3A_617 = arith.index_cast %swap3A_616 : i32 to index
            %swap3A_618 = arith.constant 32 : index
            %swap3A_619 = tpu.vector_load %arg24[%swap3A_617, %swap3A_618] {strides = array<i32>} : memref<1x128xi32, #tpu.memory_space<vmem>>, vector<16xi32>,
            tpu.vector_store %arg24[%swap3A_617, %swap3A_618], %broadcast_in_dim3A_3 {strides = array<i32>} : memref<1x128xi32, #tpu.memory_space<vmem>>, vector<16xi32>,
            %swap3A_620 = arith.constant 0 : i32
            %swap3A_621 = arith.index_cast %swap3A_620 : i32 to index
            %swap3A_622 = arith.constant 48 : index
            %swap3A_623 = tpu.vector_load %arg24[%swap3A_621, %swap3A_622] {strides = array<i32>} : memref<1x128xi32, #tpu.memory_space<vmem>>, vector<16xi32>,
            tpu.vector_store %arg24[%swap3A_621, %swap3A_622], %broadcast_in_dim3A_3 {strides = array<i32>} : memref<1x128xi32, #tpu.memory_space<vmem>>, vector<16xi32>,
            %swap3A_624 = arith.constant 0 : i32
            %swap3A_625 = arith.index_cast %swap3A_624 : i32 to index
            %swap3A_626 = arith.constant 64 : index
            %swap3A_627 = tpu.vector_load %arg24[%swap3A_625, %swap3A_626] {strides = array<i32>} : memref<1x128xi32, #tpu.memory_space<vmem>>, vector<16xi32>,
            tpu.vector_store %arg24[%swap3A_625, %swap3A_626], %broadcast_in_dim3A_3 {strides = array<i32>} : memref<1x128xi32, #tpu.memory_space<vmem>>, vector<16xi32>,
            %swap3A_628 = arith.constant 0 : i32
            %swap3A_629 = arith.index_cast %swap3A_628 : i32 to index
            %swap3A_630 = arith.constant 80 : index
            %swap3A_631 = tpu.vector_load %arg24[%swap3A_629, %swap3A_630] {strides = array<i32>} : memref<1x128xi32, #tpu.memory_space<vmem>>, vector<16xi32>,
            tpu.vector_store %arg24[%swap3A_629, %swap3A_630], %broadcast_in_dim3A_3 {strides = array<i32>} : memref<1x128xi32, #tpu.memory_space<vmem>>, vector<16xi32>,
            %swap3A_632 = arith.constant 0 : i32
            %swap3A_633 = arith.index_cast %swap3A_632 : i32 to index
            %swap3A_634 = arith.constant 96 : index
            %swap3A_635 = tpu.vector_load %arg24[%swap3A_633, %swap3A_634] {strides = array<i32>} : memref<1x128xi32, #tpu.memory_space<vmem>>, vector<16xi32>,
            tpu.vector_store %arg24[%swap3A_633, %swap3A_634], %broadcast_in_dim3A_3 {strides = array<i32>} : memref<1x128xi32, #tpu.memory_space<vmem>>, vector<16xi32>,
            %swap3A_636 = arith.constant 0 : i32
            %swap3A_637 = arith.index_cast %swap3A_636 : i32 to index
            %swap3A_638 = arith.constant 112 : index
            %swap3A_639 = tpu.vector_load %arg24[%swap3A_637, %swap3A_638] {strides = array<i32>} : memref<1x128xi32, #tpu.memory_space<vmem>>, vector<16xi32>,
            tpu.vector_store %arg24[%swap3A_637, %swap3A_638], %broadcast_in_dim3A_3 {strides = array<i32>} : memref<1x128xi32, #tpu.memory_space<vmem>>, vector<16xi32>,
            %cond3A_640 = arith.constant 0 : i32
            scf.yield %cond3A_640 : i32
          } else {
            %cond3A_596 = arith.constant 0 : i32
            scf.yield %cond3A_596 : i32
          }
          scf.yield %add3A_586 : i32
        }
        scf.yield %while3A_533 : i32
      } else {
        scf.yield %cond3A_443 : i32
      }
      %mul3A_479 = arith.constant 3 : i32
      %mul3A_480 = arith.muli %mul3A_479, %scan3A_407 : i32
      %add3A_481 = arith.constant 2 : i32
      %add3A_482 = arith.addi %mul3A_480, %add3A_481 : i32
      %mul3A_483 = arith.constant 32 : i32
      %mul3A_484 = arith.muli %mul3A_483, %add3A_482 : i32
      %add3A_485 = arith.addi %add3A, %mul3A_484 : i32
      %lt3A_486 = arith.constant 3906 : i32
      %lt3A_487 = arith.cmpi slt, %add3A_485, %lt3A_486 : i32
      %convert_element_type3A_488 = arith.extui %lt3A_487 : i1 to i32
      %cond3A_489 = arith.constant 0 : i32
      %cond3A_490 = arith.constant 0 : i32
      %cond3A_491 = arith.cmpi ne, %convert_element_type3A_488, %cond3A_490 : i32
      %cond3A_492 = scf.if %cond3A_491 -> (i32) {
        %dma_wait3A = arith.constant 0 : i32
        %dma_wait3A_514 = arith.constant 0 : i32
        %dma_wait3A_515 = tpu.memref_slice %arg5[%dma_wait3A, %dma_wait3A_514] : memref<64x1000000xf32, #tpu.memory_space<hbm>> -> memref<64x256xf32, #tpu.memory_space<hbm>>
        %dma_wait3A_516 = arith.constant 0 : i32
        %dma_wait3A_517 = arith.constant 0 : i32
        %dma_wait3A_518 = tpu.memref_slice %arg5[%dma_wait3A_516, %dma_wait3A_517] : memref<64x1000000xf32, #tpu.memory_space<hbm>> -> memref<64x256xf32, #tpu.memory_space<hbm>>
        tpu.wait_dma2 semaphore(%arg28 : memref<!tpu.dma_semaphore, #tpu.memory_space<semaphore_mem>>) src(%dma_wait3A_518 : memref<64x256xf32, #tpu.memory_space<hbm>>) dst(%arg17 : memref<64x256xf32, #tpu.memory_space<vmem>>)
        %dma_wait3A_519 = arith.constant 0 : i32
        %dma_wait3A_520 = tpu.memref_slice %arg7[%dma_wait3A_519] : memref<1000000xf32, #tpu.memory_space<hbm>> -> memref<256xf32, #tpu.memory_space<hbm>>
        %dma_wait3A_521 = arith.constant 0 : i32
        %dma_wait3A_522 = tpu.memref_slice %arg7[%dma_wait3A_521] : memref<1000000xf32, #tpu.memory_space<hbm>> -> memref<256xf32, #tpu.memory_space<hbm>>
        tpu.wait_dma2 semaphore(%arg28 : memref<!tpu.dma_semaphore, #tpu.memory_space<semaphore_mem>>) src(%dma_wait3A_522 : memref<256xf32, #tpu.memory_space<hbm>>) dst(%arg20 : memref<256xf32, #tpu.memory_space<vmem>>)
        %cond3A_523 = arith.constant 0 : i32
        scf.yield %cond3A_523 : i32
      } else {
        %cond3A_514 = arith.constant 0 : i32
        scf.yield %cond3A_514 : i32
      }
      %add3A_493 = arith.constant 2 : i32
      %add3A_494 = arith.addi %add3A_482, %add3A_493 : i32
      %mul3A_495 = arith.constant 32 : i32
      %mul3A_496 = arith.muli %mul3A_495, %add3A_494 : i32
      %add3A_497 = arith.addi %add3A, %mul3A_496 : i32
      %lt3A_498 = arith.constant 3906 : i32
      %lt3A_499 = arith.cmpi slt, %add3A_497, %lt3A_498 : i32
      %convert_element_type3A_500 = arith.extui %lt3A_499 : i1 to i32
      %cond3A_501 = arith.constant 0 : i32
      %cond3A_502 = arith.constant 0 : i32
      %cond3A_503 = arith.cmpi ne, %convert_element_type3A_500, %cond3A_502 : i32
      %cond3A_504 = scf.if %cond3A_503 -> (i32) {
        %mul3A_514 = arith.constant 32 : i32
        %mul3A_515 = arith.muli %mul3A_514, %add3A_494 : i32
        %add3A_516 = arith.addi %add3A, %mul3A_515 : i32
        %mul3A_517 = arith.constant 256 : i32
        %mul3A_518 = arith.muli %add3A_516, %mul3A_517 : i32
        %multiple_of3A = tpu.assume_multiple %mul3A_518, 256 : i32
        %dma_start3A = arith.constant 0 : i32
        %dma_start3A_519 = tpu.memref_slice %arg5[%dma_start3A, %multiple_of3A] : memref<64x1000000xf32, #tpu.memory_space<hbm>> -> memref<64x256xf32, #tpu.memory_space<hbm>>
        %dma_start3A_520 = arith.constant 0 : i32
        %dma_start3A_521 = tpu.memref_slice %arg5[%dma_start3A_520, %multiple_of3A] : memref<64x1000000xf32, #tpu.memory_space<hbm>> -> memref<64x256xf32, #tpu.memory_space<hbm>>
        tpu.enqueue_dma source(%dma_start3A_521 : memref<64x256xf32, #tpu.memory_space<hbm>>) target(%arg16 : memref<64x256xf32, #tpu.memory_space<vmem>>) target_semaphore(%arg27 : memref<!tpu.dma_semaphore, #tpu.memory_space<semaphore_mem>>)
        %dma_start3A_522 = tpu.memref_slice %arg7[%multiple_of3A] : memref<1000000xf32, #tpu.memory_space<hbm>> -> memref<256xf32, #tpu.memory_space<hbm>>
        %dma_start3A_523 = tpu.memref_slice %arg7[%multiple_of3A] : memref<1000000xf32, #tpu.memory_space<hbm>> -> memref<256xf32, #tpu.memory_space<hbm>>
        tpu.enqueue_dma source(%dma_start3A_523 : memref<256xf32, #tpu.memory_space<hbm>>) target(%arg19 : memref<256xf32, #tpu.memory_space<vmem>>) target_semaphore(%arg27 : memref<!tpu.dma_semaphore, #tpu.memory_space<semaphore_mem>>)
        %cond3A_524 = arith.constant 0 : i32
        scf.yield %cond3A_524 : i32
      } else {
        %cond3A_514 = arith.constant 0 : i32
        scf.yield %cond3A_514 : i32
      }
      %mul3A_505 = arith.constant 32 : i32
      %mul3A_506 = arith.muli %mul3A_505, %add3A_482 : i32
      %add3A_507 = arith.addi %add3A, %mul3A_506 : i32
      %lt3A_508 = arith.constant 3906 : i32
      %lt3A_509 = arith.cmpi slt, %add3A_507, %lt3A_508 : i32
      %convert_element_type3A_510 = arith.extui %lt3A_509 : i1 to i32
      %cond3A_511 = arith.constant 0 : i32
      %cond3A_512 = arith.cmpi ne, %convert_element_type3A_510, %cond3A_511 : i32
      %cond3A_513 = scf.if %cond3A_512 -> (i32) {
        %get3A_514 = arith.index_cast %add3A_482 : i32 to index
        %get3A_515 = tpu.vector_load %arg12[%get3A_514] {strides = array<i32>} : memref<144xi32, #tpu.memory_space<vmem>>, vector<16xi32>,
        %slice3A_516 = vector.extract_strided_slice %get3A_515 {offsets = [0], sizes = [1], strides = [1]} : vector<16xi32> to vector<1xi32>
        %squeeze3A_517 = vector.extract %slice3A_516[0] : i32 from vector<1xi32>
        %get3A_518 = arith.index_cast %add3A_482 : i32 to index
        %get3A_519 = tpu.vector_load %arg11[%get3A_518] {strides = array<i32>} : memref<144xi32, #tpu.memory_space<vmem>>, vector<16xi32>,
        %slice3A_520 = vector.extract_strided_slice %get3A_519 {offsets = [0], sizes = [1], strides = [1]} : vector<16xi32> to vector<1xi32>
        %squeeze3A_521 = vector.extract %slice3A_520[0] : i32 from vector<1xi32>
        %sub3A_522 = arith.subi %squeeze3A_517, %squeeze3A_521 : i32
        %while3A_523 = arith.constant 0 : i32
        %while3A_524 = arith.subi %squeeze3A_521, %while3A_523 : i32
        %while3A_525 = arith.addi %while3A_523, %while3A_524 : i32
        %while3A_526 = arith.constant 1 : i32
        %while3A_527 = arith.divsi %while3A_524, %while3A_526 : i32
        %while3A_528 = arith.muli %while3A_527, %while3A_526 : i32
        %while3A_529 = arith.addi %while3A_523, %while3A_528 : i32
        %while3A_530 = arith.constant 1 : i32
        %while3A_531 = scf.for %while3A_534 = %while3A_523 to %while3A_529 step %while3A_530 iter_args(%while3A_535 = %cond3A_478) -> (i32)  : i32 {
          %add3A_536 = arith.addi %sub3A_522, %while3A_534 : i32
          %get3A_537 = arith.index_cast %add3A_536 : i32 to index
          %get3A_538 = tpu.vector_load %arg10[%get3A_537] {strides = array<i32>} : memref<16400xi32, #tpu.memory_space<vmem>>, vector<16xi32>,
          %slice3A_539 = vector.extract_strided_slice %get3A_538 {offsets = [0], sizes = [1], strides = [1]} : vector<16xi32> to vector<1xi32>
          %squeeze3A_540 = vector.extract %slice3A_539[0] : i32 from vector<1xi32>
          %shift_right_logical3A = arith.constant 14 : i32
          %shift_right_logical3A_541 = arith.shrui %squeeze3A_540, %shift_right_logical3A : i32
          %and3A_542 = arith.constant 255 : i32
          %and3A_543 = arith.andi %shift_right_logical3A_541, %and3A_542 : i32
          %and3A_544 = arith.constant 16383 : i32
          %and3A_545 = arith.andi %squeeze3A_540, %and3A_544 : i32
          %and3A_546 = arith.constant 127 : i32
          %and3A_547 = arith.andi %while3A_535, %and3A_546 : i32
          %broadcast_in_dim3A_548 = vector.broadcast %and3A_543 : i32 to vector<16xi32>
          %add3A_549 = arith.constant 0 : i32
          %add3A_550 = vector.broadcast %add3A_549 : i32 to vector<16xi32>
          %add3A_551 = arith.addi %iota3A, %add3A_550 : vector<16xi32>
          %gather3A = tpu.vector_load_idx %arg17[%add3A_551, %broadcast_in_dim3A_548] : memref<64x256xf32, #tpu.memory_space<vmem>>[vector<16xi32>, vector<16xi32>], vector<16xf32>,
          %swap3A_552 = arith.index_cast %and3A_547 : i32 to index
          %swap3A_553 = arith.constant 0 : index
          %swap3A_554 = tpu.vector_load %arg23[%swap3A_552, %swap3A_553] {strides = array<i32>} : memref<128x128xf32, #tpu.memory_space<vmem>>, vector<16xf32>,
          tpu.vector_store %arg23[%swap3A_552, %swap3A_553], %gather3A {strides = array<i32>} : memref<128x128xf32, #tpu.memory_space<vmem>>, vector<16xf32>,
          %add3A_555 = arith.constant 16 : i32
          %add3A_556 = vector.broadcast %add3A_555 : i32 to vector<16xi32>
          %add3A_557 = arith.addi %iota3A, %add3A_556 : vector<16xi32>
          %gather3A_558 = tpu.vector_load_idx %arg17[%add3A_557, %broadcast_in_dim3A_548] : memref<64x256xf32, #tpu.memory_space<vmem>>[vector<16xi32>, vector<16xi32>], vector<16xf32>,
          %swap3A_559 = arith.index_cast %and3A_547 : i32 to index
          %swap3A_560 = arith.constant 16 : index
          %swap3A_561 = tpu.vector_load %arg23[%swap3A_559, %swap3A_560] {strides = array<i32>} : memref<128x128xf32, #tpu.memory_space<vmem>>, vector<16xf32>,
          tpu.vector_store %arg23[%swap3A_559, %swap3A_560], %gather3A_558 {strides = array<i32>} : memref<128x128xf32, #tpu.memory_space<vmem>>, vector<16xf32>,
          %add3A_562 = arith.constant 32 : i32
          %add3A_563 = vector.broadcast %add3A_562 : i32 to vector<16xi32>
          %add3A_564 = arith.addi %iota3A, %add3A_563 : vector<16xi32>
          %gather3A_565 = tpu.vector_load_idx %arg17[%add3A_564, %broadcast_in_dim3A_548] : memref<64x256xf32, #tpu.memory_space<vmem>>[vector<16xi32>, vector<16xi32>], vector<16xf32>,
          %swap3A_566 = arith.index_cast %and3A_547 : i32 to index
          %swap3A_567 = arith.constant 32 : index
          %swap3A_568 = tpu.vector_load %arg23[%swap3A_566, %swap3A_567] {strides = array<i32>} : memref<128x128xf32, #tpu.memory_space<vmem>>, vector<16xf32>,
          tpu.vector_store %arg23[%swap3A_566, %swap3A_567], %gather3A_565 {strides = array<i32>} : memref<128x128xf32, #tpu.memory_space<vmem>>, vector<16xf32>,
          %add3A_569 = arith.constant 48 : i32
          %add3A_570 = vector.broadcast %add3A_569 : i32 to vector<16xi32>
          %add3A_571 = arith.addi %iota3A, %add3A_570 : vector<16xi32>
          %gather3A_572 = tpu.vector_load_idx %arg17[%add3A_571, %broadcast_in_dim3A_548] : memref<64x256xf32, #tpu.memory_space<vmem>>[vector<16xi32>, vector<16xi32>], vector<16xf32>,
          %swap3A_573 = arith.index_cast %and3A_547 : i32 to index
          %swap3A_574 = arith.constant 48 : index
          %swap3A_575 = tpu.vector_load %arg23[%swap3A_573, %swap3A_574] {strides = array<i32>} : memref<128x128xf32, #tpu.memory_space<vmem>>, vector<16xf32>,
          tpu.vector_store %arg23[%swap3A_573, %swap3A_574], %gather3A_572 {strides = array<i32>} : memref<128x128xf32, #tpu.memory_space<vmem>>, vector<16xf32>,
          %gather3A_576 = tpu.vector_load_idx %arg20[%broadcast_in_dim3A_548] : memref<256xf32, #tpu.memory_space<vmem>>[vector<16xi32>], vector<16xf32>,
          %swap3A_577 = arith.index_cast %and3A_547 : i32 to index
          %swap3A_578 = arith.constant 64 : index
          %swap3A_579 = tpu.vector_load %arg23[%swap3A_577, %swap3A_578] {strides = array<i32>} : memref<128x128xf32, #tpu.memory_space<vmem>>, vector<16xf32>,
          tpu.vector_store %arg23[%swap3A_577, %swap3A_578], %gather3A_576 {strides = array<i32>} : memref<128x128xf32, #tpu.memory_space<vmem>>, vector<16xf32>,
          %broadcast_in_dim3A_580 = vector.broadcast %and3A_547 : i32 to vector<16xi32>
          %broadcast_in_dim3A_581 = vector.broadcast %and3A_545 : i32 to vector<16xi32>
          %scatter3A = arith.constant 0 : i32
          %scatter3A_582 = arith.constant 0 : i32
          %scatter3A_583 = tpu.memref_slice %arg24[%scatter3A, %scatter3A_582] : memref<1x128xi32, #tpu.memory_space<vmem>> -> memref<1x128xi32, #tpu.memory_space<vmem>>
          %scatter3A_584 = tpu.memref_squeeze %scatter3A_583 : memref<1x128xi32, #tpu.memory_space<vmem>> -> memref<128xi32, #tpu.memory_space<vmem>>
          tpu.vector_store_idx %scatter3A_584[%broadcast_in_dim3A_580], %broadcast_in_dim3A_581 masked %eq3A_2 : memref<128xi32, #tpu.memory_space<vmem>>[vector<16xi32>], vector<16xi32>, vector<16xi1>
          %add3A_585 = arith.constant 1 : i32
          %add3A_586 = arith.addi %while3A_535, %add3A_585 : i32
          %and3A_587 = arith.constant 127 : i32
          %and3A_588 = arith.andi %add3A_586, %and3A_587 : i32
          %eq3A_589 = arith.constant 0 : i32
          %eq3A_590 = arith.cmpi eq, %and3A_588, %eq3A_589 : i32
          %convert_element_type3A_591 = arith.extui %eq3A_590 : i1 to i32
          %cond3A_592 = arith.constant 0 : i32
          %cond3A_593 = arith.constant 0 : i32
          %cond3A_594 = arith.cmpi ne, %convert_element_type3A_591, %cond3A_593 : i32
          %cond3A_595 = scf.if %cond3A_594 -> (i32) {
            %dma_start3A = arith.constant 0 : i32
            %dma_start3A_596 = arith.constant 0 : i32
            %dma_start3A_597 = tpu.memref_slice %arg24[%dma_start3A, %dma_start3A_596] : memref<1x128xi32, #tpu.memory_space<vmem>> -> memref<1x128xi32, #tpu.memory_space<vmem>>
            %dma_start3A_598 = tpu.memref_squeeze %dma_start3A_597 : memref<1x128xi32, #tpu.memory_space<vmem>> -> memref<128xi32, #tpu.memory_space<vmem>>
            %dma_start3A_599 = arith.constant 0 : i32
            %dma_start3A_600 = arith.constant 0 : i32
            %dma_start3A_601 = tpu.memref_slice %arg9[%dma_start3A_599, %dma_start3A_600] : memref<16512x128xf32, #tpu.memory_space<hbm>> -> memref<16512x128xf32, #tpu.memory_space<hbm>>
            tpu.enqueue_indirect_dma source(%arg23 : memref<128x128xf32, #tpu.memory_space<vmem>>) target(%dma_start3A_601 : memref<16512x128xf32, #tpu.memory_space<hbm>>) offsets(%dma_start3A_598 : memref<128xi32, #tpu.memory_space<vmem>>) semaphore(%arg25 : memref<!tpu.dma_semaphore, #tpu.memory_space<semaphore_mem>>)
            %dma_wait3A = arith.constant 0 : i32
            %dma_wait3A_602 = arith.constant 0 : i32
            %dma_wait3A_603 = tpu.memref_slice %arg24[%dma_wait3A, %dma_wait3A_602] : memref<1x128xi32, #tpu.memory_space<vmem>> -> memref<1x128xi32, #tpu.memory_space<vmem>>
            %dma_wait3A_604 = tpu.memref_squeeze %dma_wait3A_603 : memref<1x128xi32, #tpu.memory_space<vmem>> -> memref<128xi32, #tpu.memory_space<vmem>>
            %dma_wait3A_605 = arith.constant 0 : i32
            %dma_wait3A_606 = arith.constant 0 : i32
            %dma_wait3A_607 = tpu.memref_slice %arg9[%dma_wait3A_605, %dma_wait3A_606] : memref<16512x128xf32, #tpu.memory_space<hbm>> -> memref<16512x128xf32, #tpu.memory_space<hbm>>
            tpu.wait_indirect_dma semaphore(%arg25 : memref<!tpu.dma_semaphore, #tpu.memory_space<semaphore_mem>>) src(%arg23 : memref<128x128xf32, #tpu.memory_space<vmem>>) dst(%dma_wait3A_607 : memref<16512x128xf32, #tpu.memory_space<hbm>>)
            %swap3A_608 = arith.constant 0 : i32
            %swap3A_609 = arith.index_cast %swap3A_608 : i32 to index
            %swap3A_610 = arith.constant 0 : index
            %swap3A_611 = tpu.vector_load %arg24[%swap3A_609, %swap3A_610] {strides = array<i32>} : memref<1x128xi32, #tpu.memory_space<vmem>>, vector<16xi32>,
            tpu.vector_store %arg24[%swap3A_609, %swap3A_610], %broadcast_in_dim3A_3 {strides = array<i32>} : memref<1x128xi32, #tpu.memory_space<vmem>>, vector<16xi32>,
            %swap3A_612 = arith.constant 0 : i32
            %swap3A_613 = arith.index_cast %swap3A_612 : i32 to index
            %swap3A_614 = arith.constant 16 : index
            %swap3A_615 = tpu.vector_load %arg24[%swap3A_613, %swap3A_614] {strides = array<i32>} : memref<1x128xi32, #tpu.memory_space<vmem>>, vector<16xi32>,
            tpu.vector_store %arg24[%swap3A_613, %swap3A_614], %broadcast_in_dim3A_3 {strides = array<i32>} : memref<1x128xi32, #tpu.memory_space<vmem>>, vector<16xi32>,
            %swap3A_616 = arith.constant 0 : i32
            %swap3A_617 = arith.index_cast %swap3A_616 : i32 to index
            %swap3A_618 = arith.constant 32 : index
            %swap3A_619 = tpu.vector_load %arg24[%swap3A_617, %swap3A_618] {strides = array<i32>} : memref<1x128xi32, #tpu.memory_space<vmem>>, vector<16xi32>,
            tpu.vector_store %arg24[%swap3A_617, %swap3A_618], %broadcast_in_dim3A_3 {strides = array<i32>} : memref<1x128xi32, #tpu.memory_space<vmem>>, vector<16xi32>,
            %swap3A_620 = arith.constant 0 : i32
            %swap3A_621 = arith.index_cast %swap3A_620 : i32 to index
            %swap3A_622 = arith.constant 48 : index
            %swap3A_623 = tpu.vector_load %arg24[%swap3A_621, %swap3A_622] {strides = array<i32>} : memref<1x128xi32, #tpu.memory_space<vmem>>, vector<16xi32>,
            tpu.vector_store %arg24[%swap3A_621, %swap3A_622], %broadcast_in_dim3A_3 {strides = array<i32>} : memref<1x128xi32, #tpu.memory_space<vmem>>, vector<16xi32>,
            %swap3A_624 = arith.constant 0 : i32
            %swap3A_625 = arith.index_cast %swap3A_624 : i32 to index
            %swap3A_626 = arith.constant 64 : index
            %swap3A_627 = tpu.vector_load %arg24[%swap3A_625, %swap3A_626] {strides = array<i32>} : memref<1x128xi32, #tpu.memory_space<vmem>>, vector<16xi32>,
            tpu.vector_store %arg24[%swap3A_625, %swap3A_626], %broadcast_in_dim3A_3 {strides = array<i32>} : memref<1x128xi32, #tpu.memory_space<vmem>>, vector<16xi32>,
            %swap3A_628 = arith.constant 0 : i32
            %swap3A_629 = arith.index_cast %swap3A_628 : i32 to index
            %swap3A_630 = arith.constant 80 : index
            %swap3A_631 = tpu.vector_load %arg24[%swap3A_629, %swap3A_630] {strides = array<i32>} : memref<1x128xi32, #tpu.memory_space<vmem>>, vector<16xi32>,
            tpu.vector_store %arg24[%swap3A_629, %swap3A_630], %broadcast_in_dim3A_3 {strides = array<i32>} : memref<1x128xi32, #tpu.memory_space<vmem>>, vector<16xi32>,
            %swap3A_632 = arith.constant 0 : i32
            %swap3A_633 = arith.index_cast %swap3A_632 : i32 to index
            %swap3A_634 = arith.constant 96 : index
            %swap3A_635 = tpu.vector_load %arg24[%swap3A_633, %swap3A_634] {strides = array<i32>} : memref<1x128xi32, #tpu.memory_space<vmem>>, vector<16xi32>,
            tpu.vector_store %arg24[%swap3A_633, %swap3A_634], %broadcast_in_dim3A_3 {strides = array<i32>} : memref<1x128xi32, #tpu.memory_space<vmem>>, vector<16xi32>,
            %swap3A_636 = arith.constant 0 : i32
            %swap3A_637 = arith.index_cast %swap3A_636 : i32 to index
            %swap3A_638 = arith.constant 112 : index
            %swap3A_639 = tpu.vector_load %arg24[%swap3A_637, %swap3A_638] {strides = array<i32>} : memref<1x128xi32, #tpu.memory_space<vmem>>, vector<16xi32>,
            tpu.vector_store %arg24[%swap3A_637, %swap3A_638], %broadcast_in_dim3A_3 {strides = array<i32>} : memref<1x128xi32, #tpu.memory_space<vmem>>, vector<16xi32>,
            %cond3A_640 = arith.constant 0 : i32
            scf.yield %cond3A_640 : i32
          } else {
            %cond3A_596 = arith.constant 0 : i32
            scf.yield %cond3A_596 : i32
          }
          scf.yield %add3A_586 : i32
        }
        %while3A_532 = arith.constant 1 : i32
        %while3A_533 = scf.for %while3A_534 = %while3A_529 to %while3A_525 step %while3A_532 iter_args(%while3A_535 = %while3A_531) -> (i32)  : i32 {
          %add3A_536 = arith.addi %sub3A_522, %while3A_534 : i32
          %get3A_537 = arith.index_cast %add3A_536 : i32 to index
          %get3A_538 = tpu.vector_load %arg10[%get3A_537] {strides = array<i32>} : memref<16400xi32, #tpu.memory_space<vmem>>, vector<16xi32>,
          %slice3A_539 = vector.extract_strided_slice %get3A_538 {offsets = [0], sizes = [1], strides = [1]} : vector<16xi32> to vector<1xi32>
          %squeeze3A_540 = vector.extract %slice3A_539[0] : i32 from vector<1xi32>
          %shift_right_logical3A = arith.constant 14 : i32
          %shift_right_logical3A_541 = arith.shrui %squeeze3A_540, %shift_right_logical3A : i32
          %and3A_542 = arith.constant 255 : i32
          %and3A_543 = arith.andi %shift_right_logical3A_541, %and3A_542 : i32
          %and3A_544 = arith.constant 16383 : i32
          %and3A_545 = arith.andi %squeeze3A_540, %and3A_544 : i32
          %and3A_546 = arith.constant 127 : i32
          %and3A_547 = arith.andi %while3A_535, %and3A_546 : i32
          %broadcast_in_dim3A_548 = vector.broadcast %and3A_543 : i32 to vector<16xi32>
          %add3A_549 = arith.constant 0 : i32
          %add3A_550 = vector.broadcast %add3A_549 : i32 to vector<16xi32>
          %add3A_551 = arith.addi %iota3A, %add3A_550 : vector<16xi32>
          %gather3A = tpu.vector_load_idx %arg17[%add3A_551, %broadcast_in_dim3A_548] : memref<64x256xf32, #tpu.memory_space<vmem>>[vector<16xi32>, vector<16xi32>], vector<16xf32>,
          %swap3A_552 = arith.index_cast %and3A_547 : i32 to index
          %swap3A_553 = arith.constant 0 : index
          %swap3A_554 = tpu.vector_load %arg23[%swap3A_552, %swap3A_553] {strides = array<i32>} : memref<128x128xf32, #tpu.memory_space<vmem>>, vector<16xf32>,
          tpu.vector_store %arg23[%swap3A_552, %swap3A_553], %gather3A {strides = array<i32>} : memref<128x128xf32, #tpu.memory_space<vmem>>, vector<16xf32>,
          %add3A_555 = arith.constant 16 : i32
          %add3A_556 = vector.broadcast %add3A_555 : i32 to vector<16xi32>
          %add3A_557 = arith.addi %iota3A, %add3A_556 : vector<16xi32>
          %gather3A_558 = tpu.vector_load_idx %arg17[%add3A_557, %broadcast_in_dim3A_548] : memref<64x256xf32, #tpu.memory_space<vmem>>[vector<16xi32>, vector<16xi32>], vector<16xf32>,
          %swap3A_559 = arith.index_cast %and3A_547 : i32 to index
          %swap3A_560 = arith.constant 16 : index
          %swap3A_561 = tpu.vector_load %arg23[%swap3A_559, %swap3A_560] {strides = array<i32>} : memref<128x128xf32, #tpu.memory_space<vmem>>, vector<16xf32>,
          tpu.vector_store %arg23[%swap3A_559, %swap3A_560], %gather3A_558 {strides = array<i32>} : memref<128x128xf32, #tpu.memory_space<vmem>>, vector<16xf32>,
          %add3A_562 = arith.constant 32 : i32
          %add3A_563 = vector.broadcast %add3A_562 : i32 to vector<16xi32>
          %add3A_564 = arith.addi %iota3A, %add3A_563 : vector<16xi32>
          %gather3A_565 = tpu.vector_load_idx %arg17[%add3A_564, %broadcast_in_dim3A_548] : memref<64x256xf32, #tpu.memory_space<vmem>>[vector<16xi32>, vector<16xi32>], vector<16xf32>,
          %swap3A_566 = arith.index_cast %and3A_547 : i32 to index
          %swap3A_567 = arith.constant 32 : index
          %swap3A_568 = tpu.vector_load %arg23[%swap3A_566, %swap3A_567] {strides = array<i32>} : memref<128x128xf32, #tpu.memory_space<vmem>>, vector<16xf32>,
          tpu.vector_store %arg23[%swap3A_566, %swap3A_567], %gather3A_565 {strides = array<i32>} : memref<128x128xf32, #tpu.memory_space<vmem>>, vector<16xf32>,
          %add3A_569 = arith.constant 48 : i32
          %add3A_570 = vector.broadcast %add3A_569 : i32 to vector<16xi32>
          %add3A_571 = arith.addi %iota3A, %add3A_570 : vector<16xi32>
          %gather3A_572 = tpu.vector_load_idx %arg17[%add3A_571, %broadcast_in_dim3A_548] : memref<64x256xf32, #tpu.memory_space<vmem>>[vector<16xi32>, vector<16xi32>], vector<16xf32>,
          %swap3A_573 = arith.index_cast %and3A_547 : i32 to index
          %swap3A_574 = arith.constant 48 : index
          %swap3A_575 = tpu.vector_load %arg23[%swap3A_573, %swap3A_574] {strides = array<i32>} : memref<128x128xf32, #tpu.memory_space<vmem>>, vector<16xf32>,
          tpu.vector_store %arg23[%swap3A_573, %swap3A_574], %gather3A_572 {strides = array<i32>} : memref<128x128xf32, #tpu.memory_space<vmem>>, vector<16xf32>,
          %gather3A_576 = tpu.vector_load_idx %arg20[%broadcast_in_dim3A_548] : memref<256xf32, #tpu.memory_space<vmem>>[vector<16xi32>], vector<16xf32>,
          %swap3A_577 = arith.index_cast %and3A_547 : i32 to index
          %swap3A_578 = arith.constant 64 : index
          %swap3A_579 = tpu.vector_load %arg23[%swap3A_577, %swap3A_578] {strides = array<i32>} : memref<128x128xf32, #tpu.memory_space<vmem>>, vector<16xf32>,
          tpu.vector_store %arg23[%swap3A_577, %swap3A_578], %gather3A_576 {strides = array<i32>} : memref<128x128xf32, #tpu.memory_space<vmem>>, vector<16xf32>,
          %broadcast_in_dim3A_580 = vector.broadcast %and3A_547 : i32 to vector<16xi32>
          %broadcast_in_dim3A_581 = vector.broadcast %and3A_545 : i32 to vector<16xi32>
          %scatter3A = arith.constant 0 : i32
          %scatter3A_582 = arith.constant 0 : i32
          %scatter3A_583 = tpu.memref_slice %arg24[%scatter3A, %scatter3A_582] : memref<1x128xi32, #tpu.memory_space<vmem>> -> memref<1x128xi32, #tpu.memory_space<vmem>>
          %scatter3A_584 = tpu.memref_squeeze %scatter3A_583 : memref<1x128xi32, #tpu.memory_space<vmem>> -> memref<128xi32, #tpu.memory_space<vmem>>
          tpu.vector_store_idx %scatter3A_584[%broadcast_in_dim3A_580], %broadcast_in_dim3A_581 masked %eq3A_2 : memref<128xi32, #tpu.memory_space<vmem>>[vector<16xi32>], vector<16xi32>, vector<16xi1>
          %add3A_585 = arith.constant 1 : i32
          %add3A_586 = arith.addi %while3A_535, %add3A_585 : i32
          %and3A_587 = arith.constant 127 : i32
          %and3A_588 = arith.andi %add3A_586, %and3A_587 : i32
          %eq3A_589 = arith.constant 0 : i32
          %eq3A_590 = arith.cmpi eq, %and3A_588, %eq3A_589 : i32
          %convert_element_type3A_591 = arith.extui %eq3A_590 : i1 to i32
          %cond3A_592 = arith.constant 0 : i32
          %cond3A_593 = arith.constant 0 : i32
          %cond3A_594 = arith.cmpi ne, %convert_element_type3A_591, %cond3A_593 : i32
          %cond3A_595 = scf.if %cond3A_594 -> (i32) {
            %dma_start3A = arith.constant 0 : i32
            %dma_start3A_596 = arith.constant 0 : i32
            %dma_start3A_597 = tpu.memref_slice %arg24[%dma_start3A, %dma_start3A_596] : memref<1x128xi32, #tpu.memory_space<vmem>> -> memref<1x128xi32, #tpu.memory_space<vmem>>
            %dma_start3A_598 = tpu.memref_squeeze %dma_start3A_597 : memref<1x128xi32, #tpu.memory_space<vmem>> -> memref<128xi32, #tpu.memory_space<vmem>>
            %dma_start3A_599 = arith.constant 0 : i32
            %dma_start3A_600 = arith.constant 0 : i32
            %dma_start3A_601 = tpu.memref_slice %arg9[%dma_start3A_599, %dma_start3A_600] : memref<16512x128xf32, #tpu.memory_space<hbm>> -> memref<16512x128xf32, #tpu.memory_space<hbm>>
            tpu.enqueue_indirect_dma source(%arg23 : memref<128x128xf32, #tpu.memory_space<vmem>>) target(%dma_start3A_601 : memref<16512x128xf32, #tpu.memory_space<hbm>>) offsets(%dma_start3A_598 : memref<128xi32, #tpu.memory_space<vmem>>) semaphore(%arg25 : memref<!tpu.dma_semaphore, #tpu.memory_space<semaphore_mem>>)
            %dma_wait3A = arith.constant 0 : i32
            %dma_wait3A_602 = arith.constant 0 : i32
            %dma_wait3A_603 = tpu.memref_slice %arg24[%dma_wait3A, %dma_wait3A_602] : memref<1x128xi32, #tpu.memory_space<vmem>> -> memref<1x128xi32, #tpu.memory_space<vmem>>
            %dma_wait3A_604 = tpu.memref_squeeze %dma_wait3A_603 : memref<1x128xi32, #tpu.memory_space<vmem>> -> memref<128xi32, #tpu.memory_space<vmem>>
            %dma_wait3A_605 = arith.constant 0 : i32
            %dma_wait3A_606 = arith.constant 0 : i32
            %dma_wait3A_607 = tpu.memref_slice %arg9[%dma_wait3A_605, %dma_wait3A_606] : memref<16512x128xf32, #tpu.memory_space<hbm>> -> memref<16512x128xf32, #tpu.memory_space<hbm>>
            tpu.wait_indirect_dma semaphore(%arg25 : memref<!tpu.dma_semaphore, #tpu.memory_space<semaphore_mem>>) src(%arg23 : memref<128x128xf32, #tpu.memory_space<vmem>>) dst(%dma_wait3A_607 : memref<16512x128xf32, #tpu.memory_space<hbm>>)
            %swap3A_608 = arith.constant 0 : i32
            %swap3A_609 = arith.index_cast %swap3A_608 : i32 to index
            %swap3A_610 = arith.constant 0 : index
            %swap3A_611 = tpu.vector_load %arg24[%swap3A_609, %swap3A_610] {strides = array<i32>} : memref<1x128xi32, #tpu.memory_space<vmem>>, vector<16xi32>,
            tpu.vector_store %arg24[%swap3A_609, %swap3A_610], %broadcast_in_dim3A_3 {strides = array<i32>} : memref<1x128xi32, #tpu.memory_space<vmem>>, vector<16xi32>,
            %swap3A_612 = arith.constant 0 : i32
            %swap3A_613 = arith.index_cast %swap3A_612 : i32 to index
            %swap3A_614 = arith.constant 16 : index
            %swap3A_615 = tpu.vector_load %arg24[%swap3A_613, %swap3A_614] {strides = array<i32>} : memref<1x128xi32, #tpu.memory_space<vmem>>, vector<16xi32>,
            tpu.vector_store %arg24[%swap3A_613, %swap3A_614], %broadcast_in_dim3A_3 {strides = array<i32>} : memref<1x128xi32, #tpu.memory_space<vmem>>, vector<16xi32>,
            %swap3A_616 = arith.constant 0 : i32
            %swap3A_617 = arith.index_cast %swap3A_616 : i32 to index
            %swap3A_618 = arith.constant 32 : index
            %swap3A_619 = tpu.vector_load %arg24[%swap3A_617, %swap3A_618] {strides = array<i32>} : memref<1x128xi32, #tpu.memory_space<vmem>>, vector<16xi32>,
            tpu.vector_store %arg24[%swap3A_617, %swap3A_618], %broadcast_in_dim3A_3 {strides = array<i32>} : memref<1x128xi32, #tpu.memory_space<vmem>>, vector<16xi32>,
            %swap3A_620 = arith.constant 0 : i32
            %swap3A_621 = arith.index_cast %swap3A_620 : i32 to index
            %swap3A_622 = arith.constant 48 : index
            %swap3A_623 = tpu.vector_load %arg24[%swap3A_621, %swap3A_622] {strides = array<i32>} : memref<1x128xi32, #tpu.memory_space<vmem>>, vector<16xi32>,
            tpu.vector_store %arg24[%swap3A_621, %swap3A_622], %broadcast_in_dim3A_3 {strides = array<i32>} : memref<1x128xi32, #tpu.memory_space<vmem>>, vector<16xi32>,
            %swap3A_624 = arith.constant 0 : i32
            %swap3A_625 = arith.index_cast %swap3A_624 : i32 to index
            %swap3A_626 = arith.constant 64 : index
            %swap3A_627 = tpu.vector_load %arg24[%swap3A_625, %swap3A_626] {strides = array<i32>} : memref<1x128xi32, #tpu.memory_space<vmem>>, vector<16xi32>,
            tpu.vector_store %arg24[%swap3A_625, %swap3A_626], %broadcast_in_dim3A_3 {strides = array<i32>} : memref<1x128xi32, #tpu.memory_space<vmem>>, vector<16xi32>,
            %swap3A_628 = arith.constant 0 : i32
            %swap3A_629 = arith.index_cast %swap3A_628 : i32 to index
            %swap3A_630 = arith.constant 80 : index
            %swap3A_631 = tpu.vector_load %arg24[%swap3A_629, %swap3A_630] {strides = array<i32>} : memref<1x128xi32, #tpu.memory_space<vmem>>, vector<16xi32>,
            tpu.vector_store %arg24[%swap3A_629, %swap3A_630], %broadcast_in_dim3A_3 {strides = array<i32>} : memref<1x128xi32, #tpu.memory_space<vmem>>, vector<16xi32>,
            %swap3A_632 = arith.constant 0 : i32
            %swap3A_633 = arith.index_cast %swap3A_632 : i32 to index
            %swap3A_634 = arith.constant 96 : index
            %swap3A_635 = tpu.vector_load %arg24[%swap3A_633, %swap3A_634] {strides = array<i32>} : memref<1x128xi32, #tpu.memory_space<vmem>>, vector<16xi32>,
            tpu.vector_store %arg24[%swap3A_633, %swap3A_634], %broadcast_in_dim3A_3 {strides = array<i32>} : memref<1x128xi32, #tpu.memory_space<vmem>>, vector<16xi32>,
            %swap3A_636 = arith.constant 0 : i32
            %swap3A_637 = arith.index_cast %swap3A_636 : i32 to index
            %swap3A_638 = arith.constant 112 : index
            %swap3A_639 = tpu.vector_load %arg24[%swap3A_637, %swap3A_638] {strides = array<i32>} : memref<1x128xi32, #tpu.memory_space<vmem>>, vector<16xi32>,
            tpu.vector_store %arg24[%swap3A_637, %swap3A_638], %broadcast_in_dim3A_3 {strides = array<i32>} : memref<1x128xi32, #tpu.memory_space<vmem>>, vector<16xi32>,
            %cond3A_640 = arith.constant 0 : i32
            scf.yield %cond3A_640 : i32
          } else {
            %cond3A_596 = arith.constant 0 : i32
            scf.yield %cond3A_596 : i32
          }
          scf.yield %add3A_586 : i32
        }
        scf.yield %while3A_533 : i32
      } else {
        scf.yield %cond3A_478 : i32
      }
      scf.yield %cond3A_513 : i32
    }
    %scan3A_391 = arith.constant 41 : i32
    %eq3A_392 = arith.constant 2 : i32
    %eq3A_393 = arith.cmpi eq, %add3A, %eq3A_392 : i32
    %convert_element_type3A_394 = arith.extui %eq3A_393 : i1 to i32
    %cond3A_395 = arith.constant 0 : i32
    %cond3A_396 = arith.cmpi ne, %convert_element_type3A_394, %cond3A_395 : i32
    %cond3A_397 = scf.if %cond3A_396 -> (i32) {
      "tpu.region"() ({
        %run_scoped3A = tpu.sem_alloc : memref<!tpu.dma_semaphore, #tpu.memory_space<semaphore_mem>>
        %dma_start3A = arith.constant 0 : i32
        %dma_start3A_429 = arith.constant 999936 : i32
        %dma_start3A_430 = tpu.memref_slice %arg5[%dma_start3A, %dma_start3A_429] : memref<64x1000000xf32, #tpu.memory_space<hbm>> -> memref<64x64xf32, #tpu.memory_space<hbm>>
        %dma_start3A_431 = arith.constant 0 : i32
        %dma_start3A_432 = arith.constant 999936 : i32
        %dma_start3A_433 = tpu.memref_slice %arg5[%dma_start3A_431, %dma_start3A_432] : memref<64x1000000xf32, #tpu.memory_space<hbm>> -> memref<64x64xf32, #tpu.memory_space<hbm>>
        tpu.enqueue_dma source(%dma_start3A_433 : memref<64x64xf32, #tpu.memory_space<hbm>>) target(%arg21 : memref<64x64xf32, #tpu.memory_space<vmem>>) target_semaphore(%run_scoped3A : memref<!tpu.dma_semaphore, #tpu.memory_space<semaphore_mem>>)
        %dma_wait3A = arith.constant 0 : i32
        %dma_wait3A_434 = arith.constant 999936 : i32
        %dma_wait3A_435 = tpu.memref_slice %arg5[%dma_wait3A, %dma_wait3A_434] : memref<64x1000000xf32, #tpu.memory_space<hbm>> -> memref<64x64xf32, #tpu.memory_space<hbm>>
        %dma_wait3A_436 = arith.constant 0 : i32
        %dma_wait3A_437 = arith.constant 999936 : i32
        %dma_wait3A_438 = tpu.memref_slice %arg5[%dma_wait3A_436, %dma_wait3A_437] : memref<64x1000000xf32, #tpu.memory_space<hbm>> -> memref<64x64xf32, #tpu.memory_space<hbm>>
        tpu.wait_dma2 semaphore(%run_scoped3A : memref<!tpu.dma_semaphore, #tpu.memory_space<semaphore_mem>>) src(%dma_wait3A_438 : memref<64x64xf32, #tpu.memory_space<hbm>>) dst(%arg21 : memref<64x64xf32, #tpu.memory_space<vmem>>)
        tpu.yield
      }) : () -> ()
      "tpu.region"() ({
        %run_scoped3A = tpu.sem_alloc : memref<!tpu.dma_semaphore, #tpu.memory_space<semaphore_mem>>
        %dma_start3A = arith.constant 999936 : i32
        %dma_start3A_429 = tpu.memref_slice %arg7[%dma_start3A] : memref<1000000xf32, #tpu.memory_space<hbm>> -> memref<64xf32, #tpu.memory_space<hbm>>
        %dma_start3A_430 = arith.constant 999936 : i32
        %dma_start3A_431 = tpu.memref_slice %arg7[%dma_start3A_430] : memref<1000000xf32, #tpu.memory_space<hbm>> -> memref<64xf32, #tpu.memory_space<hbm>>
        tpu.enqueue_dma source(%dma_start3A_431 : memref<64xf32, #tpu.memory_space<hbm>>) target(%arg22 : memref<64xf32, #tpu.memory_space<vmem>>) target_semaphore(%run_scoped3A : memref<!tpu.dma_semaphore, #tpu.memory_space<semaphore_mem>>)
        %dma_wait3A = arith.constant 999936 : i32
        %dma_wait3A_432 = tpu.memref_slice %arg7[%dma_wait3A] : memref<1000000xf32, #tpu.memory_space<hbm>> -> memref<64xf32, #tpu.memory_space<hbm>>
        %dma_wait3A_433 = arith.constant 999936 : i32
        %dma_wait3A_434 = tpu.memref_slice %arg7[%dma_wait3A_433] : memref<1000000xf32, #tpu.memory_space<hbm>> -> memref<64xf32, #tpu.memory_space<hbm>>
        tpu.wait_dma2 semaphore(%run_scoped3A : memref<!tpu.dma_semaphore, #tpu.memory_space<semaphore_mem>>) src(%dma_wait3A_434 : memref<64xf32, #tpu.memory_space<hbm>>) dst(%arg22 : memref<64xf32, #tpu.memory_space<vmem>>)
        tpu.yield
      }) : () -> ()
      %get3A_407 = arith.constant 122 : i32
      %get3A_408 = arith.index_cast %get3A_407 : i32 to index
      %get3A_409 = tpu.vector_load %arg12[%get3A_408] {strides = array<i32>} : memref<144xi32, #tpu.memory_space<vmem>>, vector<16xi32>,
      %slice3A_410 = vector.extract_strided_slice %get3A_409 {offsets = [0], sizes = [1], strides = [1]} : vector<16xi32> to vector<1xi32>
      %squeeze3A_411 = vector.extract %slice3A_410[0] : i32 from vector<1xi32>
      %get3A_412 = arith.constant 122 : i32
      %get3A_413 = arith.index_cast %get3A_412 : i32 to index
      %get3A_414 = tpu.vector_load %arg11[%get3A_413] {strides = array<i32>} : memref<144xi32, #tpu.memory_space<vmem>>, vector<16xi32>,
      %slice3A_415 = vector.extract_strided_slice %get3A_414 {offsets = [0], sizes = [1], strides = [1]} : vector<16xi32> to vector<1xi32>
      %squeeze3A_416 = vector.extract %slice3A_415[0] : i32 from vector<1xi32>
      %sub3A_417 = arith.subi %squeeze3A_411, %squeeze3A_416 : i32
      %while3A_418 = arith.constant 0 : i32
      %while3A_419 = arith.subi %squeeze3A_416, %while3A_418 : i32
      %while3A_420 = arith.addi %while3A_418, %while3A_419 : i32
      %while3A_421 = arith.constant 1 : i32
      %while3A_422 = arith.divsi %while3A_419, %while3A_421 : i32
      %while3A_423 = arith.muli %while3A_422, %while3A_421 : i32
      %while3A_424 = arith.addi %while3A_418, %while3A_423 : i32
      %while3A_425 = arith.constant 1 : i32
      %while3A_426 = scf.for %while3A_429 = %while3A_418 to %while3A_424 step %while3A_425 iter_args(%while3A_430 = %scan3A_390) -> (i32)  : i32 {
        %add3A_431 = arith.addi %sub3A_417, %while3A_429 : i32
        %get3A_432 = arith.index_cast %add3A_431 : i32 to index
        %get3A_433 = tpu.vector_load %arg10[%get3A_432] {strides = array<i32>} : memref<16400xi32, #tpu.memory_space<vmem>>, vector<16xi32>,
        %slice3A_434 = vector.extract_strided_slice %get3A_433 {offsets = [0], sizes = [1], strides = [1]} : vector<16xi32> to vector<1xi32>
        %squeeze3A_435 = vector.extract %slice3A_434[0] : i32 from vector<1xi32>
        %shift_right_logical3A = arith.constant 14 : i32
        %shift_right_logical3A_436 = arith.shrui %squeeze3A_435, %shift_right_logical3A : i32
        %and3A_437 = arith.constant 255 : i32
        %and3A_438 = arith.andi %shift_right_logical3A_436, %and3A_437 : i32
        %and3A_439 = arith.constant 16383 : i32
        %and3A_440 = arith.andi %squeeze3A_435, %and3A_439 : i32
        %and3A_441 = arith.constant 127 : i32
        %and3A_442 = arith.andi %while3A_430, %and3A_441 : i32
        %broadcast_in_dim3A_443 = vector.broadcast %and3A_438 : i32 to vector<16xi32>
        %add3A_444 = arith.constant 0 : i32
        %add3A_445 = vector.broadcast %add3A_444 : i32 to vector<16xi32>
        %add3A_446 = arith.addi %iota3A, %add3A_445 : vector<16xi32>
        %gather3A = tpu.vector_load_idx %arg21[%add3A_446, %broadcast_in_dim3A_443] : memref<64x64xf32, #tpu.memory_space<vmem>>[vector<16xi32>, vector<16xi32>], vector<16xf32>,
        %swap3A_447 = arith.index_cast %and3A_442 : i32 to index
        %swap3A_448 = arith.constant 0 : index
        %swap3A_449 = tpu.vector_load %arg23[%swap3A_447, %swap3A_448] {strides = array<i32>} : memref<128x128xf32, #tpu.memory_space<vmem>>, vector<16xf32>,
        tpu.vector_store %arg23[%swap3A_447, %swap3A_448], %gather3A {strides = array<i32>} : memref<128x128xf32, #tpu.memory_space<vmem>>, vector<16xf32>,
        %add3A_450 = arith.constant 16 : i32
        %add3A_451 = vector.broadcast %add3A_450 : i32 to vector<16xi32>
        %add3A_452 = arith.addi %iota3A, %add3A_451 : vector<16xi32>
        %gather3A_453 = tpu.vector_load_idx %arg21[%add3A_452, %broadcast_in_dim3A_443] : memref<64x64xf32, #tpu.memory_space<vmem>>[vector<16xi32>, vector<16xi32>], vector<16xf32>,
        %swap3A_454 = arith.index_cast %and3A_442 : i32 to index
        %swap3A_455 = arith.constant 16 : index
        %swap3A_456 = tpu.vector_load %arg23[%swap3A_454, %swap3A_455] {strides = array<i32>} : memref<128x128xf32, #tpu.memory_space<vmem>>, vector<16xf32>,
        tpu.vector_store %arg23[%swap3A_454, %swap3A_455], %gather3A_453 {strides = array<i32>} : memref<128x128xf32, #tpu.memory_space<vmem>>, vector<16xf32>,
        %add3A_457 = arith.constant 32 : i32
        %add3A_458 = vector.broadcast %add3A_457 : i32 to vector<16xi32>
        %add3A_459 = arith.addi %iota3A, %add3A_458 : vector<16xi32>
        %gather3A_460 = tpu.vector_load_idx %arg21[%add3A_459, %broadcast_in_dim3A_443] : memref<64x64xf32, #tpu.memory_space<vmem>>[vector<16xi32>, vector<16xi32>], vector<16xf32>,
        %swap3A_461 = arith.index_cast %and3A_442 : i32 to index
        %swap3A_462 = arith.constant 32 : index
        %swap3A_463 = tpu.vector_load %arg23[%swap3A_461, %swap3A_462] {strides = array<i32>} : memref<128x128xf32, #tpu.memory_space<vmem>>, vector<16xf32>,
        tpu.vector_store %arg23[%swap3A_461, %swap3A_462], %gather3A_460 {strides = array<i32>} : memref<128x128xf32, #tpu.memory_space<vmem>>, vector<16xf32>,
        %add3A_464 = arith.constant 48 : i32
        %add3A_465 = vector.broadcast %add3A_464 : i32 to vector<16xi32>
        %add3A_466 = arith.addi %iota3A, %add3A_465 : vector<16xi32>
        %gather3A_467 = tpu.vector_load_idx %arg21[%add3A_466, %broadcast_in_dim3A_443] : memref<64x64xf32, #tpu.memory_space<vmem>>[vector<16xi32>, vector<16xi32>], vector<16xf32>,
        %swap3A_468 = arith.index_cast %and3A_442 : i32 to index
        %swap3A_469 = arith.constant 48 : index
        %swap3A_470 = tpu.vector_load %arg23[%swap3A_468, %swap3A_469] {strides = array<i32>} : memref<128x128xf32, #tpu.memory_space<vmem>>, vector<16xf32>,
        tpu.vector_store %arg23[%swap3A_468, %swap3A_469], %gather3A_467 {strides = array<i32>} : memref<128x128xf32, #tpu.memory_space<vmem>>, vector<16xf32>,
        %gather3A_471 = tpu.vector_load_idx %arg22[%broadcast_in_dim3A_443] : memref<64xf32, #tpu.memory_space<vmem>>[vector<16xi32>], vector<16xf32>,
        %swap3A_472 = arith.index_cast %and3A_442 : i32 to index
        %swap3A_473 = arith.constant 64 : index
        %swap3A_474 = tpu.vector_load %arg23[%swap3A_472, %swap3A_473] {strides = array<i32>} : memref<128x128xf32, #tpu.memory_space<vmem>>, vector<16xf32>,
        tpu.vector_store %arg23[%swap3A_472, %swap3A_473], %gather3A_471 {strides = array<i32>} : memref<128x128xf32, #tpu.memory_space<vmem>>, vector<16xf32>,
        %broadcast_in_dim3A_475 = vector.broadcast %and3A_442 : i32 to vector<16xi32>
        %broadcast_in_dim3A_476 = vector.broadcast %and3A_440 : i32 to vector<16xi32>
        %scatter3A = arith.constant 0 : i32
        %scatter3A_477 = arith.constant 0 : i32
        %scatter3A_478 = tpu.memref_slice %arg24[%scatter3A, %scatter3A_477] : memref<1x128xi32, #tpu.memory_space<vmem>> -> memref<1x128xi32, #tpu.memory_space<vmem>>
        %scatter3A_479 = tpu.memref_squeeze %scatter3A_478 : memref<1x128xi32, #tpu.memory_space<vmem>> -> memref<128xi32, #tpu.memory_space<vmem>>
        tpu.vector_store_idx %scatter3A_479[%broadcast_in_dim3A_475], %broadcast_in_dim3A_476 masked %eq3A_2 : memref<128xi32, #tpu.memory_space<vmem>>[vector<16xi32>], vector<16xi32>, vector<16xi1>
        %add3A_480 = arith.constant 1 : i32
        %add3A_481 = arith.addi %while3A_430, %add3A_480 : i32
        %and3A_482 = arith.constant 127 : i32
        %and3A_483 = arith.andi %add3A_481, %and3A_482 : i32
        %eq3A_484 = arith.constant 0 : i32
        %eq3A_485 = arith.cmpi eq, %and3A_483, %eq3A_484 : i32
        %convert_element_type3A_486 = arith.extui %eq3A_485 : i1 to i32
        %cond3A_487 = arith.constant 0 : i32
        %cond3A_488 = arith.constant 0 : i32
        %cond3A_489 = arith.cmpi ne, %convert_element_type3A_486, %cond3A_488 : i32
        %cond3A_490 = scf.if %cond3A_489 -> (i32) {
          %dma_start3A = arith.constant 0 : i32
          %dma_start3A_491 = arith.constant 0 : i32
          %dma_start3A_492 = tpu.memref_slice %arg24[%dma_start3A, %dma_start3A_491] : memref<1x128xi32, #tpu.memory_space<vmem>> -> memref<1x128xi32, #tpu.memory_space<vmem>>
          %dma_start3A_493 = tpu.memref_squeeze %dma_start3A_492 : memref<1x128xi32, #tpu.memory_space<vmem>> -> memref<128xi32, #tpu.memory_space<vmem>>
          %dma_start3A_494 = arith.constant 0 : i32
          %dma_start3A_495 = arith.constant 0 : i32
          %dma_start3A_496 = tpu.memref_slice %arg9[%dma_start3A_494, %dma_start3A_495] : memref<16512x128xf32, #tpu.memory_space<hbm>> -> memref<16512x128xf32, #tpu.memory_space<hbm>>
          tpu.enqueue_indirect_dma source(%arg23 : memref<128x128xf32, #tpu.memory_space<vmem>>) target(%dma_start3A_496 : memref<16512x128xf32, #tpu.memory_space<hbm>>) offsets(%dma_start3A_493 : memref<128xi32, #tpu.memory_space<vmem>>) semaphore(%arg25 : memref<!tpu.dma_semaphore, #tpu.memory_space<semaphore_mem>>)
          %dma_wait3A = arith.constant 0 : i32
          %dma_wait3A_497 = arith.constant 0 : i32
          %dma_wait3A_498 = tpu.memref_slice %arg24[%dma_wait3A, %dma_wait3A_497] : memref<1x128xi32, #tpu.memory_space<vmem>> -> memref<1x128xi32, #tpu.memory_space<vmem>>
          %dma_wait3A_499 = tpu.memref_squeeze %dma_wait3A_498 : memref<1x128xi32, #tpu.memory_space<vmem>> -> memref<128xi32, #tpu.memory_space<vmem>>
          %dma_wait3A_500 = arith.constant 0 : i32
          %dma_wait3A_501 = arith.constant 0 : i32
          %dma_wait3A_502 = tpu.memref_slice %arg9[%dma_wait3A_500, %dma_wait3A_501] : memref<16512x128xf32, #tpu.memory_space<hbm>> -> memref<16512x128xf32, #tpu.memory_space<hbm>>
          tpu.wait_indirect_dma semaphore(%arg25 : memref<!tpu.dma_semaphore, #tpu.memory_space<semaphore_mem>>) src(%arg23 : memref<128x128xf32, #tpu.memory_space<vmem>>) dst(%dma_wait3A_502 : memref<16512x128xf32, #tpu.memory_space<hbm>>)
          %swap3A_503 = arith.constant 0 : i32
          %swap3A_504 = arith.index_cast %swap3A_503 : i32 to index
          %swap3A_505 = arith.constant 0 : index
          %swap3A_506 = tpu.vector_load %arg24[%swap3A_504, %swap3A_505] {strides = array<i32>} : memref<1x128xi32, #tpu.memory_space<vmem>>, vector<16xi32>,
          tpu.vector_store %arg24[%swap3A_504, %swap3A_505], %broadcast_in_dim3A_3 {strides = array<i32>} : memref<1x128xi32, #tpu.memory_space<vmem>>, vector<16xi32>,
          %swap3A_507 = arith.constant 0 : i32
          %swap3A_508 = arith.index_cast %swap3A_507 : i32 to index
          %swap3A_509 = arith.constant 16 : index
          %swap3A_510 = tpu.vector_load %arg24[%swap3A_508, %swap3A_509] {strides = array<i32>} : memref<1x128xi32, #tpu.memory_space<vmem>>, vector<16xi32>,
          tpu.vector_store %arg24[%swap3A_508, %swap3A_509], %broadcast_in_dim3A_3 {strides = array<i32>} : memref<1x128xi32, #tpu.memory_space<vmem>>, vector<16xi32>,
          %swap3A_511 = arith.constant 0 : i32
          %swap3A_512 = arith.index_cast %swap3A_511 : i32 to index
          %swap3A_513 = arith.constant 32 : index
          %swap3A_514 = tpu.vector_load %arg24[%swap3A_512, %swap3A_513] {strides = array<i32>} : memref<1x128xi32, #tpu.memory_space<vmem>>, vector<16xi32>,
          tpu.vector_store %arg24[%swap3A_512, %swap3A_513], %broadcast_in_dim3A_3 {strides = array<i32>} : memref<1x128xi32, #tpu.memory_space<vmem>>, vector<16xi32>,
          %swap3A_515 = arith.constant 0 : i32
          %swap3A_516 = arith.index_cast %swap3A_515 : i32 to index
          %swap3A_517 = arith.constant 48 : index
          %swap3A_518 = tpu.vector_load %arg24[%swap3A_516, %swap3A_517] {strides = array<i32>} : memref<1x128xi32, #tpu.memory_space<vmem>>, vector<16xi32>,
          tpu.vector_store %arg24[%swap3A_516, %swap3A_517], %broadcast_in_dim3A_3 {strides = array<i32>} : memref<1x128xi32, #tpu.memory_space<vmem>>, vector<16xi32>,
          %swap3A_519 = arith.constant 0 : i32
          %swap3A_520 = arith.index_cast %swap3A_519 : i32 to index
          %swap3A_521 = arith.constant 64 : index
          %swap3A_522 = tpu.vector_load %arg24[%swap3A_520, %swap3A_521] {strides = array<i32>} : memref<1x128xi32, #tpu.memory_space<vmem>>, vector<16xi32>,
          tpu.vector_store %arg24[%swap3A_520, %swap3A_521], %broadcast_in_dim3A_3 {strides = array<i32>} : memref<1x128xi32, #tpu.memory_space<vmem>>, vector<16xi32>,
          %swap3A_523 = arith.constant 0 : i32
          %swap3A_524 = arith.index_cast %swap3A_523 : i32 to index
          %swap3A_525 = arith.constant 80 : index
          %swap3A_526 = tpu.vector_load %arg24[%swap3A_524, %swap3A_525] {strides = array<i32>} : memref<1x128xi32, #tpu.memory_space<vmem>>, vector<16xi32>,
          tpu.vector_store %arg24[%swap3A_524, %swap3A_525], %broadcast_in_dim3A_3 {strides = array<i32>} : memref<1x128xi32, #tpu.memory_space<vmem>>, vector<16xi32>,
          %swap3A_527 = arith.constant 0 : i32
          %swap3A_528 = arith.index_cast %swap3A_527 : i32 to index
          %swap3A_529 = arith.constant 96 : index
          %swap3A_530 = tpu.vector_load %arg24[%swap3A_528, %swap3A_529] {strides = array<i32>} : memref<1x128xi32, #tpu.memory_space<vmem>>, vector<16xi32>,
          tpu.vector_store %arg24[%swap3A_528, %swap3A_529], %broadcast_in_dim3A_3 {strides = array<i32>} : memref<1x128xi32, #tpu.memory_space<vmem>>, vector<16xi32>,
          %swap3A_531 = arith.constant 0 : i32
          %swap3A_532 = arith.index_cast %swap3A_531 : i32 to index
          %swap3A_533 = arith.constant 112 : index
          %swap3A_534 = tpu.vector_load %arg24[%swap3A_532, %swap3A_533] {strides = array<i32>} : memref<1x128xi32, #tpu.memory_space<vmem>>, vector<16xi32>,
          tpu.vector_store %arg24[%swap3A_532, %swap3A_533], %broadcast_in_dim3A_3 {strides = array<i32>} : memref<1x128xi32, #tpu.memory_space<vmem>>, vector<16xi32>,
          %cond3A_535 = arith.constant 0 : i32
          scf.yield %cond3A_535 : i32
        } else {
          %cond3A_491 = arith.constant 0 : i32
          scf.yield %cond3A_491 : i32
        }
        scf.yield %add3A_481 : i32
      }
      %while3A_427 = arith.constant 1 : i32
      %while3A_428 = scf.for %while3A_429 = %while3A_424 to %while3A_420 step %while3A_427 iter_args(%while3A_430 = %while3A_426) -> (i32)  : i32 {
        %add3A_431 = arith.addi %sub3A_417, %while3A_429 : i32
        %get3A_432 = arith.index_cast %add3A_431 : i32 to index
        %get3A_433 = tpu.vector_load %arg10[%get3A_432] {strides = array<i32>} : memref<16400xi32, #tpu.memory_space<vmem>>, vector<16xi32>,
        %slice3A_434 = vector.extract_strided_slice %get3A_433 {offsets = [0], sizes = [1], strides = [1]} : vector<16xi32> to vector<1xi32>
        %squeeze3A_435 = vector.extract %slice3A_434[0] : i32 from vector<1xi32>
        %shift_right_logical3A = arith.constant 14 : i32
        %shift_right_logical3A_436 = arith.shrui %squeeze3A_435, %shift_right_logical3A : i32
        %and3A_437 = arith.constant 255 : i32
        %and3A_438 = arith.andi %shift_right_logical3A_436, %and3A_437 : i32
        %and3A_439 = arith.constant 16383 : i32
        %and3A_440 = arith.andi %squeeze3A_435, %and3A_439 : i32
        %and3A_441 = arith.constant 127 : i32
        %and3A_442 = arith.andi %while3A_430, %and3A_441 : i32
        %broadcast_in_dim3A_443 = vector.broadcast %and3A_438 : i32 to vector<16xi32>
        %add3A_444 = arith.constant 0 : i32
        %add3A_445 = vector.broadcast %add3A_444 : i32 to vector<16xi32>
        %add3A_446 = arith.addi %iota3A, %add3A_445 : vector<16xi32>
        %gather3A = tpu.vector_load_idx %arg21[%add3A_446, %broadcast_in_dim3A_443] : memref<64x64xf32, #tpu.memory_space<vmem>>[vector<16xi32>, vector<16xi32>], vector<16xf32>,
        %swap3A_447 = arith.index_cast %and3A_442 : i32 to index
        %swap3A_448 = arith.constant 0 : index
        %swap3A_449 = tpu.vector_load %arg23[%swap3A_447, %swap3A_448] {strides = array<i32>} : memref<128x128xf32, #tpu.memory_space<vmem>>, vector<16xf32>,
        tpu.vector_store %arg23[%swap3A_447, %swap3A_448], %gather3A {strides = array<i32>} : memref<128x128xf32, #tpu.memory_space<vmem>>, vector<16xf32>,
        %add3A_450 = arith.constant 16 : i32
        %add3A_451 = vector.broadcast %add3A_450 : i32 to vector<16xi32>
        %add3A_452 = arith.addi %iota3A, %add3A_451 : vector<16xi32>
        %gather3A_453 = tpu.vector_load_idx %arg21[%add3A_452, %broadcast_in_dim3A_443] : memref<64x64xf32, #tpu.memory_space<vmem>>[vector<16xi32>, vector<16xi32>], vector<16xf32>,
        %swap3A_454 = arith.index_cast %and3A_442 : i32 to index
        %swap3A_455 = arith.constant 16 : index
        %swap3A_456 = tpu.vector_load %arg23[%swap3A_454, %swap3A_455] {strides = array<i32>} : memref<128x128xf32, #tpu.memory_space<vmem>>, vector<16xf32>,
        tpu.vector_store %arg23[%swap3A_454, %swap3A_455], %gather3A_453 {strides = array<i32>} : memref<128x128xf32, #tpu.memory_space<vmem>>, vector<16xf32>,
        %add3A_457 = arith.constant 32 : i32
        %add3A_458 = vector.broadcast %add3A_457 : i32 to vector<16xi32>
        %add3A_459 = arith.addi %iota3A, %add3A_458 : vector<16xi32>
        %gather3A_460 = tpu.vector_load_idx %arg21[%add3A_459, %broadcast_in_dim3A_443] : memref<64x64xf32, #tpu.memory_space<vmem>>[vector<16xi32>, vector<16xi32>], vector<16xf32>,
        %swap3A_461 = arith.index_cast %and3A_442 : i32 to index
        %swap3A_462 = arith.constant 32 : index
        %swap3A_463 = tpu.vector_load %arg23[%swap3A_461, %swap3A_462] {strides = array<i32>} : memref<128x128xf32, #tpu.memory_space<vmem>>, vector<16xf32>,
        tpu.vector_store %arg23[%swap3A_461, %swap3A_462], %gather3A_460 {strides = array<i32>} : memref<128x128xf32, #tpu.memory_space<vmem>>, vector<16xf32>,
        %add3A_464 = arith.constant 48 : i32
        %add3A_465 = vector.broadcast %add3A_464 : i32 to vector<16xi32>
        %add3A_466 = arith.addi %iota3A, %add3A_465 : vector<16xi32>
        %gather3A_467 = tpu.vector_load_idx %arg21[%add3A_466, %broadcast_in_dim3A_443] : memref<64x64xf32, #tpu.memory_space<vmem>>[vector<16xi32>, vector<16xi32>], vector<16xf32>,
        %swap3A_468 = arith.index_cast %and3A_442 : i32 to index
        %swap3A_469 = arith.constant 48 : index
        %swap3A_470 = tpu.vector_load %arg23[%swap3A_468, %swap3A_469] {strides = array<i32>} : memref<128x128xf32, #tpu.memory_space<vmem>>, vector<16xf32>,
        tpu.vector_store %arg23[%swap3A_468, %swap3A_469], %gather3A_467 {strides = array<i32>} : memref<128x128xf32, #tpu.memory_space<vmem>>, vector<16xf32>,
        %gather3A_471 = tpu.vector_load_idx %arg22[%broadcast_in_dim3A_443] : memref<64xf32, #tpu.memory_space<vmem>>[vector<16xi32>], vector<16xf32>,
        %swap3A_472 = arith.index_cast %and3A_442 : i32 to index
        %swap3A_473 = arith.constant 64 : index
        %swap3A_474 = tpu.vector_load %arg23[%swap3A_472, %swap3A_473] {strides = array<i32>} : memref<128x128xf32, #tpu.memory_space<vmem>>, vector<16xf32>,
        tpu.vector_store %arg23[%swap3A_472, %swap3A_473], %gather3A_471 {strides = array<i32>} : memref<128x128xf32, #tpu.memory_space<vmem>>, vector<16xf32>,
        %broadcast_in_dim3A_475 = vector.broadcast %and3A_442 : i32 to vector<16xi32>
        %broadcast_in_dim3A_476 = vector.broadcast %and3A_440 : i32 to vector<16xi32>
        %scatter3A = arith.constant 0 : i32
        %scatter3A_477 = arith.constant 0 : i32
        %scatter3A_478 = tpu.memref_slice %arg24[%scatter3A, %scatter3A_477] : memref<1x128xi32, #tpu.memory_space<vmem>> -> memref<1x128xi32, #tpu.memory_space<vmem>>
        %scatter3A_479 = tpu.memref_squeeze %scatter3A_478 : memref<1x128xi32, #tpu.memory_space<vmem>> -> memref<128xi32, #tpu.memory_space<vmem>>
        tpu.vector_store_idx %scatter3A_479[%broadcast_in_dim3A_475], %broadcast_in_dim3A_476 masked %eq3A_2 : memref<128xi32, #tpu.memory_space<vmem>>[vector<16xi32>], vector<16xi32>, vector<16xi1>
        %add3A_480 = arith.constant 1 : i32
        %add3A_481 = arith.addi %while3A_430, %add3A_480 : i32
        %and3A_482 = arith.constant 127 : i32
        %and3A_483 = arith.andi %add3A_481, %and3A_482 : i32
        %eq3A_484 = arith.constant 0 : i32
        %eq3A_485 = arith.cmpi eq, %and3A_483, %eq3A_484 : i32
        %convert_element_type3A_486 = arith.extui %eq3A_485 : i1 to i32
        %cond3A_487 = arith.constant 0 : i32
        %cond3A_488 = arith.constant 0 : i32
        %cond3A_489 = arith.cmpi ne, %convert_element_type3A_486, %cond3A_488 : i32
        %cond3A_490 = scf.if %cond3A_489 -> (i32) {
          %dma_start3A = arith.constant 0 : i32
          %dma_start3A_491 = arith.constant 0 : i32
          %dma_start3A_492 = tpu.memref_slice %arg24[%dma_start3A, %dma_start3A_491] : memref<1x128xi32, #tpu.memory_space<vmem>> -> memref<1x128xi32, #tpu.memory_space<vmem>>
          %dma_start3A_493 = tpu.memref_squeeze %dma_start3A_492 : memref<1x128xi32, #tpu.memory_space<vmem>> -> memref<128xi32, #tpu.memory_space<vmem>>
          %dma_start3A_494 = arith.constant 0 : i32
          %dma_start3A_495 = arith.constant 0 : i32
          %dma_start3A_496 = tpu.memref_slice %arg9[%dma_start3A_494, %dma_start3A_495] : memref<16512x128xf32, #tpu.memory_space<hbm>> -> memref<16512x128xf32, #tpu.memory_space<hbm>>
          tpu.enqueue_indirect_dma source(%arg23 : memref<128x128xf32, #tpu.memory_space<vmem>>) target(%dma_start3A_496 : memref<16512x128xf32, #tpu.memory_space<hbm>>) offsets(%dma_start3A_493 : memref<128xi32, #tpu.memory_space<vmem>>) semaphore(%arg25 : memref<!tpu.dma_semaphore, #tpu.memory_space<semaphore_mem>>)
          %dma_wait3A = arith.constant 0 : i32
          %dma_wait3A_497 = arith.constant 0 : i32
          %dma_wait3A_498 = tpu.memref_slice %arg24[%dma_wait3A, %dma_wait3A_497] : memref<1x128xi32, #tpu.memory_space<vmem>> -> memref<1x128xi32, #tpu.memory_space<vmem>>
          %dma_wait3A_499 = tpu.memref_squeeze %dma_wait3A_498 : memref<1x128xi32, #tpu.memory_space<vmem>> -> memref<128xi32, #tpu.memory_space<vmem>>
          %dma_wait3A_500 = arith.constant 0 : i32
          %dma_wait3A_501 = arith.constant 0 : i32
          %dma_wait3A_502 = tpu.memref_slice %arg9[%dma_wait3A_500, %dma_wait3A_501] : memref<16512x128xf32, #tpu.memory_space<hbm>> -> memref<16512x128xf32, #tpu.memory_space<hbm>>
          tpu.wait_indirect_dma semaphore(%arg25 : memref<!tpu.dma_semaphore, #tpu.memory_space<semaphore_mem>>) src(%arg23 : memref<128x128xf32, #tpu.memory_space<vmem>>) dst(%dma_wait3A_502 : memref<16512x128xf32, #tpu.memory_space<hbm>>)
          %swap3A_503 = arith.constant 0 : i32
          %swap3A_504 = arith.index_cast %swap3A_503 : i32 to index
          %swap3A_505 = arith.constant 0 : index
          %swap3A_506 = tpu.vector_load %arg24[%swap3A_504, %swap3A_505] {strides = array<i32>} : memref<1x128xi32, #tpu.memory_space<vmem>>, vector<16xi32>,
          tpu.vector_store %arg24[%swap3A_504, %swap3A_505], %broadcast_in_dim3A_3 {strides = array<i32>} : memref<1x128xi32, #tpu.memory_space<vmem>>, vector<16xi32>,
          %swap3A_507 = arith.constant 0 : i32
          %swap3A_508 = arith.index_cast %swap3A_507 : i32 to index
          %swap3A_509 = arith.constant 16 : index
          %swap3A_510 = tpu.vector_load %arg24[%swap3A_508, %swap3A_509] {strides = array<i32>} : memref<1x128xi32, #tpu.memory_space<vmem>>, vector<16xi32>,
          tpu.vector_store %arg24[%swap3A_508, %swap3A_509], %broadcast_in_dim3A_3 {strides = array<i32>} : memref<1x128xi32, #tpu.memory_space<vmem>>, vector<16xi32>,
          %swap3A_511 = arith.constant 0 : i32
          %swap3A_512 = arith.index_cast %swap3A_511 : i32 to index
          %swap3A_513 = arith.constant 32 : index
          %swap3A_514 = tpu.vector_load %arg24[%swap3A_512, %swap3A_513] {strides = array<i32>} : memref<1x128xi32, #tpu.memory_space<vmem>>, vector<16xi32>,
          tpu.vector_store %arg24[%swap3A_512, %swap3A_513], %broadcast_in_dim3A_3 {strides = array<i32>} : memref<1x128xi32, #tpu.memory_space<vmem>>, vector<16xi32>,
          %swap3A_515 = arith.constant 0 : i32
          %swap3A_516 = arith.index_cast %swap3A_515 : i32 to index
          %swap3A_517 = arith.constant 48 : index
          %swap3A_518 = tpu.vector_load %arg24[%swap3A_516, %swap3A_517] {strides = array<i32>} : memref<1x128xi32, #tpu.memory_space<vmem>>, vector<16xi32>,
          tpu.vector_store %arg24[%swap3A_516, %swap3A_517], %broadcast_in_dim3A_3 {strides = array<i32>} : memref<1x128xi32, #tpu.memory_space<vmem>>, vector<16xi32>,
          %swap3A_519 = arith.constant 0 : i32
          %swap3A_520 = arith.index_cast %swap3A_519 : i32 to index
          %swap3A_521 = arith.constant 64 : index
          %swap3A_522 = tpu.vector_load %arg24[%swap3A_520, %swap3A_521] {strides = array<i32>} : memref<1x128xi32, #tpu.memory_space<vmem>>, vector<16xi32>,
          tpu.vector_store %arg24[%swap3A_520, %swap3A_521], %broadcast_in_dim3A_3 {strides = array<i32>} : memref<1x128xi32, #tpu.memory_space<vmem>>, vector<16xi32>,
          %swap3A_523 = arith.constant 0 : i32
          %swap3A_524 = arith.index_cast %swap3A_523 : i32 to index
          %swap3A_525 = arith.constant 80 : index
          %swap3A_526 = tpu.vector_load %arg24[%swap3A_524, %swap3A_525] {strides = array<i32>} : memref<1x128xi32, #tpu.memory_space<vmem>>, vector<16xi32>,
          tpu.vector_store %arg24[%swap3A_524, %swap3A_525], %broadcast_in_dim3A_3 {strides = array<i32>} : memref<1x128xi32, #tpu.memory_space<vmem>>, vector<16xi32>,
          %swap3A_527 = arith.constant 0 : i32
          %swap3A_528 = arith.index_cast %swap3A_527 : i32 to index
          %swap3A_529 = arith.constant 96 : index
          %swap3A_530 = tpu.vector_load %arg24[%swap3A_528, %swap3A_529] {strides = array<i32>} : memref<1x128xi32, #tpu.memory_space<vmem>>, vector<16xi32>,
          tpu.vector_store %arg24[%swap3A_528, %swap3A_529], %broadcast_in_dim3A_3 {strides = array<i32>} : memref<1x128xi32, #tpu.memory_space<vmem>>, vector<16xi32>,
          %swap3A_531 = arith.constant 0 : i32
          %swap3A_532 = arith.index_cast %swap3A_531 : i32 to index
          %swap3A_533 = arith.constant 112 : index
          %swap3A_534 = tpu.vector_load %arg24[%swap3A_532, %swap3A_533] {strides = array<i32>} : memref<1x128xi32, #tpu.memory_space<vmem>>, vector<16xi32>,
          tpu.vector_store %arg24[%swap3A_532, %swap3A_533], %broadcast_in_dim3A_3 {strides = array<i32>} : memref<1x128xi32, #tpu.memory_space<vmem>>, vector<16xi32>,
          %cond3A_535 = arith.constant 0 : i32
          scf.yield %cond3A_535 : i32
        } else {
          %cond3A_491 = arith.constant 0 : i32
          scf.yield %cond3A_491 : i32
        }
        scf.yield %add3A_481 : i32
      }
      scf.yield %while3A_428 : i32
    } else {
      scf.yield %scan3A_390 : i32
    }
    %and3A_398 = arith.constant 127 : i32
    %and3A_399 = arith.andi %cond3A_397, %and3A_398 : i32
    %ne3A_400 = arith.constant 0 : i32
    %ne3A_401 = arith.cmpi ne, %and3A_399, %ne3A_400 : i32
    %convert_element_type3A_402 = arith.extui %ne3A_401 : i1 to i32
    %cond3A_403 = arith.constant 0 : i32
    %cond3A_404 = arith.constant 0 : i32
    %cond3A_405 = arith.cmpi ne, %convert_element_type3A_402, %cond3A_404 : i32
    %cond3A_406 = scf.if %cond3A_405 -> (i32) {
      %dma_start3A = arith.constant 0 : i32
      %dma_start3A_407 = arith.constant 0 : i32
      %dma_start3A_408 = tpu.memref_slice %arg24[%dma_start3A, %dma_start3A_407] : memref<1x128xi32, #tpu.memory_space<vmem>> -> memref<1x128xi32, #tpu.memory_space<vmem>>
      %dma_start3A_409 = tpu.memref_squeeze %dma_start3A_408 : memref<1x128xi32, #tpu.memory_space<vmem>> -> memref<128xi32, #tpu.memory_space<vmem>>
      %dma_start3A_410 = arith.constant 0 : i32
      %dma_start3A_411 = arith.constant 0 : i32
      %dma_start3A_412 = tpu.memref_slice %arg9[%dma_start3A_410, %dma_start3A_411] : memref<16512x128xf32, #tpu.memory_space<hbm>> -> memref<16512x128xf32, #tpu.memory_space<hbm>>
      tpu.enqueue_indirect_dma source(%arg23 : memref<128x128xf32, #tpu.memory_space<vmem>>) target(%dma_start3A_412 : memref<16512x128xf32, #tpu.memory_space<hbm>>) offsets(%dma_start3A_409 : memref<128xi32, #tpu.memory_space<vmem>>) semaphore(%arg25 : memref<!tpu.dma_semaphore, #tpu.memory_space<semaphore_mem>>)
      %dma_wait3A = arith.constant 0 : i32
      %dma_wait3A_413 = arith.constant 0 : i32
      %dma_wait3A_414 = tpu.memref_slice %arg24[%dma_wait3A, %dma_wait3A_413] : memref<1x128xi32, #tpu.memory_space<vmem>> -> memref<1x128xi32, #tpu.memory_space<vmem>>
      %dma_wait3A_415 = tpu.memref_squeeze %dma_wait3A_414 : memref<1x128xi32, #tpu.memory_space<vmem>> -> memref<128xi32, #tpu.memory_space<vmem>>
      %dma_wait3A_416 = arith.constant 0 : i32
      %dma_wait3A_417 = arith.constant 0 : i32
      %dma_wait3A_418 = tpu.memref_slice %arg9[%dma_wait3A_416, %dma_wait3A_417] : memref<16512x128xf32, #tpu.memory_space<hbm>> -> memref<16512x128xf32, #tpu.memory_space<hbm>>
      tpu.wait_indirect_dma semaphore(%arg25 : memref<!tpu.dma_semaphore, #tpu.memory_space<semaphore_mem>>) src(%arg23 : memref<128x128xf32, #tpu.memory_space<vmem>>) dst(%dma_wait3A_418 : memref<16512x128xf32, #tpu.memory_space<hbm>>)
      %cond3A_419 = arith.constant 0 : i32
      scf.yield %cond3A_419 : i32
    } else {
      %cond3A_407 = arith.constant 0 : i32
      scf.yield %cond3A_407 : i32
    }
    return
  }
}

module attributes {stable_mosaic.version = 14 : i64} {
  func.func @_epilogue(%arg0: memref<16512x128xf32, #tpu.memory_space<vmem>>, %arg1: memref<16512x128xf32, #tpu.memory_space<vmem>>, %arg2: memref<16384x1xf32, #tpu.memory_space<vmem>>) attributes {dimension_semantics = [], scalar_prefetch = 0 : i64, scratch_operands = 0 : i64, tpu.core_type = #tpu.core_type<tc>} {
    %get3A = arith.constant 0 : index
    %get3A_0 = arith.constant 0 : index
    %get3A_1 = vector.load %arg0[%get3A, %get3A_0] : memref<16512x128xf32, #tpu.memory_space<vmem>>, vector<16384x64xf32>
    %get3A_2 = arith.constant 0 : index
    %get3A_3 = arith.constant 0 : index
    %get3A_4 = vector.load %arg1[%get3A_2, %get3A_3] : memref<16512x128xf32, #tpu.memory_space<vmem>>, vector<16384x64xf32>
    %mul3A = arith.mulf %get3A_1, %get3A_4 : vector<16384x64xf32>
    %reduce_sum3A = vector.shape_cast %mul3A : vector<16384x64xf32> to vector<1x16384x64xf32>
    %reduce_sum3A_5 = arith.constant dense<0.000000e+00> : vector<1xf32>
    %reduce_sum3A_6 = vector.multi_reduction <add>, %reduce_sum3A, %reduce_sum3A_5 [1, 2] : vector<1x16384x64xf32> to vector<1xf32>
    %reduce_sum3A_7 = vector.shape_cast %reduce_sum3A_6 : vector<1xf32> to vector<1x1x1xf32>
    %reduce_sum3A_8 = vector.extract %reduce_sum3A_7[0, 0, 0] : f32 from vector<1x1x1xf32>
    %get3A_9 = arith.constant 0 : index
    %get3A_10 = arith.constant 64 : index
    %get3A_11 = vector.load %arg0[%get3A_9, %get3A_10] : memref<16512x128xf32, #tpu.memory_space<vmem>>, vector<16384x1xf32>
    %get3A_12 = arith.constant 0 : index
    %get3A_13 = arith.constant 64 : index
    %get3A_14 = vector.load %arg1[%get3A_12, %get3A_13] : memref<16512x128xf32, #tpu.memory_space<vmem>>, vector<16384x1xf32>
    %add3A = vector.broadcast %reduce_sum3A_8 : f32 to vector<16384x1xf32>
    %add3A_15 = arith.addf %add3A, %get3A_11 : vector<16384x1xf32>
    %add3A_16 = arith.addf %add3A_15, %get3A_14 : vector<16384x1xf32>
    %logistic3A = arith.negf %add3A_16 : vector<16384x1xf32>
    %logistic3A_17 = math.exp %logistic3A : vector<16384x1xf32>
    %logistic3A_18 = arith.constant 1.000000e+00 : f32
    %logistic3A_19 = vector.broadcast %logistic3A_18 : f32 to vector<16384x1xf32>
    %logistic3A_20 = arith.addf %logistic3A_19, %logistic3A_17 : vector<16384x1xf32>
    %logistic3A_21 = arith.divf %logistic3A_19, %logistic3A_20 : vector<16384x1xf32>
    %swap3A = arith.constant 0 : index
    %swap3A_22 = arith.constant 0 : index
    %swap3A_23 = vector.load %arg2[%swap3A, %swap3A_22] : memref<16384x1xf32, #tpu.memory_space<vmem>>, vector<16384x1xf32>
    tpu.vector_store %arg2[%swap3A, %swap3A_22], %logistic3A_21 {strides = array<i32>} : memref<16384x1xf32, #tpu.memory_space<vmem>>, vector<16384x1xf32>,
    return
  }
}

</mosaic_0001>

<sc_bundles>
// kernel: kernel.4.cloned.1.call-start
scs
__scs_entry_jumppad:
0x0: {  	(pc) =	sbr.rel $0x88, $3  }
0x1: {  	(tag) =	ssettag $0x0;
	lr =	simm.s32 $0x1  }
0x2: {  	[smem:$0x3F9C] =	sst lr;
	_ =	strace $0xD0000000  }
0x3: {  	_ = 	snop  }
0x4: {  	_ = 	snop  }
0x5: {  	_ = 	snop  }
0x6: {  	_ = 	snop  }
0x7: {  	_ = 	snop  }
__scs_overlays_trampoline_lowered:
0x8: {  	[smem:$0x3FAB] =	sst s0  }
0x9: {  	[smem:$0x3FAC] =	sst s1  }
0xa: {  	[smem:$0x3FAD] =	sst s2  }
0xb: {  	[smem:$0x3FAE] =	sst s3  }
0xc: {  	[smem:$0x3FAF] =	sst s4  }
0xd: {  	[smem:$0x3FB0] =	sst s5  }
0xe: {  	[smem:$0x3FB1] =	sst s6  }
0xf: {  	[smem:$0x3FB2] =	sst s7  }
0x10: {  	[smem:$0x3FB3] =	sst s8  }
0x11: {  	[smem:$0x3FB4] =	sst s9;
	s0 =	simm.s32 @!p0 $0x0  }
0x12: {  	s1 =	sld [smem:$0x3F9A];
	s0 =	simm.s32 @p0 $0x1  }
0x13: {  	[smem:$0x3FB5] =	sst s0;
	s0 =	simm.s32 @!p1 $0x0  }
0x14: {  	s2 =	sld [smem:$0x3F99];
	s0 =	simm.s32 @p1 $0x1  }
0x15: {  	[smem:$0x3FB6] =	sst s0;
	s0 =	simm.s32 @!p2 $0x0  }
0x16: {  	s3 =	sld [smem:$0x3FDB];
	s0 =	simm.s32 @p2 $0x1  }
0x17: {  	s4 =	simm.s32 $0x1BF5;
	[smem:$0x3FB8] =	sst s0  }
0x18: {  	s0 =	sld [smem:$0x3F9B];
	_ =	swait.ge [sflag:s4], $0x0  }
0x19: {  	s7 =	sld [smem:$0x3F9C]  }
0x1a: {  	s8 =	sadd.s32 $0xFFFFE003, lr  }
0x1b: {  	s9 =	sadd.s32 $0xFFFFFEF7, lr;
	s5 =	simm.s32 $0xFFFFFFFF;
	p2 =	slt.u32 s8, $0xFFFFF086  }
0x1c: {  	p1 =	slt.u32 s9, $0xF7A;
	s5 =	simm.s32 @!p2 $0x0  }
0x1d: {  	s5 =	simm.s32 @p1 $0x1;
	p0 =	seq.s32 s7, s2  }
0x1e: {  	s7 =	smul.u32 @!p0 $0xF7A, s2;
	p2 =	seq.s32 @!p0 s5, $0x0  }
0x1f: {  	s9 =	smul.u32 $0xF7A, s1;
	s8 =	simm.s32 @!p0 $0x1BF5;
	p2 =	por !p2, p0  }
0x20: {  	[sflag:s8] =	ssyncset.s32 @!p0 $0xFFFFF086;
	s6 =	sadd.s32 @!p0 s3, s7;
	s7 =	simm.s32 @!p0 $0x108  }
0x21: {  	s3 =	sadd.s32 s3, s9;
	s6 =	sadd.s32 @!p0 $0x88, s6;
	s7 =	simm.s32 @p2 $0x1082  }
0x22: {  	[simem:s7], [sflag:s8] =	dma.local @!p0 [hbm:s6], $0xF7A  }
0x23: {  	s9 =	sor.u32 $0xD0000000, s2;
	s6 =	simm.s32 $0x108;
	_ =	swait.ge @!p0 [sflag:s8], $0x0  }
0x24: {  	s3 =	sadd.s32 $0x88, s3;
	s6 =	simm.s32 @!p1 $0x1082;
	[sflag:s4] =	ssyncset.s32 $0xFFFFF086  }
0x25: {  	[simem:s6], [sflag:s4] =	dma.local [hbm:s3], $0xF7A  }
0x26: {  	[smem:$0x3F9C] =	sst s1;
	(tag) =	ssettag s2;
	_ =	strace s9  }
0x27: {  	s1 =	sld [smem:$0x3FAC]  }
0x28: {  	s2 =	sld [smem:$0x3FAD]  }
0x29: {  	s4 =	sld [smem:$0x3FAF]  }
0x2a: {  	p0 =	seq.s32 s5, $0x0;
	s5 =	sld [smem:$0x3FB0]  }
0x2b: {  	s6 =	sld [smem:$0x3FB1]  }
0x2c: {  	s7 =	sld [smem:$0x3FB2]  }
0x2d: {  	s3 =	simm.s32 $0x108;
	s8 =	sld [smem:$0x3FB3]  }
0x2e: {  	s3 =	simm.s32 @!p0 $0x1082;
	s9 =	sld [smem:$0x3FB4]  }
0x2f: {  	lr =	sadd.s32 s0, s3;
	s0 =	sld [smem:$0x3FAB]  }
0x30: {  	s3 =	sld [smem:$0x3FAE]  }
0x31: {  	[smem:$0x3FB7] =	sst s10  }
0x32: {  	s10 =	sld [smem:$0x3FB5];
	_ =	sdelay $0x3  }
0x33: {  	p0 =	seq.s32 s10, $0x1;
	s10 =	sld [smem:$0x3FB7];
	_ =	sdelay $0x3  }
0x34: {  	[smem:$0x3FB7] =	sst s10  }
0x35: {  	s10 =	sld [smem:$0x3FB6];
	_ =	sdelay $0x3  }
0x36: {  	p1 =	seq.s32 s10, $0x1;
	s10 =	sld [smem:$0x3FB7];
	_ =	sdelay $0x3  }
0x37: {  	[smem:$0x3FB7] =	sst s10  }
0x38: {  	s10 =	sld [smem:$0x3FB8]  }
0x39: {  	_ = 	snop;
	(pc) =	sbr.ind lr, $3  }
0x3a: {  	_ = 	snop  }
0x3b: {  	_ = 	snop  }
0x3c: {  	p2 =	seq.s32 s10, $0x1;
	s10 =	sld [smem:$0x3FB7]  }
0x3d: {  	_ =	shalt  }
0x3e: {  	_ =	shalt  }
0x3f: {  	_ =	shalt  }
0x40: {  	_ =	shalt  }
0x41: {  	_ =	shalt  }
0x42: {  	_ =	shalt  }
0x43: {  	_ =	shalt  }
0x44: {  	_ =	shalt  }
0x45: {  	_ =	shalt  }
0x46: {  	_ =	shalt  }
0x47: {  	_ =	shalt  }
0x48: {  	_ =	shalt  }
0x49: {  	_ =	shalt  }
0x4a: {  	_ =	shalt  }
0x4b: {  	_ =	shalt  }
0x4c: {  	_ =	shalt  }
0x4d: {  	_ =	shalt  }
0x4e: {  	_ =	shalt  }
0x4f: {  	_ =	shalt  }
0x50: {  	_ =	shalt  }
0x51: {  	_ =	shalt  }
0x52: {  	_ =	shalt  }
0x53: {  	_ =	shalt  }
0x54: {  	_ =	shalt  }
0x55: {  	_ =	shalt  }
0x56: {  	_ =	shalt  }
0x57: {  	_ =	shalt  }
0x58: {  	_ =	shalt  }
0x59: {  	_ =	shalt  }
0x5a: {  	_ =	shalt  }
0x5b: {  	_ =	shalt  }
0x5c: {  	_ =	shalt  }
0x5d: {  	_ =	shalt  }
0x5e: {  	_ =	shalt  }
0x5f: {  	_ =	shalt  }
0x60: {  	_ =	shalt  }
0x61: {  	_ =	shalt  }
0x62: {  	_ =	shalt  }
0x63: {  	_ =	shalt  }
0x64: {  	_ =	shalt  }
0x65: {  	_ =	shalt  }
0x66: {  	_ =	shalt  }
0x67: {  	_ =	shalt  }
0x68: {  	_ =	shalt  }
0x69: {  	_ =	shalt  }
0x6a: {  	_ =	shalt  }
0x6b: {  	_ =	shalt  }
0x6c: {  	_ =	shalt  }
0x6d: {  	_ =	shalt  }
0x6e: {  	_ =	shalt  }
0x6f: {  	_ =	shalt  }
0x70: {  	_ =	shalt  }
0x71: {  	_ =	shalt  }
0x72: {  	_ =	shalt  }
0x73: {  	_ =	shalt  }
0x74: {  	_ =	shalt  }
0x75: {  	_ =	shalt  }
0x76: {  	_ =	shalt  }
0x77: {  	_ =	shalt  }
0x78: {  	_ =	shalt  }
0x79: {  	_ =	shalt  }
0x7a: {  	_ =	shalt  }
0x7b: {  	_ =	shalt  }
0x7c: {  	_ =	shalt  }
0x7d: {  	_ =	shalt  }
0x7e: {  	_ =	shalt  }
0x7f: {  	_ =	shalt  }
0x80: {  	_ =	shalt  }
0x81: {  	_ =	shalt  }
0x82: {  	_ =	shalt  }
0x83: {  	_ =	shalt  }
0x84: {  	_ =	shalt  }
0x85: {  	_ =	shalt  }
0x86: {  	_ =	shalt  }
0x87: {  	_ =	shalt  }
.Lfunc_end0:
.L_simem_size_0:
called_computation_lowered:
.L_overlay_start_0:
0x88: {  	s2 =	sld [smem:$0x3FD9]  }
0x89: {  	s3 =	sld [smem:$0x3FFE];
	_ =	sdelay $0x1  }
0x8a: {  	s1 =	srdreg.scid  }
0x8b: {  	s0 =	sand.u32 $0x1, s1  }
0x8c: {  	s17 =	sshll.u32 s0, $0xA;
	s2 =	sadd.s32 s3, s2  }
0x8d: {  	s2 =	sadd.s32 s2, s17  }
0x8e: {  	[smem:$0x3FC3] =	sst s2  }
0x8f: {  	_ = 	snop  }
0x90: {  	s2 =	sld [smem:$0x3FC8]  }
0x91: {  	s18 =	sld [smem:$0x3FC6]  }
0x92: {  	s4 =	sld [smem:$0x3FD0];
	(tm) =	ssettm $0x1  }
0x93: {  	s5 =	sld [smem:$0x3FFB];
	_ =	sdelay $0x3  }
0x94: {  	_ =	strace s5  }
0x95: {  	s5 =	sld [smem:$0x3FFC];
	_ =	sdelay $0x3  }
0x96: {  	_ =	strace s5  }
0x97: {  	s5 =	sld [smem:$0x3FFD];
	_ =	sdelay $0x3  }
0x98: {  	_ =	strace s5  }
0x99: {  	_ =	strace $0x8FFFFFFF  }
0x9a: {  	s19 =	sld [smem:$0x3FDB];
	_ =	sdelay $0x1  }
0x9b: {  	s6 =	simm.s32 $_scs_section_size  }
0x9c: {  	s7 =	simm.s32 $_size__tile_overlayer_lowered;
	s8 =	simm.s32 $_tile_overlayer_lowered  }
0x9d: {  	s22 =	simm.s32 $0x1BFF;
	s21 =	sshll.u32 s8, $0x1;
	s5 =	sadd.s32 s6, s19  }
0x9e: {  	s9 =	simm.s32 $0x0;
	s20 =	sshll.u32 s7, $0x1;
	s7 =	sadd.s32 s21, s5  }
0x9f: {  	[timem:s9], [sflag:s22] =	dma.local [hbm:s7], s20  }
0xa0: {  	_ =	swait.ge [sflag:s22], s20  }
0xa1: {  	s6 =	ssub.s32 $0x0, s20;
	[sflag:s22] =	ssyncset.done $0x0  }
0xa2: {  	[sflag:s22] =	ssyncadd.s32 s6;
	_ =	sdelay $0x1  }
0xa3: {  	s23 =	simm.s32 $0x1B8B  }
0xa4: {  	_ =	swait.ge [sflag:s23], $0x1  }
0xa5: {  	[sflag:s23] =	ssyncset.done $0x0  }
0xa6: {  	s25 =	simm.s32 $0x1B8E;
	s24 =	sld [smem:$0x3FFE];
	[sflag:s23] =	ssyncadd.s32 $0xFFFFFFFF  }
0xa7: {  	s26 =	simm.s32 $execute0_lowered;
	[smem:$0x3FD2] =	sst s25  }
0xa8: {  	s7 =	sshll.u32 s26, $0x1;
	_ =	strace $0x80000046;
	[dreg:$0x1] =	wrdreg $0xFFFFFFFF  }
0xa9: {  	s28 =	simm.s32 $_size_execute0_lowered;
	s5 =	sadd.s32 s5, s7;
	[dreg:$0x0] =	wrdreg $0x0  }
0xaa: {  	s7 =	sshll.u32 s28, $0x1;
	[dreg:$0x2] =	wrdreg s5  }
0xab: {  	[dreg:$0x3] =	wrdreg s7  }
0xac: {  	[dreg:$0x4] =	wrdreg $0xC0  }
0xad: {  	_ =	task [dreg:s9], $0x5FFFF  }
0xae: {  	[dreg:$0x1] =	wrdreg $0xFFFFFFFF  }
0xaf: {  	[dreg:$0x0] =	wrdreg $0x60  }
0xb0: {  	[dreg:$0x2] =	wrdreg s24  }
0xb1: {  	[dreg:$0x3] =	wrdreg s4  }
0xb2: {  	[dreg:$0x4] =	wrdreg s2  }
0xb3: {  	[dreg:$0x5] =	wrdreg s18  }
0xb4: {  	[dreg:$0x6] =	wrdreg $0x9  }
0xb5: {  	_ =	task.clear_ibuf [dreg:s9], $0x7FFFF;
	_ =	strace $0x90000046  }
0xb6: {  	s29 =	simm.s32 $0x9;
	_ =	strace $0x80000048  }
0xb7: {  	_ =	swait.ge [sflag:s29], $0x1  }
0xb8: {  	[sflag:s29] =	ssyncadd.s32 $0xFFFFFFFF  }
0xb9: {  	_ =	strace $0x90000048  }
0xba: {  	_ =	sfence  }
0xbb: {  	s30 =	sld [smem:$0x0];
	_ =	sdelay $0x2  }
0xbc: {  	s31 =	sshll.u32 s1, $0xD;
	s1 =	sshrl.u32 s1, $0x2  }
0xbd: {  	s3 =	sand.u32 $0x4000, s31;
	s1 =	sadd.s32 s1, s30  }
0xbe: {  	s0 =	sor.u32 s3, s0;
	s1 =	sshll.u32 s1, $0x11  }
0xbf: {  	s0 =	sor.u32 s1, s0  }
0xc0: {  	s0 =	sadd.s32 $0x8F2B, s0  }
0xc1: {  	[sflag:s0] =	ssyncadd.remote.s32 $0x1  }
0xc2: {  	_ =	sfence.sel $0xFFFF  }
0xc3: {  	[dreg:$0x0] =	wrdreg $0xFFFFFFFF;
	(pc) =	sbr.abs _section_cstart, $3  }
0xc4: {  	[dreg:$0x1] =	wrdreg $0xFFFFFFFF  }
0xc5: {  	_ =	task.clear_ibuf [dreg:s9], $0x2FFFF;
	_ =	strace $0x9FFFFFFF  }
0xc6: {  	(tm) =	ssettm $0x7FFFFFFF  }
0xc7: {  	_ =	shalt  }
tec
execute0_lowered:
.L_overlay_start_1:
0x0: {  	(tag) =	ssettag $0x1  }
0x1: {  	v0 =	vimm.s32 $0xB80  }
0x2: {  	vm14 =	vcmask $0x300;
	vm13 =	vcmask $0x704;
	vm12 =	vcmask $0xB08  }
0x3: {  	vm11 =	vcmask $0xF0C;
	vm10 =	vcmask $0x1310;
	vm9 =	vcmask $0x1714  }
0x4: {  	vm8 =	vcmask $0x1B18;
	vm7 =	vcmask $0x1F1C;
	vm6 =	vcmask $0x2320  }
0x5: {  	vm5 =	vcmask $0x2724;
	vm4 =	vcmask $0x2B28;
	vm3 =	vcmask $0x2F2C  }
0x6: {  	vm2 =	vcmask $0x3330;
	vm1 =	vcmask $0x3734;
	vm0 =	vcmask $0x3B38  }
0x7: {  	s15 =	rddreg [dreg:$0x0];
	v5 =	vimm.s32 $0x1B80;
	v6 =	vimm.s32 $0x2B80;
	v7 =	vimm.s32 $0x3B80  }
0x8: {  	s0 =	srdreg.scid;
	s12 =	rddreg [dreg:$0x2];
	v0 =	vsel vm14, $0x0, v0;
	v5 =	vsel vm14, $0x1000, v5;
	v6 =	vsel vm14, $0x2000, v6  }
0x9: {  	s1 =	stileid.u32;
	s13 =	rddreg [dreg:$0x3];
	s6 =	simm.s32 $0x0;
	v7 =	vsel vm14, $0x3000, v7;
	v0 =	vsel vm13, $0x80, v0;
	v5 =	vsel vm13, $0x1080, v5  }
0xa: {  	s30 =	simm.s32 $0x8300;
	s31 =	simm.s32 $0x14300;
	s2 =	sand.u32 $0x1, s0;
	v6 =	vsel vm13, $0x2080, v6;
	v7 =	vsel vm13, $0x3080, v7;
	v0 =	vsel vm12, $0x100, v0  }
0xb: {  	s14 =	sshll.u32 s1, $0x1;
	[smem:$0x7FF] =	sst s6;
	s3 =	sadd.s32 $0x400, s15;
	v5 =	vsel vm12, $0x1100, v5;
	v6 =	vsel vm12, $0x2100, v6;
	v7 =	vsel vm12, $0x3100, v7  }
0xc: {  	s8 =	sadd.s32 $0xC00, s15;
	s9 =	sadd.s32 $0x1F600, s15;
	s10 =	sadd.s32 $0x3E000, s15;
	v0 =	vsel vm11, $0x180, v0;
	v5 =	vsel vm11, $0x1180, v5;
	v6 =	vsel vm11, $0x2180, v6  }
0xd: {  	s23 =	sadd.s32 $0x1F440, s15;
	_ =	strace $0x80000047;
	[dreg:$0x5] =	wrdreg s3;
	v7 =	vsel vm11, $0x3180, v7;
	v0 =	vsel vm10, $0x200, v0;
	v5 =	vsel vm10, $0x1200, v5  }
0xe: {  	s11 =	sadd.s32 $0x7E800, s15;
	s0 =	sadd.s32 $0x3DE40, s15;
	[dreg:$0xb] =	wrdreg s23;
	v6 =	vsel vm10, $0x2200, v6;
	v7 =	vsel vm10, $0x3200, v7;
	v0 =	vsel vm9, $0x280, v0  }
0xf: {  	s29 =	sadd.s32 $0xF4200, s13;
	s15 =	simm.s32 $0x3;
	[dreg:$0x10] =	wrdreg s0;
	v5 =	vsel vm9, $0x1280, v5;
	v6 =	vsel vm9, $0x2280, v6;
	v7 =	vsel vm9, $0x3280, v7  }
0x10: {  	s1 =	sor.u32 s2, s14;
	s2 =	ssub.s32 $0x2, s2;
	[dreg:$0x12] =	wrdreg s29;
	v0 =	vsel vm8, $0x300, v0;
	v5 =	vsel vm8, $0x1300, v5;
	v6 =	vsel vm8, $0x2300, v6  }
0x11: {  	s0 =	simm.s32 $0x14400;
	s18 =	sshrl.u32 s2, $0x1;
	s19 =	sshll.u32 s1, $0x8;
	v7 =	vsel vm8, $0x3300, v7;
	v0 =	vsel vm7, $0x380, v0;
	v5 =	vsel vm7, $0x1380, v5  }
0x12: {  	s4 =	sor.u32 $0x20, s1;
	s20 =	sshll.u32 s1, $0x5;
	s16 =	sor.u32 $0x60, s1;
	v6 =	vsel vm7, $0x2380, v6;
	v7 =	vsel vm7, $0x3380, v7;
	v0 =	vsel vm6, $0x800, v0  }
0x13: {  	s17 =	sor.u32 $0x80, s1;
	p0 =	sne.s32 s1, $0x2;
	s5 =	sadd.s32 s12, s19;
	v5 =	vsel vm6, $0x1800, v5;
	v6 =	vsel vm6, $0x2800, v6;
	v7 =	vsel vm6, $0x3800, v7  }
0x14: {  	s2 =	ssub.s32 s2, s18;
	s14 =	sadd.s32 s8, s20;
	[dreg:$0x6] =	wrdreg s5;
	v1 =	vsel vm5, $0x880, v0;
	v0 =	vmov s1;
	v5 =	vsel vm5, $0x1880, v5  }
0x15: {  	s7 =	sshll.u32 s4, $0x8;
	s3 =	sadd.s32 s13, s19;
	[dreg:$0x7] =	wrdreg s14;
	v6 =	vsel vm5, $0x2880, v6;
	v7 =	vsel vm5, $0x3880, v7;
	v2 =	vsel vm4, $0x900, v1  }
0x16: {  	s4 =	sshll.u32 s4, $0x5;
	s24 =	sadd.s32 s9, s20;
	[dreg:$0xc] =	wrdreg s3;
	v1 =	vimm.s32 $0x4000;
	v5 =	vsel vm4, $0x1900, v5;
	v6 =	vsel vm4, $0x2900, v6  }
0x17: {  	s18 =	simm.s32 $0x10300;
	s21 =	sadd.s32 s12, s7;
	[dreg:$0xd] =	wrdreg s24;
	v7 =	vsel vm4, $0x3900, v7;
	v3 =	vsel vm3, $0x980, v2;
	v2 =	vimm.s32 $0x0  }
0x18: {  	s19 =	simm.s32 $0x14500;
	s22 =	sadd.s32 s8, s4;
	[dreg:$0x8] =	wrdreg s21;
	v8 =	vsel vm3, $0x1980, v5;
	v5 =	vimm.s32 $0x1;
	v6 =	vsel vm3, $0x2980, v6  }
0x19: {  	s20 =	simm.s32 $0x14600;
	s12 =	sadd.s32 $0xF4200, s12;
	[dreg:$0x9] =	wrdreg s22;
	v7 =	vsel vm3, $0x3980, v7;
	v3 =	vsel vm2, $0xA00, v3;
	v8 =	vsel vm2, $0x1A00, v8  }
.Ltmp0:
0x1a: {  	s25 =	sadd.s32 s13, s7;
	[dreg:$0xa] =	wrdreg s12;
	v6 =	vsel vm2, $0x2A00, v6;
	v7 =	vsel vm2, $0x3A00, v7;
	v4 =	vsel vm1, $0xA80, v3;
	(pc) =	sbr.rel .LBB2_1-.Ltmp0, $4  }
0x1b: {  	s26 =	sadd.s32 s9, s4;
	s28 =	smax.u32 s2, $0x1;
	[dreg:$0xe] =	wrdreg s25;
	v3 =	vlaneseq.u32;
	v8 =	vsel vm1, $0x1A80, v8;
	v9 =	vsel vm1, $0x2A80, v6  }
0x1c: {  	s4 =	simm.s32 $0xC300;
	s7 =	simm.s32 $0x4080;
	[dreg:$0xf] =	wrdreg s26;
	v10 =	vsel vm1, $0x3A80, v7;
	v4 =	vsel vm0, $0xB00, v4;
	v6 =	vmul.u32 $0x80, v3  }
0x1d: {  	s13 =	simm.s32 $0x2;
	s14 =	simm.s32 $0x1A680;
	[dreg:$0x11] =	wrdreg s28;
	v7 =	vsel vm0, $0x1B00, v8;
	v8 =	vsel vm0, $0x2B00, v9;
	v9 =	vsel vm0, $0x3B00, v10  }
0x1e: {  	s12 =	simm.s32 $0x4180;
	s21 =	simm.s32 $0x16600;
	s22 =	simm.s32 $0x0;
	v10 =	vor.u32 $0x800, v6;
	v11 =	vor.u32 $0x1000, v6;
	v12 =	vor.u32 $0x1800, v6  }
.LBB2_49:
0x1f: {  	s23 =	smov.u32 @p0 s23;
	s22 =	rddreg [dreg:$0x13]  }
.LBB2_53:
0x20: {  	s2 =	sand.u32 $0x7F, s23  }
0x21: {  	p1 =	seq.s32 s2, $0x0  }
0x22: {  	s2 =	simm.s32 @!p1 $0x80;
	s3 =	simm.s32 @!p1 $0x1A680;
	s5 =	simm.s32 @!p1 $0x16680  }
0x23: {  	[hbm4b:s11+s2] =	stream.indirect.scatter @!p1 [tilespmem:s5], [sflag:$0x1], $0x80, s3, s2, $0xb8;
	[tilespmem:$0x1A700] =	vst v63  }
0x24: {  	s2 =	simm.s32 @!p1 $0x1  }
0x25: {  	_ =	swait.ge @!p1 [sflag:s2], $0x4000  }
0x26: {  	s22 =	sadd.s32 $0x1, s22;
	s29 =	rddreg [dreg:$0x11]  }
0x27: {  	p2 =	sne.s32 s22, s29  }
.Ltmp1:
0x28: {  	_ = 	snop;
	(pc) =	sbr.rel @!p2 .LBB2_54-.Ltmp1, $3  }
0x29: {  	_ =	sdelay $0x1  }
0x2a: {  	[sflag:s2] =	ssyncset.done @!p1 $0x0  }
0x2b: {  	[sflag:s2] =	ssyncadd.s32 @!p1 $0xFFFFC000  }
.LBB2_1:
0x2c: {  	[tilespmem:$0x1A680] =	vst v1  }
0x2d: {  	[tilespmem:$0x1A690] =	vst v1  }
0x2e: {  	[tilespmem:$0x1A6A0] =	vst v1  }
0x2f: {  	[tilespmem:$0x1A6B0] =	vst v1  }
0x30: {  	[tilespmem:$0x1A6C0] =	vst v1  }
0x31: {  	[tilespmem:$0x1A6D0] =	vst v1  }
0x32: {  	[dreg:$0x13] =	wrdreg s22;
	[tilespmem:$0x1A6E0] =	vst v1  }
0x33: {  	[tilespmem:$0x1A6F0] =	vst v1;
	s2 =	rddreg [dreg:$0x6];
	s3 =	simm.s32 $0x800;
	s5 =	simm.s32 $0x7A1400  }
0x34: {  	[tilespmem:s30], [sflag:$0x2] =	stream.strided.gather [hbm4b:s2+s3], $0x4000, s5, s3, $0x38;
	[tilespmem:$0x1A700] =	vst v63  }
0x35: {  	s23 =	rddreg [dreg:$0x7]  }
0x36: {  	[tilespmem:s31], [sflag:$0x2] =	stream.linear.gather [hbm4b:s23+s6], $0x100, $0x38;
	[tilespmem:$0x1A700] =	vst v63  }
0x37: {  	s24 =	rddreg [dreg:$0x8]  }
0x38: {  	[tilespmem:s4], [sflag:$0x3] =	stream.strided.gather [hbm4b:s24+s3], $0x4000, s5, s3, $0x38;
	[tilespmem:$0x1A700] =	vst v63  }
0x39: {  	s25 =	rddreg [dreg:$0x9]  }
0x3a: {  	[tilespmem:s0], [sflag:$0x3] =	stream.linear.gather [hbm4b:s25+s6], $0x100, $0x38;
	[tilespmem:$0x1A700] =	vst v63  }
0x3b: {  	s26 =	rddreg [dreg:$0x5];
	s28 =	simm.s32 $0x5  }
0x3c: {  	[tilespmem:s6], [sflag:$0x5] =	stream.linear.gather [hbm4b:s26+s6], $0x4000, $0x38;
	[tilespmem:$0x1A700] =	vst v63  }
0x3d: {  	_ =	swait.ge [sflag:s28], $0x4000  }
0x3e: {  	[sflag:s28] =	ssyncset.done $0x0  }
0x3f: {  	[sflag:s28] =	ssyncadd.s32 $0xFFFFC000  }
0x40: {  	[tilespmem:$0x4080] =	vst v2  }
0x41: {  	[tilespmem:$0x4090] =	vst v2  }
0x42: {  	[tilespmem:$0x40A0] =	vst v2  }
0x43: {  	[tilespmem:$0x40B0] =	vst v2  }
0x44: {  	[tilespmem:$0x40C0] =	vst v2  }
0x45: {  	[tilespmem:$0x40D0] =	vst v2  }
0x46: {  	[tilespmem:$0x40E0] =	vst v2  }
0x47: {  	[tilespmem:$0x40F0] =	vst v2  }
0x48: {  	[tilespmem:$0x4100] =	vst v2  }
0x49: {  	v13 =	vld [tilespmem:s6+$0x0];
	_ =	sdelay $0x4  }
0x4a: {  	v14 =	vshrl.u32 v13, $0x8  }
0x4b: {  	v14 =	vand.u32 $0x1F, v14  }
0x4c: {  	vm0 =	veq.s32 v14, v0  }
0x4d: {  	v14 =	vmpcnt.ones.xlane vm0;
	_ =	sdelay $0x1  }
0x4e: {  	v14 =	vxor.u32 $0x80000000, v14  }
0x4f: {  	(xrf0) =	vmax.scan.msk.u32 $0xffff, v14;
	_ =	sdelay $0x1  }
0x50: {  	v14 =	vshll.u32 v13, $0xE;
	v13 =	vshrl.u32 v13, $0xD  }
0x51: {  	v14 =	vand.u32 $0x3FC000, v14;
	v15 =	vshll.u32 v13, $0x16  }
0x52: {  	v14 =	vor.u32 v14, v15  }
0x53: {  	v14 =	vadd.s32 s6, v14  }
0x54: {  	v14 =	vadd.s32 v3, v14;
	v16, _, _ =	vpop (xrf0)  }
0x55: {  	[tilespmem:s6+$0x4280] =	vst.msk vm0, v14;
	(v2sf) =	vpush v16, $0xF  }
0x56: {  	s2 =	simm.s32 $0x10;
	[tilespmem:v13+s7+$0x0] =	vst.idx.add.s32.msk vm0, v5  }
0x57: {  	v13 =	vld [tilespmem:s2+$0x0];
	_ =	sdelay $0x4  }
0x58: {  	v14 =	vshrl.u32 v13, $0x8  }
0x59: {  	v14 =	vand.u32 $0x1F, v14  }
0x5a: {  	vm0 =	veq.s32 v14, v0  }
0x5b: {  	v15 =	vmpcnt.ones.xlane vm0;
	_ =	sdelay $0x1  }
0x5c: {  	v15 =	vxor.u32 $0x80000000, v15  }
0x5d: {  	v14 =	vshll.u32 v13, $0xE;
	v13 =	vshrl.u32 v13, $0xD;
	(xrf0) =	vmax.scan.msk.u32 $0xffff, v15  }
0x5e: {  	v14 =	vand.u32 $0x3FC000, v14;
	v63 =	vshll.u32 v13, $0x16  }
0x5f: {  	v14 =	vor.u32 v14, v63;
	s29 =	spop (v2sf)  }
0x60: {  	s23 =	simm.s32 $0x20;
	v14 =	vadd.s32 s2, v14;
	s3 =	sadd.s32 $0x0, s29  }
.LBB2_2:
0x61: {  	p1 =	sne.s32 s23, $0x3FF0  }
0x62: {  	v15 =	vadd.s32 v3, v14;
	s3 =	sadd.s32 $0x80000000, s3;
	s5 =	smov.u32 s23;
	s23 =	sadd.s32 $0x10, s23  }
0x63: {  	[tilespmem:s3+$0x4280] =	vst.msk vm0, v15;
	v14, _, _ =	vpop (xrf0)  }
0x64: {  	s2 =	sadd.s32 $0x10, s2;
	[tilespmem:v13+s7+$0x0] =	vst.idx.add.s32.msk vm0, v5;
	(v2sf) =	vpush v14, $0xF  }
0x65: {  	v13 =	vld [tilespmem:s2+$0x0];
	_ =	sdelay $0x4  }
0x66: {  	v14 =	vshrl.u32 v13, $0x8;
	v15 =	vshll.u32 v13, $0xE  }
0x67: {  	v14 =	vand.u32 $0x1F, v14;
	v15 =	vand.u32 $0x3FC000, v15  }
0x68: {  	vm0 =	veq.s32 v14, v0  }
0x69: {  	v14 =	vmpcnt.ones.xlane vm0;
	_ =	sdelay $0x1  }
0x6a: {  	v14 =	vxor.u32 $0x80000000, v14  }
.Ltmp2:
0x6b: {  	(xrf0) =	vmax.scan.msk.u32 $0xffff, v14;
	(pc) =	sbr.rel @p1 .LBB2_2-.Ltmp2, $4  }
0x6c: {  	v13 =	vshrl.u32 v13, $0xD  }
0x6d: {  	v14 =	vshll.u32 v13, $0x16  }
0x6e: {  	v14 =	vor.u32 v15, v14;
	s22 =	spop (v2sf)  }
0x6f: {  	v14 =	vadd.s32 s5, v14;
	s3 =	sadd.s32 s22, s3  }
0x70: {  	_ =	sdelay $0x2  }
0x71: {  	v14 =	vadd.s32 v3, v14;
	s2 =	sadd.s32 $0x80000000, s3  }
0x72: {  	[tilespmem:s2+$0x4280] =	vst.msk vm0, v14  }
0x73: {  	[tilespmem:v13+s7+$0x0] =	vst.idx.add.s32.msk vm0, v5  }
0x74: {  	v13 =	vld [tilespmem:$0x4080];
	_ =	sdelay $0x1  }
0x75: {  	v14 =	vld [tilespmem:$0x4090];
	_ =	sdelay $0x2  }
0x76: {  	v15 =	vld [tilespmem:$0x40A0];
	(xrf0) =	vadd.scan.msk.s32 $0xffff, v13;
	_ =	sdelay $0x1  }
0x77: {  	(xrf0) =	vadd.scan.msk.s32 $0xffff, v14  }
0x78: {  	v16 =	vld [tilespmem:$0x40B0];
	_ =	sdelay $0x1  }
0x79: {  	v17, _, _ =	vpop (xrf0);
	(xrf0) =	vadd.scan.msk.s32 $0xffff, v15  }
0x7a: {  	v19 =	vld [tilespmem:$0x40C0];
	v18, _, _ =	vpop (xrf0)  }
0x7b: {  	v20 =	vbroadcast v18, $0xF  }
0x7c: {  	(v2sf) =	vpush v17, $0xF;
	(xrf0) =	vadd.scan.msk.s32 $0xffff, v16;
	v21, _, _ =	vpop (xrf0)  }
0x7d: {  	v59 =	vld [tilespmem:$0x40D0];
	v20 =	vadd.s32 v20, v21  }
0x7e: {  	v60 =	vbroadcast v20, $0xF  }
0x7f: {  	v22, _, _ =	vpop (xrf0);
	(xrf0) =	vadd.scan.msk.s32 $0xffff, v19  }
0x80: {  	v61 =	vld [tilespmem:$0x40E0];
	v17 =	vadd.s32 v60, v22  }
0x81: {  	v23 =	vbroadcast v17, $0xF  }
0x82: {  	v24, _, _ =	vpop (xrf0);
	(xrf0) =	vadd.scan.msk.s32 $0xffff, v59  }
0x83: {  	v23 =	vadd.s32 v23, v24  }
0x84: {  	v24 =	vbroadcast v23, $0xF  }
0x85: {  	v26, _, _ =	vpop (xrf0);
	(xrf0) =	vadd.scan.msk.s32 $0xffff, v61  }
0x86: {  	v25 =	vld [tilespmem:$0x40F0];
	v24 =	vadd.s32 v24, v26  }
0x87: {  	v26 =	vbroadcast v24, $0xF  }
0x88: {  	v27, _, _ =	vpop (xrf0)  }
0x89: {  	v13 =	vsub.s32 v18, v13;
	v62 =	vadd.s32 v26, v27  }
0x8a: {  	[tilespmem:$0x4180] =	vst v13;
	v13 =	vsub.s32 v20, v14;
	v14 =	vbroadcast v62, $0xF  }
0x8b: {  	s24 =	spop (v2sf);
	(xrf0) =	vadd.scan.msk.s32 $0xffff, v25;
	v63, _, _ =	vpop (xrf0)  }
0x8c: {  	s3 =	sadd.s32 s24, s2;
	v14 =	vadd.s32 v14, v63  }
0x8d: {  	[tilespmem:$0x4190] =	vst v13;
	s3 =	sadd.s32 $0x80000000, s3;
	v13 =	vsub.s32 v17, v15;
	v15 =	vbroadcast v14, $0xF  }
0x8e: {  	p1 =	slt.s32 s3, $0x1;
	[tilespmem:$0x41A0] =	vst v13;
	v13 =	vsub.s32 v23, v16  }
.Ltmp3:
0x8f: {  	[tilespmem:$0x41B0] =	vst v13;
	v13 =	vsub.s32 v24, v19;
	(pc) =	sbr.rel @p1 .LBB2_7-.Ltmp3, $4  }
0x90: {  	[tilespmem:$0x41C0] =	vst v13;
	v13 =	vsub.s32 v62, v59  }
0x91: {  	[tilespmem:$0x41D0] =	vst v13;
	v13 =	vsub.s32 v14, v61;
	v14 =	vsub.s32 v15, v25;
	v15, _, _ =	vpop (xrf0)  }
0x92: {  	[tilespmem:$0x41E0] =	vst v13;
	v13 =	vadd.s32 v15, v14  }
0x93: {  	[tilespmem:$0x41F0] =	vst v13  }
0x94: {  	s23 =	simm.s32 $0x4280  }
0x95: {  	v13 =	vld [tilespmem:s23+$0x0];
	_ =	sdelay $0x4  }
0x96: {  	(v2sf) =	vpush v13, $0x0;
	_ =	sdelay $0xe  }
0x97: {  	s3 =	spop (v2sf)  }
0x98: {  	s3 =	sshrl.u32 s3, $0x16  }
0x99: {  	v14 =	vld [tilespmem:s3+$0x4180];
	_ =	sdelay $0x4  }
0x9a: {  	(v2sf) =	vpush v14, $0x0;
	_ =	sdelay $0x5  }
0x9b: {  	v14 =	vbroadcast v14, $0x0;
	_ =	sdelay $0x3  }
0x9c: {  	s2 =	sadd.s32 s2, s24;
	v13 =	vbroadcast v13, $0x0  }
0x9d: {  	s2 =	sadd.s32 $0x80000000, s2;
	v15 =	vmov s3  }
0x9e: {  	p1 =	sne.s32 s2, $0x1;
	[tilespmem:v14+s6+$0x0] =	vst.idx.msk $0x1, v13;
	v13 =	vbroadcast v15, $0x0  }
.Ltmp4:
0x9f: {  	_ = 	snop;
	(pc) =	sbr.rel @!p1 .LBB2_6-.Ltmp4, $4  }
0xa0: {  	_ = 	snop  }
0xa1: {  	s5 =	spop (v2sf)  }
0xa2: {  	s29 =	sadd.s32 $0x1, s5  }
0xa3: {  	s2 =	sadd.s32 $0xFFFFFFFF, s2;
	v14 =	vmov s29  }
.LBB2_5:
0xa4: {  	p1 =	sne.s32 s2, $0x1;
	s2 =	sadd.s32 $0xFFFFFFFF, s2;
	[tilespmem:v13+s12+$0x0] =	vst.idx.msk $0x1, v14;
	s23 =	sadd.s32 $0x1, s23  }
0xa5: {  	v13 =	vld [tilespmem:s23+$0x0];
	_ =	sdelay $0x4  }
0xa6: {  	(v2sf) =	vpush v13, $0x0;
	_ =	sdelay $0xe  }
0xa7: {  	s3 =	spop (v2sf)  }
0xa8: {  	s3 =	sshrl.u32 s3, $0x16  }
0xa9: {  	v14 =	vld [tilespmem:s3+$0x4180];
	v15 =	vmov s3;
	_ =	sdelay $0x4  }
0xaa: {  	v16 =	vbroadcast v14, $0x0;
	(v2sf) =	vpush v14, $0x0;
	_ =	sdelay $0x3  }
0xab: {  	v13 =	vbroadcast v13, $0x0;
	_ =	sdelay $0x1  }
0xac: {  	[tilespmem:v16+s6+$0x0] =	vst.idx.msk $0x1, v13;
	_ =	sdelay $0x5  }
0xad: {  	v13 =	vbroadcast v15, $0x0  }
.Ltmp5:
0xae: {  	(pc) =	sbr.rel @p1 .LBB2_5-.Ltmp5, $4  }
0xaf: {  	_ = 	snop  }
0xb0: {  	s3 =	spop (v2sf)  }
0xb1: {  	s3 =	sadd.s32 $0x1, s3  }
0xb2: {  	v14 =	vmov s3  }
.LBB2_6:
0xb3: {  	_ =	sdelay $0x3  }
0xb4: {  	[tilespmem:v13+s12+$0x0] =	vst.idx.msk $0x1, v14  }
.LBB2_7:
.Ltmp6:
0xb5: {  	(pc) =	sbr.rel .LBB2_8-.Ltmp6, $2  }
0xb6: {  	_ =	sdelay $0x2  }
0xb7: {  	s23 =	simm.s32 $0x0;
	s24 =	simm.s32 $0x0  }
.LBB2_17:
0xb8: {  	s23 =	smov.u32 @p1 s23  }
.LBB2_21:
0xb9: {  	s24 =	sadd.s32 $0x1, s24  }
0xba: {  	p1 =	sne.s32 s24, $0x29  }
.Ltmp7:
0xbb: {  	_ = 	snop;
	(pc) =	sbr.rel @!p1 .LBB2_22-.Ltmp7, $1  }
0xbc: {  	_ =	sdelay $0x3  }
.LBB2_8:
0xbd: {  	s26 =	smul.u32 $0x3, s24  }
0xbe: {  	_ =	swait.ge [sflag:s13], $0x4000  }
0xbf: {  	[sflag:s13] =	ssyncset.done $0x0;
	s25 =	sadd.s32 $0x2, s26  }
0xc0: {  	[sflag:s13] =	ssyncadd.s32 $0xFFFFC000;
	s2 =	sshll.u32 s25, $0x5  }
0xc1: {  	_ =	swait.ge [sflag:s13], $0x100;
	s2 =	sor.u32 s1, s2  }
0xc2: {  	[sflag:s13] =	ssyncset.done $0x0;
	p1 =	sgt.u32 s2, $0xF41  }
0xc3: {  	[sflag:s13] =	ssyncadd.s32 $0xFFFFFF00;
	s3 =	sshll.u32 @!p1 s2, $0x8  }
0xc4: {  	s5 =	rddreg [dreg:$0x2];
	s22 =	simm.s32 @!p1 $0x7A1400;
	s28 =	simm.s32 @!p1 $0x10300  }
0xc5: {  	s2 =	sshll.u32 @!p1 s2, $0x5;
	s3 =	sadd.s32 @!p1 s5, s3;
	s5 =	simm.s32 @!p1 $0x800  }
0xc6: {  	[tilespmem:s28], [sflag:$0x4] =	stream.strided.gather @!p1 [hbm4b:s3+s5], $0x4000, s22, s5, $0x38;
	[tilespmem:$0x1A700] =	vst v63  }
0xc7: {  	s2 =	sadd.s32 @!p1 s8, s2;
	s3 =	simm.s32 @!p1 $0x0;
	s5 =	simm.s32 @!p1 $0x14500  }
0xc8: {  	[tilespmem:s5], [sflag:$0x4] =	stream.linear.gather @!p1 [hbm4b:s2+s3], $0x100, $0x38;
	[tilespmem:$0x1A700] =	vst v63  }
0xc9: {  	v13 =	vld [tilespmem:s26+$0x4080];
	_ =	sdelay $0x4  }
0xca: {  	(v2sf) =	vpush v13, $0x0;
	_ =	sdelay $0xe  }
0xcb: {  	s29 =	spop (v2sf)  }
0xcc: {  	p2 =	slt.s32 s29, $0x1  }
.Ltmp8:
0xcd: {  	_ = 	snop;
	(pc) =	sbr.rel @p2 .LBB2_12-.Ltmp8, $1  }
0xce: {  	_ =	sdelay $0x3  }
0xcf: {  	v13 =	vld [tilespmem:s26+$0x4180];
	_ =	sdelay $0x4  }
0xd0: {  	(v2sf) =	vpush v13, $0x0;
	_ =	sdelay $0xe  }
0xd1: {  	s2 =	spop (v2sf)  }
0xd2: {  	s28 =	ssub.s32 s2, s29  }
0xd3: {  	v13 =	vld [tilespmem:s28+$0x0];
	_ =	sdelay $0x4  }
0xd4: {  	(v2sf) =	vpush v13, $0x0;
	_ =	sdelay $0xe  }
0xd5: {  	s3 =	spop (v2sf)  }
0xd6: {  	s22 =	sshrl.u32 s3, $0xE  }
0xd7: {  	s2 =	sand.u32 $0xFF, s22  }
0xd8: {  	v15 =	vmov s2  }
0xd9: {  	v13 =	vshll.u32 v15, $0x3  }
0xda: {  	v14 =	vand.u32 $0x7F, v15;
	v13 =	vand.u32 $0x400, v13  }
0xdb: {  	v13 =	vor.u32 v14, v13  }
0xdc: {  	v14 =	vor.u32 v4, v13;
	_ =	sdelay $0x4  }
0xdd: {  	v14 =	vld.idx.msk [tilespmem:v14+s30+$0x0], $0xffff  }
0xde: {  	v16 =	vor.u32 v7, v13;
	_ =	sdelay $0x1  }
0xdf: {  	s5 =	sand.u32 $0x7F, s23  }
0xe0: {  	s2 =	sshll.u32 s5, $0x7  }
0xe1: {  	[tilespmem:s2+$0x16680] =	vst v14  }
0xe2: {  	v14 =	vld.idx.msk [tilespmem:v16+s30+$0x0], $0xffff  }
0xe3: {  	v16 =	vor.u32 v8, v13;
	_ =	sdelay $0x3  }
0xe4: {  	[tilespmem:s2+$0x16690] =	vst v14  }
0xe5: {  	v14 =	vld.idx.msk [tilespmem:v16+s30+$0x0], $0xffff  }
0xe6: {  	v13 =	vor.u32 v9, v13;
	_ =	sdelay $0x3  }
0xe7: {  	[tilespmem:s2+$0x166A0] =	vst v14  }
0xe8: {  	s29 =	sadd.s32 $0xFFFFFFFF, s29;
	v13 =	vld.idx.msk [tilespmem:v13+s30+$0x0], $0xffff  }
0xe9: {  	p2 =	sne.s32 s29, $0x0  }
.Ltmp9:
0xea: {  	_ = 	snop;
	(pc) =	sbr.rel @!p2 .LBB2_11-.Ltmp9, $4  }
0xeb: {  	s23 =	sadd.s32 $0x1, s23  }
0xec: {  	s22 =	sand.u32 $0x7F, s23  }
0xed: {  	s3 =	sand.u32 $0x3FFF, s3;
	p3 =	sne.s32 s22, $0x0;
	[tilespmem:s2+$0x166B0] =	vst v13  }
0xee: {  	s22 =	simm.s32 @!p3 $0x80;
	v14 =	vmov s3;
	s3 =	simm.s32 @!p3 $0x1A680;
	v13 =	vmov s5;
	s5 =	simm.s32 @!p3 $0x16680;
	v15 =	vld.idx.msk [tilespmem:v15+s31+$0x0], $0xffff  }
.LBB2_10:
0xef: {  	_ =	sdelay $0x2  }
0xf0: {  	s29 =	sadd.s32 $0xFFFFFFFF, s29;
	s28 =	sadd.s32 $0x1, s28  }
0xf1: {  	p2 =	sne.s32 s29, $0x0;
	[tilespmem:s2+$0x166C0] =	vst v15  }
0xf2: {  	s2 =	simm.s32 @!p3 $0x1;
	[tilespmem:v13+s14+$0x0] =	vst.idx.msk $0x1, v14  }
0xf3: {  	[hbm4b:s10+s22] =	stream.indirect.scatter @!p3 [tilespmem:s5], [sflag:$0x1], $0x80, s3, s22, $0xb8;
	[tilespmem:$0x1A700] =	vst v63  }
0xf4: {  	_ =	swait.ge @!p3 [sflag:s2], $0x4000  }
0xf5: {  	[sflag:s2] =	ssyncset.done @!p3 $0x0  }
0xf6: {  	v13 =	vimm.s32 @!p3 $0x4000;
	[sflag:s2] =	ssyncadd.s32 @!p3 $0xFFFFC000  }
0xf7: {  	[tilespmem:$0x1A680] =	vst @!p3 v13  }
0xf8: {  	[tilespmem:$0x1A6F0] =	vst @!p3 v13  }
0xf9: {  	[tilespmem:$0x1A6E0] =	vst @!p3 v13  }
0xfa: {  	[tilespmem:$0x1A6D0] =	vst @!p3 v13  }
0xfb: {  	[tilespmem:$0x1A6C0] =	vst @!p3 v13  }
0xfc: {  	[tilespmem:$0x1A6B0] =	vst @!p3 v13  }
0xfd: {  	[tilespmem:$0x1A6A0] =	vst @!p3 v13  }
0xfe: {  	[tilespmem:$0x1A690] =	vst @!p3 v13  }
0xff: {  	v13 =	vld [tilespmem:s28+$0x0];
	_ =	sdelay $0x4  }
0x100: {  	(v2sf) =	vpush v13, $0x0;
	_ =	sdelay $0xe  }
0x101: {  	s3 =	spop (v2sf)  }
0x102: {  	s2 =	sshrl.u32 s3, $0xE  }
0x103: {  	s2 =	sand.u32 $0xFF, s2  }
0x104: {  	v15 =	vmov s2  }
0x105: {  	v13 =	vshll.u32 v15, $0x3  }
0x106: {  	v14 =	vand.u32 $0x7F, v15;
	v13 =	vand.u32 $0x400, v13  }
0x107: {  	v13 =	vor.u32 v14, v13  }
0x108: {  	v14 =	vor.u32 v4, v13;
	v16 =	vor.u32 v7, v13;
	_ =	sdelay $0x1  }
0x109: {  	s5 =	sand.u32 $0x7F, s23  }
0x10a: {  	s2 =	sshll.u32 s5, $0x7;
	_ =	sdelay $0x1  }
0x10b: {  	v14 =	vld.idx.msk [tilespmem:v14+s30+$0x0], $0xffff;
	_ =	sdelay $0x1  }
0x10c: {  	v17 =	vor.u32 v8, v13;
	_ =	sdelay $0x3  }
0x10d: {  	[tilespmem:s2+$0x16680] =	vst v14  }
0x10e: {  	v14 =	vld.idx.msk [tilespmem:v16+s30+$0x0], $0xffff;
	_ =	sdelay $0x1  }
0x10f: {  	v13 =	vor.u32 v9, v13;
	_ =	sdelay $0x3  }
0x110: {  	[tilespmem:s2+$0x16690] =	vst v14  }
0x111: {  	v14 =	vld.idx.msk [tilespmem:v17+s30+$0x0], $0xffff;
	_ =	sdelay $0x5  }
0x112: {  	[tilespmem:s2+$0x166A0] =	vst v14  }
0x113: {  	v14 =	vld.idx.msk [tilespmem:v13+s30+$0x0], $0xffff;
	_ =	sdelay $0x1  }
0x114: {  	v13 =	vmov s5  }
.Ltmp10:
0x115: {  	(pc) =	sbr.rel @p2 .LBB2_10-.Ltmp10, $4  }
0x116: {  	s23 =	sadd.s32 $0x1, s23  }
0x117: {  	s3 =	sand.u32 $0x3FFF, s3;
	s5 =	sand.u32 $0x7F, s23  }
0x118: {  	p3 =	sne.s32 s5, $0x0;
	[tilespmem:s2+$0x166B0] =	vst v14;
	v14 =	vmov s3  }
0x119: {  	s22 =	simm.s32 @!p3 $0x80;
	s5 =	simm.s32 @!p3 $0x16680;
	s3 =	simm.s32 @!p3 $0x1A680;
	v15 =	vld.idx.msk [tilespmem:v15+s31+$0x0], $0xffff  }
.LBB2_11:
0x11a: {  	_ =	sdelay $0x3  }
0x11b: {  	[tilespmem:s2+$0x166C0] =	vst v15  }
0x11c: {  	s2 =	simm.s32 @!p3 $0x1;
	[tilespmem:v13+s14+$0x0] =	vst.idx.msk $0x1, v14  }
0x11d: {  	[hbm4b:s10+s22] =	stream.indirect.scatter @!p3 [tilespmem:s5], [sflag:$0x1], $0x80, s3, s22, $0xb8;
	[tilespmem:$0x1A700] =	vst v63  }
0x11e: {  	_ =	swait.ge @!p3 [sflag:s2], $0x4000  }
0x11f: {  	[sflag:s2] =	ssyncset.done @!p3 $0x0  }
0x120: {  	v13 =	vimm.s32 @!p3 $0x4000;
	[sflag:s2] =	ssyncadd.s32 @!p3 $0xFFFFC000  }
0x121: {  	[tilespmem:$0x1A680] =	vst @!p3 v13  }
0x122: {  	[tilespmem:$0x1A6F0] =	vst @!p3 v13  }
0x123: {  	[tilespmem:$0x1A6E0] =	vst @!p3 v13  }
0x124: {  	[tilespmem:$0x1A6D0] =	vst @!p3 v13  }
0x125: {  	[tilespmem:$0x1A6C0] =	vst @!p3 v13  }
0x126: {  	[tilespmem:$0x1A6B0] =	vst @!p3 v13  }
0x127: {  	[tilespmem:$0x1A6A0] =	vst @!p3 v13  }
0x128: {  	[tilespmem:$0x1A690] =	vst @!p3 v13  }
.LBB2_12:
0x129: {  	_ =	swait.ge [sflag:s15], $0x4000  }
0x12a: {  	s28 =	smul.u32 $0x60, s24;
	[sflag:s15] =	ssyncset.done $0x0  }
0x12b: {  	[sflag:s15] =	ssyncadd.s32 $0xFFFFC000  }
0x12c: {  	s3 =	sadd.s32 s16, s28;
	_ =	swait.ge [sflag:s15], $0x100  }
0x12d: {  	p2 =	sgt.u32 s3, $0xF41;
	[sflag:s15] =	ssyncset.done $0x0  }
0x12e: {  	s2 =	sshll.u32 @!p2 s3, $0x8;
	s22 =	simm.s32 @!p2 $0x7A1400;
	[sflag:s15] =	ssyncadd.s32 $0xFFFFFF00  }
0x12f: {  	s29 =	simm.s32 @!p2 $0x8300;
	s3 =	sshll.u32 @!p2 s3, $0x5;
	s5 =	rddreg [dreg:$0x2]  }
0x130: {  	s3 =	sadd.s32 @!p2 s8, s3;
	s2 =	sadd.s32 @!p2 s5, s2;
	s5 =	simm.s32 @!p2 $0x800  }
0x131: {  	[tilespmem:s29], [sflag:$0x2] =	stream.strided.gather @!p2 [hbm4b:s2+s5], $0x4000, s22, s5, $0x38;
	[tilespmem:$0x1A700] =	vst v63  }
0x132: {  	s2 =	sadd.s32 $0x1, s26;
	s5 =	simm.s32 @!p2 $0x0;
	s22 =	simm.s32 @!p2 $0x14300  }
0x133: {  	[tilespmem:s22], [sflag:$0x2] =	stream.linear.gather @!p2 [hbm4b:s3+s5], $0x100, $0x38;
	[tilespmem:$0x1A700] =	vst v63  }
0x134: {  	v13 =	vld [tilespmem:s2+$0x4080];
	_ =	sdelay $0x4  }
0x135: {  	(v2sf) =	vpush v13, $0x0;
	_ =	sdelay $0xe  }
0x136: {  	s29 =	spop (v2sf)  }
0x137: {  	p2 =	slt.s32 s29, $0x1  }
.Ltmp11:
0x138: {  	_ = 	snop;
	(pc) =	sbr.rel @p2 .LBB2_16-.Ltmp11, $1  }
0x139: {  	_ =	sdelay $0x3  }
0x13a: {  	v13 =	vld [tilespmem:s2+$0x4180];
	_ =	sdelay $0x4  }
0x13b: {  	(v2sf) =	vpush v13, $0x0;
	_ =	sdelay $0xe  }
0x13c: {  	s5 =	spop (v2sf)  }
0x13d: {  	s26 =	ssub.s32 s5, s29  }
0x13e: {  	v13 =	vld [tilespmem:s26+$0x0];
	_ =	sdelay $0x4  }
0x13f: {  	(v2sf) =	vpush v13, $0x0;
	_ =	sdelay $0xe  }
0x140: {  	s3 =	spop (v2sf)  }
0x141: {  	s22 =	sshrl.u32 s3, $0xE  }
0x142: {  	s2 =	sand.u32 $0xFF, s22  }
0x143: {  	v15 =	vmov s2  }
0x144: {  	v13 =	vshll.u32 v15, $0x3  }
0x145: {  	v14 =	vand.u32 $0x7F, v15;
	v13 =	vand.u32 $0x400, v13  }
0x146: {  	v13 =	vor.u32 v14, v13  }
0x147: {  	v14 =	vor.u32 v4, v13;
	_ =	sdelay $0x4  }
0x148: {  	v14 =	vld.idx.msk [tilespmem:v14+s4+$0x0], $0xffff  }
0x149: {  	v16 =	vor.u32 v7, v13;
	_ =	sdelay $0x1  }
0x14a: {  	s5 =	sand.u32 $0x7F, s23  }
0x14b: {  	s2 =	sshll.u32 s5, $0x7  }
0x14c: {  	[tilespmem:s2+$0x16680] =	vst v14  }
0x14d: {  	v14 =	vld.idx.msk [tilespmem:v16+s4+$0x0], $0xffff  }
0x14e: {  	v16 =	vor.u32 v8, v13;
	_ =	sdelay $0x3  }
0x14f: {  	[tilespmem:s2+$0x16690] =	vst v14  }
0x150: {  	v14 =	vld.idx.msk [tilespmem:v16+s4+$0x0], $0xffff  }
0x151: {  	v13 =	vor.u32 v9, v13;
	_ =	sdelay $0x3  }
0x152: {  	[tilespmem:s2+$0x166A0] =	vst v14  }
0x153: {  	s29 =	sadd.s32 $0xFFFFFFFF, s29;
	v13 =	vld.idx.msk [tilespmem:v13+s4+$0x0], $0xffff  }
0x154: {  	p2 =	sne.s32 s29, $0x0  }
.Ltmp12:
0x155: {  	_ = 	snop;
	(pc) =	sbr.rel @!p2 .LBB2_15-.Ltmp12, $4  }
0x156: {  	s23 =	sadd.s32 $0x1, s23  }
0x157: {  	s22 =	sand.u32 $0x7F, s23  }
0x158: {  	s3 =	sand.u32 $0x3FFF, s3;
	p3 =	sne.s32 s22, $0x0;
	[tilespmem:s2+$0x166B0] =	vst v13  }
0x159: {  	s22 =	simm.s32 @!p3 $0x80;
	v14 =	vmov s3;
	s3 =	simm.s32 @!p3 $0x1A680;
	v13 =	vmov s5;
	s5 =	simm.s32 @!p3 $0x16680;
	v15 =	vld.idx.msk [tilespmem:v15+s0+$0x0], $0xffff  }
.LBB2_14:
0x15a: {  	_ =	sdelay $0x2  }
0x15b: {  	s29 =	sadd.s32 $0xFFFFFFFF, s29;
	s26 =	sadd.s32 $0x1, s26  }
0x15c: {  	p2 =	sne.s32 s29, $0x0;
	[tilespmem:s2+$0x166C0] =	vst v15  }
0x15d: {  	s2 =	simm.s32 @!p3 $0x1;
	[tilespmem:v13+s14+$0x0] =	vst.idx.msk $0x1, v14  }
0x15e: {  	[hbm4b:s10+s22] =	stream.indirect.scatter @!p3 [tilespmem:s5], [sflag:$0x1], $0x80, s3, s22, $0xb8;
	[tilespmem:$0x1A700] =	vst v63  }
0x15f: {  	_ =	swait.ge @!p3 [sflag:s2], $0x4000  }
0x160: {  	[sflag:s2] =	ssyncset.done @!p3 $0x0  }
0x161: {  	v13 =	vimm.s32 @!p3 $0x4000;
	[sflag:s2] =	ssyncadd.s32 @!p3 $0xFFFFC000  }
0x162: {  	[tilespmem:$0x1A680] =	vst @!p3 v13  }
0x163: {  	[tilespmem:$0x1A6F0] =	vst @!p3 v13  }
0x164: {  	[tilespmem:$0x1A6E0] =	vst @!p3 v13  }
0x165: {  	[tilespmem:$0x1A6D0] =	vst @!p3 v13  }
0x166: {  	[tilespmem:$0x1A6C0] =	vst @!p3 v13  }
0x167: {  	[tilespmem:$0x1A6B0] =	vst @!p3 v13  }
0x168: {  	[tilespmem:$0x1A6A0] =	vst @!p3 v13  }
0x169: {  	[tilespmem:$0x1A690] =	vst @!p3 v13  }
0x16a: {  	v13 =	vld [tilespmem:s26+$0x0];
	_ =	sdelay $0x4  }
0x16b: {  	(v2sf) =	vpush v13, $0x0;
	_ =	sdelay $0xe  }
0x16c: {  	s3 =	spop (v2sf)  }
0x16d: {  	s2 =	sshrl.u32 s3, $0xE  }
0x16e: {  	s2 =	sand.u32 $0xFF, s2  }
0x16f: {  	v15 =	vmov s2  }
0x170: {  	v13 =	vshll.u32 v15, $0x3  }
0x171: {  	v14 =	vand.u32 $0x7F, v15;
	v13 =	vand.u32 $0x400, v13  }
0x172: {  	v13 =	vor.u32 v14, v13  }
0x173: {  	v14 =	vor.u32 v4, v13;
	v16 =	vor.u32 v7, v13;
	_ =	sdelay $0x1  }
0x174: {  	s5 =	sand.u32 $0x7F, s23  }
0x175: {  	s2 =	sshll.u32 s5, $0x7;
	_ =	sdelay $0x1  }
0x176: {  	v14 =	vld.idx.msk [tilespmem:v14+s4+$0x0], $0xffff;
	_ =	sdelay $0x1  }
0x177: {  	v17 =	vor.u32 v8, v13;
	_ =	sdelay $0x3  }
0x178: {  	[tilespmem:s2+$0x16680] =	vst v14  }
0x179: {  	v14 =	vld.idx.msk [tilespmem:v16+s4+$0x0], $0xffff;
	_ =	sdelay $0x1  }
0x17a: {  	v13 =	vor.u32 v9, v13;
	_ =	sdelay $0x3  }
0x17b: {  	[tilespmem:s2+$0x16690] =	vst v14  }
0x17c: {  	v14 =	vld.idx.msk [tilespmem:v17+s4+$0x0], $0xffff;
	_ =	sdelay $0x5  }
0x17d: {  	[tilespmem:s2+$0x166A0] =	vst v14  }
0x17e: {  	v14 =	vld.idx.msk [tilespmem:v13+s4+$0x0], $0xffff;
	_ =	sdelay $0x1  }
0x17f: {  	v13 =	vmov s5  }
.Ltmp13:
0x180: {  	(pc) =	sbr.rel @p2 .LBB2_14-.Ltmp13, $4  }
0x181: {  	s23 =	sadd.s32 $0x1, s23  }
0x182: {  	s3 =	sand.u32 $0x3FFF, s3;
	s5 =	sand.u32 $0x7F, s23  }
0x183: {  	p3 =	sne.s32 s5, $0x0;
	[tilespmem:s2+$0x166B0] =	vst v14;
	v14 =	vmov s3  }
0x184: {  	s22 =	simm.s32 @!p3 $0x80;
	s5 =	simm.s32 @!p3 $0x16680;
	s3 =	simm.s32 @!p3 $0x1A680;
	v15 =	vld.idx.msk [tilespmem:v15+s0+$0x0], $0xffff  }
.LBB2_15:
0x185: {  	_ =	sdelay $0x3  }
0x186: {  	[tilespmem:s2+$0x166C0] =	vst v15  }
0x187: {  	s2 =	simm.s32 @!p3 $0x1;
	[tilespmem:v13+s14+$0x0] =	vst.idx.msk $0x1, v14  }
0x188: {  	[hbm4b:s10+s22] =	stream.indirect.scatter @!p3 [tilespmem:s5], [sflag:$0x1], $0x80, s3, s22, $0xb8;
	[tilespmem:$0x1A700] =	vst v63  }
0x189: {  	_ =	swait.ge @!p3 [sflag:s2], $0x4000  }
0x18a: {  	[sflag:s2] =	ssyncset.done @!p3 $0x0  }
0x18b: {  	v13 =	vimm.s32 @!p3 $0x4000;
	[sflag:s2] =	ssyncadd.s32 @!p3 $0xFFFFC000  }
0x18c: {  	[tilespmem:$0x1A680] =	vst @!p3 v13  }
0x18d: {  	[tilespmem:$0x1A6F0] =	vst @!p3 v13  }
0x18e: {  	[tilespmem:$0x1A6E0] =	vst @!p3 v13  }
0x18f: {  	[tilespmem:$0x1A6D0] =	vst @!p3 v13  }
0x190: {  	[tilespmem:$0x1A6C0] =	vst @!p3 v13  }
0x191: {  	[tilespmem:$0x1A6B0] =	vst @!p3 v13  }
0x192: {  	[tilespmem:$0x1A6A0] =	vst @!p3 v13  }
0x193: {  	[tilespmem:$0x1A690] =	vst @!p3 v13  }
.LBB2_16:
0x194: {  	s2 =	simm.s32 @!p1 $0x4  }
0x195: {  	_ =	swait.ge @!p1 [sflag:s2], $0x4000  }
0x196: {  	[sflag:s2] =	ssyncset.done @!p1 $0x0  }
0x197: {  	[sflag:s2] =	ssyncadd.s32 @!p1 $0xFFFFC000  }
0x198: {  	_ =	swait.ge @!p1 [sflag:s2], $0x100  }
0x199: {  	s3 =	sadd.s32 s17, s28;
	[sflag:s2] =	ssyncset.done @!p1 $0x0  }
0x19a: {  	p2 =	sgt.u32 s3, $0xF41;
	[sflag:s2] =	ssyncadd.s32 @!p1 $0xFFFFFF00  }
0x19b: {  	s5 =	sshll.u32 @!p2 s3, $0x8;
	s22 =	simm.s32 @!p2 $0x7A1400;
	s2 =	rddreg [dreg:$0x2]  }
0x19c: {  	s26 =	simm.s32 @!p2 $0xC300;
	s2 =	sadd.s32 @!p2 s2, s5;
	s5 =	simm.s32 @!p2 $0x800  }
0x19d: {  	[tilespmem:s26], [sflag:$0x3] =	stream.strided.gather @!p2 [hbm4b:s2+s5], $0x4000, s22, s5, $0x38;
	[tilespmem:$0x1A700] =	vst v63  }
0x19e: {  	s2 =	sshll.u32 @!p2 s3, $0x5  }
0x19f: {  	s3 =	simm.s32 @!p2 $0x0;
	s5 =	simm.s32 @!p2 $0x14400;
	s2 =	sadd.s32 @!p2 s8, s2  }
0x1a0: {  	[tilespmem:s5], [sflag:$0x3] =	stream.linear.gather @!p2 [hbm4b:s2+s3], $0x100, $0x38;
	[tilespmem:$0x1A700] =	vst v63  }
0x1a1: {  	v13 =	vld @!p1 [tilespmem:s25+$0x4080];
	_ =	sdelay $0x4  }
0x1a2: {  	(v2sf) =	vpush @!p1 v13, $0x0;
	_ =	sdelay $0xe  }
0x1a3: {  	s26 =	spop @!p1 (v2sf)  }
0x1a4: {  	p2 =	slt.s32 @!p1 s26, $0x1  }
0x1a5: {  	p2 =	por p1, p2  }
.Ltmp14:
0x1a6: {  	_ = 	snop;
	(pc) =	sbr.rel @p2 .LBB2_17-.Ltmp14, $1  }
0x1a7: {  	_ =	sdelay $0x3  }
0x1a8: {  	v13 =	vld [tilespmem:s25+$0x4180];
	_ =	sdelay $0x4  }
0x1a9: {  	(v2sf) =	vpush v13, $0x0;
	_ =	sdelay $0xe  }
0x1aa: {  	s2 =	spop (v2sf)  }
0x1ab: {  	s25 =	ssub.s32 s2, s26  }
0x1ac: {  	v13 =	vld [tilespmem:s25+$0x0];
	_ =	sdelay $0x4  }
0x1ad: {  	(v2sf) =	vpush v13, $0x0;
	_ =	sdelay $0xe  }
0x1ae: {  	s3 =	spop (v2sf)  }
0x1af: {  	s29 =	sshrl.u32 s3, $0xE  }
0x1b0: {  	s2 =	sand.u32 $0xFF, s29  }
0x1b1: {  	v15 =	vmov s2  }
0x1b2: {  	v13 =	vshll.u32 v15, $0x3  }
0x1b3: {  	v14 =	vand.u32 $0x7F, v15;
	v13 =	vand.u32 $0x400, v13  }
0x1b4: {  	v13 =	vor.u32 v14, v13  }
0x1b5: {  	v14 =	vor.u32 v4, v13;
	_ =	sdelay $0x4  }
0x1b6: {  	v14 =	vld.idx.msk [tilespmem:v14+s18+$0x0], $0xffff  }
0x1b7: {  	v16 =	vor.u32 v7, v13;
	_ =	sdelay $0x1  }
0x1b8: {  	s5 =	sand.u32 $0x7F, s23  }
0x1b9: {  	s2 =	sshll.u32 s5, $0x7  }
0x1ba: {  	[tilespmem:s2+$0x16680] =	vst v14  }
0x1bb: {  	v14 =	vld.idx.msk [tilespmem:v16+s18+$0x0], $0xffff  }
0x1bc: {  	v16 =	vor.u32 v8, v13;
	_ =	sdelay $0x3  }
0x1bd: {  	[tilespmem:s2+$0x16690] =	vst v14  }
0x1be: {  	v14 =	vld.idx.msk [tilespmem:v16+s18+$0x0], $0xffff  }
0x1bf: {  	v13 =	vor.u32 v9, v13;
	_ =	sdelay $0x3  }
0x1c0: {  	[tilespmem:s2+$0x166A0] =	vst v14  }
0x1c1: {  	s26 =	sadd.s32 $0xFFFFFFFF, s26;
	v13 =	vld.idx.msk [tilespmem:v13+s18+$0x0], $0xffff  }
0x1c2: {  	p1 =	sne.s32 s26, $0x0  }
.Ltmp15:
0x1c3: {  	_ = 	snop;
	(pc) =	sbr.rel @!p1 .LBB2_20-.Ltmp15, $4  }
0x1c4: {  	s23 =	sadd.s32 $0x1, s23  }
0x1c5: {  	s22 =	sand.u32 $0x7F, s23  }
0x1c6: {  	p2 =	sne.s32 s22, $0x0;
	s3 =	sand.u32 $0x3FFF, s3;
	[tilespmem:s2+$0x166B0] =	vst v13  }
0x1c7: {  	s22 =	simm.s32 @!p2 $0x80;
	v14 =	vmov s3;
	s3 =	simm.s32 @!p2 $0x1A680;
	v13 =	vmov s5;
	s5 =	simm.s32 @!p2 $0x16680;
	v15 =	vld.idx.msk [tilespmem:v15+s19+$0x0], $0xffff  }
.LBB2_19:
0x1c8: {  	_ =	sdelay $0x2  }
0x1c9: {  	s26 =	sadd.s32 $0xFFFFFFFF, s26;
	s25 =	sadd.s32 $0x1, s25  }
0x1ca: {  	p1 =	sne.s32 s26, $0x0;
	[tilespmem:s2+$0x166C0] =	vst v15  }
0x1cb: {  	s2 =	simm.s32 @!p2 $0x1;
	[tilespmem:v13+s14+$0x0] =	vst.idx.msk $0x1, v14  }
0x1cc: {  	[hbm4b:s10+s22] =	stream.indirect.scatter @!p2 [tilespmem:s5], [sflag:$0x1], $0x80, s3, s22, $0xb8;
	[tilespmem:$0x1A700] =	vst v63  }
0x1cd: {  	_ =	swait.ge @!p2 [sflag:s2], $0x4000  }
0x1ce: {  	[sflag:s2] =	ssyncset.done @!p2 $0x0  }
0x1cf: {  	v13 =	vimm.s32 @!p2 $0x4000;
	[sflag:s2] =	ssyncadd.s32 @!p2 $0xFFFFC000  }
0x1d0: {  	[tilespmem:$0x1A680] =	vst @!p2 v13  }
0x1d1: {  	[tilespmem:$0x1A6F0] =	vst @!p2 v13  }
0x1d2: {  	[tilespmem:$0x1A6E0] =	vst @!p2 v13  }
0x1d3: {  	[tilespmem:$0x1A6D0] =	vst @!p2 v13  }
0x1d4: {  	[tilespmem:$0x1A6C0] =	vst @!p2 v13  }
0x1d5: {  	[tilespmem:$0x1A6B0] =	vst @!p2 v13  }
0x1d6: {  	[tilespmem:$0x1A6A0] =	vst @!p2 v13  }
0x1d7: {  	[tilespmem:$0x1A690] =	vst @!p2 v13  }
0x1d8: {  	v13 =	vld [tilespmem:s25+$0x0];
	_ =	sdelay $0x4  }
0x1d9: {  	(v2sf) =	vpush v13, $0x0;
	_ =	sdelay $0xe  }
0x1da: {  	s3 =	spop (v2sf)  }
0x1db: {  	s2 =	sshrl.u32 s3, $0xE  }
0x1dc: {  	s2 =	sand.u32 $0xFF, s2  }
0x1dd: {  	v15 =	vmov s2  }
0x1de: {  	v13 =	vshll.u32 v15, $0x3  }
0x1df: {  	v14 =	vand.u32 $0x7F, v15;
	v13 =	vand.u32 $0x400, v13  }
0x1e0: {  	v13 =	vor.u32 v14, v13  }
0x1e1: {  	v14 =	vor.u32 v4, v13;
	v16 =	vor.u32 v7, v13;
	_ =	sdelay $0x1  }
0x1e2: {  	s5 =	sand.u32 $0x7F, s23  }
0x1e3: {  	s2 =	sshll.u32 s5, $0x7;
	_ =	sdelay $0x1  }
0x1e4: {  	v14 =	vld.idx.msk [tilespmem:v14+s18+$0x0], $0xffff;
	_ =	sdelay $0x1  }
0x1e5: {  	v17 =	vor.u32 v8, v13;
	_ =	sdelay $0x3  }
0x1e6: {  	[tilespmem:s2+$0x16680] =	vst v14  }
0x1e7: {  	v14 =	vld.idx.msk [tilespmem:v16+s18+$0x0], $0xffff;
	_ =	sdelay $0x1  }
0x1e8: {  	v13 =	vor.u32 v9, v13;
	_ =	sdelay $0x3  }
0x1e9: {  	[tilespmem:s2+$0x16690] =	vst v14  }
0x1ea: {  	v14 =	vld.idx.msk [tilespmem:v17+s18+$0x0], $0xffff;
	_ =	sdelay $0x5  }
0x1eb: {  	[tilespmem:s2+$0x166A0] =	vst v14  }
0x1ec: {  	v14 =	vld.idx.msk [tilespmem:v13+s18+$0x0], $0xffff;
	_ =	sdelay $0x1  }
0x1ed: {  	v13 =	vmov s5  }
.Ltmp16:
0x1ee: {  	(pc) =	sbr.rel @p1 .LBB2_19-.Ltmp16, $4  }
0x1ef: {  	s23 =	sadd.s32 $0x1, s23  }
0x1f0: {  	s3 =	sand.u32 $0x3FFF, s3;
	s5 =	sand.u32 $0x7F, s23  }
0x1f1: {  	p2 =	sne.s32 s5, $0x0;
	[tilespmem:s2+$0x166B0] =	vst v14;
	v14 =	vmov s3  }
0x1f2: {  	s22 =	simm.s32 @!p2 $0x80;
	s5 =	simm.s32 @!p2 $0x16680;
	s3 =	simm.s32 @!p2 $0x1A680;
	v15 =	vld.idx.msk [tilespmem:v15+s19+$0x0], $0xffff  }
.LBB2_20:
0x1f3: {  	_ =	sdelay $0x3  }
0x1f4: {  	[tilespmem:s2+$0x166C0] =	vst v15  }
0x1f5: {  	s2 =	simm.s32 @!p2 $0x1;
	[tilespmem:v13+s14+$0x0] =	vst.idx.msk $0x1, v14  }
0x1f6: {  	[hbm4b:s10+s22] =	stream.indirect.scatter @!p2 [tilespmem:s5], [sflag:$0x1], $0x80, s3, s22, $0xb8;
	[tilespmem:$0x1A700] =	vst v63  }
0x1f7: {  	_ =	swait.ge @!p2 [sflag:s2], $0x4000  }
0x1f8: {  	[sflag:s2] =	ssyncset.done @!p2 $0x0  }
0x1f9: {  	v13 =	vimm.s32 @!p2 $0x4000;
	[sflag:s2] =	ssyncadd.s32 @!p2 $0xFFFFC000  }
0x1fa: {  	[tilespmem:$0x1A680] =	vst @!p2 v13  }
0x1fb: {  	[tilespmem:$0x1A6F0] =	vst @!p2 v13  }
0x1fc: {  	[tilespmem:$0x1A6E0] =	vst @!p2 v13  }
.Ltmp17:
0x1fd: {  	[tilespmem:$0x1A6D0] =	vst @!p2 v13;
	(pc) =	sbr.rel .LBB2_21-.Ltmp17, $4  }
0x1fe: {  	[tilespmem:$0x1A6C0] =	vst @!p2 v13  }
0x1ff: {  	[tilespmem:$0x1A6B0] =	vst @!p2 v13  }
0x200: {  	[tilespmem:$0x1A6A0] =	vst @!p2 v13  }
0x201: {  	[tilespmem:$0x1A690] =	vst @!p2 v13  }
.LBB2_22:
0x202: {  	s2 =	simm.s32 @!p0 $0x400  }
0x203: {  	s3 =	simm.s32 @!p0 $0x7A1400;
	s5 =	simm.s32 @!p0 $0x14600;
	s22 =	rddreg [dreg:$0xa]  }
0x204: {  	[tilespmem:s5], [sflag:$0x5] =	stream.strided.gather @!p0 [hbm4b:s22+s2], $0x2000, s3, s2, $0x38;
	[tilespmem:$0x1A700] =	vst v63  }
0x205: {  	s2 =	simm.s32 @!p0 $0x5  }
0x206: {  	_ =	swait.ge @!p0 [sflag:s2], $0x2000  }
0x207: {  	s3 =	simm.s32 @!p0 $0x0;
	[sflag:s2] =	ssyncset.done @!p0 $0x0  }
0x208: {  	s5 =	simm.s32 @!p0 $0x16600;
	s22 =	rddreg [dreg:$0xb];
	[sflag:s2] =	ssyncadd.s32 @!p0 $0xFFFFE000  }
0x209: {  	[tilespmem:s5], [sflag:$0x5] =	stream.linear.gather @!p0 [hbm4b:s22+s3], $0x40, $0x38;
	[tilespmem:$0x1A700] =	vst v63  }
0x20a: {  	_ =	swait.ge @!p0 [sflag:s2], $0x40  }
0x20b: {  	[sflag:s2] =	ssyncset.done @!p0 $0x0  }
0x20c: {  	[sflag:s2] =	ssyncadd.s32 @!p0 $0xFFFFFFC0  }
0x20d: {  	v13 =	vld @!p0 [tilespmem:$0x40FA];
	_ =	sdelay $0x4  }
0x20e: {  	(v2sf) =	vpush @!p0 v13, $0x0;
	_ =	sdelay $0xe  }
0x20f: {  	s2 =	spop @!p0 (v2sf)  }
0x210: {  	p1 =	slt.s32 @!p0 s2, $0x1  }
0x211: {  	p1 =	por p0, p1  }
.Ltmp18:
0x212: {  	_ = 	snop;
	(pc) =	sbr.rel @p1 .LBB2_23-.Ltmp18, $1  }
0x213: {  	_ =	sdelay $0x3  }
0x214: {  	v13 =	vld [tilespmem:$0x41FA];
	_ =	sdelay $0x4  }
0x215: {  	(v2sf) =	vpush v13, $0x0;
	_ =	sdelay $0xe  }
0x216: {  	s3 =	spop (v2sf)  }
0x217: {  	s24 =	ssub.s32 s3, s2  }
0x218: {  	v13 =	vld [tilespmem:s24+$0x0];
	_ =	sdelay $0x4  }
0x219: {  	(v2sf) =	vpush v13, $0x0;
	_ =	sdelay $0xe  }
0x21a: {  	s28 =	spop (v2sf)  }
0x21b: {  	s5 =	sshrl.u32 s28, $0xE  }
0x21c: {  	s5 =	sand.u32 $0xFF, s5  }
0x21d: {  	v13 =	vadd.s32 s5, v6;
	_ =	sdelay $0x4  }
0x21e: {  	v13 =	vld.idx.msk [tilespmem:v13+s20+$0x0], $0xffff  }
0x21f: {  	v14 =	vadd.s32 s5, v10;
	_ =	sdelay $0x1  }
0x220: {  	s22 =	sand.u32 $0x7F, s23  }
0x221: {  	s26 =	sshll.u32 s22, $0x7  }
0x222: {  	[tilespmem:s26+$0x16680] =	vst v13  }
0x223: {  	v13 =	vld.idx.msk [tilespmem:v14+s20+$0x0], $0xffff  }
0x224: {  	v14 =	vadd.s32 s5, v11;
	_ =	sdelay $0x3  }
0x225: {  	[tilespmem:s26+$0x16690] =	vst v13  }
0x226: {  	v13 =	vld.idx.msk [tilespmem:v14+s20+$0x0], $0xffff  }
0x227: {  	v14 =	vadd.s32 s5, v12;
	_ =	sdelay $0x3  }
0x228: {  	[tilespmem:s26+$0x166A0] =	vst v13  }
0x229: {  	s25 =	sadd.s32 $0xFFFFFFFF, s2;
	v13 =	vld.idx.msk [tilespmem:v14+s20+$0x0], $0xffff  }
0x22a: {  	p1 =	sne.s32 s25, $0x0;
	v15 =	vmov s5  }
.Ltmp19:
0x22b: {  	_ = 	snop;
	(pc) =	sbr.rel @!p1 .LBB2_26-.Ltmp19, $4  }
0x22c: {  	s23 =	sadd.s32 $0x1, s23  }
0x22d: {  	s29 =	sand.u32 $0x7F, s23  }
0x22e: {  	p2 =	sne.s32 s29, $0x0;
	s3 =	sand.u32 $0x3FFF, s28;
	[tilespmem:s26+$0x166B0] =	vst v13  }
0x22f: {  	s2 =	simm.s32 @!p2 $0x80;
	s5 =	simm.s32 @!p2 $0x16680;
	v14 =	vmov s3;
	s3 =	simm.s32 @!p2 $0x1A680;
	v13 =	vmov s22;
	v15 =	vld.idx.msk [tilespmem:v15+s21+$0x0], $0xffff  }
.LBB2_25:
0x230: {  	_ =	sdelay $0x2  }
0x231: {  	s25 =	sadd.s32 $0xFFFFFFFF, s25;
	s24 =	sadd.s32 $0x1, s24  }
0x232: {  	p1 =	sne.s32 s25, $0x0;
	[tilespmem:s26+$0x166C0] =	vst v15  }
0x233: {  	s22 =	simm.s32 @!p2 $0x1;
	[tilespmem:v13+s14+$0x0] =	vst.idx.msk $0x1, v14  }
0x234: {  	[hbm4b:s10+s2] =	stream.indirect.scatter @!p2 [tilespmem:s5], [sflag:$0x1], $0x80, s3, s2, $0xb8;
	[tilespmem:$0x1A700] =	vst v63  }
0x235: {  	_ =	swait.ge @!p2 [sflag:s22], $0x4000  }
0x236: {  	[sflag:s22] =	ssyncset.done @!p2 $0x0  }
0x237: {  	v13 =	vimm.s32 @!p2 $0x4000;
	[sflag:s22] =	ssyncadd.s32 @!p2 $0xFFFFC000  }
0x238: {  	[tilespmem:$0x1A680] =	vst @!p2 v13  }
0x239: {  	[tilespmem:$0x1A6F0] =	vst @!p2 v13  }
0x23a: {  	[tilespmem:$0x1A6E0] =	vst @!p2 v13  }
0x23b: {  	[tilespmem:$0x1A6D0] =	vst @!p2 v13  }
0x23c: {  	[tilespmem:$0x1A6C0] =	vst @!p2 v13  }
0x23d: {  	[tilespmem:$0x1A6B0] =	vst @!p2 v13  }
0x23e: {  	[tilespmem:$0x1A6A0] =	vst @!p2 v13  }
0x23f: {  	[tilespmem:$0x1A690] =	vst @!p2 v13  }
0x240: {  	v13 =	vld [tilespmem:s24+$0x0];
	_ =	sdelay $0x4  }
0x241: {  	(v2sf) =	vpush v13, $0x0;
	_ =	sdelay $0xe  }
0x242: {  	s2 =	spop (v2sf)  }
0x243: {  	s3 =	sshrl.u32 s2, $0xE  }
0x244: {  	s3 =	sand.u32 $0xFF, s3  }
0x245: {  	v13 =	vadd.s32 s3, v6;
	v14 =	vadd.s32 s3, v10;
	_ =	sdelay $0x1  }
0x246: {  	s5 =	sand.u32 $0x7F, s23  }
0x247: {  	s26 =	sshll.u32 s5, $0x7;
	_ =	sdelay $0x1  }
0x248: {  	v13 =	vld.idx.msk [tilespmem:v13+s20+$0x0], $0xffff;
	_ =	sdelay $0x1  }
0x249: {  	v15 =	vadd.s32 s3, v11;
	_ =	sdelay $0x3  }
0x24a: {  	[tilespmem:s26+$0x16680] =	vst v13  }
0x24b: {  	v13 =	vld.idx.msk [tilespmem:v14+s20+$0x0], $0xffff;
	_ =	sdelay $0x1  }
0x24c: {  	v14 =	vadd.s32 s3, v12;
	_ =	sdelay $0x3  }
0x24d: {  	[tilespmem:s26+$0x16690] =	vst v13  }
0x24e: {  	v13 =	vld.idx.msk [tilespmem:v15+s20+$0x0], $0xffff;
	_ =	sdelay $0x1  }
0x24f: {  	v15 =	vmov s3;
	_ =	sdelay $0x3  }
0x250: {  	[tilespmem:s26+$0x166A0] =	vst v13  }
0x251: {  	v14 =	vld.idx.msk [tilespmem:v14+s20+$0x0], $0xffff;
	_ =	sdelay $0x1  }
0x252: {  	v13 =	vmov s5  }
.Ltmp20:
0x253: {  	(pc) =	sbr.rel @p1 .LBB2_25-.Ltmp20, $4  }
0x254: {  	s23 =	sadd.s32 $0x1, s23  }
0x255: {  	s2 =	sand.u32 $0x3FFF, s2;
	s3 =	sand.u32 $0x7F, s23  }
0x256: {  	p2 =	sne.s32 s3, $0x0;
	[tilespmem:s26+$0x166B0] =	vst v14;
	v14 =	vmov s2  }
0x257: {  	s3 =	simm.s32 @!p2 $0x1A680;
	s5 =	simm.s32 @!p2 $0x16680;
	s2 =	simm.s32 @!p2 $0x80;
	v15 =	vld.idx.msk [tilespmem:v15+s21+$0x0], $0xffff  }
.LBB2_26:
0x258: {  	_ =	sdelay $0x3  }
0x259: {  	[tilespmem:s26+$0x166C0] =	vst v15  }
0x25a: {  	s22 =	simm.s32 @!p2 $0x1;
	[tilespmem:v13+s14+$0x0] =	vst.idx.msk $0x1, v14  }
0x25b: {  	[hbm4b:s10+s2] =	stream.indirect.scatter @!p2 [tilespmem:s5], [sflag:$0x1], $0x80, s3, s2, $0xb8;
	[tilespmem:$0x1A700] =	vst v63  }
0x25c: {  	_ =	swait.ge @!p2 [sflag:s22], $0x4000  }
0x25d: {  	[sflag:s22] =	ssyncset.done @!p2 $0x0  }
0x25e: {  	v13 =	vimm.s32 @!p2 $0x4000;
	[sflag:s22] =	ssyncadd.s32 @!p2 $0xFFFFC000  }
0x25f: {  	[tilespmem:$0x1A680] =	vst @!p2 v13  }
0x260: {  	[tilespmem:$0x1A6F0] =	vst @!p2 v13  }
0x261: {  	[tilespmem:$0x1A6E0] =	vst @!p2 v13  }
.Ltmp21:
0x262: {  	[tilespmem:$0x1A6D0] =	vst @!p2 v13;
	(pc) =	sbr.rel .LBB2_27-.Ltmp21, $4  }
0x263: {  	[tilespmem:$0x1A6C0] =	vst @!p2 v13  }
0x264: {  	[tilespmem:$0x1A6B0] =	vst @!p2 v13  }
0x265: {  	[tilespmem:$0x1A6A0] =	vst @!p2 v13  }
0x266: {  	[tilespmem:$0x1A690] =	vst @!p2 v13  }
.LBB2_23:
0x267: {  	s23 =	smov.u32 @p0 s23  }
.LBB2_27:
0x268: {  	s2 =	sand.u32 $0x7F, s23  }
0x269: {  	p1 =	seq.s32 s2, $0x0  }
0x26a: {  	s2 =	simm.s32 @!p1 $0x80;
	s3 =	simm.s32 @!p1 $0x1A680;
	s5 =	simm.s32 @!p1 $0x16680  }
0x26b: {  	[hbm4b:s10+s2] =	stream.indirect.scatter @!p1 [tilespmem:s5], [sflag:$0x1], $0x80, s3, s2, $0xb8;
	[tilespmem:$0x1A700] =	vst v63  }
0x26c: {  	s2 =	simm.s32 @!p1 $0x1  }
0x26d: {  	_ =	swait.ge @!p1 [sflag:s2], $0x4000  }
0x26e: {  	[sflag:s2] =	ssyncset.done @!p1 $0x0  }
0x26f: {  	[sflag:s2] =	ssyncadd.s32 @!p1 $0xFFFFC000  }
0x270: {  	[tilespmem:$0x1A680] =	vst v1  }
0x271: {  	[tilespmem:$0x1A690] =	vst v1  }
0x272: {  	[tilespmem:$0x1A6A0] =	vst v1  }
0x273: {  	[tilespmem:$0x1A6B0] =	vst v1  }
0x274: {  	[tilespmem:$0x1A6C0] =	vst v1  }
0x275: {  	[tilespmem:$0x1A6D0] =	vst v1  }
0x276: {  	[tilespmem:$0x1A6E0] =	vst v1  }
0x277: {  	s28 =	simm.s32 $0x800;
	s22 =	simm.s32 $0x7A1400;
	s26 =	rddreg [dreg:$0xc];
	[tilespmem:$0x1A6F0] =	vst v1  }
0x278: {  	[tilespmem:s30], [sflag:$0x2] =	stream.strided.gather [hbm4b:s26+s28], $0x4000, s22, s28, $0x38;
	[tilespmem:$0x1A700] =	vst v63  }
0x279: {  	s29 =	simm.s32 $0x0;
	s23 =	rddreg [dreg:$0xd]  }
0x27a: {  	[tilespmem:s31], [sflag:$0x2] =	stream.linear.gather [hbm4b:s23+s29], $0x100, $0x38;
	[tilespmem:$0x1A700] =	vst v63  }
0x27b: {  	s24 =	rddreg [dreg:$0xe]  }
0x27c: {  	[tilespmem:s4], [sflag:$0x3] =	stream.strided.gather [hbm4b:s24+s28], $0x4000, s22, s28, $0x38;
	[tilespmem:$0x1A700] =	vst v63  }
0x27d: {  	s25 =	rddreg [dreg:$0xf]  }
0x27e: {  	[tilespmem:s0], [sflag:$0x3] =	stream.linear.gather [hbm4b:s25+s29], $0x100, $0x38;
	[tilespmem:$0x1A700] =	vst v63  }
0x27f: {  	s26 =	rddreg [dreg:$0x1];
	s28 =	simm.s32 $0x5  }
0x280: {  	[tilespmem:s29], [sflag:$0x5] =	stream.linear.gather [hbm4b:s26+s29], $0x4000, $0x38;
	[tilespmem:$0x1A700] =	vst v63  }
0x281: {  	_ =	swait.ge [sflag:s28], $0x4000  }
0x282: {  	[sflag:s28] =	ssyncset.done $0x0  }
0x283: {  	[sflag:s28] =	ssyncadd.s32 $0xFFFFC000  }
0x284: {  	[tilespmem:$0x4080] =	vst v2  }
0x285: {  	[tilespmem:$0x4090] =	vst v2  }
0x286: {  	[tilespmem:$0x40A0] =	vst v2  }
0x287: {  	[tilespmem:$0x40B0] =	vst v2  }
0x288: {  	[tilespmem:$0x40C0] =	vst v2  }
0x289: {  	[tilespmem:$0x40D0] =	vst v2  }
0x28a: {  	[tilespmem:$0x40E0] =	vst v2  }
0x28b: {  	[tilespmem:$0x40F0] =	vst v2  }
0x28c: {  	[tilespmem:$0x4100] =	vst v2  }
0x28d: {  	v13 =	vld [tilespmem:s29+$0x0];
	_ =	sdelay $0x4  }
0x28e: {  	v14 =	vshrl.u32 v13, $0x8  }
0x28f: {  	v14 =	vand.u32 $0x1F, v14  }
0x290: {  	vm0 =	veq.s32 v14, v0  }
0x291: {  	v14 =	vmpcnt.ones.xlane vm0;
	_ =	sdelay $0x1  }
0x292: {  	v14 =	vxor.u32 $0x80000000, v14  }
0x293: {  	(xrf0) =	vmax.scan.msk.u32 $0xffff, v14;
	_ =	sdelay $0x1  }
0x294: {  	v14 =	vshll.u32 v13, $0xE;
	v13 =	vshrl.u32 v13, $0xD  }
0x295: {  	v14 =	vand.u32 $0x3FC000, v14;
	v15 =	vshll.u32 v13, $0x16  }
0x296: {  	v14 =	vor.u32 v14, v15  }
0x297: {  	v14 =	vadd.s32 s29, v14  }
0x298: {  	v14 =	vadd.s32 v3, v14;
	v16, _, _ =	vpop (xrf0)  }
0x299: {  	[tilespmem:s29+$0x4280] =	vst.msk vm0, v14;
	(v2sf) =	vpush v16, $0xF  }
0x29a: {  	s2 =	simm.s32 $0x10;
	[tilespmem:v13+s7+$0x0] =	vst.idx.add.s32.msk vm0, v5  }
0x29b: {  	v13 =	vld [tilespmem:s2+$0x0];
	_ =	sdelay $0x4  }
0x29c: {  	v14 =	vshrl.u32 v13, $0x8  }
0x29d: {  	v14 =	vand.u32 $0x1F, v14  }
0x29e: {  	vm0 =	veq.s32 v14, v0  }
0x29f: {  	v15 =	vmpcnt.ones.xlane vm0;
	_ =	sdelay $0x1  }
0x2a0: {  	v15 =	vxor.u32 $0x80000000, v15  }
0x2a1: {  	v14 =	vshll.u32 v13, $0xE;
	v13 =	vshrl.u32 v13, $0xD;
	(xrf0) =	vmax.scan.msk.u32 $0xffff, v15  }
0x2a2: {  	v14 =	vand.u32 $0x3FC000, v14;
	v63 =	vshll.u32 v13, $0x16  }
0x2a3: {  	v14 =	vor.u32 v14, v63;
	s29 =	spop (v2sf)  }
0x2a4: {  	s23 =	simm.s32 $0x20;
	v14 =	vadd.s32 s2, v14;
	s3 =	sadd.s32 $0x0, s29  }
.LBB2_28:
0x2a5: {  	p1 =	sne.s32 s23, $0x3FF0  }
0x2a6: {  	v15 =	vadd.s32 v3, v14;
	s3 =	sadd.s32 $0x80000000, s3;
	s5 =	smov.u32 s23;
	s23 =	sadd.s32 $0x10, s23  }
0x2a7: {  	[tilespmem:s3+$0x4280] =	vst.msk vm0, v15;
	v14, _, _ =	vpop (xrf0)  }
0x2a8: {  	s2 =	sadd.s32 $0x10, s2;
	[tilespmem:v13+s7+$0x0] =	vst.idx.add.s32.msk vm0, v5;
	(v2sf) =	vpush v14, $0xF  }
0x2a9: {  	v13 =	vld [tilespmem:s2+$0x0];
	_ =	sdelay $0x4  }
0x2aa: {  	v14 =	vshrl.u32 v13, $0x8;
	v15 =	vshll.u32 v13, $0xE  }
0x2ab: {  	v14 =	vand.u32 $0x1F, v14;
	v15 =	vand.u32 $0x3FC000, v15  }
0x2ac: {  	vm0 =	veq.s32 v14, v0  }
0x2ad: {  	v14 =	vmpcnt.ones.xlane vm0;
	_ =	sdelay $0x1  }
0x2ae: {  	v14 =	vxor.u32 $0x80000000, v14  }
.Ltmp22:
0x2af: {  	(xrf0) =	vmax.scan.msk.u32 $0xffff, v14;
	(pc) =	sbr.rel @p1 .LBB2_28-.Ltmp22, $4  }
0x2b0: {  	v13 =	vshrl.u32 v13, $0xD  }
0x2b1: {  	v14 =	vshll.u32 v13, $0x16  }
0x2b2: {  	v14 =	vor.u32 v15, v14;
	s22 =	spop (v2sf)  }
0x2b3: {  	v14 =	vadd.s32 s5, v14;
	s3 =	sadd.s32 s22, s3  }
0x2b4: {  	_ =	sdelay $0x2  }
0x2b5: {  	v14 =	vadd.s32 v3, v14;
	s2 =	sadd.s32 $0x80000000, s3  }
0x2b6: {  	[tilespmem:s2+$0x4280] =	vst.msk vm0, v14  }
0x2b7: {  	[tilespmem:v13+s7+$0x0] =	vst.idx.add.s32.msk vm0, v5  }
0x2b8: {  	v13 =	vld [tilespmem:$0x4080];
	_ =	sdelay $0x1  }
0x2b9: {  	v14 =	vld [tilespmem:$0x4090];
	_ =	sdelay $0x2  }
0x2ba: {  	v15 =	vld [tilespmem:$0x40A0];
	(xrf0) =	vadd.scan.msk.s32 $0xffff, v13;
	_ =	sdelay $0x1  }
0x2bb: {  	(xrf0) =	vadd.scan.msk.s32 $0xffff, v14  }
0x2bc: {  	v16 =	vld [tilespmem:$0x40B0];
	_ =	sdelay $0x1  }
0x2bd: {  	v17, _, _ =	vpop (xrf0);
	(xrf0) =	vadd.scan.msk.s32 $0xffff, v15  }
0x2be: {  	v19 =	vld [tilespmem:$0x40C0];
	v18, _, _ =	vpop (xrf0)  }
0x2bf: {  	v20 =	vbroadcast v18, $0xF  }
0x2c0: {  	(v2sf) =	vpush v17, $0xF;
	(xrf0) =	vadd.scan.msk.s32 $0xffff, v16;
	v21, _, _ =	vpop (xrf0)  }
0x2c1: {  	v59 =	vld [tilespmem:$0x40D0];
	v20 =	vadd.s32 v20, v21  }
0x2c2: {  	v60 =	vbroadcast v20, $0xF  }
0x2c3: {  	v22, _, _ =	vpop (xrf0);
	(xrf0) =	vadd.scan.msk.s32 $0xffff, v19  }
0x2c4: {  	v61 =	vld [tilespmem:$0x40E0];
	v17 =	vadd.s32 v60, v22  }
0x2c5: {  	v23 =	vbroadcast v17, $0xF  }
0x2c6: {  	v24, _, _ =	vpop (xrf0);
	(xrf0) =	vadd.scan.msk.s32 $0xffff, v59  }
0x2c7: {  	v23 =	vadd.s32 v23, v24  }
0x2c8: {  	v24 =	vbroadcast v23, $0xF  }
0x2c9: {  	v26, _, _ =	vpop (xrf0);
	(xrf0) =	vadd.scan.msk.s32 $0xffff, v61  }
0x2ca: {  	v25 =	vld [tilespmem:$0x40F0];
	v24 =	vadd.s32 v24, v26  }
0x2cb: {  	v26 =	vbroadcast v24, $0xF  }
0x2cc: {  	v27, _, _ =	vpop (xrf0)  }
0x2cd: {  	v13 =	vsub.s32 v18, v13;
	v62 =	vadd.s32 v26, v27  }
0x2ce: {  	[tilespmem:$0x4180] =	vst v13;
	v13 =	vsub.s32 v20, v14;
	v14 =	vbroadcast v62, $0xF  }
0x2cf: {  	s24 =	spop (v2sf);
	(xrf0) =	vadd.scan.msk.s32 $0xffff, v25;
	v63, _, _ =	vpop (xrf0)  }
0x2d0: {  	s3 =	sadd.s32 s24, s2;
	v14 =	vadd.s32 v14, v63  }
0x2d1: {  	[tilespmem:$0x4190] =	vst v13;
	s3 =	sadd.s32 $0x80000000, s3;
	v13 =	vsub.s32 v17, v15;
	v15 =	vbroadcast v14, $0xF  }
0x2d2: {  	p1 =	slt.s32 s3, $0x1;
	[tilespmem:$0x41A0] =	vst v13;
	v13 =	vsub.s32 v23, v16  }
.Ltmp23:
0x2d3: {  	[tilespmem:$0x41B0] =	vst v13;
	v13 =	vsub.s32 v24, v19;
	(pc) =	sbr.rel @p1 .LBB2_33-.Ltmp23, $4  }
0x2d4: {  	[tilespmem:$0x41C0] =	vst v13;
	v13 =	vsub.s32 v62, v59  }
0x2d5: {  	[tilespmem:$0x41D0] =	vst v13;
	v13 =	vsub.s32 v14, v61;
	v14 =	vsub.s32 v15, v25;
	v15, _, _ =	vpop (xrf0)  }
0x2d6: {  	[tilespmem:$0x41E0] =	vst v13;
	v13 =	vadd.s32 v15, v14  }
0x2d7: {  	[tilespmem:$0x41F0] =	vst v13  }
0x2d8: {  	s23 =	simm.s32 $0x4280  }
0x2d9: {  	v13 =	vld [tilespmem:s23+$0x0];
	_ =	sdelay $0x4  }
0x2da: {  	(v2sf) =	vpush v13, $0x0;
	_ =	sdelay $0xe  }
0x2db: {  	s3 =	spop (v2sf)  }
0x2dc: {  	s3 =	sshrl.u32 s3, $0x16  }
0x2dd: {  	v14 =	vld [tilespmem:s3+$0x4180];
	_ =	sdelay $0x4  }
0x2de: {  	(v2sf) =	vpush v14, $0x0;
	_ =	sdelay $0x5  }
0x2df: {  	v14 =	vbroadcast v14, $0x0;
	_ =	sdelay $0x3  }
0x2e0: {  	s2 =	sadd.s32 s2, s24;
	v13 =	vbroadcast v13, $0x0  }
0x2e1: {  	s2 =	sadd.s32 $0x80000000, s2;
	v15 =	vmov s3  }
0x2e2: {  	p1 =	sne.s32 s2, $0x1;
	[tilespmem:v14+s6+$0x0] =	vst.idx.msk $0x1, v13;
	v13 =	vbroadcast v15, $0x0  }
.Ltmp24:
0x2e3: {  	_ = 	snop;
	(pc) =	sbr.rel @!p1 .LBB2_32-.Ltmp24, $4  }
0x2e4: {  	_ = 	snop  }
0x2e5: {  	s5 =	spop (v2sf)  }
0x2e6: {  	s29 =	sadd.s32 $0x1, s5  }
0x2e7: {  	s2 =	sadd.s32 $0xFFFFFFFF, s2;
	v14 =	vmov s29  }
.LBB2_31:
0x2e8: {  	p1 =	sne.s32 s2, $0x1;
	s2 =	sadd.s32 $0xFFFFFFFF, s2;
	[tilespmem:v13+s12+$0x0] =	vst.idx.msk $0x1, v14;
	s23 =	sadd.s32 $0x1, s23  }
0x2e9: {  	v13 =	vld [tilespmem:s23+$0x0];
	_ =	sdelay $0x4  }
0x2ea: {  	(v2sf) =	vpush v13, $0x0;
	_ =	sdelay $0xe  }
0x2eb: {  	s3 =	spop (v2sf)  }
0x2ec: {  	s3 =	sshrl.u32 s3, $0x16  }
0x2ed: {  	v14 =	vld [tilespmem:s3+$0x4180];
	v15 =	vmov s3;
	_ =	sdelay $0x4  }
0x2ee: {  	v16 =	vbroadcast v14, $0x0;
	(v2sf) =	vpush v14, $0x0;
	_ =	sdelay $0x3  }
0x2ef: {  	v13 =	vbroadcast v13, $0x0;
	_ =	sdelay $0x1  }
0x2f0: {  	[tilespmem:v16+s6+$0x0] =	vst.idx.msk $0x1, v13;
	_ =	sdelay $0x5  }
0x2f1: {  	v13 =	vbroadcast v15, $0x0  }
.Ltmp25:
0x2f2: {  	(pc) =	sbr.rel @p1 .LBB2_31-.Ltmp25, $4  }
0x2f3: {  	_ = 	snop  }
0x2f4: {  	s3 =	spop (v2sf)  }
0x2f5: {  	s3 =	sadd.s32 $0x1, s3  }
0x2f6: {  	v14 =	vmov s3  }
.LBB2_32:
0x2f7: {  	_ =	sdelay $0x3  }
0x2f8: {  	[tilespmem:v13+s12+$0x0] =	vst.idx.msk $0x1, v14  }
.LBB2_33:
.Ltmp26:
0x2f9: {  	(pc) =	sbr.rel .LBB2_34-.Ltmp26, $2  }
0x2fa: {  	_ =	sdelay $0x2  }
0x2fb: {  	s23 =	simm.s32 $0x0;
	s24 =	simm.s32 $0x0  }
.LBB2_43:
0x2fc: {  	s23 =	smov.u32 @p1 s23  }
.LBB2_47:
0x2fd: {  	s24 =	sadd.s32 $0x1, s24  }
0x2fe: {  	p1 =	sne.s32 s24, $0x29  }
.Ltmp27:
0x2ff: {  	_ = 	snop;
	(pc) =	sbr.rel @!p1 .LBB2_48-.Ltmp27, $1  }
0x300: {  	_ =	sdelay $0x3  }
.LBB2_34:
0x301: {  	s26 =	smul.u32 $0x3, s24  }
0x302: {  	_ =	swait.ge [sflag:s13], $0x4000  }
0x303: {  	[sflag:s13] =	ssyncset.done $0x0;
	s25 =	sadd.s32 $0x2, s26  }
0x304: {  	[sflag:s13] =	ssyncadd.s32 $0xFFFFC000;
	s2 =	sshll.u32 s25, $0x5  }
0x305: {  	_ =	swait.ge [sflag:s13], $0x100;
	s2 =	sor.u32 s1, s2  }
0x306: {  	[sflag:s13] =	ssyncset.done $0x0;
	p1 =	sgt.u32 s2, $0xF41  }
0x307: {  	[sflag:s13] =	ssyncadd.s32 $0xFFFFFF00;
	s3 =	sshll.u32 @!p1 s2, $0x8  }
0x308: {  	s5 =	rddreg [dreg:$0x3];
	s22 =	simm.s32 @!p1 $0x7A1400;
	s28 =	simm.s32 @!p1 $0x10300  }
0x309: {  	s2 =	sshll.u32 @!p1 s2, $0x5;
	s3 =	sadd.s32 @!p1 s5, s3;
	s5 =	simm.s32 @!p1 $0x800  }
0x30a: {  	[tilespmem:s28], [sflag:$0x4] =	stream.strided.gather @!p1 [hbm4b:s3+s5], $0x4000, s22, s5, $0x38;
	[tilespmem:$0x1A700] =	vst v63  }
0x30b: {  	s2 =	sadd.s32 @!p1 s9, s2;
	s3 =	simm.s32 @!p1 $0x0;
	s5 =	simm.s32 @!p1 $0x14500  }
0x30c: {  	[tilespmem:s5], [sflag:$0x4] =	stream.linear.gather @!p1 [hbm4b:s2+s3], $0x100, $0x38;
	[tilespmem:$0x1A700] =	vst v63  }
0x30d: {  	v13 =	vld [tilespmem:s26+$0x4080];
	_ =	sdelay $0x4  }
0x30e: {  	(v2sf) =	vpush v13, $0x0;
	_ =	sdelay $0xe  }
0x30f: {  	s29 =	spop (v2sf)  }
0x310: {  	p2 =	slt.s32 s29, $0x1  }
.Ltmp28:
0x311: {  	_ = 	snop;
	(pc) =	sbr.rel @p2 .LBB2_38-.Ltmp28, $1  }
0x312: {  	_ =	sdelay $0x3  }
0x313: {  	v13 =	vld [tilespmem:s26+$0x4180];
	_ =	sdelay $0x4  }
0x314: {  	(v2sf) =	vpush v13, $0x0;
	_ =	sdelay $0xe  }
0x315: {  	s2 =	spop (v2sf)  }
0x316: {  	s28 =	ssub.s32 s2, s29  }
0x317: {  	v13 =	vld [tilespmem:s28+$0x0];
	_ =	sdelay $0x4  }
0x318: {  	(v2sf) =	vpush v13, $0x0;
	_ =	sdelay $0xe  }
0x319: {  	s3 =	spop (v2sf)  }
0x31a: {  	s22 =	sshrl.u32 s3, $0xE  }
0x31b: {  	s2 =	sand.u32 $0xFF, s22  }
0x31c: {  	v15 =	vmov s2  }
0x31d: {  	v13 =	vshll.u32 v15, $0x3  }
0x31e: {  	v14 =	vand.u32 $0x7F, v15;
	v13 =	vand.u32 $0x400, v13  }
0x31f: {  	v13 =	vor.u32 v14, v13  }
0x320: {  	v14 =	vor.u32 v4, v13;
	_ =	sdelay $0x4  }
0x321: {  	v14 =	vld.idx.msk [tilespmem:v14+s30+$0x0], $0xffff  }
0x322: {  	v16 =	vor.u32 v7, v13;
	_ =	sdelay $0x1  }
0x323: {  	s5 =	sand.u32 $0x7F, s23  }
0x324: {  	s2 =	sshll.u32 s5, $0x7  }
0x325: {  	[tilespmem:s2+$0x16680] =	vst v14  }
0x326: {  	v14 =	vld.idx.msk [tilespmem:v16+s30+$0x0], $0xffff  }
0x327: {  	v16 =	vor.u32 v8, v13;
	_ =	sdelay $0x3  }
0x328: {  	[tilespmem:s2+$0x16690] =	vst v14  }
0x329: {  	v14 =	vld.idx.msk [tilespmem:v16+s30+$0x0], $0xffff  }
0x32a: {  	v13 =	vor.u32 v9, v13;
	_ =	sdelay $0x3  }
0x32b: {  	[tilespmem:s2+$0x166A0] =	vst v14  }
0x32c: {  	s29 =	sadd.s32 $0xFFFFFFFF, s29;
	v13 =	vld.idx.msk [tilespmem:v13+s30+$0x0], $0xffff  }
0x32d: {  	p2 =	sne.s32 s29, $0x0  }
.Ltmp29:
0x32e: {  	_ = 	snop;
	(pc) =	sbr.rel @!p2 .LBB2_37-.Ltmp29, $4  }
0x32f: {  	s23 =	sadd.s32 $0x1, s23  }
0x330: {  	s22 =	sand.u32 $0x7F, s23  }
0x331: {  	s3 =	sand.u32 $0x3FFF, s3;
	p3 =	sne.s32 s22, $0x0;
	[tilespmem:s2+$0x166B0] =	vst v13  }
0x332: {  	s22 =	simm.s32 @!p3 $0x80;
	v14 =	vmov s3;
	s3 =	simm.s32 @!p3 $0x1A680;
	v13 =	vmov s5;
	s5 =	simm.s32 @!p3 $0x16680;
	v15 =	vld.idx.msk [tilespmem:v15+s31+$0x0], $0xffff  }
.LBB2_36:
0x333: {  	_ =	sdelay $0x2  }
0x334: {  	s29 =	sadd.s32 $0xFFFFFFFF, s29;
	s28 =	sadd.s32 $0x1, s28  }
0x335: {  	p2 =	sne.s32 s29, $0x0;
	[tilespmem:s2+$0x166C0] =	vst v15  }
0x336: {  	s2 =	simm.s32 @!p3 $0x1;
	[tilespmem:v13+s14+$0x0] =	vst.idx.msk $0x1, v14  }
0x337: {  	[hbm4b:s11+s22] =	stream.indirect.scatter @!p3 [tilespmem:s5], [sflag:$0x1], $0x80, s3, s22, $0xb8;
	[tilespmem:$0x1A700] =	vst v63  }
0x338: {  	_ =	swait.ge @!p3 [sflag:s2], $0x4000  }
0x339: {  	[sflag:s2] =	ssyncset.done @!p3 $0x0  }
0x33a: {  	v13 =	vimm.s32 @!p3 $0x4000;
	[sflag:s2] =	ssyncadd.s32 @!p3 $0xFFFFC000  }
0x33b: {  	[tilespmem:$0x1A680] =	vst @!p3 v13  }
0x33c: {  	[tilespmem:$0x1A6F0] =	vst @!p3 v13  }
0x33d: {  	[tilespmem:$0x1A6E0] =	vst @!p3 v13  }
0x33e: {  	[tilespmem:$0x1A6D0] =	vst @!p3 v13  }
0x33f: {  	[tilespmem:$0x1A6C0] =	vst @!p3 v13  }
0x340: {  	[tilespmem:$0x1A6B0] =	vst @!p3 v13  }
0x341: {  	[tilespmem:$0x1A6A0] =	vst @!p3 v13  }
0x342: {  	[tilespmem:$0x1A690] =	vst @!p3 v13  }
0x343: {  	v13 =	vld [tilespmem:s28+$0x0];
	_ =	sdelay $0x4  }
0x344: {  	(v2sf) =	vpush v13, $0x0;
	_ =	sdelay $0xe  }
0x345: {  	s3 =	spop (v2sf)  }
0x346: {  	s2 =	sshrl.u32 s3, $0xE  }
0x347: {  	s2 =	sand.u32 $0xFF, s2  }
0x348: {  	v15 =	vmov s2  }
0x349: {  	v13 =	vshll.u32 v15, $0x3  }
0x34a: {  	v14 =	vand.u32 $0x7F, v15;
	v13 =	vand.u32 $0x400, v13  }
0x34b: {  	v13 =	vor.u32 v14, v13  }
0x34c: {  	v14 =	vor.u32 v4, v13;
	v16 =	vor.u32 v7, v13;
	_ =	sdelay $0x1  }
0x34d: {  	s5 =	sand.u32 $0x7F, s23  }
0x34e: {  	s2 =	sshll.u32 s5, $0x7;
	_ =	sdelay $0x1  }
0x34f: {  	v14 =	vld.idx.msk [tilespmem:v14+s30+$0x0], $0xffff;
	_ =	sdelay $0x1  }
0x350: {  	v17 =	vor.u32 v8, v13;
	_ =	sdelay $0x3  }
0x351: {  	[tilespmem:s2+$0x16680] =	vst v14  }
0x352: {  	v14 =	vld.idx.msk [tilespmem:v16+s30+$0x0], $0xffff;
	_ =	sdelay $0x1  }
0x353: {  	v13 =	vor.u32 v9, v13;
	_ =	sdelay $0x3  }
0x354: {  	[tilespmem:s2+$0x16690] =	vst v14  }
0x355: {  	v14 =	vld.idx.msk [tilespmem:v17+s30+$0x0], $0xffff;
	_ =	sdelay $0x5  }
0x356: {  	[tilespmem:s2+$0x166A0] =	vst v14  }
0x357: {  	v14 =	vld.idx.msk [tilespmem:v13+s30+$0x0], $0xffff;
	_ =	sdelay $0x1  }
0x358: {  	v13 =	vmov s5  }
.Ltmp30:
0x359: {  	(pc) =	sbr.rel @p2 .LBB2_36-.Ltmp30, $4  }
0x35a: {  	s23 =	sadd.s32 $0x1, s23  }
0x35b: {  	s3 =	sand.u32 $0x3FFF, s3;
	s5 =	sand.u32 $0x7F, s23  }
0x35c: {  	p3 =	sne.s32 s5, $0x0;
	[tilespmem:s2+$0x166B0] =	vst v14;
	v14 =	vmov s3  }
0x35d: {  	s22 =	simm.s32 @!p3 $0x80;
	s5 =	simm.s32 @!p3 $0x16680;
	s3 =	simm.s32 @!p3 $0x1A680;
	v15 =	vld.idx.msk [tilespmem:v15+s31+$0x0], $0xffff  }
.LBB2_37:
0x35e: {  	_ =	sdelay $0x3  }
0x35f: {  	[tilespmem:s2+$0x166C0] =	vst v15  }
0x360: {  	s2 =	simm.s32 @!p3 $0x1;
	[tilespmem:v13+s14+$0x0] =	vst.idx.msk $0x1, v14  }
0x361: {  	[hbm4b:s11+s22] =	stream.indirect.scatter @!p3 [tilespmem:s5], [sflag:$0x1], $0x80, s3, s22, $0xb8;
	[tilespmem:$0x1A700] =	vst v63  }
0x362: {  	_ =	swait.ge @!p3 [sflag:s2], $0x4000  }
0x363: {  	[sflag:s2] =	ssyncset.done @!p3 $0x0  }
0x364: {  	v13 =	vimm.s32 @!p3 $0x4000;
	[sflag:s2] =	ssyncadd.s32 @!p3 $0xFFFFC000  }
0x365: {  	[tilespmem:$0x1A680] =	vst @!p3 v13  }
0x366: {  	[tilespmem:$0x1A6F0] =	vst @!p3 v13  }
0x367: {  	[tilespmem:$0x1A6E0] =	vst @!p3 v13  }
0x368: {  	[tilespmem:$0x1A6D0] =	vst @!p3 v13  }
0x369: {  	[tilespmem:$0x1A6C0] =	vst @!p3 v13  }
0x36a: {  	[tilespmem:$0x1A6B0] =	vst @!p3 v13  }
0x36b: {  	[tilespmem:$0x1A6A0] =	vst @!p3 v13  }
0x36c: {  	[tilespmem:$0x1A690] =	vst @!p3 v13  }
.LBB2_38:
0x36d: {  	_ =	swait.ge [sflag:s15], $0x4000  }
0x36e: {  	s28 =	smul.u32 $0x60, s24;
	[sflag:s15] =	ssyncset.done $0x0  }
0x36f: {  	[sflag:s15] =	ssyncadd.s32 $0xFFFFC000  }
0x370: {  	s3 =	sadd.s32 s16, s28;
	_ =	swait.ge [sflag:s15], $0x100  }
0x371: {  	p2 =	sgt.u32 s3, $0xF41;
	[sflag:s15] =	ssyncset.done $0x0  }
0x372: {  	s2 =	sshll.u32 @!p2 s3, $0x8;
	s22 =	simm.s32 @!p2 $0x7A1400;
	[sflag:s15] =	ssyncadd.s32 $0xFFFFFF00  }
0x373: {  	s29 =	simm.s32 @!p2 $0x8300;
	s3 =	sshll.u32 @!p2 s3, $0x5;
	s5 =	rddreg [dreg:$0x3]  }
0x374: {  	s3 =	sadd.s32 @!p2 s9, s3;
	s2 =	sadd.s32 @!p2 s5, s2;
	s5 =	simm.s32 @!p2 $0x800  }
0x375: {  	[tilespmem:s29], [sflag:$0x2] =	stream.strided.gather @!p2 [hbm4b:s2+s5], $0x4000, s22, s5, $0x38;
	[tilespmem:$0x1A700] =	vst v63  }
0x376: {  	s2 =	sadd.s32 $0x1, s26;
	s5 =	simm.s32 @!p2 $0x0;
	s22 =	simm.s32 @!p2 $0x14300  }
0x377: {  	[tilespmem:s22], [sflag:$0x2] =	stream.linear.gather @!p2 [hbm4b:s3+s5], $0x100, $0x38;
	[tilespmem:$0x1A700] =	vst v63  }
0x378: {  	v13 =	vld [tilespmem:s2+$0x4080];
	_ =	sdelay $0x4  }
0x379: {  	(v2sf) =	vpush v13, $0x0;
	_ =	sdelay $0xe  }
0x37a: {  	s29 =	spop (v2sf)  }
0x37b: {  	p2 =	slt.s32 s29, $0x1  }
.Ltmp31:
0x37c: {  	_ = 	snop;
	(pc) =	sbr.rel @p2 .LBB2_42-.Ltmp31, $1  }
0x37d: {  	_ =	sdelay $0x3  }
0x37e: {  	v13 =	vld [tilespmem:s2+$0x4180];
	_ =	sdelay $0x4  }
0x37f: {  	(v2sf) =	vpush v13, $0x0;
	_ =	sdelay $0xe  }
0x380: {  	s5 =	spop (v2sf)  }
0x381: {  	s26 =	ssub.s32 s5, s29  }
0x382: {  	v13 =	vld [tilespmem:s26+$0x0];
	_ =	sdelay $0x4  }
0x383: {  	(v2sf) =	vpush v13, $0x0;
	_ =	sdelay $0xe  }
0x384: {  	s3 =	spop (v2sf)  }
0x385: {  	s22 =	sshrl.u32 s3, $0xE  }
0x386: {  	s2 =	sand.u32 $0xFF, s22  }
0x387: {  	v15 =	vmov s2  }
0x388: {  	v13 =	vshll.u32 v15, $0x3  }
0x389: {  	v14 =	vand.u32 $0x7F, v15;
	v13 =	vand.u32 $0x400, v13  }
0x38a: {  	v13 =	vor.u32 v14, v13  }
0x38b: {  	v14 =	vor.u32 v4, v13;
	_ =	sdelay $0x4  }
0x38c: {  	v14 =	vld.idx.msk [tilespmem:v14+s4+$0x0], $0xffff  }
0x38d: {  	v16 =	vor.u32 v7, v13;
	_ =	sdelay $0x1  }
0x38e: {  	s5 =	sand.u32 $0x7F, s23  }
0x38f: {  	s2 =	sshll.u32 s5, $0x7  }
0x390: {  	[tilespmem:s2+$0x16680] =	vst v14  }
0x391: {  	v14 =	vld.idx.msk [tilespmem:v16+s4+$0x0], $0xffff  }
0x392: {  	v16 =	vor.u32 v8, v13;
	_ =	sdelay $0x3  }
0x393: {  	[tilespmem:s2+$0x16690] =	vst v14  }
0x394: {  	v14 =	vld.idx.msk [tilespmem:v16+s4+$0x0], $0xffff  }
0x395: {  	v13 =	vor.u32 v9, v13;
	_ =	sdelay $0x3  }
0x396: {  	[tilespmem:s2+$0x166A0] =	vst v14  }
0x397: {  	s29 =	sadd.s32 $0xFFFFFFFF, s29;
	v13 =	vld.idx.msk [tilespmem:v13+s4+$0x0], $0xffff  }
0x398: {  	p2 =	sne.s32 s29, $0x0  }
.Ltmp32:
0x399: {  	_ = 	snop;
	(pc) =	sbr.rel @!p2 .LBB2_41-.Ltmp32, $4  }
0x39a: {  	s23 =	sadd.s32 $0x1, s23  }
0x39b: {  	s22 =	sand.u32 $0x7F, s23  }
0x39c: {  	s3 =	sand.u32 $0x3FFF, s3;
	p3 =	sne.s32 s22, $0x0;
	[tilespmem:s2+$0x166B0] =	vst v13  }
0x39d: {  	s22 =	simm.s32 @!p3 $0x80;
	v14 =	vmov s3;
	s3 =	simm.s32 @!p3 $0x1A680;
	v13 =	vmov s5;
	s5 =	simm.s32 @!p3 $0x16680;
	v15 =	vld.idx.msk [tilespmem:v15+s0+$0x0], $0xffff  }
.LBB2_40:
0x39e: {  	_ =	sdelay $0x2  }
0x39f: {  	s29 =	sadd.s32 $0xFFFFFFFF, s29;
	s26 =	sadd.s32 $0x1, s26  }
0x3a0: {  	p2 =	sne.s32 s29, $0x0;
	[tilespmem:s2+$0x166C0] =	vst v15  }
0x3a1: {  	s2 =	simm.s32 @!p3 $0x1;
	[tilespmem:v13+s14+$0x0] =	vst.idx.msk $0x1, v14  }
0x3a2: {  	[hbm4b:s11+s22] =	stream.indirect.scatter @!p3 [tilespmem:s5], [sflag:$0x1], $0x80, s3, s22, $0xb8;
	[tilespmem:$0x1A700] =	vst v63  }
0x3a3: {  	_ =	swait.ge @!p3 [sflag:s2], $0x4000  }
0x3a4: {  	[sflag:s2] =	ssyncset.done @!p3 $0x0  }
0x3a5: {  	v13 =	vimm.s32 @!p3 $0x4000;
	[sflag:s2] =	ssyncadd.s32 @!p3 $0xFFFFC000  }
0x3a6: {  	[tilespmem:$0x1A680] =	vst @!p3 v13  }
0x3a7: {  	[tilespmem:$0x1A6F0] =	vst @!p3 v13  }
0x3a8: {  	[tilespmem:$0x1A6E0] =	vst @!p3 v13  }
0x3a9: {  	[tilespmem:$0x1A6D0] =	vst @!p3 v13  }
0x3aa: {  	[tilespmem:$0x1A6C0] =	vst @!p3 v13  }
0x3ab: {  	[tilespmem:$0x1A6B0] =	vst @!p3 v13  }
0x3ac: {  	[tilespmem:$0x1A6A0] =	vst @!p3 v13  }
0x3ad: {  	[tilespmem:$0x1A690] =	vst @!p3 v13  }
0x3ae: {  	v13 =	vld [tilespmem:s26+$0x0];
	_ =	sdelay $0x4  }
0x3af: {  	(v2sf) =	vpush v13, $0x0;
	_ =	sdelay $0xe  }
0x3b0: {  	s3 =	spop (v2sf)  }
0x3b1: {  	s2 =	sshrl.u32 s3, $0xE  }
0x3b2: {  	s2 =	sand.u32 $0xFF, s2  }
0x3b3: {  	v15 =	vmov s2  }
0x3b4: {  	v13 =	vshll.u32 v15, $0x3  }
0x3b5: {  	v14 =	vand.u32 $0x7F, v15;
	v13 =	vand.u32 $0x400, v13  }
0x3b6: {  	v13 =	vor.u32 v14, v13  }
0x3b7: {  	v14 =	vor.u32 v4, v13;
	v16 =	vor.u32 v7, v13;
	_ =	sdelay $0x1  }
0x3b8: {  	s5 =	sand.u32 $0x7F, s23  }
0x3b9: {  	s2 =	sshll.u32 s5, $0x7;
	_ =	sdelay $0x1  }
0x3ba: {  	v14 =	vld.idx.msk [tilespmem:v14+s4+$0x0], $0xffff;
	_ =	sdelay $0x1  }
0x3bb: {  	v17 =	vor.u32 v8, v13;
	_ =	sdelay $0x3  }
0x3bc: {  	[tilespmem:s2+$0x16680] =	vst v14  }
0x3bd: {  	v14 =	vld.idx.msk [tilespmem:v16+s4+$0x0], $0xffff;
	_ =	sdelay $0x1  }
0x3be: {  	v13 =	vor.u32 v9, v13;
	_ =	sdelay $0x3  }
0x3bf: {  	[tilespmem:s2+$0x16690] =	vst v14  }
0x3c0: {  	v14 =	vld.idx.msk [tilespmem:v17+s4+$0x0], $0xffff;
	_ =	sdelay $0x5  }
0x3c1: {  	[tilespmem:s2+$0x166A0] =	vst v14  }
0x3c2: {  	v14 =	vld.idx.msk [tilespmem:v13+s4+$0x0], $0xffff;
	_ =	sdelay $0x1  }
0x3c3: {  	v13 =	vmov s5  }
.Ltmp33:
0x3c4: {  	(pc) =	sbr.rel @p2 .LBB2_40-.Ltmp33, $4  }
0x3c5: {  	s23 =	sadd.s32 $0x1, s23  }
0x3c6: {  	s3 =	sand.u32 $0x3FFF, s3;
	s5 =	sand.u32 $0x7F, s23  }
0x3c7: {  	p3 =	sne.s32 s5, $0x0;
	[tilespmem:s2+$0x166B0] =	vst v14;
	v14 =	vmov s3  }
0x3c8: {  	s22 =	simm.s32 @!p3 $0x80;
	s5 =	simm.s32 @!p3 $0x16680;
	s3 =	simm.s32 @!p3 $0x1A680;
	v15 =	vld.idx.msk [tilespmem:v15+s0+$0x0], $0xffff  }
.LBB2_41:
0x3c9: {  	_ =	sdelay $0x3  }
0x3ca: {  	[tilespmem:s2+$0x166C0] =	vst v15  }
0x3cb: {  	s2 =	simm.s32 @!p3 $0x1;
	[tilespmem:v13+s14+$0x0] =	vst.idx.msk $0x1, v14  }
0x3cc: {  	[hbm4b:s11+s22] =	stream.indirect.scatter @!p3 [tilespmem:s5], [sflag:$0x1], $0x80, s3, s22, $0xb8;
	[tilespmem:$0x1A700] =	vst v63  }
0x3cd: {  	_ =	swait.ge @!p3 [sflag:s2], $0x4000  }
0x3ce: {  	[sflag:s2] =	ssyncset.done @!p3 $0x0  }
0x3cf: {  	v13 =	vimm.s32 @!p3 $0x4000;
	[sflag:s2] =	ssyncadd.s32 @!p3 $0xFFFFC000  }
0x3d0: {  	[tilespmem:$0x1A680] =	vst @!p3 v13  }
0x3d1: {  	[tilespmem:$0x1A6F0] =	vst @!p3 v13  }
0x3d2: {  	[tilespmem:$0x1A6E0] =	vst @!p3 v13  }
0x3d3: {  	[tilespmem:$0x1A6D0] =	vst @!p3 v13  }
0x3d4: {  	[tilespmem:$0x1A6C0] =	vst @!p3 v13  }
0x3d5: {  	[tilespmem:$0x1A6B0] =	vst @!p3 v13  }
0x3d6: {  	[tilespmem:$0x1A6A0] =	vst @!p3 v13  }
0x3d7: {  	[tilespmem:$0x1A690] =	vst @!p3 v13  }
.LBB2_42:
0x3d8: {  	s2 =	simm.s32 @!p1 $0x4  }
0x3d9: {  	_ =	swait.ge @!p1 [sflag:s2], $0x4000  }
0x3da: {  	[sflag:s2] =	ssyncset.done @!p1 $0x0  }
0x3db: {  	[sflag:s2] =	ssyncadd.s32 @!p1 $0xFFFFC000  }
0x3dc: {  	_ =	swait.ge @!p1 [sflag:s2], $0x100  }
0x3dd: {  	s3 =	sadd.s32 s17, s28;
	[sflag:s2] =	ssyncset.done @!p1 $0x0  }
0x3de: {  	p2 =	sgt.u32 s3, $0xF41;
	[sflag:s2] =	ssyncadd.s32 @!p1 $0xFFFFFF00  }
0x3df: {  	s5 =	sshll.u32 @!p2 s3, $0x8;
	s22 =	simm.s32 @!p2 $0x7A1400;
	s2 =	rddreg [dreg:$0x3]  }
0x3e0: {  	s26 =	simm.s32 @!p2 $0xC300;
	s2 =	sadd.s32 @!p2 s2, s5;
	s5 =	simm.s32 @!p2 $0x800  }
0x3e1: {  	[tilespmem:s26], [sflag:$0x3] =	stream.strided.gather @!p2 [hbm4b:s2+s5], $0x4000, s22, s5, $0x38;
	[tilespmem:$0x1A700] =	vst v63  }
0x3e2: {  	s2 =	sshll.u32 @!p2 s3, $0x5  }
0x3e3: {  	s3 =	simm.s32 @!p2 $0x0;
	s5 =	simm.s32 @!p2 $0x14400;
	s2 =	sadd.s32 @!p2 s9, s2  }
0x3e4: {  	[tilespmem:s5], [sflag:$0x3] =	stream.linear.gather @!p2 [hbm4b:s2+s3], $0x100, $0x38;
	[tilespmem:$0x1A700] =	vst v63  }
0x3e5: {  	v13 =	vld @!p1 [tilespmem:s25+$0x4080];
	_ =	sdelay $0x4  }
0x3e6: {  	(v2sf) =	vpush @!p1 v13, $0x0;
	_ =	sdelay $0xe  }
0x3e7: {  	s26 =	spop @!p1 (v2sf)  }
0x3e8: {  	p2 =	slt.s32 @!p1 s26, $0x1  }
0x3e9: {  	p2 =	por p1, p2  }
.Ltmp34:
0x3ea: {  	_ = 	snop;
	(pc) =	sbr.rel @p2 .LBB2_43-.Ltmp34, $1  }
0x3eb: {  	_ =	sdelay $0x3  }
0x3ec: {  	v13 =	vld [tilespmem:s25+$0x4180];
	_ =	sdelay $0x4  }
0x3ed: {  	(v2sf) =	vpush v13, $0x0;
	_ =	sdelay $0xe  }
0x3ee: {  	s2 =	spop (v2sf)  }
0x3ef: {  	s25 =	ssub.s32 s2, s26  }
0x3f0: {  	v13 =	vld [tilespmem:s25+$0x0];
	_ =	sdelay $0x4  }
0x3f1: {  	(v2sf) =	vpush v13, $0x0;
	_ =	sdelay $0xe  }
0x3f2: {  	s3 =	spop (v2sf)  }
0x3f3: {  	s29 =	sshrl.u32 s3, $0xE  }
0x3f4: {  	s2 =	sand.u32 $0xFF, s29  }
0x3f5: {  	v15 =	vmov s2  }
0x3f6: {  	v13 =	vshll.u32 v15, $0x3  }
0x3f7: {  	v14 =	vand.u32 $0x7F, v15;
	v13 =	vand.u32 $0x400, v13  }
0x3f8: {  	v13 =	vor.u32 v14, v13  }
0x3f9: {  	v14 =	vor.u32 v4, v13;
	_ =	sdelay $0x4  }
0x3fa: {  	v14 =	vld.idx.msk [tilespmem:v14+s18+$0x0], $0xffff  }
0x3fb: {  	v16 =	vor.u32 v7, v13;
	_ =	sdelay $0x1  }
0x3fc: {  	s5 =	sand.u32 $0x7F, s23  }
0x3fd: {  	s2 =	sshll.u32 s5, $0x7  }
0x3fe: {  	[tilespmem:s2+$0x16680] =	vst v14  }
0x3ff: {  	v14 =	vld.idx.msk [tilespmem:v16+s18+$0x0], $0xffff  }
0x400: {  	v16 =	vor.u32 v8, v13;
	_ =	sdelay $0x3  }
0x401: {  	[tilespmem:s2+$0x16690] =	vst v14  }
0x402: {  	v14 =	vld.idx.msk [tilespmem:v16+s18+$0x0], $0xffff  }
0x403: {  	v13 =	vor.u32 v9, v13;
	_ =	sdelay $0x3  }
0x404: {  	[tilespmem:s2+$0x166A0] =	vst v14  }
0x405: {  	s26 =	sadd.s32 $0xFFFFFFFF, s26;
	v13 =	vld.idx.msk [tilespmem:v13+s18+$0x0], $0xffff  }
0x406: {  	p1 =	sne.s32 s26, $0x0  }
.Ltmp35:
0x407: {  	_ = 	snop;
	(pc) =	sbr.rel @!p1 .LBB2_46-.Ltmp35, $4  }
0x408: {  	s23 =	sadd.s32 $0x1, s23  }
0x409: {  	s22 =	sand.u32 $0x7F, s23  }
0x40a: {  	p2 =	sne.s32 s22, $0x0;
	s3 =	sand.u32 $0x3FFF, s3;
	[tilespmem:s2+$0x166B0] =	vst v13  }
0x40b: {  	s22 =	simm.s32 @!p2 $0x80;
	v14 =	vmov s3;
	s3 =	simm.s32 @!p2 $0x1A680;
	v13 =	vmov s5;
	s5 =	simm.s32 @!p2 $0x16680;
	v15 =	vld.idx.msk [tilespmem:v15+s19+$0x0], $0xffff  }
.LBB2_45:
0x40c: {  	_ =	sdelay $0x2  }
0x40d: {  	s26 =	sadd.s32 $0xFFFFFFFF, s26;
	s25 =	sadd.s32 $0x1, s25  }
0x40e: {  	p1 =	sne.s32 s26, $0x0;
	[tilespmem:s2+$0x166C0] =	vst v15  }
0x40f: {  	s2 =	simm.s32 @!p2 $0x1;
	[tilespmem:v13+s14+$0x0] =	vst.idx.msk $0x1, v14  }
0x410: {  	[hbm4b:s11+s22] =	stream.indirect.scatter @!p2 [tilespmem:s5], [sflag:$0x1], $0x80, s3, s22, $0xb8;
	[tilespmem:$0x1A700] =	vst v63  }
0x411: {  	_ =	swait.ge @!p2 [sflag:s2], $0x4000  }
0x412: {  	[sflag:s2] =	ssyncset.done @!p2 $0x0  }
0x413: {  	v13 =	vimm.s32 @!p2 $0x4000;
	[sflag:s2] =	ssyncadd.s32 @!p2 $0xFFFFC000  }
0x414: {  	[tilespmem:$0x1A680] =	vst @!p2 v13  }
0x415: {  	[tilespmem:$0x1A6F0] =	vst @!p2 v13  }
0x416: {  	[tilespmem:$0x1A6E0] =	vst @!p2 v13  }
0x417: {  	[tilespmem:$0x1A6D0] =	vst @!p2 v13  }
0x418: {  	[tilespmem:$0x1A6C0] =	vst @!p2 v13  }
0x419: {  	[tilespmem:$0x1A6B0] =	vst @!p2 v13  }
0x41a: {  	[tilespmem:$0x1A6A0] =	vst @!p2 v13  }
0x41b: {  	[tilespmem:$0x1A690] =	vst @!p2 v13  }
0x41c: {  	v13 =	vld [tilespmem:s25+$0x0];
	_ =	sdelay $0x4  }
0x41d: {  	(v2sf) =	vpush v13, $0x0;
	_ =	sdelay $0xe  }
0x41e: {  	s3 =	spop (v2sf)  }
0x41f: {  	s2 =	sshrl.u32 s3, $0xE  }
0x420: {  	s2 =	sand.u32 $0xFF, s2  }
0x421: {  	v15 =	vmov s2  }
0x422: {  	v13 =	vshll.u32 v15, $0x3  }
0x423: {  	v14 =	vand.u32 $0x7F, v15;
	v13 =	vand.u32 $0x400, v13  }
0x424: {  	v13 =	vor.u32 v14, v13  }
0x425: {  	v14 =	vor.u32 v4, v13;
	v16 =	vor.u32 v7, v13;
	_ =	sdelay $0x1  }
0x426: {  	s5 =	sand.u32 $0x7F, s23  }
0x427: {  	s2 =	sshll.u32 s5, $0x7;
	_ =	sdelay $0x1  }
0x428: {  	v14 =	vld.idx.msk [tilespmem:v14+s18+$0x0], $0xffff;
	_ =	sdelay $0x1  }
0x429: {  	v17 =	vor.u32 v8, v13;
	_ =	sdelay $0x3  }
0x42a: {  	[tilespmem:s2+$0x16680] =	vst v14  }
0x42b: {  	v14 =	vld.idx.msk [tilespmem:v16+s18+$0x0], $0xffff;
	_ =	sdelay $0x1  }
0x42c: {  	v13 =	vor.u32 v9, v13;
	_ =	sdelay $0x3  }
0x42d: {  	[tilespmem:s2+$0x16690] =	vst v14  }
0x42e: {  	v14 =	vld.idx.msk [tilespmem:v17+s18+$0x0], $0xffff;
	_ =	sdelay $0x5  }
0x42f: {  	[tilespmem:s2+$0x166A0] =	vst v14  }
0x430: {  	v14 =	vld.idx.msk [tilespmem:v13+s18+$0x0], $0xffff;
	_ =	sdelay $0x1  }
0x431: {  	v13 =	vmov s5  }
.Ltmp36:
0x432: {  	(pc) =	sbr.rel @p1 .LBB2_45-.Ltmp36, $4  }
0x433: {  	s23 =	sadd.s32 $0x1, s23  }
0x434: {  	s3 =	sand.u32 $0x3FFF, s3;
	s5 =	sand.u32 $0x7F, s23  }
0x435: {  	p2 =	sne.s32 s5, $0x0;
	[tilespmem:s2+$0x166B0] =	vst v14;
	v14 =	vmov s3  }
0x436: {  	s22 =	simm.s32 @!p2 $0x80;
	s5 =	simm.s32 @!p2 $0x16680;
	s3 =	simm.s32 @!p2 $0x1A680;
	v15 =	vld.idx.msk [tilespmem:v15+s19+$0x0], $0xffff  }
.LBB2_46:
0x437: {  	_ =	sdelay $0x3  }
0x438: {  	[tilespmem:s2+$0x166C0] =	vst v15  }
0x439: {  	s2 =	simm.s32 @!p2 $0x1;
	[tilespmem:v13+s14+$0x0] =	vst.idx.msk $0x1, v14  }
0x43a: {  	[hbm4b:s11+s22] =	stream.indirect.scatter @!p2 [tilespmem:s5], [sflag:$0x1], $0x80, s3, s22, $0xb8;
	[tilespmem:$0x1A700] =	vst v63  }
0x43b: {  	_ =	swait.ge @!p2 [sflag:s2], $0x4000  }
0x43c: {  	[sflag:s2] =	ssyncset.done @!p2 $0x0  }
0x43d: {  	v13 =	vimm.s32 @!p2 $0x4000;
	[sflag:s2] =	ssyncadd.s32 @!p2 $0xFFFFC000  }
0x43e: {  	[tilespmem:$0x1A680] =	vst @!p2 v13  }
0x43f: {  	[tilespmem:$0x1A6F0] =	vst @!p2 v13  }
0x440: {  	[tilespmem:$0x1A6E0] =	vst @!p2 v13  }
.Ltmp37:
0x441: {  	[tilespmem:$0x1A6D0] =	vst @!p2 v13;
	(pc) =	sbr.rel .LBB2_47-.Ltmp37, $4  }
0x442: {  	[tilespmem:$0x1A6C0] =	vst @!p2 v13  }
0x443: {  	[tilespmem:$0x1A6B0] =	vst @!p2 v13  }
0x444: {  	[tilespmem:$0x1A6A0] =	vst @!p2 v13  }
0x445: {  	[tilespmem:$0x1A690] =	vst @!p2 v13  }
.LBB2_48:
0x446: {  	s2 =	simm.s32 @!p0 $0x400  }
0x447: {  	s3 =	simm.s32 @!p0 $0x7A1400;
	s5 =	simm.s32 @!p0 $0x14600;
	s22 =	rddreg [dreg:$0x12]  }
0x448: {  	[tilespmem:s5], [sflag:$0x5] =	stream.strided.gather @!p0 [hbm4b:s22+s2], $0x2000, s3, s2, $0x38;
	[tilespmem:$0x1A700] =	vst v63  }
0x449: {  	s2 =	simm.s32 @!p0 $0x5  }
0x44a: {  	_ =	swait.ge @!p0 [sflag:s2], $0x2000  }
0x44b: {  	s3 =	simm.s32 @!p0 $0x0;
	[sflag:s2] =	ssyncset.done @!p0 $0x0  }
0x44c: {  	s5 =	simm.s32 @!p0 $0x16600;
	s22 =	rddreg [dreg:$0x10];
	[sflag:s2] =	ssyncadd.s32 @!p0 $0xFFFFE000  }
0x44d: {  	[tilespmem:s5], [sflag:$0x5] =	stream.linear.gather @!p0 [hbm4b:s22+s3], $0x40, $0x38;
	[tilespmem:$0x1A700] =	vst v63  }
0x44e: {  	_ =	swait.ge @!p0 [sflag:s2], $0x40  }
0x44f: {  	[sflag:s2] =	ssyncset.done @!p0 $0x0  }
0x450: {  	[sflag:s2] =	ssyncadd.s32 @!p0 $0xFFFFFFC0  }
0x451: {  	v13 =	vld @!p0 [tilespmem:$0x40FA];
	_ =	sdelay $0x4  }
0x452: {  	(v2sf) =	vpush @!p0 v13, $0x0;
	_ =	sdelay $0xe  }
0x453: {  	s2 =	spop @!p0 (v2sf)  }
0x454: {  	p1 =	slt.s32 @!p0 s2, $0x1  }
0x455: {  	p1 =	por p0, p1  }
.Ltmp38:
0x456: {  	_ = 	snop;
	(pc) =	sbr.rel @p1 .LBB2_49-.Ltmp38, $1  }
0x457: {  	_ =	sdelay $0x3  }
0x458: {  	v13 =	vld [tilespmem:$0x41FA];
	_ =	sdelay $0x4  }
0x459: {  	(v2sf) =	vpush v13, $0x0;
	_ =	sdelay $0xe  }
0x45a: {  	s3 =	spop (v2sf)  }
0x45b: {  	s24 =	ssub.s32 s3, s2  }
0x45c: {  	v13 =	vld [tilespmem:s24+$0x0];
	_ =	sdelay $0x4  }
0x45d: {  	(v2sf) =	vpush v13, $0x0;
	_ =	sdelay $0xe  }
0x45e: {  	s28 =	spop (v2sf)  }
0x45f: {  	s5 =	sshrl.u32 s28, $0xE  }
0x460: {  	s5 =	sand.u32 $0xFF, s5  }
0x461: {  	v13 =	vadd.s32 s5, v6;
	_ =	sdelay $0x4  }
0x462: {  	v13 =	vld.idx.msk [tilespmem:v13+s20+$0x0], $0xffff  }
0x463: {  	v14 =	vadd.s32 s5, v10;
	_ =	sdelay $0x1  }
0x464: {  	s22 =	sand.u32 $0x7F, s23  }
0x465: {  	s26 =	sshll.u32 s22, $0x7  }
0x466: {  	[tilespmem:s26+$0x16680] =	vst v13  }
0x467: {  	v13 =	vld.idx.msk [tilespmem:v14+s20+$0x0], $0xffff  }
0x468: {  	v14 =	vadd.s32 s5, v11;
	_ =	sdelay $0x3  }
0x469: {  	[tilespmem:s26+$0x16690] =	vst v13  }
0x46a: {  	v13 =	vld.idx.msk [tilespmem:v14+s20+$0x0], $0xffff  }
0x46b: {  	v14 =	vadd.s32 s5, v12;
	_ =	sdelay $0x3  }
0x46c: {  	[tilespmem:s26+$0x166A0] =	vst v13  }
0x46d: {  	s25 =	sadd.s32 $0xFFFFFFFF, s2;
	v13 =	vld.idx.msk [tilespmem:v14+s20+$0x0], $0xffff  }
0x46e: {  	p1 =	sne.s32 s25, $0x0;
	v15 =	vmov s5  }
.Ltmp39:
0x46f: {  	_ = 	snop;
	(pc) =	sbr.rel @!p1 .LBB2_52-.Ltmp39, $4  }
0x470: {  	s23 =	sadd.s32 $0x1, s23  }
0x471: {  	s29 =	sand.u32 $0x7F, s23  }
0x472: {  	p2 =	sne.s32 s29, $0x0;
	s3 =	sand.u32 $0x3FFF, s28;
	[tilespmem:s26+$0x166B0] =	vst v13  }
0x473: {  	s2 =	simm.s32 @!p2 $0x80;
	s5 =	simm.s32 @!p2 $0x16680;
	v14 =	vmov s3;
	s3 =	simm.s32 @!p2 $0x1A680;
	v13 =	vmov s22;
	v15 =	vld.idx.msk [tilespmem:v15+s21+$0x0], $0xffff  }
.LBB2_51:
0x474: {  	_ =	sdelay $0x2  }
0x475: {  	s25 =	sadd.s32 $0xFFFFFFFF, s25;
	s24 =	sadd.s32 $0x1, s24  }
0x476: {  	p1 =	sne.s32 s25, $0x0;
	[tilespmem:s26+$0x166C0] =	vst v15  }
0x477: {  	s22 =	simm.s32 @!p2 $0x1;
	[tilespmem:v13+s14+$0x0] =	vst.idx.msk $0x1, v14  }
0x478: {  	[hbm4b:s11+s2] =	stream.indirect.scatter @!p2 [tilespmem:s5], [sflag:$0x1], $0x80, s3, s2, $0xb8;
	[tilespmem:$0x1A700] =	vst v63  }
0x479: {  	_ =	swait.ge @!p2 [sflag:s22], $0x4000  }
0x47a: {  	[sflag:s22] =	ssyncset.done @!p2 $0x0  }
0x47b: {  	v13 =	vimm.s32 @!p2 $0x4000;
	[sflag:s22] =	ssyncadd.s32 @!p2 $0xFFFFC000  }
0x47c: {  	[tilespmem:$0x1A680] =	vst @!p2 v13  }
0x47d: {  	[tilespmem:$0x1A6F0] =	vst @!p2 v13  }
0x47e: {  	[tilespmem:$0x1A6E0] =	vst @!p2 v13  }
0x47f: {  	[tilespmem:$0x1A6D0] =	vst @!p2 v13  }
0x480: {  	[tilespmem:$0x1A6C0] =	vst @!p2 v13  }
0x481: {  	[tilespmem:$0x1A6B0] =	vst @!p2 v13  }
0x482: {  	[tilespmem:$0x1A6A0] =	vst @!p2 v13  }
0x483: {  	[tilespmem:$0x1A690] =	vst @!p2 v13  }
0x484: {  	v13 =	vld [tilespmem:s24+$0x0];
	_ =	sdelay $0x4  }
0x485: {  	(v2sf) =	vpush v13, $0x0;
	_ =	sdelay $0xe  }
0x486: {  	s2 =	spop (v2sf)  }
0x487: {  	s3 =	sshrl.u32 s2, $0xE  }
0x488: {  	s3 =	sand.u32 $0xFF, s3  }
0x489: {  	v13 =	vadd.s32 s3, v6;
	v14 =	vadd.s32 s3, v10;
	_ =	sdelay $0x1  }
0x48a: {  	s5 =	sand.u32 $0x7F, s23  }
0x48b: {  	s26 =	sshll.u32 s5, $0x7;
	_ =	sdelay $0x1  }
0x48c: {  	v13 =	vld.idx.msk [tilespmem:v13+s20+$0x0], $0xffff;
	_ =	sdelay $0x1  }
0x48d: {  	v15 =	vadd.s32 s3, v11;
	_ =	sdelay $0x3  }
0x48e: {  	[tilespmem:s26+$0x16680] =	vst v13  }
0x48f: {  	v13 =	vld.idx.msk [tilespmem:v14+s20+$0x0], $0xffff;
	_ =	sdelay $0x1  }
0x490: {  	v14 =	vadd.s32 s3, v12;
	_ =	sdelay $0x3  }
0x491: {  	[tilespmem:s26+$0x16690] =	vst v13  }
0x492: {  	v13 =	vld.idx.msk [tilespmem:v15+s20+$0x0], $0xffff;
	_ =	sdelay $0x1  }
0x493: {  	v15 =	vmov s3;
	_ =	sdelay $0x3  }
0x494: {  	[tilespmem:s26+$0x166A0] =	vst v13  }
0x495: {  	v14 =	vld.idx.msk [tilespmem:v14+s20+$0x0], $0xffff;
	_ =	sdelay $0x1  }
0x496: {  	v13 =	vmov s5  }
.Ltmp40:
0x497: {  	(pc) =	sbr.rel @p1 .LBB2_51-.Ltmp40, $4  }
0x498: {  	s23 =	sadd.s32 $0x1, s23  }
0x499: {  	s2 =	sand.u32 $0x3FFF, s2;
	s3 =	sand.u32 $0x7F, s23  }
0x49a: {  	p2 =	sne.s32 s3, $0x0;
	[tilespmem:s26+$0x166B0] =	vst v14;
	v14 =	vmov s2  }
0x49b: {  	s3 =	simm.s32 @!p2 $0x1A680;
	s5 =	simm.s32 @!p2 $0x16680;
	s2 =	simm.s32 @!p2 $0x80;
	v15 =	vld.idx.msk [tilespmem:v15+s21+$0x0], $0xffff  }
.LBB2_52:
0x49c: {  	_ =	sdelay $0x3  }
0x49d: {  	[tilespmem:s26+$0x166C0] =	vst v15  }
0x49e: {  	s22 =	simm.s32 @!p2 $0x1;
	[tilespmem:v13+s14+$0x0] =	vst.idx.msk $0x1, v14  }
0x49f: {  	[hbm4b:s11+s2] =	stream.indirect.scatter @!p2 [tilespmem:s5], [sflag:$0x1], $0x80, s3, s2, $0xb8;
	[tilespmem:$0x1A700] =	vst v63  }
0x4a0: {  	_ =	swait.ge @!p2 [sflag:s22], $0x4000  }
0x4a1: {  	[sflag:s22] =	ssyncset.done @!p2 $0x0  }
0x4a2: {  	v13 =	vimm.s32 @!p2 $0x4000;
	[sflag:s22] =	ssyncadd.s32 @!p2 $0xFFFFC000  }
0x4a3: {  	[tilespmem:$0x1A680] =	vst @!p2 v13  }
0x4a4: {  	[tilespmem:$0x1A6F0] =	vst @!p2 v13  }
0x4a5: {  	[tilespmem:$0x1A6E0] =	vst @!p2 v13  }
.Ltmp41:
0x4a6: {  	[tilespmem:$0x1A6D0] =	vst @!p2 v13;
	(pc) =	sbr.rel .LBB2_53-.Ltmp41, $4  }
0x4a7: {  	[tilespmem:$0x1A6C0] =	vst @!p2 v13  }
0x4a8: {  	[tilespmem:$0x1A6B0] =	vst @!p2 v13  }
0x4a9: {  	[tilespmem:$0x1A6A0] =	vst @!p2 v13  }
0x4aa: {  	s22 =	rddreg [dreg:$0x13];
	[tilespmem:$0x1A690] =	vst @!p2 v13  }
.LBB2_54:
0x4ab: {  	_ =	sfence.sel $0x180000  }
0x4ac: {  	[bflag:$0x0] =	sbarrier.arrive $0xFFFF  }
0x4ad: {  	_ =	strace $0x90000047  }
0x4ae: {  	s0 =	stileid.u32;
	[bflag:$0x2] =	sbarrier.arrive $0xFFFF  }
0x4af: {  	p0 =	sne.s32 s0, $0x0;
	s0 =	rddreg [dreg:$0x4]  }
0x4b0: {  	s0 =	sadd.s32 @!p0 $0x100000, s0  }
0x4b1: {  	[sflag:s0] =	ssyncadd.tile.s32 @!p0 $0x1;
	_ =	shalt  }
.Lfunc_end2:
_tile_overlayer_lowered:
.L_overlay_start_2:
0x4b2: {  	(tag) =	ssettag $0x2  }
0x4b3: {  	s0 =	rddreg [dreg:$0x0];
	s2 =	stileid.u32  }
0x4b4: {  	s1 =	rddreg [dreg:$0x1];
	p0 =	sne.s32 s2, $0x0  }
0x4b5: {  	s3 =	rddreg [dreg:$0x2];
	[bflag:$0x3] =	sbarrier.arrive $0xFFFF;
	s2 =	simm.s32 @!p0 $0x1C05  }
0x4b6: {  	[timem:s3], [sflag:s2] =	dma.local @!p0 [hbm:s0], s1  }
0x4b7: {  	s0 =	simm.s32 @!p0 $0x5  }
0x4b8: {  	_ =	swait.ge @!p0 [sflag:s0], s1  }
0x4b9: {  	s1 =	ssub.s32 @!p0 $0x0, s1;
	[sflag:s0] =	ssyncset.done @!p0 $0x0  }
0x4ba: {  	[sflag:s0] =	ssyncadd.s32 @!p0 s1  }
0x4bb: {  	[bflag:$0x3] =	sbarrier.arrive $0xFFFF  }
0x4bc: {  	_ =	shalt  }

</sc_bundles>
